<compile_context>
chip_gen: v7x
topology: tpu7x:2x2x1
jax: 0.10.2.dev20260603
libtpu: 0.0.44.dev20260713+nightly
codegen_flags: <defaults>
</compile_context>

<pallas_src>
import jax
import jax.numpy as jnp
from jax import lax
from jax.experimental import pallas as pl
from jax.experimental.pallas import tpu as pltpu
from jax.experimental.pallas import tpu_sc as plsc

N = 10000
E = 320000
D = 128
NPAD = 10240
NC = 2
NS = 16
NW = NC * NS
CE = 128
CPT = 80
CPT0 = 152
CPT1 = 8
EPAD = NW * CPT * CE
EC = EPAD // CE
RPT = NPAD // NS
BLK = 512
GRID = NPAD // BLK

_SC_PARAMS = pltpu.CompilerParams(needs_layout_passes=False)
_MESH = dict(core_axis_name="c", subcore_axis_name="s")



def _node_rows(x, wq, bq, wa, ba):
    q = jnp.dot(x, wq, preferred_element_type=jnp.float32) + bq
    a = jnp.dot(q, wa, preferred_element_type=jnp.float32) + ba
    es = jnp.exp(a)
    return es * q, es.reshape(1, BLK)


def _proj_body(x_ref, wq_ref, bq_ref, wa_ref, ba_ref, rows_ref, es_ref):
    rows_ref[...], es_ref[...] = _node_rows(
        x_ref[...], wq_ref[...], bq_ref[...], wa_ref[...], ba_ref[...])


def _proj(x, wq, bq, wa, ba):
    return pl.pallas_call(
        _proj_body,
        grid=(GRID,),
        in_specs=[
            pl.BlockSpec((BLK, D), lambda i: (i, 0)),
            pl.BlockSpec((D, D), lambda i: (0, 0)),
            pl.BlockSpec((1, D), lambda i: (0, 0)),
            pl.BlockSpec((D, 1), lambda i: (0, 0)),
            pl.BlockSpec((1, 1), lambda i: (0, 0)),
        ],
        out_specs=[
            pl.BlockSpec((BLK, D), lambda i: (i, 0)),
            pl.BlockSpec((1, BLK), lambda i: (0, i)),
        ],
        out_shape=[
            jax.ShapeDtypeStruct((NPAD, D), jnp.float32),
            jax.ShapeDtypeStruct((1, NPAD), jnp.float32),
        ],
    )(x, wq, bq, wa, ba)


def _agg_block(acc_ref, den_ref):
    den = jnp.sum(den_ref[...], axis=0)
    den = jnp.where(den > 0.0, den, 1.0)
    return (acc_ref[0] + acc_ref[1]) / den[:, None]


def _updproj_body(acc_ref, den_ref, wu_ref, bu_ref, wq_ref, bq_ref, wa_ref,
                  ba_ref, rows_ref, es_ref):
    x = jnp.dot(_agg_block(acc_ref, den_ref), wu_ref[...],
                preferred_element_type=jnp.float32) + bu_ref[...]
    rows_ref[...], es_ref[...] = _node_rows(
        x, wq_ref[...], bq_ref[...], wa_ref[...], ba_ref[...])


def _updproj(acc, den, wu, bu, wq, bq, wa, ba):
    return pl.pallas_call(
        _updproj_body,
        grid=(GRID,),
        in_specs=[
            pl.BlockSpec((2, BLK, D), lambda i: (0, i, 0)),
            pl.BlockSpec((NW, BLK), lambda i: (0, i)),
            pl.BlockSpec((D, D), lambda i: (0, 0)),
            pl.BlockSpec((1, D), lambda i: (0, 0)),
            pl.BlockSpec((D, D), lambda i: (0, 0)),
            pl.BlockSpec((1, D), lambda i: (0, 0)),
            pl.BlockSpec((D, 1), lambda i: (0, 0)),
            pl.BlockSpec((1, 1), lambda i: (0, 0)),
        ],
        out_specs=[
            pl.BlockSpec((BLK, D), lambda i: (i, 0)),
            pl.BlockSpec((1, BLK), lambda i: (0, i)),
        ],
        out_shape=[
            jax.ShapeDtypeStruct((NPAD, D), jnp.float32),
            jax.ShapeDtypeStruct((1, NPAD), jnp.float32),
        ],
    )(acc, den, wu, bu, wq, bq, wa, ba)


def _final_body(acc_ref, den_ref, wu_ref, bu_ref, out_ref):
    out = jnp.dot(_agg_block(acc_ref, den_ref), wu_ref[...],
                  preferred_element_type=jnp.float32)
    out_ref[...] = out + bu_ref[...]


def _final(acc, den, wu, bu):
    return pl.pallas_call(
        _final_body,
        grid=(GRID,),
        in_specs=[
            pl.BlockSpec((2, BLK, D), lambda i: (0, i, 0)),
            pl.BlockSpec((NW, BLK), lambda i: (0, i)),
            pl.BlockSpec((D, D), lambda i: (0, 0)),
            pl.BlockSpec((1, D), lambda i: (0, 0)),
        ],
        out_specs=pl.BlockSpec((BLK, D), lambda i: (i, 0)),
        out_shape=jax.ShapeDtypeStruct((NPAD, D), jnp.float32),
    )(acc, den, wu, bu)



def _denom_body(es_hbm, s_hbm, r_hbm, den_hbm, asv, sv, rv, denv):
    cid = lax.axis_index("c")
    sid = lax.axis_index("s")
    wid = cid * NS + sid

    pltpu.sync_copy(es_hbm.at[0], asv)
    pltpu.sync_copy(s_hbm.at[pl.ds(wid * CPT, CPT)], sv)
    pltpu.sync_copy(r_hbm.at[pl.ds(wid * CPT, CPT)], rv)
    zero16 = jnp.zeros((16,), jnp.float32)

    def _zb(i, c):
        denv[pl.ds(i * 16, 16)] = zero16
        return c

    lax.fori_loop(0, NPAD // 16, _zb, 0)

    def _row(j, c):
        for i in range(CE // 16):
            svi = sv[j, pl.ds(i * 16, 16)]
            rvi = rv[j, pl.ds(i * 16, 16)]
            ev = plsc.load_gather(asv, [svi])
            plsc.addupdate_scatter(denv, [rvi], ev)
        return c

    lax.fori_loop(0, CPT, _row, 0)
    pltpu.sync_copy(denv, den_hbm.at[wid])


def _denom(es, sidx, ridx):
    mesh = plsc.VectorSubcoreMesh(**_MESH)
    return pl.kernel(
        _denom_body,
        out_type=jax.ShapeDtypeStruct((NW, NPAD), jnp.float32),
        mesh=mesh,
        compiler_params=_SC_PARAMS,
        scratch_types=[
            pltpu.VMEM((NPAD,), jnp.float32),
            pltpu.VMEM((CPT, CE), jnp.int32),
            pltpu.VMEM((CPT, CE), jnp.int32),
            pltpu.VMEM((NPAD,), jnp.float32),
        ],
    )(es, sidx, ridx)


def _edge_body(rows_hbm, s_hbm, r_hbm, z_hbm,
               acc_hbm,
               svc0, rvc0, svc1, rvc1, svc2, rvc2, svc3, rvc3,
               rows0, rows1, acc_sh, gsem0, gsem1, gsem0b, gsem1b):
    cid = lax.axis_index("c")
    sid = lax.axis_index("s")

    pltpu.sync_copy(z_hbm, acc_sh.at[pl.ds(sid * RPT, RPT)])
    plsc.subcore_barrier()

    svc = (svc0, svc1, svc2, svc3)
    rvc = (rvc0, rvc1, rvc2, rvc3)
    rows = (rows0, rows1)
    gsem = (gsem0, gsem1)
    gsem2 = (gsem0b, gsem1b)
    H = CE // 2

    def _gather(k, buf):
        pltpu.async_copy(rows_hbm.at[svc[k].at[pl.ds(0, H)]],
                         rows[buf].at[pl.ds(0, H)], gsem[buf])
        pltpu.async_copy(rows_hbm.at[svc[k].at[pl.ds(H, H)]],
                         rows[buf].at[pl.ds(H, H)], gsem2[buf])

    def _gather_wait(k, buf):
        pltpu.make_async_copy(rows_hbm.at[svc[k].at[pl.ds(0, H)]],
                              rows[buf].at[pl.ds(0, H)], gsem[buf]).wait()
        pltpu.make_async_copy(rows_hbm.at[svc[k].at[pl.ds(H, H)]],
                              rows[buf].at[pl.ds(H, H)], gsem2[buf]).wait()

    def _run(base, cpt):
        pltpu.sync_copy(s_hbm.at[base + 0], svc[0])
        pltpu.sync_copy(r_hbm.at[base + 0], rvc[0])
        pltpu.sync_copy(s_hbm.at[base + 1], svc[1])
        pltpu.sync_copy(r_hbm.at[base + 1], rvc[1])
        _gather(0, 0)

        def _quad(j4, c):
            for b in range(4):
                j = 4 * j4 + b

                _gather_wait(b, b % 2)

                def _next_gather():
                    _gather((b + 1) % 4, (b + 1) % 2)

                def _stage():
                    pltpu.sync_copy(s_hbm.at[base + j + 2], svc[(b + 2) % 4])
                    pltpu.sync_copy(r_hbm.at[base + j + 2], rvc[(b + 2) % 4])

                if b < 3:
                    _next_gather()
                else:
                    pl.when(j4 <= cpt // 4 - 2)(_next_gather)
                if b < 2:
                    _stage()
                else:
                    pl.when(j4 <= cpt // 4 - 2)(_stage)

                pltpu.sync_copy(rows[b % 2], acc_sh.at[rvc[b]], add=True)
            return c

        lax.fori_loop(0, cpt // 4, _quad, 0)

    @pl.when(cid == 0)
    def _fast_core():
        _run(sid * CPT0, CPT0)

    if CPT1:
        @pl.when(cid == 1)
        def _slow_core():
            _run(NS * CPT0 + sid * CPT1, CPT1)

    plsc.subcore_barrier()
    pltpu.sync_copy(acc_sh.at[pl.ds(sid * RPT, RPT)],
                    acc_hbm.at[cid, pl.ds(sid * RPT, RPT)])


def _edges(rows, sidx, ridx, zeros):
    mesh = plsc.VectorSubcoreMesh(**_MESH)
    return pl.kernel(
        _edge_body,
        out_type=jax.ShapeDtypeStruct((NC, NPAD, D), jnp.float32),
        mesh=mesh,
        compiler_params=_SC_PARAMS,
        scratch_types=(
            [pltpu.VMEM((CE,), jnp.int32)] * 8 +
            [
                pltpu.VMEM((CE, D), jnp.float32),
                pltpu.VMEM((CE, D), jnp.float32),
                pltpu.VMEM_SHARED((NPAD, D), jnp.float32),
                pltpu.SemaphoreType.DMA,
                pltpu.SemaphoreType.DMA,
                pltpu.SemaphoreType.DMA,
                pltpu.SemaphoreType.DMA,
            ]
        ),
    )(rows, sidx, ridx, zeros)



def kernel(nodes, senders, receivers, Wq0, bq0, Wa0, ba0, Wu0, bu0,
           Wq1, bq1, Wa1, ba1, Wu1, bu1):
    xp = jnp.pad(nodes, ((0, NPAD - N), (0, 0)))
    sidx = jnp.pad(senders, (0, EPAD - E)).reshape(EC, CE)
    ridx = jnp.pad(receivers, (0, EPAD - E),
                   constant_values=N).reshape(EC, CE)
    zeros = jnp.zeros((RPT, D), jnp.float32)

    rows0, es0 = _proj(xp, Wq0, bq0.reshape(1, D), Wa0[:D], ba0.reshape(1, 1))
    den0 = _denom(es0, sidx, ridx)
    acc0 = _edges(rows0, sidx, ridx, zeros)
    rows1, es1 = _updproj(acc0, den0, Wu0, bu0.reshape(1, D),
                          Wq1, bq1.reshape(1, D), Wa1[:D], ba1.reshape(1, 1))
    den1 = _denom(es1, sidx, ridx)
    acc1 = _edges(rows1, sidx, ridx, zeros)
    out = _final(acc1, den1, Wu1, bu1.reshape(1, D))
    return out[:N]

# --- scband reference (transcript-rebuilt; emitter-appended) ---
"""Pipeline reference for scband-gat-83468394431130 (READ-ONLY COPY).

The authoritative reference and input builder live on the scoring server;
editing this copy changes nothing except your own understanding.
"""

import jax, jax.numpy as jnp
import numpy as np

N = 10000
E = 320000
D = 128
ATTN = 128
UPD = 128
STEPS = 2


def setup_inputs(seed: int = 0):
    key = jax.random.key(seed)
    ks = jax.random.split(key, 3 + STEPS)
    inp = {}
    inp["nodes"] = jax.random.normal(ks[0], (N, D), dtype=jnp.float32)
    inp["senders"] = jax.random.randint(ks[1], (E,), 0, N, dtype=jnp.int32)
    inp["receivers"] = jax.random.randint(ks[2], (E,), 0, N, dtype=jnp.int32)
    for h in range(STEPS):
        din = D if h == 0 else UPD
        kk = jax.random.split(ks[3 + h], 3)
        inp["Wq%d" % h] = (jax.random.normal(kk[0], (din, ATTN), dtype=jnp.float32) / np.sqrt(din)).astype(jnp.float32)
        inp["bq%d" % h] = jnp.zeros((ATTN,), dtype=jnp.float32)
        inp["Wa%d" % h] = (jax.random.normal(kk[1], (2 * ATTN, 1), dtype=jnp.float32) / np.sqrt(2 * ATTN)).astype(jnp.float32)
        inp["ba%d" % h] = jnp.zeros((1,), dtype=jnp.float32)
        inp["Wu%d" % h] = (jax.random.normal(kk[2], (ATTN, UPD), dtype=jnp.float32) / np.sqrt(ATTN)).astype(jnp.float32)
        inp["bu%d" % h] = jnp.zeros((UPD,), dtype=jnp.float32)
    return inp


def _segment_softmax(logits, segment_ids, num_segments):
    seg_max = jax.ops.segment_max(logits, segment_ids, num_segments=num_segments)
    unnorm = jnp.exp(logits - seg_max[segment_ids])
    denom = jax.ops.segment_sum(unnorm, segment_ids, num_segments=num_segments)
    return unnorm / denom[segment_ids]


def _gat_step(x, senders, receivers, Wq, bq, Wa, ba, Wu, bu):
    # jraph.GAT: attention_query_fn = Dense(gat_attn_mlp)
    q = x @ Wq + bq
    sent = jnp.take(q, senders, axis=0)
    recv = jnp.take(q, receivers, axis=0)
    # attention_logit_fn: concat(sender, receiver) -> Dense(1) (no activation, per the module)
    logits = jnp.concatenate((sent, recv), axis=1) @ Wa + ba
    # softmax over incoming edges per receiver node
    w = _segment_softmax(logits, receivers, N)
    msgs = sent * w
    agg = jax.ops.segment_sum(msgs, receivers, num_segments=N)
    # node_update_fn = Dense(gat_node_update_mlp)
    return agg @ Wu + bu


def reference(nodes, senders, receivers, Wq0, bq0, Wa0, ba0, Wu0, bu0, Wq1, bq1, Wa1, ba1, Wu1, bu1):
    x = _gat_step(nodes, senders, receivers, Wq0, bq0, Wa0, ba0, Wu0, bu0)
    x = _gat_step(x, senders, receivers, Wq1, bq1, Wa1, ba1, Wu1, bu1)
    # jraph.zero_out_padding is a no-op here: single unpadded graph (no padding nodes/edges)
    return x

if __name__ == "__main__":
    import jax
    _d = setup_inputs()
    print(jax.jit(kernel)(*tuple(_d.values())))

</pallas_src>

<mosaic_0001>
#map = affine_map<(d0, d1) -> (0, 0)>
module attributes {stable_mosaic.version = 14 : i64} {
  func.func @_denom_body(%arg0: i32, %arg1: i32, %arg2: memref<1x10240xf32, #tpu.memory_space<hbm>>, %arg3: memref<2560x128xi32, #tpu.memory_space<hbm>>, %arg4: memref<2560x128xi32, #tpu.memory_space<hbm>>, %arg5: memref<32x10240xf32, #tpu.memory_space<hbm>>, %arg6: memref<10240xf32, #tpu.memory_space<vmem>>, %arg7: memref<80x128xi32, #tpu.memory_space<vmem>>, %arg8: memref<80x128xi32, #tpu.memory_space<vmem>>, %arg9: memref<10240xf32, #tpu.memory_space<vmem>>) attributes {dimension_semantics = [#tpu.dimension_semantics<core_parallel>, #tpu.dimension_semantics<subcore_parallel>], iteration_bounds = array<i64: 2, 16>, scalar_prefetch = 0 : i64, scratch_operands = 4 : i64, tpu.core_type = #tpu.core_type<sc_vector_subcore>, window_params = [{transform_indices = #map}, {transform_indices = #map}, {transform_indices = #map}, {transform_indices = #map}]} {
    %mul3A = arith.constant 16 : i32
    %mul3A_0 = arith.muli %arg0, %mul3A : i32
    %add3A = arith.addi %mul3A_0, %arg1 : i32
    %run_scoped3A = arith.constant 0 : i32
    "tpu.region"() ({
      %run_scoped3A_17 = tpu.sem_alloc : memref<!tpu.dma_semaphore, #tpu.memory_space<semaphore_mem>>
      %dma_start3A = arith.constant 0 : i32
      %dma_start3A_18 = tpu.memref_slice %arg2[%run_scoped3A, %dma_start3A] : memref<1x10240xf32, #tpu.memory_space<hbm>> -> memref<1x10240xf32, #tpu.memory_space<hbm>>
      %dma_start3A_19 = tpu.memref_squeeze %dma_start3A_18 : memref<1x10240xf32, #tpu.memory_space<hbm>> -> memref<10240xf32, #tpu.memory_space<hbm>>
      %dma_start3A_20 = arith.constant 0 : i32
      %dma_start3A_21 = tpu.memref_slice %arg2[%run_scoped3A, %dma_start3A_20] : memref<1x10240xf32, #tpu.memory_space<hbm>> -> memref<1x10240xf32, #tpu.memory_space<hbm>>
      %dma_start3A_22 = tpu.memref_squeeze %dma_start3A_21 : memref<1x10240xf32, #tpu.memory_space<hbm>> -> memref<10240xf32, #tpu.memory_space<hbm>>
      tpu.enqueue_dma source(%dma_start3A_22 : memref<10240xf32, #tpu.memory_space<hbm>>) target(%arg6 : memref<10240xf32, #tpu.memory_space<vmem>>) target_semaphore(%run_scoped3A_17 : memref<!tpu.dma_semaphore, #tpu.memory_space<semaphore_mem>>)
      %dma_wait3A = arith.constant 0 : i32
      %dma_wait3A_23 = tpu.memref_slice %arg2[%run_scoped3A, %dma_wait3A] : memref<1x10240xf32, #tpu.memory_space<hbm>> -> memref<1x10240xf32, #tpu.memory_space<hbm>>
      %dma_wait3A_24 = tpu.memref_squeeze %dma_wait3A_23 : memref<1x10240xf32, #tpu.memory_space<hbm>> -> memref<10240xf32, #tpu.memory_space<hbm>>
      %dma_wait3A_25 = arith.constant 0 : i32
      %dma_wait3A_26 = tpu.memref_slice %arg2[%run_scoped3A, %dma_wait3A_25] : memref<1x10240xf32, #tpu.memory_space<hbm>> -> memref<1x10240xf32, #tpu.memory_space<hbm>>
      %dma_wait3A_27 = tpu.memref_squeeze %dma_wait3A_26 : memref<1x10240xf32, #tpu.memory_space<hbm>> -> memref<10240xf32, #tpu.memory_space<hbm>>
      tpu.wait_dma2 semaphore(%run_scoped3A_17 : memref<!tpu.dma_semaphore, #tpu.memory_space<semaphore_mem>>) src(%dma_wait3A_27 : memref<10240xf32, #tpu.memory_space<hbm>>) dst(%arg6 : memref<10240xf32, #tpu.memory_space<vmem>>)
      tpu.yield
    }) : () -> ()
    %mul3A_1 = arith.constant 80 : i32
    %mul3A_2 = arith.muli %add3A, %mul3A_1 : i32
    "tpu.region"() ({
      %run_scoped3A_17 = tpu.sem_alloc : memref<!tpu.dma_semaphore, #tpu.memory_space<semaphore_mem>>
      %dma_start3A = arith.constant 0 : i32
      %dma_start3A_18 = tpu.memref_slice %arg3[%mul3A_2, %dma_start3A] : memref<2560x128xi32, #tpu.memory_space<hbm>> -> memref<80x128xi32, #tpu.memory_space<hbm>>
      %dma_start3A_19 = arith.constant 0 : i32
      %dma_start3A_20 = tpu.memref_slice %arg3[%mul3A_2, %dma_start3A_19] : memref<2560x128xi32, #tpu.memory_space<hbm>> -> memref<80x128xi32, #tpu.memory_space<hbm>>
      tpu.enqueue_dma source(%dma_start3A_20 : memref<80x128xi32, #tpu.memory_space<hbm>>) target(%arg7 : memref<80x128xi32, #tpu.memory_space<vmem>>) target_semaphore(%run_scoped3A_17 : memref<!tpu.dma_semaphore, #tpu.memory_space<semaphore_mem>>)
      %dma_wait3A = arith.constant 0 : i32
      %dma_wait3A_21 = tpu.memref_slice %arg3[%mul3A_2, %dma_wait3A] : memref<2560x128xi32, #tpu.memory_space<hbm>> -> memref<80x128xi32, #tpu.memory_space<hbm>>
      %dma_wait3A_22 = arith.constant 0 : i32
      %dma_wait3A_23 = tpu.memref_slice %arg3[%mul3A_2, %dma_wait3A_22] : memref<2560x128xi32, #tpu.memory_space<hbm>> -> memref<80x128xi32, #tpu.memory_space<hbm>>
      tpu.wait_dma2 semaphore(%run_scoped3A_17 : memref<!tpu.dma_semaphore, #tpu.memory_space<semaphore_mem>>) src(%dma_wait3A_23 : memref<80x128xi32, #tpu.memory_space<hbm>>) dst(%arg7 : memref<80x128xi32, #tpu.memory_space<vmem>>)
      tpu.yield
    }) : () -> ()
    %mul3A_3 = arith.constant 80 : i32
    %mul3A_4 = arith.muli %add3A, %mul3A_3 : i32
    "tpu.region"() ({
      %run_scoped3A_17 = tpu.sem_alloc : memref<!tpu.dma_semaphore, #tpu.memory_space<semaphore_mem>>
      %dma_start3A = arith.constant 0 : i32
      %dma_start3A_18 = tpu.memref_slice %arg4[%mul3A_4, %dma_start3A] : memref<2560x128xi32, #tpu.memory_space<hbm>> -> memref<80x128xi32, #tpu.memory_space<hbm>>
      %dma_start3A_19 = arith.constant 0 : i32
      %dma_start3A_20 = tpu.memref_slice %arg4[%mul3A_4, %dma_start3A_19] : memref<2560x128xi32, #tpu.memory_space<hbm>> -> memref<80x128xi32, #tpu.memory_space<hbm>>
      tpu.enqueue_dma source(%dma_start3A_20 : memref<80x128xi32, #tpu.memory_space<hbm>>) target(%arg8 : memref<80x128xi32, #tpu.memory_space<vmem>>) target_semaphore(%run_scoped3A_17 : memref<!tpu.dma_semaphore, #tpu.memory_space<semaphore_mem>>)
      %dma_wait3A = arith.constant 0 : i32
      %dma_wait3A_21 = tpu.memref_slice %arg4[%mul3A_4, %dma_wait3A] : memref<2560x128xi32, #tpu.memory_space<hbm>> -> memref<80x128xi32, #tpu.memory_space<hbm>>
      %dma_wait3A_22 = arith.constant 0 : i32
      %dma_wait3A_23 = tpu.memref_slice %arg4[%mul3A_4, %dma_wait3A_22] : memref<2560x128xi32, #tpu.memory_space<hbm>> -> memref<80x128xi32, #tpu.memory_space<hbm>>
      tpu.wait_dma2 semaphore(%run_scoped3A_17 : memref<!tpu.dma_semaphore, #tpu.memory_space<semaphore_mem>>) src(%dma_wait3A_23 : memref<80x128xi32, #tpu.memory_space<hbm>>) dst(%arg8 : memref<80x128xi32, #tpu.memory_space<vmem>>)
      tpu.yield
    }) : () -> ()
    %broadcast_in_dim3A = arith.constant 0.000000e+00 : f32
    %broadcast_in_dim3A_5 = vector.broadcast %broadcast_in_dim3A : f32 to vector<16xf32>
    %scan3A = arith.constant 0 : i32
    %scan3A_6 = arith.constant 0 : i32
    %scan3A_7 = arith.constant 640 : i32
    %scan3A_8 = arith.addi %scan3A_6, %scan3A_7 : i32
    %scan3A_9 = arith.constant 1 : i32
    scf.for %scan3A_17 = %scan3A_6 to %scan3A_8 step %scan3A_9  : i32 {
      %mul3A_18 = arith.constant 16 : i32
      %mul3A_19 = arith.muli %scan3A_17, %mul3A_18 : i32
      %swap3A = arith.index_cast %mul3A_19 : i32 to index
      %swap3A_20 = tpu.vector_load %arg9[%swap3A] {strides = array<i32>} : memref<10240xf32, #tpu.memory_space<vmem>>, vector<16xf32>,
      tpu.vector_store %arg9[%swap3A], %broadcast_in_dim3A_5 {strides = array<i32>} : memref<10240xf32, #tpu.memory_space<vmem>>, vector<16xf32>,
    }
    %scan3A_10 = arith.constant 640 : i32
    %scan3A_11 = arith.constant 0 : i32
    %scan3A_12 = arith.constant 0 : i32
    %scan3A_13 = arith.constant 80 : i32
    %scan3A_14 = arith.addi %scan3A_12, %scan3A_13 : i32
    %scan3A_15 = arith.constant 1 : i32
    scf.for %scan3A_17 = %scan3A_12 to %scan3A_14 step %scan3A_15  : i32 {
      %get3A = arith.index_cast %scan3A_17 : i32 to index
      %get3A_18 = arith.constant 0 : index
      %get3A_19 = tpu.vector_load %arg7[%get3A, %get3A_18] {strides = array<i32>} : memref<80x128xi32, #tpu.memory_space<vmem>>, vector<16xi32>,
      %get3A_20 = arith.index_cast %scan3A_17 : i32 to index
      %get3A_21 = arith.constant 0 : index
      %get3A_22 = tpu.vector_load %arg8[%get3A_20, %get3A_21] {strides = array<i32>} : memref<80x128xi32, #tpu.memory_space<vmem>>, vector<16xi32>,
      %gather3A = tpu.vector_load_idx %arg6[%get3A_19] : memref<10240xf32, #tpu.memory_space<vmem>>[vector<16xi32>], vector<16xf32>,
      tpu.vector_store_idx %arg9[%get3A_22], %gather3A {add = true} : memref<10240xf32, #tpu.memory_space<vmem>>[vector<16xi32>], vector<16xf32>,
      %get3A_23 = arith.index_cast %scan3A_17 : i32 to index
      %get3A_24 = arith.constant 16 : index
      %get3A_25 = tpu.vector_load %arg7[%get3A_23, %get3A_24] {strides = array<i32>} : memref<80x128xi32, #tpu.memory_space<vmem>>, vector<16xi32>,
      %get3A_26 = arith.index_cast %scan3A_17 : i32 to index
      %get3A_27 = arith.constant 16 : index
      %get3A_28 = tpu.vector_load %arg8[%get3A_26, %get3A_27] {strides = array<i32>} : memref<80x128xi32, #tpu.memory_space<vmem>>, vector<16xi32>,
      %gather3A_29 = tpu.vector_load_idx %arg6[%get3A_25] : memref<10240xf32, #tpu.memory_space<vmem>>[vector<16xi32>], vector<16xf32>,
      tpu.vector_store_idx %arg9[%get3A_28], %gather3A_29 {add = true} : memref<10240xf32, #tpu.memory_space<vmem>>[vector<16xi32>], vector<16xf32>,
      %get3A_30 = arith.index_cast %scan3A_17 : i32 to index
      %get3A_31 = arith.constant 32 : index
      %get3A_32 = tpu.vector_load %arg7[%get3A_30, %get3A_31] {strides = array<i32>} : memref<80x128xi32, #tpu.memory_space<vmem>>, vector<16xi32>,
      %get3A_33 = arith.index_cast %scan3A_17 : i32 to index
      %get3A_34 = arith.constant 32 : index
      %get3A_35 = tpu.vector_load %arg8[%get3A_33, %get3A_34] {strides = array<i32>} : memref<80x128xi32, #tpu.memory_space<vmem>>, vector<16xi32>,
      %gather3A_36 = tpu.vector_load_idx %arg6[%get3A_32] : memref<10240xf32, #tpu.memory_space<vmem>>[vector<16xi32>], vector<16xf32>,
      tpu.vector_store_idx %arg9[%get3A_35], %gather3A_36 {add = true} : memref<10240xf32, #tpu.memory_space<vmem>>[vector<16xi32>], vector<16xf32>,
      %get3A_37 = arith.index_cast %scan3A_17 : i32 to index
      %get3A_38 = arith.constant 48 : index
      %get3A_39 = tpu.vector_load %arg7[%get3A_37, %get3A_38] {strides = array<i32>} : memref<80x128xi32, #tpu.memory_space<vmem>>, vector<16xi32>,
      %get3A_40 = arith.index_cast %scan3A_17 : i32 to index
      %get3A_41 = arith.constant 48 : index
      %get3A_42 = tpu.vector_load %arg8[%get3A_40, %get3A_41] {strides = array<i32>} : memref<80x128xi32, #tpu.memory_space<vmem>>, vector<16xi32>,
      %gather3A_43 = tpu.vector_load_idx %arg6[%get3A_39] : memref<10240xf32, #tpu.memory_space<vmem>>[vector<16xi32>], vector<16xf32>,
      tpu.vector_store_idx %arg9[%get3A_42], %gather3A_43 {add = true} : memref<10240xf32, #tpu.memory_space<vmem>>[vector<16xi32>], vector<16xf32>,
      %get3A_44 = arith.index_cast %scan3A_17 : i32 to index
      %get3A_45 = arith.constant 64 : index
      %get3A_46 = tpu.vector_load %arg7[%get3A_44, %get3A_45] {strides = array<i32>} : memref<80x128xi32, #tpu.memory_space<vmem>>, vector<16xi32>,
      %get3A_47 = arith.index_cast %scan3A_17 : i32 to index
      %get3A_48 = arith.constant 64 : index
      %get3A_49 = tpu.vector_load %arg8[%get3A_47, %get3A_48] {strides = array<i32>} : memref<80x128xi32, #tpu.memory_space<vmem>>, vector<16xi32>,
      %gather3A_50 = tpu.vector_load_idx %arg6[%get3A_46] : memref<10240xf32, #tpu.memory_space<vmem>>[vector<16xi32>], vector<16xf32>,
      tpu.vector_store_idx %arg9[%get3A_49], %gather3A_50 {add = true} : memref<10240xf32, #tpu.memory_space<vmem>>[vector<16xi32>], vector<16xf32>,
      %get3A_51 = arith.index_cast %scan3A_17 : i32 to index
      %get3A_52 = arith.constant 80 : index
      %get3A_53 = tpu.vector_load %arg7[%get3A_51, %get3A_52] {strides = array<i32>} : memref<80x128xi32, #tpu.memory_space<vmem>>, vector<16xi32>,
      %get3A_54 = arith.index_cast %scan3A_17 : i32 to index
      %get3A_55 = arith.constant 80 : index
      %get3A_56 = tpu.vector_load %arg8[%get3A_54, %get3A_55] {strides = array<i32>} : memref<80x128xi32, #tpu.memory_space<vmem>>, vector<16xi32>,
      %gather3A_57 = tpu.vector_load_idx %arg6[%get3A_53] : memref<10240xf32, #tpu.memory_space<vmem>>[vector<16xi32>], vector<16xf32>,
      tpu.vector_store_idx %arg9[%get3A_56], %gather3A_57 {add = true} : memref<10240xf32, #tpu.memory_space<vmem>>[vector<16xi32>], vector<16xf32>,
      %get3A_58 = arith.index_cast %scan3A_17 : i32 to index
      %get3A_59 = arith.constant 96 : index
      %get3A_60 = tpu.vector_load %arg7[%get3A_58, %get3A_59] {strides = array<i32>} : memref<80x128xi32, #tpu.memory_space<vmem>>, vector<16xi32>,
      %get3A_61 = arith.index_cast %scan3A_17 : i32 to index
      %get3A_62 = arith.constant 96 : index
      %get3A_63 = tpu.vector_load %arg8[%get3A_61, %get3A_62] {strides = array<i32>} : memref<80x128xi32, #tpu.memory_space<vmem>>, vector<16xi32>,
      %gather3A_64 = tpu.vector_load_idx %arg6[%get3A_60] : memref<10240xf32, #tpu.memory_space<vmem>>[vector<16xi32>], vector<16xf32>,
      tpu.vector_store_idx %arg9[%get3A_63], %gather3A_64 {add = true} : memref<10240xf32, #tpu.memory_space<vmem>>[vector<16xi32>], vector<16xf32>,
      %get3A_65 = arith.index_cast %scan3A_17 : i32 to index
      %get3A_66 = arith.constant 112 : index
      %get3A_67 = tpu.vector_load %arg7[%get3A_65, %get3A_66] {strides = array<i32>} : memref<80x128xi32, #tpu.memory_space<vmem>>, vector<16xi32>,
      %get3A_68 = arith.index_cast %scan3A_17 : i32 to index
      %get3A_69 = arith.constant 112 : index
      %get3A_70 = tpu.vector_load %arg8[%get3A_68, %get3A_69] {strides = array<i32>} : memref<80x128xi32, #tpu.memory_space<vmem>>, vector<16xi32>,
      %gather3A_71 = tpu.vector_load_idx %arg6[%get3A_67] : memref<10240xf32, #tpu.memory_space<vmem>>[vector<16xi32>], vector<16xf32>,
      tpu.vector_store_idx %arg9[%get3A_70], %gather3A_71 {add = true} : memref<10240xf32, #tpu.memory_space<vmem>>[vector<16xi32>], vector<16xf32>,
    }
    %scan3A_16 = arith.constant 80 : i32
    "tpu.region"() ({
      %run_scoped3A_17 = tpu.sem_alloc : memref<!tpu.dma_semaphore, #tpu.memory_space<semaphore_mem>>
      %dma_start3A = arith.constant 0 : i32
      %dma_start3A_18 = tpu.memref_slice %arg5[%add3A, %dma_start3A] : memref<32x10240xf32, #tpu.memory_space<hbm>> -> memref<1x10240xf32, #tpu.memory_space<hbm>>
      %dma_start3A_19 = tpu.memref_squeeze %dma_start3A_18 : memref<1x10240xf32, #tpu.memory_space<hbm>> -> memref<10240xf32, #tpu.memory_space<hbm>>
      %dma_start3A_20 = arith.constant 0 : i32
      %dma_start3A_21 = tpu.memref_slice %arg5[%add3A, %dma_start3A_20] : memref<32x10240xf32, #tpu.memory_space<hbm>> -> memref<1x10240xf32, #tpu.memory_space<hbm>>
      %dma_start3A_22 = tpu.memref_squeeze %dma_start3A_21 : memref<1x10240xf32, #tpu.memory_space<hbm>> -> memref<10240xf32, #tpu.memory_space<hbm>>
      tpu.enqueue_dma source(%arg9 : memref<10240xf32, #tpu.memory_space<vmem>>) target(%dma_start3A_22 : memref<10240xf32, #tpu.memory_space<hbm>>) target_semaphore(%run_scoped3A_17 : memref<!tpu.dma_semaphore, #tpu.memory_space<semaphore_mem>>)
      %dma_wait3A = arith.constant 0 : i32
      %dma_wait3A_23 = tpu.memref_slice %arg5[%add3A, %dma_wait3A] : memref<32x10240xf32, #tpu.memory_space<hbm>> -> memref<1x10240xf32, #tpu.memory_space<hbm>>
      %dma_wait3A_24 = tpu.memref_squeeze %dma_wait3A_23 : memref<1x10240xf32, #tpu.memory_space<hbm>> -> memref<10240xf32, #tpu.memory_space<hbm>>
      %dma_wait3A_25 = arith.constant 0 : i32
      %dma_wait3A_26 = tpu.memref_slice %arg5[%add3A, %dma_wait3A_25] : memref<32x10240xf32, #tpu.memory_space<hbm>> -> memref<1x10240xf32, #tpu.memory_space<hbm>>
      %dma_wait3A_27 = tpu.memref_squeeze %dma_wait3A_26 : memref<1x10240xf32, #tpu.memory_space<hbm>> -> memref<10240xf32, #tpu.memory_space<hbm>>
      tpu.wait_dma2 semaphore(%run_scoped3A_17 : memref<!tpu.dma_semaphore, #tpu.memory_space<semaphore_mem>>) src(%arg9 : memref<10240xf32, #tpu.memory_space<vmem>>) dst(%dma_wait3A_27 : memref<10240xf32, #tpu.memory_space<hbm>>)
      tpu.yield
    }) : () -> ()
    return
  }
}

#map = affine_map<(d0, d1) -> (0, 0)>
module attributes {stable_mosaic.version = 14 : i64} {
  func.func @_denom_body(%arg0: i32, %arg1: i32, %arg2: memref<1x10240xf32, #tpu.memory_space<hbm>>, %arg3: memref<2560x128xi32, #tpu.memory_space<hbm>>, %arg4: memref<2560x128xi32, #tpu.memory_space<hbm>>, %arg5: memref<32x10240xf32, #tpu.memory_space<hbm>>, %arg6: memref<10240xf32, #tpu.memory_space<vmem>>, %arg7: memref<80x128xi32, #tpu.memory_space<vmem>>, %arg8: memref<80x128xi32, #tpu.memory_space<vmem>>, %arg9: memref<10240xf32, #tpu.memory_space<vmem>>) attributes {dimension_semantics = [#tpu.dimension_semantics<core_parallel>, #tpu.dimension_semantics<subcore_parallel>], iteration_bounds = array<i64: 2, 16>, scalar_prefetch = 0 : i64, scratch_operands = 4 : i64, tpu.core_type = #tpu.core_type<sc_vector_subcore>, window_params = [{transform_indices = #map}, {transform_indices = #map}, {transform_indices = #map}, {transform_indices = #map}]} {
    %mul3A = arith.constant 16 : i32
    %mul3A_0 = arith.muli %arg0, %mul3A : i32
    %add3A = arith.addi %mul3A_0, %arg1 : i32
    %run_scoped3A = arith.constant 0 : i32
    "tpu.region"() ({
      %run_scoped3A_17 = tpu.sem_alloc : memref<!tpu.dma_semaphore, #tpu.memory_space<semaphore_mem>>
      %dma_start3A = arith.constant 0 : i32
      %dma_start3A_18 = tpu.memref_slice %arg2[%run_scoped3A, %dma_start3A] : memref<1x10240xf32, #tpu.memory_space<hbm>> -> memref<1x10240xf32, #tpu.memory_space<hbm>>
      %dma_start3A_19 = tpu.memref_squeeze %dma_start3A_18 : memref<1x10240xf32, #tpu.memory_space<hbm>> -> memref<10240xf32, #tpu.memory_space<hbm>>
      %dma_start3A_20 = arith.constant 0 : i32
      %dma_start3A_21 = tpu.memref_slice %arg2[%run_scoped3A, %dma_start3A_20] : memref<1x10240xf32, #tpu.memory_space<hbm>> -> memref<1x10240xf32, #tpu.memory_space<hbm>>
      %dma_start3A_22 = tpu.memref_squeeze %dma_start3A_21 : memref<1x10240xf32, #tpu.memory_space<hbm>> -> memref<10240xf32, #tpu.memory_space<hbm>>
      tpu.enqueue_dma source(%dma_start3A_22 : memref<10240xf32, #tpu.memory_space<hbm>>) target(%arg6 : memref<10240xf32, #tpu.memory_space<vmem>>) target_semaphore(%run_scoped3A_17 : memref<!tpu.dma_semaphore, #tpu.memory_space<semaphore_mem>>)
      %dma_wait3A = arith.constant 0 : i32
      %dma_wait3A_23 = tpu.memref_slice %arg2[%run_scoped3A, %dma_wait3A] : memref<1x10240xf32, #tpu.memory_space<hbm>> -> memref<1x10240xf32, #tpu.memory_space<hbm>>
      %dma_wait3A_24 = tpu.memref_squeeze %dma_wait3A_23 : memref<1x10240xf32, #tpu.memory_space<hbm>> -> memref<10240xf32, #tpu.memory_space<hbm>>
      %dma_wait3A_25 = arith.constant 0 : i32
      %dma_wait3A_26 = tpu.memref_slice %arg2[%run_scoped3A, %dma_wait3A_25] : memref<1x10240xf32, #tpu.memory_space<hbm>> -> memref<1x10240xf32, #tpu.memory_space<hbm>>
      %dma_wait3A_27 = tpu.memref_squeeze %dma_wait3A_26 : memref<1x10240xf32, #tpu.memory_space<hbm>> -> memref<10240xf32, #tpu.memory_space<hbm>>
      tpu.wait_dma2 semaphore(%run_scoped3A_17 : memref<!tpu.dma_semaphore, #tpu.memory_space<semaphore_mem>>) src(%dma_wait3A_27 : memref<10240xf32, #tpu.memory_space<hbm>>) dst(%arg6 : memref<10240xf32, #tpu.memory_space<vmem>>)
      tpu.yield
    }) : () -> ()
    %mul3A_1 = arith.constant 80 : i32
    %mul3A_2 = arith.muli %add3A, %mul3A_1 : i32
    "tpu.region"() ({
      %run_scoped3A_17 = tpu.sem_alloc : memref<!tpu.dma_semaphore, #tpu.memory_space<semaphore_mem>>
      %dma_start3A = arith.constant 0 : i32
      %dma_start3A_18 = tpu.memref_slice %arg3[%mul3A_2, %dma_start3A] : memref<2560x128xi32, #tpu.memory_space<hbm>> -> memref<80x128xi32, #tpu.memory_space<hbm>>
      %dma_start3A_19 = arith.constant 0 : i32
      %dma_start3A_20 = tpu.memref_slice %arg3[%mul3A_2, %dma_start3A_19] : memref<2560x128xi32, #tpu.memory_space<hbm>> -> memref<80x128xi32, #tpu.memory_space<hbm>>
      tpu.enqueue_dma source(%dma_start3A_20 : memref<80x128xi32, #tpu.memory_space<hbm>>) target(%arg7 : memref<80x128xi32, #tpu.memory_space<vmem>>) target_semaphore(%run_scoped3A_17 : memref<!tpu.dma_semaphore, #tpu.memory_space<semaphore_mem>>)
      %dma_wait3A = arith.constant 0 : i32
      %dma_wait3A_21 = tpu.memref_slice %arg3[%mul3A_2, %dma_wait3A] : memref<2560x128xi32, #tpu.memory_space<hbm>> -> memref<80x128xi32, #tpu.memory_space<hbm>>
      %dma_wait3A_22 = arith.constant 0 : i32
      %dma_wait3A_23 = tpu.memref_slice %arg3[%mul3A_2, %dma_wait3A_22] : memref<2560x128xi32, #tpu.memory_space<hbm>> -> memref<80x128xi32, #tpu.memory_space<hbm>>
      tpu.wait_dma2 semaphore(%run_scoped3A_17 : memref<!tpu.dma_semaphore, #tpu.memory_space<semaphore_mem>>) src(%dma_wait3A_23 : memref<80x128xi32, #tpu.memory_space<hbm>>) dst(%arg7 : memref<80x128xi32, #tpu.memory_space<vmem>>)
      tpu.yield
    }) : () -> ()
    %mul3A_3 = arith.constant 80 : i32
    %mul3A_4 = arith.muli %add3A, %mul3A_3 : i32
    "tpu.region"() ({
      %run_scoped3A_17 = tpu.sem_alloc : memref<!tpu.dma_semaphore, #tpu.memory_space<semaphore_mem>>
      %dma_start3A = arith.constant 0 : i32
      %dma_start3A_18 = tpu.memref_slice %arg4[%mul3A_4, %dma_start3A] : memref<2560x128xi32, #tpu.memory_space<hbm>> -> memref<80x128xi32, #tpu.memory_space<hbm>>
      %dma_start3A_19 = arith.constant 0 : i32
      %dma_start3A_20 = tpu.memref_slice %arg4[%mul3A_4, %dma_start3A_19] : memref<2560x128xi32, #tpu.memory_space<hbm>> -> memref<80x128xi32, #tpu.memory_space<hbm>>
      tpu.enqueue_dma source(%dma_start3A_20 : memref<80x128xi32, #tpu.memory_space<hbm>>) target(%arg8 : memref<80x128xi32, #tpu.memory_space<vmem>>) target_semaphore(%run_scoped3A_17 : memref<!tpu.dma_semaphore, #tpu.memory_space<semaphore_mem>>)
      %dma_wait3A = arith.constant 0 : i32
      %dma_wait3A_21 = tpu.memref_slice %arg4[%mul3A_4, %dma_wait3A] : memref<2560x128xi32, #tpu.memory_space<hbm>> -> memref<80x128xi32, #tpu.memory_space<hbm>>
      %dma_wait3A_22 = arith.constant 0 : i32
      %dma_wait3A_23 = tpu.memref_slice %arg4[%mul3A_4, %dma_wait3A_22] : memref<2560x128xi32, #tpu.memory_space<hbm>> -> memref<80x128xi32, #tpu.memory_space<hbm>>
      tpu.wait_dma2 semaphore(%run_scoped3A_17 : memref<!tpu.dma_semaphore, #tpu.memory_space<semaphore_mem>>) src(%dma_wait3A_23 : memref<80x128xi32, #tpu.memory_space<hbm>>) dst(%arg8 : memref<80x128xi32, #tpu.memory_space<vmem>>)
      tpu.yield
    }) : () -> ()
    %broadcast_in_dim3A = arith.constant 0.000000e+00 : f32
    %broadcast_in_dim3A_5 = vector.broadcast %broadcast_in_dim3A : f32 to vector<16xf32>
    %scan3A = arith.constant 0 : i32
    %scan3A_6 = arith.constant 0 : i32
    %scan3A_7 = arith.constant 640 : i32
    %scan3A_8 = arith.addi %scan3A_6, %scan3A_7 : i32
    %scan3A_9 = arith.constant 1 : i32
    scf.for %scan3A_17 = %scan3A_6 to %scan3A_8 step %scan3A_9  : i32 {
      %mul3A_18 = arith.constant 16 : i32
      %mul3A_19 = arith.muli %scan3A_17, %mul3A_18 : i32
      %swap3A = arith.index_cast %mul3A_19 : i32 to index
      %swap3A_20 = tpu.vector_load %arg9[%swap3A] {strides = array<i32>} : memref<10240xf32, #tpu.memory_space<vmem>>, vector<16xf32>,
      tpu.vector_store %arg9[%swap3A], %broadcast_in_dim3A_5 {strides = array<i32>} : memref<10240xf32, #tpu.memory_space<vmem>>, vector<16xf32>,
    }
    %scan3A_10 = arith.constant 640 : i32
    %scan3A_11 = arith.constant 0 : i32
    %scan3A_12 = arith.constant 0 : i32
    %scan3A_13 = arith.constant 80 : i32
    %scan3A_14 = arith.addi %scan3A_12, %scan3A_13 : i32
    %scan3A_15 = arith.constant 1 : i32
    scf.for %scan3A_17 = %scan3A_12 to %scan3A_14 step %scan3A_15  : i32 {
      %get3A = arith.index_cast %scan3A_17 : i32 to index
      %get3A_18 = arith.constant 0 : index
      %get3A_19 = tpu.vector_load %arg7[%get3A, %get3A_18] {strides = array<i32>} : memref<80x128xi32, #tpu.memory_space<vmem>>, vector<16xi32>,
      %get3A_20 = arith.index_cast %scan3A_17 : i32 to index
      %get3A_21 = arith.constant 0 : index
      %get3A_22 = tpu.vector_load %arg8[%get3A_20, %get3A_21] {strides = array<i32>} : memref<80x128xi32, #tpu.memory_space<vmem>>, vector<16xi32>,
      %gather3A = tpu.vector_load_idx %arg6[%get3A_19] : memref<10240xf32, #tpu.memory_space<vmem>>[vector<16xi32>], vector<16xf32>,
      tpu.vector_store_idx %arg9[%get3A_22], %gather3A {add = true} : memref<10240xf32, #tpu.memory_space<vmem>>[vector<16xi32>], vector<16xf32>,
      %get3A_23 = arith.index_cast %scan3A_17 : i32 to index
      %get3A_24 = arith.constant 16 : index
      %get3A_25 = tpu.vector_load %arg7[%get3A_23, %get3A_24] {strides = array<i32>} : memref<80x128xi32, #tpu.memory_space<vmem>>, vector<16xi32>,
      %get3A_26 = arith.index_cast %scan3A_17 : i32 to index
      %get3A_27 = arith.constant 16 : index
      %get3A_28 = tpu.vector_load %arg8[%get3A_26, %get3A_27] {strides = array<i32>} : memref<80x128xi32, #tpu.memory_space<vmem>>, vector<16xi32>,
      %gather3A_29 = tpu.vector_load_idx %arg6[%get3A_25] : memref<10240xf32, #tpu.memory_space<vmem>>[vector<16xi32>], vector<16xf32>,
      tpu.vector_store_idx %arg9[%get3A_28], %gather3A_29 {add = true} : memref<10240xf32, #tpu.memory_space<vmem>>[vector<16xi32>], vector<16xf32>,
      %get3A_30 = arith.index_cast %scan3A_17 : i32 to index
      %get3A_31 = arith.constant 32 : index
      %get3A_32 = tpu.vector_load %arg7[%get3A_30, %get3A_31] {strides = array<i32>} : memref<80x128xi32, #tpu.memory_space<vmem>>, vector<16xi32>,
      %get3A_33 = arith.index_cast %scan3A_17 : i32 to index
      %get3A_34 = arith.constant 32 : index
      %get3A_35 = tpu.vector_load %arg8[%get3A_33, %get3A_34] {strides = array<i32>} : memref<80x128xi32, #tpu.memory_space<vmem>>, vector<16xi32>,
      %gather3A_36 = tpu.vector_load_idx %arg6[%get3A_32] : memref<10240xf32, #tpu.memory_space<vmem>>[vector<16xi32>], vector<16xf32>,
      tpu.vector_store_idx %arg9[%get3A_35], %gather3A_36 {add = true} : memref<10240xf32, #tpu.memory_space<vmem>>[vector<16xi32>], vector<16xf32>,
      %get3A_37 = arith.index_cast %scan3A_17 : i32 to index
      %get3A_38 = arith.constant 48 : index
      %get3A_39 = tpu.vector_load %arg7[%get3A_37, %get3A_38] {strides = array<i32>} : memref<80x128xi32, #tpu.memory_space<vmem>>, vector<16xi32>,
      %get3A_40 = arith.index_cast %scan3A_17 : i32 to index
      %get3A_41 = arith.constant 48 : index
      %get3A_42 = tpu.vector_load %arg8[%get3A_40, %get3A_41] {strides = array<i32>} : memref<80x128xi32, #tpu.memory_space<vmem>>, vector<16xi32>,
      %gather3A_43 = tpu.vector_load_idx %arg6[%get3A_39] : memref<10240xf32, #tpu.memory_space<vmem>>[vector<16xi32>], vector<16xf32>,
      tpu.vector_store_idx %arg9[%get3A_42], %gather3A_43 {add = true} : memref<10240xf32, #tpu.memory_space<vmem>>[vector<16xi32>], vector<16xf32>,
      %get3A_44 = arith.index_cast %scan3A_17 : i32 to index
      %get3A_45 = arith.constant 64 : index
      %get3A_46 = tpu.vector_load %arg7[%get3A_44, %get3A_45] {strides = array<i32>} : memref<80x128xi32, #tpu.memory_space<vmem>>, vector<16xi32>,
      %get3A_47 = arith.index_cast %scan3A_17 : i32 to index
      %get3A_48 = arith.constant 64 : index
      %get3A_49 = tpu.vector_load %arg8[%get3A_47, %get3A_48] {strides = array<i32>} : memref<80x128xi32, #tpu.memory_space<vmem>>, vector<16xi32>,
      %gather3A_50 = tpu.vector_load_idx %arg6[%get3A_46] : memref<10240xf32, #tpu.memory_space<vmem>>[vector<16xi32>], vector<16xf32>,
      tpu.vector_store_idx %arg9[%get3A_49], %gather3A_50 {add = true} : memref<10240xf32, #tpu.memory_space<vmem>>[vector<16xi32>], vector<16xf32>,
      %get3A_51 = arith.index_cast %scan3A_17 : i32 to index
      %get3A_52 = arith.constant 80 : index
      %get3A_53 = tpu.vector_load %arg7[%get3A_51, %get3A_52] {strides = array<i32>} : memref<80x128xi32, #tpu.memory_space<vmem>>, vector<16xi32>,
      %get3A_54 = arith.index_cast %scan3A_17 : i32 to index
      %get3A_55 = arith.constant 80 : index
      %get3A_56 = tpu.vector_load %arg8[%get3A_54, %get3A_55] {strides = array<i32>} : memref<80x128xi32, #tpu.memory_space<vmem>>, vector<16xi32>,
      %gather3A_57 = tpu.vector_load_idx %arg6[%get3A_53] : memref<10240xf32, #tpu.memory_space<vmem>>[vector<16xi32>], vector<16xf32>,
      tpu.vector_store_idx %arg9[%get3A_56], %gather3A_57 {add = true} : memref<10240xf32, #tpu.memory_space<vmem>>[vector<16xi32>], vector<16xf32>,
      %get3A_58 = arith.index_cast %scan3A_17 : i32 to index
      %get3A_59 = arith.constant 96 : index
      %get3A_60 = tpu.vector_load %arg7[%get3A_58, %get3A_59] {strides = array<i32>} : memref<80x128xi32, #tpu.memory_space<vmem>>, vector<16xi32>,
      %get3A_61 = arith.index_cast %scan3A_17 : i32 to index
      %get3A_62 = arith.constant 96 : index
      %get3A_63 = tpu.vector_load %arg8[%get3A_61, %get3A_62] {strides = array<i32>} : memref<80x128xi32, #tpu.memory_space<vmem>>, vector<16xi32>,
      %gather3A_64 = tpu.vector_load_idx %arg6[%get3A_60] : memref<10240xf32, #tpu.memory_space<vmem>>[vector<16xi32>], vector<16xf32>,
      tpu.vector_store_idx %arg9[%get3A_63], %gather3A_64 {add = true} : memref<10240xf32, #tpu.memory_space<vmem>>[vector<16xi32>], vector<16xf32>,
      %get3A_65 = arith.index_cast %scan3A_17 : i32 to index
      %get3A_66 = arith.constant 112 : index
      %get3A_67 = tpu.vector_load %arg7[%get3A_65, %get3A_66] {strides = array<i32>} : memref<80x128xi32, #tpu.memory_space<vmem>>, vector<16xi32>,
      %get3A_68 = arith.index_cast %scan3A_17 : i32 to index
      %get3A_69 = arith.constant 112 : index
      %get3A_70 = tpu.vector_load %arg8[%get3A_68, %get3A_69] {strides = array<i32>} : memref<80x128xi32, #tpu.memory_space<vmem>>, vector<16xi32>,
      %gather3A_71 = tpu.vector_load_idx %arg6[%get3A_67] : memref<10240xf32, #tpu.memory_space<vmem>>[vector<16xi32>], vector<16xf32>,
      tpu.vector_store_idx %arg9[%get3A_70], %gather3A_71 {add = true} : memref<10240xf32, #tpu.memory_space<vmem>>[vector<16xi32>], vector<16xf32>,
    }
    %scan3A_16 = arith.constant 80 : i32
    "tpu.region"() ({
      %run_scoped3A_17 = tpu.sem_alloc : memref<!tpu.dma_semaphore, #tpu.memory_space<semaphore_mem>>
      %dma_start3A = arith.constant 0 : i32
      %dma_start3A_18 = tpu.memref_slice %arg5[%add3A, %dma_start3A] : memref<32x10240xf32, #tpu.memory_space<hbm>> -> memref<1x10240xf32, #tpu.memory_space<hbm>>
      %dma_start3A_19 = tpu.memref_squeeze %dma_start3A_18 : memref<1x10240xf32, #tpu.memory_space<hbm>> -> memref<10240xf32, #tpu.memory_space<hbm>>
      %dma_start3A_20 = arith.constant 0 : i32
      %dma_start3A_21 = tpu.memref_slice %arg5[%add3A, %dma_start3A_20] : memref<32x10240xf32, #tpu.memory_space<hbm>> -> memref<1x10240xf32, #tpu.memory_space<hbm>>
      %dma_start3A_22 = tpu.memref_squeeze %dma_start3A_21 : memref<1x10240xf32, #tpu.memory_space<hbm>> -> memref<10240xf32, #tpu.memory_space<hbm>>
      tpu.enqueue_dma source(%arg9 : memref<10240xf32, #tpu.memory_space<vmem>>) target(%dma_start3A_22 : memref<10240xf32, #tpu.memory_space<hbm>>) target_semaphore(%run_scoped3A_17 : memref<!tpu.dma_semaphore, #tpu.memory_space<semaphore_mem>>)
      %dma_wait3A = arith.constant 0 : i32
      %dma_wait3A_23 = tpu.memref_slice %arg5[%add3A, %dma_wait3A] : memref<32x10240xf32, #tpu.memory_space<hbm>> -> memref<1x10240xf32, #tpu.memory_space<hbm>>
      %dma_wait3A_24 = tpu.memref_squeeze %dma_wait3A_23 : memref<1x10240xf32, #tpu.memory_space<hbm>> -> memref<10240xf32, #tpu.memory_space<hbm>>
      %dma_wait3A_25 = arith.constant 0 : i32
      %dma_wait3A_26 = tpu.memref_slice %arg5[%add3A, %dma_wait3A_25] : memref<32x10240xf32, #tpu.memory_space<hbm>> -> memref<1x10240xf32, #tpu.memory_space<hbm>>
      %dma_wait3A_27 = tpu.memref_squeeze %dma_wait3A_26 : memref<1x10240xf32, #tpu.memory_space<hbm>> -> memref<10240xf32, #tpu.memory_space<hbm>>
      tpu.wait_dma2 semaphore(%run_scoped3A_17 : memref<!tpu.dma_semaphore, #tpu.memory_space<semaphore_mem>>) src(%arg9 : memref<10240xf32, #tpu.memory_space<vmem>>) dst(%dma_wait3A_27 : memref<10240xf32, #tpu.memory_space<hbm>>)
      tpu.yield
    }) : () -> ()
    return
  }
}

#map = affine_map<(d0, d1) -> (0, 0)>
#map1 = affine_map<(d0, d1) -> (0, 0, 0)>
module attributes {stable_mosaic.version = 14 : i64} {
  func.func @_edge_body(%arg0: i32, %arg1: i32, %arg2: memref<10240x128xf32, #tpu.memory_space<hbm>>, %arg3: memref<2560x128xi32, #tpu.memory_space<hbm>>, %arg4: memref<2560x128xi32, #tpu.memory_space<hbm>>, %arg5: memref<640x128xf32, #tpu.memory_space<hbm>>, %arg6: memref<2x10240x128xf32, #tpu.memory_space<hbm>>, %arg7: memref<128xi32, #tpu.memory_space<vmem>>, %arg8: memref<128xi32, #tpu.memory_space<vmem>>, %arg9: memref<128xi32, #tpu.memory_space<vmem>>, %arg10: memref<128xi32, #tpu.memory_space<vmem>>, %arg11: memref<128xi32, #tpu.memory_space<vmem>>, %arg12: memref<128xi32, #tpu.memory_space<vmem>>, %arg13: memref<128xi32, #tpu.memory_space<vmem>>, %arg14: memref<128xi32, #tpu.memory_space<vmem>>, %arg15: memref<128x128xf32, #tpu.memory_space<vmem>>, %arg16: memref<128x128xf32, #tpu.memory_space<vmem>>, %arg17: memref<10240x128xf32, #tpu.memory_space<vmem_shared>>, %arg18: memref<!tpu.dma_semaphore, #tpu.memory_space<semaphore_mem>>, %arg19: memref<!tpu.dma_semaphore, #tpu.memory_space<semaphore_mem>>, %arg20: memref<!tpu.dma_semaphore, #tpu.memory_space<semaphore_mem>>, %arg21: memref<!tpu.dma_semaphore, #tpu.memory_space<semaphore_mem>>) attributes {dimension_semantics = [#tpu.dimension_semantics<core_parallel>, #tpu.dimension_semantics<subcore_parallel>], iteration_bounds = array<i64: 2, 16>, scalar_prefetch = 0 : i64, scratch_operands = 15 : i64, tpu.core_type = #tpu.core_type<sc_vector_subcore>, window_params = [{transform_indices = #map}, {transform_indices = #map}, {transform_indices = #map}, {transform_indices = #map}, {transform_indices = #map1}]} {
    %mul3A = arith.constant 640 : i32
    %mul3A_0 = arith.muli %arg1, %mul3A : i32
    "tpu.region"() ({
      %run_scoped3A = tpu.sem_alloc : memref<!tpu.dma_semaphore, #tpu.memory_space<semaphore_mem>>
      %dma_start3A = arith.constant 0 : i32
      %dma_start3A_13 = tpu.memref_slice %arg17[%mul3A_0, %dma_start3A] : memref<10240x128xf32, #tpu.memory_space<vmem_shared>> -> memref<640x128xf32, #tpu.memory_space<vmem_shared>>
      tpu.enqueue_dma source(%arg5 : memref<640x128xf32, #tpu.memory_space<hbm>>) target(%dma_start3A_13 : memref<640x128xf32, #tpu.memory_space<vmem_shared>>) target_semaphore(%run_scoped3A : memref<!tpu.dma_semaphore, #tpu.memory_space<semaphore_mem>>)
      %dma_wait3A = arith.constant 0 : i32
      %dma_wait3A_14 = tpu.memref_slice %arg17[%mul3A_0, %dma_wait3A] : memref<10240x128xf32, #tpu.memory_space<vmem_shared>> -> memref<640x128xf32, #tpu.memory_space<vmem_shared>>
      tpu.wait_dma2 semaphore(%run_scoped3A : memref<!tpu.dma_semaphore, #tpu.memory_space<semaphore_mem>>) src(%arg5 : memref<640x128xf32, #tpu.memory_space<hbm>>) dst(%dma_wait3A_14 : memref<640x128xf32, #tpu.memory_space<vmem_shared>>)
      tpu.yield
    }) : () -> ()
    %barrier3A = arith.constant 0 : index
    tpu.barrier barrier_id(%barrier3A)
    %eq3A = arith.constant 0 : i32
    %eq3A_1 = arith.cmpi eq, %arg0, %eq3A : i32
    %convert_element_type3A = arith.extui %eq3A_1 : i1 to i32
    %cond3A = arith.constant 0 : i32
    %cond3A_2 = arith.cmpi ne, %convert_element_type3A, %cond3A : i32
    scf.if %cond3A_2 {
      %mul3A_13 = arith.constant 152 : i32
      %mul3A_14 = arith.muli %arg1, %mul3A_13 : i32
      %add3A = arith.constant 0 : i32
      %add3A_15 = arith.addi %mul3A_14, %add3A : i32
      "tpu.region"() ({
        %run_scoped3A = tpu.sem_alloc : memref<!tpu.dma_semaphore, #tpu.memory_space<semaphore_mem>>
        %dma_start3A_42 = arith.constant 0 : i32
        %dma_start3A_43 = tpu.memref_slice %arg3[%add3A_15, %dma_start3A_42] : memref<2560x128xi32, #tpu.memory_space<hbm>> -> memref<1x128xi32, #tpu.memory_space<hbm>>
        %dma_start3A_44 = tpu.memref_squeeze %dma_start3A_43 : memref<1x128xi32, #tpu.memory_space<hbm>> -> memref<128xi32, #tpu.memory_space<hbm>>
        %dma_start3A_45 = arith.constant 0 : i32
        %dma_start3A_46 = tpu.memref_slice %arg3[%add3A_15, %dma_start3A_45] : memref<2560x128xi32, #tpu.memory_space<hbm>> -> memref<1x128xi32, #tpu.memory_space<hbm>>
        %dma_start3A_47 = tpu.memref_squeeze %dma_start3A_46 : memref<1x128xi32, #tpu.memory_space<hbm>> -> memref<128xi32, #tpu.memory_space<hbm>>
        tpu.enqueue_dma source(%dma_start3A_47 : memref<128xi32, #tpu.memory_space<hbm>>) target(%arg7 : memref<128xi32, #tpu.memory_space<vmem>>) target_semaphore(%run_scoped3A : memref<!tpu.dma_semaphore, #tpu.memory_space<semaphore_mem>>)
        %dma_wait3A = arith.constant 0 : i32
        %dma_wait3A_48 = tpu.memref_slice %arg3[%add3A_15, %dma_wait3A] : memref<2560x128xi32, #tpu.memory_space<hbm>> -> memref<1x128xi32, #tpu.memory_space<hbm>>
        %dma_wait3A_49 = tpu.memref_squeeze %dma_wait3A_48 : memref<1x128xi32, #tpu.memory_space<hbm>> -> memref<128xi32, #tpu.memory_space<hbm>>
        %dma_wait3A_50 = arith.constant 0 : i32
        %dma_wait3A_51 = tpu.memref_slice %arg3[%add3A_15, %dma_wait3A_50] : memref<2560x128xi32, #tpu.memory_space<hbm>> -> memref<1x128xi32, #tpu.memory_space<hbm>>
        %dma_wait3A_52 = tpu.memref_squeeze %dma_wait3A_51 : memref<1x128xi32, #tpu.memory_space<hbm>> -> memref<128xi32, #tpu.memory_space<hbm>>
        tpu.wait_dma2 semaphore(%run_scoped3A : memref<!tpu.dma_semaphore, #tpu.memory_space<semaphore_mem>>) src(%dma_wait3A_52 : memref<128xi32, #tpu.memory_space<hbm>>) dst(%arg7 : memref<128xi32, #tpu.memory_space<vmem>>)
        tpu.yield
      }) : () -> ()
      %add3A_16 = arith.constant 0 : i32
      %add3A_17 = arith.addi %mul3A_14, %add3A_16 : i32
      "tpu.region"() ({
        %run_scoped3A = tpu.sem_alloc : memref<!tpu.dma_semaphore, #tpu.memory_space<semaphore_mem>>
        %dma_start3A_42 = arith.constant 0 : i32
        %dma_start3A_43 = tpu.memref_slice %arg4[%add3A_17, %dma_start3A_42] : memref<2560x128xi32, #tpu.memory_space<hbm>> -> memref<1x128xi32, #tpu.memory_space<hbm>>
        %dma_start3A_44 = tpu.memref_squeeze %dma_start3A_43 : memref<1x128xi32, #tpu.memory_space<hbm>> -> memref<128xi32, #tpu.memory_space<hbm>>
        %dma_start3A_45 = arith.constant 0 : i32
        %dma_start3A_46 = tpu.memref_slice %arg4[%add3A_17, %dma_start3A_45] : memref<2560x128xi32, #tpu.memory_space<hbm>> -> memref<1x128xi32, #tpu.memory_space<hbm>>
        %dma_start3A_47 = tpu.memref_squeeze %dma_start3A_46 : memref<1x128xi32, #tpu.memory_space<hbm>> -> memref<128xi32, #tpu.memory_space<hbm>>
        tpu.enqueue_dma source(%dma_start3A_47 : memref<128xi32, #tpu.memory_space<hbm>>) target(%arg8 : memref<128xi32, #tpu.memory_space<vmem>>) target_semaphore(%run_scoped3A : memref<!tpu.dma_semaphore, #tpu.memory_space<semaphore_mem>>)
        %dma_wait3A = arith.constant 0 : i32
        %dma_wait3A_48 = tpu.memref_slice %arg4[%add3A_17, %dma_wait3A] : memref<2560x128xi32, #tpu.memory_space<hbm>> -> memref<1x128xi32, #tpu.memory_space<hbm>>
        %dma_wait3A_49 = tpu.memref_squeeze %dma_wait3A_48 : memref<1x128xi32, #tpu.memory_space<hbm>> -> memref<128xi32, #tpu.memory_space<hbm>>
        %dma_wait3A_50 = arith.constant 0 : i32
        %dma_wait3A_51 = tpu.memref_slice %arg4[%add3A_17, %dma_wait3A_50] : memref<2560x128xi32, #tpu.memory_space<hbm>> -> memref<1x128xi32, #tpu.memory_space<hbm>>
        %dma_wait3A_52 = tpu.memref_squeeze %dma_wait3A_51 : memref<1x128xi32, #tpu.memory_space<hbm>> -> memref<128xi32, #tpu.memory_space<hbm>>
        tpu.wait_dma2 semaphore(%run_scoped3A : memref<!tpu.dma_semaphore, #tpu.memory_space<semaphore_mem>>) src(%dma_wait3A_52 : memref<128xi32, #tpu.memory_space<hbm>>) dst(%arg8 : memref<128xi32, #tpu.memory_space<vmem>>)
        tpu.yield
      }) : () -> ()
      %add3A_18 = arith.constant 1 : i32
      %add3A_19 = arith.addi %mul3A_14, %add3A_18 : i32
      "tpu.region"() ({
        %run_scoped3A = tpu.sem_alloc : memref<!tpu.dma_semaphore, #tpu.memory_space<semaphore_mem>>
        %dma_start3A_42 = arith.constant 0 : i32
        %dma_start3A_43 = tpu.memref_slice %arg3[%add3A_19, %dma_start3A_42] : memref<2560x128xi32, #tpu.memory_space<hbm>> -> memref<1x128xi32, #tpu.memory_space<hbm>>
        %dma_start3A_44 = tpu.memref_squeeze %dma_start3A_43 : memref<1x128xi32, #tpu.memory_space<hbm>> -> memref<128xi32, #tpu.memory_space<hbm>>
        %dma_start3A_45 = arith.constant 0 : i32
        %dma_start3A_46 = tpu.memref_slice %arg3[%add3A_19, %dma_start3A_45] : memref<2560x128xi32, #tpu.memory_space<hbm>> -> memref<1x128xi32, #tpu.memory_space<hbm>>
        %dma_start3A_47 = tpu.memref_squeeze %dma_start3A_46 : memref<1x128xi32, #tpu.memory_space<hbm>> -> memref<128xi32, #tpu.memory_space<hbm>>
        tpu.enqueue_dma source(%dma_start3A_47 : memref<128xi32, #tpu.memory_space<hbm>>) target(%arg9 : memref<128xi32, #tpu.memory_space<vmem>>) target_semaphore(%run_scoped3A : memref<!tpu.dma_semaphore, #tpu.memory_space<semaphore_mem>>)
        %dma_wait3A = arith.constant 0 : i32
        %dma_wait3A_48 = tpu.memref_slice %arg3[%add3A_19, %dma_wait3A] : memref<2560x128xi32, #tpu.memory_space<hbm>> -> memref<1x128xi32, #tpu.memory_space<hbm>>
        %dma_wait3A_49 = tpu.memref_squeeze %dma_wait3A_48 : memref<1x128xi32, #tpu.memory_space<hbm>> -> memref<128xi32, #tpu.memory_space<hbm>>
        %dma_wait3A_50 = arith.constant 0 : i32
        %dma_wait3A_51 = tpu.memref_slice %arg3[%add3A_19, %dma_wait3A_50] : memref<2560x128xi32, #tpu.memory_space<hbm>> -> memref<1x128xi32, #tpu.memory_space<hbm>>
        %dma_wait3A_52 = tpu.memref_squeeze %dma_wait3A_51 : memref<1x128xi32, #tpu.memory_space<hbm>> -> memref<128xi32, #tpu.memory_space<hbm>>
        tpu.wait_dma2 semaphore(%run_scoped3A : memref<!tpu.dma_semaphore, #tpu.memory_space<semaphore_mem>>) src(%dma_wait3A_52 : memref<128xi32, #tpu.memory_space<hbm>>) dst(%arg9 : memref<128xi32, #tpu.memory_space<vmem>>)
        tpu.yield
      }) : () -> ()
      %add3A_20 = arith.constant 1 : i32
      %add3A_21 = arith.addi %mul3A_14, %add3A_20 : i32
      "tpu.region"() ({
        %run_scoped3A = tpu.sem_alloc : memref<!tpu.dma_semaphore, #tpu.memory_space<semaphore_mem>>
        %dma_start3A_42 = arith.constant 0 : i32
        %dma_start3A_43 = tpu.memref_slice %arg4[%add3A_21, %dma_start3A_42] : memref<2560x128xi32, #tpu.memory_space<hbm>> -> memref<1x128xi32, #tpu.memory_space<hbm>>
        %dma_start3A_44 = tpu.memref_squeeze %dma_start3A_43 : memref<1x128xi32, #tpu.memory_space<hbm>> -> memref<128xi32, #tpu.memory_space<hbm>>
        %dma_start3A_45 = arith.constant 0 : i32
        %dma_start3A_46 = tpu.memref_slice %arg4[%add3A_21, %dma_start3A_45] : memref<2560x128xi32, #tpu.memory_space<hbm>> -> memref<1x128xi32, #tpu.memory_space<hbm>>
        %dma_start3A_47 = tpu.memref_squeeze %dma_start3A_46 : memref<1x128xi32, #tpu.memory_space<hbm>> -> memref<128xi32, #tpu.memory_space<hbm>>
        tpu.enqueue_dma source(%dma_start3A_47 : memref<128xi32, #tpu.memory_space<hbm>>) target(%arg10 : memref<128xi32, #tpu.memory_space<vmem>>) target_semaphore(%run_scoped3A : memref<!tpu.dma_semaphore, #tpu.memory_space<semaphore_mem>>)
        %dma_wait3A = arith.constant 0 : i32
        %dma_wait3A_48 = tpu.memref_slice %arg4[%add3A_21, %dma_wait3A] : memref<2560x128xi32, #tpu.memory_space<hbm>> -> memref<1x128xi32, #tpu.memory_space<hbm>>
        %dma_wait3A_49 = tpu.memref_squeeze %dma_wait3A_48 : memref<1x128xi32, #tpu.memory_space<hbm>> -> memref<128xi32, #tpu.memory_space<hbm>>
        %dma_wait3A_50 = arith.constant 0 : i32
        %dma_wait3A_51 = tpu.memref_slice %arg4[%add3A_21, %dma_wait3A_50] : memref<2560x128xi32, #tpu.memory_space<hbm>> -> memref<1x128xi32, #tpu.memory_space<hbm>>
        %dma_wait3A_52 = tpu.memref_squeeze %dma_wait3A_51 : memref<1x128xi32, #tpu.memory_space<hbm>> -> memref<128xi32, #tpu.memory_space<hbm>>
        tpu.wait_dma2 semaphore(%run_scoped3A : memref<!tpu.dma_semaphore, #tpu.memory_space<semaphore_mem>>) src(%dma_wait3A_52 : memref<128xi32, #tpu.memory_space<hbm>>) dst(%arg10 : memref<128xi32, #tpu.memory_space<vmem>>)
        tpu.yield
      }) : () -> ()
      %dma_start3A = arith.constant 0 : i32
      %dma_start3A_22 = arith.constant 0 : i32
      %dma_start3A_23 = tpu.memref_slice %arg15[%dma_start3A, %dma_start3A_22] : memref<128x128xf32, #tpu.memory_space<vmem>> -> memref<64x128xf32, #tpu.memory_space<vmem>>
      %dma_start3A_24 = arith.constant 0 : i32
      %dma_start3A_25 = tpu.memref_slice %arg7[%dma_start3A_24] : memref<128xi32, #tpu.memory_space<vmem>> -> memref<64xi32, #tpu.memory_space<vmem>>
      %dma_start3A_26 = arith.constant 0 : i32
      %dma_start3A_27 = arith.constant 0 : i32
      %dma_start3A_28 = tpu.memref_slice %arg2[%dma_start3A_26, %dma_start3A_27] : memref<10240x128xf32, #tpu.memory_space<hbm>> -> memref<10240x128xf32, #tpu.memory_space<hbm>>
      tpu.enqueue_indirect_dma source(%dma_start3A_28 : memref<10240x128xf32, #tpu.memory_space<hbm>>) target(%dma_start3A_23 : memref<64x128xf32, #tpu.memory_space<vmem>>) offsets(%dma_start3A_25 : memref<64xi32, #tpu.memory_space<vmem>>) semaphore(%arg18 : memref<!tpu.dma_semaphore, #tpu.memory_space<semaphore_mem>>)
      %dma_start3A_29 = arith.constant 64 : i32
      %dma_start3A_30 = arith.constant 0 : i32
      %dma_start3A_31 = tpu.memref_slice %arg15[%dma_start3A_29, %dma_start3A_30] : memref<128x128xf32, #tpu.memory_space<vmem>> -> memref<64x128xf32, #tpu.memory_space<vmem>>
      %dma_start3A_32 = arith.constant 64 : i32
      %dma_start3A_33 = tpu.memref_slice %arg7[%dma_start3A_32] : memref<128xi32, #tpu.memory_space<vmem>> -> memref<64xi32, #tpu.memory_space<vmem>>
      %dma_start3A_34 = arith.constant 0 : i32
      %dma_start3A_35 = arith.constant 0 : i32
      %dma_start3A_36 = tpu.memref_slice %arg2[%dma_start3A_34, %dma_start3A_35] : memref<10240x128xf32, #tpu.memory_space<hbm>> -> memref<10240x128xf32, #tpu.memory_space<hbm>>
      tpu.enqueue_indirect_dma source(%dma_start3A_36 : memref<10240x128xf32, #tpu.memory_space<hbm>>) target(%dma_start3A_31 : memref<64x128xf32, #tpu.memory_space<vmem>>) offsets(%dma_start3A_33 : memref<64xi32, #tpu.memory_space<vmem>>) semaphore(%arg20 : memref<!tpu.dma_semaphore, #tpu.memory_space<semaphore_mem>>)
      %scan3A = arith.constant 0 : i32
      %scan3A_37 = arith.constant 0 : i32
      %scan3A_38 = arith.constant 38 : i32
      %scan3A_39 = arith.addi %scan3A_37, %scan3A_38 : i32
      %scan3A_40 = arith.constant 1 : i32
      scf.for %scan3A_42 = %scan3A_37 to %scan3A_39 step %scan3A_40  : i32 {
        %mul3A_43 = arith.constant 4 : i32
        %mul3A_44 = arith.muli %mul3A_43, %scan3A_42 : i32
        %add3A_45 = arith.constant 0 : i32
        %add3A_46 = arith.addi %mul3A_44, %add3A_45 : i32
        %dma_wait3A = arith.constant 0 : i32
        %dma_wait3A_47 = arith.constant 0 : i32
        %dma_wait3A_48 = tpu.memref_slice %arg15[%dma_wait3A, %dma_wait3A_47] : memref<128x128xf32, #tpu.memory_space<vmem>> -> memref<64x128xf32, #tpu.memory_space<vmem>>
        %dma_wait3A_49 = arith.constant 0 : i32
        %dma_wait3A_50 = tpu.memref_slice %arg7[%dma_wait3A_49] : memref<128xi32, #tpu.memory_space<vmem>> -> memref<64xi32, #tpu.memory_space<vmem>>
        %dma_wait3A_51 = arith.constant 0 : i32
        %dma_wait3A_52 = arith.constant 0 : i32
        %dma_wait3A_53 = tpu.memref_slice %arg2[%dma_wait3A_51, %dma_wait3A_52] : memref<10240x128xf32, #tpu.memory_space<hbm>> -> memref<10240x128xf32, #tpu.memory_space<hbm>>
        tpu.wait_indirect_dma semaphore(%arg18 : memref<!tpu.dma_semaphore, #tpu.memory_space<semaphore_mem>>) src(%dma_wait3A_53 : memref<10240x128xf32, #tpu.memory_space<hbm>>) dst(%dma_wait3A_48 : memref<64x128xf32, #tpu.memory_space<vmem>>)
        %dma_wait3A_54 = arith.constant 64 : i32
        %dma_wait3A_55 = arith.constant 0 : i32
        %dma_wait3A_56 = tpu.memref_slice %arg15[%dma_wait3A_54, %dma_wait3A_55] : memref<128x128xf32, #tpu.memory_space<vmem>> -> memref<64x128xf32, #tpu.memory_space<vmem>>
        %dma_wait3A_57 = arith.constant 64 : i32
        %dma_wait3A_58 = tpu.memref_slice %arg7[%dma_wait3A_57] : memref<128xi32, #tpu.memory_space<vmem>> -> memref<64xi32, #tpu.memory_space<vmem>>
        %dma_wait3A_59 = arith.constant 0 : i32
        %dma_wait3A_60 = arith.constant 0 : i32
        %dma_wait3A_61 = tpu.memref_slice %arg2[%dma_wait3A_59, %dma_wait3A_60] : memref<10240x128xf32, #tpu.memory_space<hbm>> -> memref<10240x128xf32, #tpu.memory_space<hbm>>
        tpu.wait_indirect_dma semaphore(%arg20 : memref<!tpu.dma_semaphore, #tpu.memory_space<semaphore_mem>>) src(%dma_wait3A_61 : memref<10240x128xf32, #tpu.memory_space<hbm>>) dst(%dma_wait3A_56 : memref<64x128xf32, #tpu.memory_space<vmem>>)
        %dma_start3A_62 = arith.constant 0 : i32
        %dma_start3A_63 = arith.constant 0 : i32
        %dma_start3A_64 = tpu.memref_slice %arg16[%dma_start3A_62, %dma_start3A_63] : memref<128x128xf32, #tpu.memory_space<vmem>> -> memref<64x128xf32, #tpu.memory_space<vmem>>
        %dma_start3A_65 = arith.constant 0 : i32
        %dma_start3A_66 = tpu.memref_slice %arg9[%dma_start3A_65] : memref<128xi32, #tpu.memory_space<vmem>> -> memref<64xi32, #tpu.memory_space<vmem>>
        %dma_start3A_67 = arith.constant 0 : i32
        %dma_start3A_68 = arith.constant 0 : i32
        %dma_start3A_69 = tpu.memref_slice %arg2[%dma_start3A_67, %dma_start3A_68] : memref<10240x128xf32, #tpu.memory_space<hbm>> -> memref<10240x128xf32, #tpu.memory_space<hbm>>
        tpu.enqueue_indirect_dma source(%dma_start3A_69 : memref<10240x128xf32, #tpu.memory_space<hbm>>) target(%dma_start3A_64 : memref<64x128xf32, #tpu.memory_space<vmem>>) offsets(%dma_start3A_66 : memref<64xi32, #tpu.memory_space<vmem>>) semaphore(%arg19 : memref<!tpu.dma_semaphore, #tpu.memory_space<semaphore_mem>>)
        %dma_start3A_70 = arith.constant 64 : i32
        %dma_start3A_71 = arith.constant 0 : i32
        %dma_start3A_72 = tpu.memref_slice %arg16[%dma_start3A_70, %dma_start3A_71] : memref<128x128xf32, #tpu.memory_space<vmem>> -> memref<64x128xf32, #tpu.memory_space<vmem>>
        %dma_start3A_73 = arith.constant 64 : i32
        %dma_start3A_74 = tpu.memref_slice %arg9[%dma_start3A_73] : memref<128xi32, #tpu.memory_space<vmem>> -> memref<64xi32, #tpu.memory_space<vmem>>
        %dma_start3A_75 = arith.constant 0 : i32
        %dma_start3A_76 = arith.constant 0 : i32
        %dma_start3A_77 = tpu.memref_slice %arg2[%dma_start3A_75, %dma_start3A_76] : memref<10240x128xf32, #tpu.memory_space<hbm>> -> memref<10240x128xf32, #tpu.memory_space<hbm>>
        tpu.enqueue_indirect_dma source(%dma_start3A_77 : memref<10240x128xf32, #tpu.memory_space<hbm>>) target(%dma_start3A_72 : memref<64x128xf32, #tpu.memory_space<vmem>>) offsets(%dma_start3A_74 : memref<64xi32, #tpu.memory_space<vmem>>) semaphore(%arg21 : memref<!tpu.dma_semaphore, #tpu.memory_space<semaphore_mem>>)
        %add3A_78 = arith.addi %mul3A_14, %add3A_46 : i32
        %add3A_79 = arith.constant 2 : i32
        %add3A_80 = arith.addi %add3A_78, %add3A_79 : i32
        "tpu.region"() ({
          %run_scoped3A = tpu.sem_alloc : memref<!tpu.dma_semaphore, #tpu.memory_space<semaphore_mem>>
          %dma_start3A_196 = arith.constant 0 : i32
          %dma_start3A_197 = tpu.memref_slice %arg3[%add3A_80, %dma_start3A_196] : memref<2560x128xi32, #tpu.memory_space<hbm>> -> memref<1x128xi32, #tpu.memory_space<hbm>>
          %dma_start3A_198 = tpu.memref_squeeze %dma_start3A_197 : memref<1x128xi32, #tpu.memory_space<hbm>> -> memref<128xi32, #tpu.memory_space<hbm>>
          %dma_start3A_199 = arith.constant 0 : i32
          %dma_start3A_200 = tpu.memref_slice %arg3[%add3A_80, %dma_start3A_199] : memref<2560x128xi32, #tpu.memory_space<hbm>> -> memref<1x128xi32, #tpu.memory_space<hbm>>
          %dma_start3A_201 = tpu.memref_squeeze %dma_start3A_200 : memref<1x128xi32, #tpu.memory_space<hbm>> -> memref<128xi32, #tpu.memory_space<hbm>>
          tpu.enqueue_dma source(%dma_start3A_201 : memref<128xi32, #tpu.memory_space<hbm>>) target(%arg11 : memref<128xi32, #tpu.memory_space<vmem>>) target_semaphore(%run_scoped3A : memref<!tpu.dma_semaphore, #tpu.memory_space<semaphore_mem>>)
          %dma_wait3A_202 = arith.constant 0 : i32
          %dma_wait3A_203 = tpu.memref_slice %arg3[%add3A_80, %dma_wait3A_202] : memref<2560x128xi32, #tpu.memory_space<hbm>> -> memref<1x128xi32, #tpu.memory_space<hbm>>
          %dma_wait3A_204 = tpu.memref_squeeze %dma_wait3A_203 : memref<1x128xi32, #tpu.memory_space<hbm>> -> memref<128xi32, #tpu.memory_space<hbm>>
          %dma_wait3A_205 = arith.constant 0 : i32
          %dma_wait3A_206 = tpu.memref_slice %arg3[%add3A_80, %dma_wait3A_205] : memref<2560x128xi32, #tpu.memory_space<hbm>> -> memref<1x128xi32, #tpu.memory_space<hbm>>
          %dma_wait3A_207 = tpu.memref_squeeze %dma_wait3A_206 : memref<1x128xi32, #tpu.memory_space<hbm>> -> memref<128xi32, #tpu.memory_space<hbm>>
          tpu.wait_dma2 semaphore(%run_scoped3A : memref<!tpu.dma_semaphore, #tpu.memory_space<semaphore_mem>>) src(%dma_wait3A_207 : memref<128xi32, #tpu.memory_space<hbm>>) dst(%arg11 : memref<128xi32, #tpu.memory_space<vmem>>)
          tpu.yield
        }) : () -> ()
        %add3A_81 = arith.addi %mul3A_14, %add3A_46 : i32
        %add3A_82 = arith.constant 2 : i32
        %add3A_83 = arith.addi %add3A_81, %add3A_82 : i32
        "tpu.region"() ({
          %run_scoped3A = tpu.sem_alloc : memref<!tpu.dma_semaphore, #tpu.memory_space<semaphore_mem>>
          %dma_start3A_196 = arith.constant 0 : i32
          %dma_start3A_197 = tpu.memref_slice %arg4[%add3A_83, %dma_start3A_196] : memref<2560x128xi32, #tpu.memory_space<hbm>> -> memref<1x128xi32, #tpu.memory_space<hbm>>
          %dma_start3A_198 = tpu.memref_squeeze %dma_start3A_197 : memref<1x128xi32, #tpu.memory_space<hbm>> -> memref<128xi32, #tpu.memory_space<hbm>>
          %dma_start3A_199 = arith.constant 0 : i32
          %dma_start3A_200 = tpu.memref_slice %arg4[%add3A_83, %dma_start3A_199] : memref<2560x128xi32, #tpu.memory_space<hbm>> -> memref<1x128xi32, #tpu.memory_space<hbm>>
          %dma_start3A_201 = tpu.memref_squeeze %dma_start3A_200 : memref<1x128xi32, #tpu.memory_space<hbm>> -> memref<128xi32, #tpu.memory_space<hbm>>
          tpu.enqueue_dma source(%dma_start3A_201 : memref<128xi32, #tpu.memory_space<hbm>>) target(%arg12 : memref<128xi32, #tpu.memory_space<vmem>>) target_semaphore(%run_scoped3A : memref<!tpu.dma_semaphore, #tpu.memory_space<semaphore_mem>>)
          %dma_wait3A_202 = arith.constant 0 : i32
          %dma_wait3A_203 = tpu.memref_slice %arg4[%add3A_83, %dma_wait3A_202] : memref<2560x128xi32, #tpu.memory_space<hbm>> -> memref<1x128xi32, #tpu.memory_space<hbm>>
          %dma_wait3A_204 = tpu.memref_squeeze %dma_wait3A_203 : memref<1x128xi32, #tpu.memory_space<hbm>> -> memref<128xi32, #tpu.memory_space<hbm>>
          %dma_wait3A_205 = arith.constant 0 : i32
          %dma_wait3A_206 = tpu.memref_slice %arg4[%add3A_83, %dma_wait3A_205] : memref<2560x128xi32, #tpu.memory_space<hbm>> -> memref<1x128xi32, #tpu.memory_space<hbm>>
          %dma_wait3A_207 = tpu.memref_squeeze %dma_wait3A_206 : memref<1x128xi32, #tpu.memory_space<hbm>> -> memref<128xi32, #tpu.memory_space<hbm>>
          tpu.wait_dma2 semaphore(%run_scoped3A : memref<!tpu.dma_semaphore, #tpu.memory_space<semaphore_mem>>) src(%dma_wait3A_207 : memref<128xi32, #tpu.memory_space<hbm>>) dst(%arg12 : memref<128xi32, #tpu.memory_space<vmem>>)
          tpu.yield
        }) : () -> ()
        "tpu.region"() ({
          %run_scoped3A = tpu.sem_alloc : memref<!tpu.dma_semaphore, #tpu.memory_space<semaphore_mem>>
          %dma_start3A_196 = arith.constant 0 : i32
          %dma_start3A_197 = arith.constant 0 : i32
          %dma_start3A_198 = tpu.memref_slice %arg17[%dma_start3A_196, %dma_start3A_197] : memref<10240x128xf32, #tpu.memory_space<vmem_shared>> -> memref<10240x128xf32, #tpu.memory_space<vmem_shared>>
          tpu.enqueue_indirect_dma source(%arg15 : memref<128x128xf32, #tpu.memory_space<vmem>>) target(%dma_start3A_198 : memref<10240x128xf32, #tpu.memory_space<vmem_shared>>) offsets(%arg8 : memref<128xi32, #tpu.memory_space<vmem>>) semaphore(%run_scoped3A : memref<!tpu.dma_semaphore, #tpu.memory_space<semaphore_mem>>) {add = true}
          %dma_wait3A_199 = arith.constant 0 : i32
          %dma_wait3A_200 = arith.constant 0 : i32
          %dma_wait3A_201 = tpu.memref_slice %arg17[%dma_wait3A_199, %dma_wait3A_200] : memref<10240x128xf32, #tpu.memory_space<vmem_shared>> -> memref<10240x128xf32, #tpu.memory_space<vmem_shared>>
          tpu.wait_indirect_dma semaphore(%run_scoped3A : memref<!tpu.dma_semaphore, #tpu.memory_space<semaphore_mem>>) src(%arg15 : memref<128x128xf32, #tpu.memory_space<vmem>>) dst(%dma_wait3A_201 : memref<10240x128xf32, #tpu.memory_space<vmem_shared>>)
          tpu.yield
        }) : () -> ()
        %mul3A_84 = arith.constant 4 : i32
        %mul3A_85 = arith.muli %mul3A_84, %scan3A_42 : i32
        %add3A_86 = arith.constant 1 : i32
        %add3A_87 = arith.addi %mul3A_85, %add3A_86 : i32
        %dma_wait3A_88 = arith.constant 0 : i32
        %dma_wait3A_89 = arith.constant 0 : i32
        %dma_wait3A_90 = tpu.memref_slice %arg16[%dma_wait3A_88, %dma_wait3A_89] : memref<128x128xf32, #tpu.memory_space<vmem>> -> memref<64x128xf32, #tpu.memory_space<vmem>>
        %dma_wait3A_91 = arith.constant 0 : i32
        %dma_wait3A_92 = tpu.memref_slice %arg9[%dma_wait3A_91] : memref<128xi32, #tpu.memory_space<vmem>> -> memref<64xi32, #tpu.memory_space<vmem>>
        %dma_wait3A_93 = arith.constant 0 : i32
        %dma_wait3A_94 = arith.constant 0 : i32
        %dma_wait3A_95 = tpu.memref_slice %arg2[%dma_wait3A_93, %dma_wait3A_94] : memref<10240x128xf32, #tpu.memory_space<hbm>> -> memref<10240x128xf32, #tpu.memory_space<hbm>>
        tpu.wait_indirect_dma semaphore(%arg19 : memref<!tpu.dma_semaphore, #tpu.memory_space<semaphore_mem>>) src(%dma_wait3A_95 : memref<10240x128xf32, #tpu.memory_space<hbm>>) dst(%dma_wait3A_90 : memref<64x128xf32, #tpu.memory_space<vmem>>)
        %dma_wait3A_96 = arith.constant 64 : i32
        %dma_wait3A_97 = arith.constant 0 : i32
        %dma_wait3A_98 = tpu.memref_slice %arg16[%dma_wait3A_96, %dma_wait3A_97] : memref<128x128xf32, #tpu.memory_space<vmem>> -> memref<64x128xf32, #tpu.memory_space<vmem>>
        %dma_wait3A_99 = arith.constant 64 : i32
        %dma_wait3A_100 = tpu.memref_slice %arg9[%dma_wait3A_99] : memref<128xi32, #tpu.memory_space<vmem>> -> memref<64xi32, #tpu.memory_space<vmem>>
        %dma_wait3A_101 = arith.constant 0 : i32
        %dma_wait3A_102 = arith.constant 0 : i32
        %dma_wait3A_103 = tpu.memref_slice %arg2[%dma_wait3A_101, %dma_wait3A_102] : memref<10240x128xf32, #tpu.memory_space<hbm>> -> memref<10240x128xf32, #tpu.memory_space<hbm>>
        tpu.wait_indirect_dma semaphore(%arg21 : memref<!tpu.dma_semaphore, #tpu.memory_space<semaphore_mem>>) src(%dma_wait3A_103 : memref<10240x128xf32, #tpu.memory_space<hbm>>) dst(%dma_wait3A_98 : memref<64x128xf32, #tpu.memory_space<vmem>>)
        %dma_start3A_104 = arith.constant 0 : i32
        %dma_start3A_105 = arith.constant 0 : i32
        %dma_start3A_106 = tpu.memref_slice %arg15[%dma_start3A_104, %dma_start3A_105] : memref<128x128xf32, #tpu.memory_space<vmem>> -> memref<64x128xf32, #tpu.memory_space<vmem>>
        %dma_start3A_107 = arith.constant 0 : i32
        %dma_start3A_108 = tpu.memref_slice %arg11[%dma_start3A_107] : memref<128xi32, #tpu.memory_space<vmem>> -> memref<64xi32, #tpu.memory_space<vmem>>
        %dma_start3A_109 = arith.constant 0 : i32
        %dma_start3A_110 = arith.constant 0 : i32
        %dma_start3A_111 = tpu.memref_slice %arg2[%dma_start3A_109, %dma_start3A_110] : memref<10240x128xf32, #tpu.memory_space<hbm>> -> memref<10240x128xf32, #tpu.memory_space<hbm>>
        tpu.enqueue_indirect_dma source(%dma_start3A_111 : memref<10240x128xf32, #tpu.memory_space<hbm>>) target(%dma_start3A_106 : memref<64x128xf32, #tpu.memory_space<vmem>>) offsets(%dma_start3A_108 : memref<64xi32, #tpu.memory_space<vmem>>) semaphore(%arg18 : memref<!tpu.dma_semaphore, #tpu.memory_space<semaphore_mem>>)
        %dma_start3A_112 = arith.constant 64 : i32
        %dma_start3A_113 = arith.constant 0 : i32
        %dma_start3A_114 = tpu.memref_slice %arg15[%dma_start3A_112, %dma_start3A_113] : memref<128x128xf32, #tpu.memory_space<vmem>> -> memref<64x128xf32, #tpu.memory_space<vmem>>
        %dma_start3A_115 = arith.constant 64 : i32
        %dma_start3A_116 = tpu.memref_slice %arg11[%dma_start3A_115] : memref<128xi32, #tpu.memory_space<vmem>> -> memref<64xi32, #tpu.memory_space<vmem>>
        %dma_start3A_117 = arith.constant 0 : i32
        %dma_start3A_118 = arith.constant 0 : i32
        %dma_start3A_119 = tpu.memref_slice %arg2[%dma_start3A_117, %dma_start3A_118] : memref<10240x128xf32, #tpu.memory_space<hbm>> -> memref<10240x128xf32, #tpu.memory_space<hbm>>
        tpu.enqueue_indirect_dma source(%dma_start3A_119 : memref<10240x128xf32, #tpu.memory_space<hbm>>) target(%dma_start3A_114 : memref<64x128xf32, #tpu.memory_space<vmem>>) offsets(%dma_start3A_116 : memref<64xi32, #tpu.memory_space<vmem>>) semaphore(%arg20 : memref<!tpu.dma_semaphore, #tpu.memory_space<semaphore_mem>>)
        %add3A_120 = arith.addi %mul3A_14, %add3A_87 : i32
        %add3A_121 = arith.constant 2 : i32
        %add3A_122 = arith.addi %add3A_120, %add3A_121 : i32
        "tpu.region"() ({
          %run_scoped3A = tpu.sem_alloc : memref<!tpu.dma_semaphore, #tpu.memory_space<semaphore_mem>>
          %dma_start3A_196 = arith.constant 0 : i32
          %dma_start3A_197 = tpu.memref_slice %arg3[%add3A_122, %dma_start3A_196] : memref<2560x128xi32, #tpu.memory_space<hbm>> -> memref<1x128xi32, #tpu.memory_space<hbm>>
          %dma_start3A_198 = tpu.memref_squeeze %dma_start3A_197 : memref<1x128xi32, #tpu.memory_space<hbm>> -> memref<128xi32, #tpu.memory_space<hbm>>
          %dma_start3A_199 = arith.constant 0 : i32
          %dma_start3A_200 = tpu.memref_slice %arg3[%add3A_122, %dma_start3A_199] : memref<2560x128xi32, #tpu.memory_space<hbm>> -> memref<1x128xi32, #tpu.memory_space<hbm>>
          %dma_start3A_201 = tpu.memref_squeeze %dma_start3A_200 : memref<1x128xi32, #tpu.memory_space<hbm>> -> memref<128xi32, #tpu.memory_space<hbm>>
          tpu.enqueue_dma source(%dma_start3A_201 : memref<128xi32, #tpu.memory_space<hbm>>) target(%arg13 : memref<128xi32, #tpu.memory_space<vmem>>) target_semaphore(%run_scoped3A : memref<!tpu.dma_semaphore, #tpu.memory_space<semaphore_mem>>)
          %dma_wait3A_202 = arith.constant 0 : i32
          %dma_wait3A_203 = tpu.memref_slice %arg3[%add3A_122, %dma_wait3A_202] : memref<2560x128xi32, #tpu.memory_space<hbm>> -> memref<1x128xi32, #tpu.memory_space<hbm>>
          %dma_wait3A_204 = tpu.memref_squeeze %dma_wait3A_203 : memref<1x128xi32, #tpu.memory_space<hbm>> -> memref<128xi32, #tpu.memory_space<hbm>>
          %dma_wait3A_205 = arith.constant 0 : i32
          %dma_wait3A_206 = tpu.memref_slice %arg3[%add3A_122, %dma_wait3A_205] : memref<2560x128xi32, #tpu.memory_space<hbm>> -> memref<1x128xi32, #tpu.memory_space<hbm>>
          %dma_wait3A_207 = tpu.memref_squeeze %dma_wait3A_206 : memref<1x128xi32, #tpu.memory_space<hbm>> -> memref<128xi32, #tpu.memory_space<hbm>>
          tpu.wait_dma2 semaphore(%run_scoped3A : memref<!tpu.dma_semaphore, #tpu.memory_space<semaphore_mem>>) src(%dma_wait3A_207 : memref<128xi32, #tpu.memory_space<hbm>>) dst(%arg13 : memref<128xi32, #tpu.memory_space<vmem>>)
          tpu.yield
        }) : () -> ()
        %add3A_123 = arith.addi %mul3A_14, %add3A_87 : i32
        %add3A_124 = arith.constant 2 : i32
        %add3A_125 = arith.addi %add3A_123, %add3A_124 : i32
        "tpu.region"() ({
          %run_scoped3A = tpu.sem_alloc : memref<!tpu.dma_semaphore, #tpu.memory_space<semaphore_mem>>
          %dma_start3A_196 = arith.constant 0 : i32
          %dma_start3A_197 = tpu.memref_slice %arg4[%add3A_125, %dma_start3A_196] : memref<2560x128xi32, #tpu.memory_space<hbm>> -> memref<1x128xi32, #tpu.memory_space<hbm>>
          %dma_start3A_198 = tpu.memref_squeeze %dma_start3A_197 : memref<1x128xi32, #tpu.memory_space<hbm>> -> memref<128xi32, #tpu.memory_space<hbm>>
          %dma_start3A_199 = arith.constant 0 : i32
          %dma_start3A_200 = tpu.memref_slice %arg4[%add3A_125, %dma_start3A_199] : memref<2560x128xi32, #tpu.memory_space<hbm>> -> memref<1x128xi32, #tpu.memory_space<hbm>>
          %dma_start3A_201 = tpu.memref_squeeze %dma_start3A_200 : memref<1x128xi32, #tpu.memory_space<hbm>> -> memref<128xi32, #tpu.memory_space<hbm>>
          tpu.enqueue_dma source(%dma_start3A_201 : memref<128xi32, #tpu.memory_space<hbm>>) target(%arg14 : memref<128xi32, #tpu.memory_space<vmem>>) target_semaphore(%run_scoped3A : memref<!tpu.dma_semaphore, #tpu.memory_space<semaphore_mem>>)
          %dma_wait3A_202 = arith.constant 0 : i32
          %dma_wait3A_203 = tpu.memref_slice %arg4[%add3A_125, %dma_wait3A_202] : memref<2560x128xi32, #tpu.memory_space<hbm>> -> memref<1x128xi32, #tpu.memory_space<hbm>>
          %dma_wait3A_204 = tpu.memref_squeeze %dma_wait3A_203 : memref<1x128xi32, #tpu.memory_space<hbm>> -> memref<128xi32, #tpu.memory_space<hbm>>
          %dma_wait3A_205 = arith.constant 0 : i32
          %dma_wait3A_206 = tpu.memref_slice %arg4[%add3A_125, %dma_wait3A_205] : memref<2560x128xi32, #tpu.memory_space<hbm>> -> memref<1x128xi32, #tpu.memory_space<hbm>>
          %dma_wait3A_207 = tpu.memref_squeeze %dma_wait3A_206 : memref<1x128xi32, #tpu.memory_space<hbm>> -> memref<128xi32, #tpu.memory_space<hbm>>
          tpu.wait_dma2 semaphore(%run_scoped3A : memref<!tpu.dma_semaphore, #tpu.memory_space<semaphore_mem>>) src(%dma_wait3A_207 : memref<128xi32, #tpu.memory_space<hbm>>) dst(%arg14 : memref<128xi32, #tpu.memory_space<vmem>>)
          tpu.yield
        }) : () -> ()
        "tpu.region"() ({
          %run_scoped3A = tpu.sem_alloc : memref<!tpu.dma_semaphore, #tpu.memory_space<semaphore_mem>>
          %dma_start3A_196 = arith.constant 0 : i32
          %dma_start3A_197 = arith.constant 0 : i32
          %dma_start3A_198 = tpu.memref_slice %arg17[%dma_start3A_196, %dma_start3A_197] : memref<10240x128xf32, #tpu.memory_space<vmem_shared>> -> memref<10240x128xf32, #tpu.memory_space<vmem_shared>>
          tpu.enqueue_indirect_dma source(%arg16 : memref<128x128xf32, #tpu.memory_space<vmem>>) target(%dma_start3A_198 : memref<10240x128xf32, #tpu.memory_space<vmem_shared>>) offsets(%arg10 : memref<128xi32, #tpu.memory_space<vmem>>) semaphore(%run_scoped3A : memref<!tpu.dma_semaphore, #tpu.memory_space<semaphore_mem>>) {add = true}
          %dma_wait3A_199 = arith.constant 0 : i32
          %dma_wait3A_200 = arith.constant 0 : i32
          %dma_wait3A_201 = tpu.memref_slice %arg17[%dma_wait3A_199, %dma_wait3A_200] : memref<10240x128xf32, #tpu.memory_space<vmem_shared>> -> memref<10240x128xf32, #tpu.memory_space<vmem_shared>>
          tpu.wait_indirect_dma semaphore(%run_scoped3A : memref<!tpu.dma_semaphore, #tpu.memory_space<semaphore_mem>>) src(%arg16 : memref<128x128xf32, #tpu.memory_space<vmem>>) dst(%dma_wait3A_201 : memref<10240x128xf32, #tpu.memory_space<vmem_shared>>)
          tpu.yield
        }) : () -> ()
        %mul3A_126 = arith.constant 4 : i32
        %mul3A_127 = arith.muli %mul3A_126, %scan3A_42 : i32
        %add3A_128 = arith.constant 2 : i32
        %add3A_129 = arith.addi %mul3A_127, %add3A_128 : i32
        %dma_wait3A_130 = arith.constant 0 : i32
        %dma_wait3A_131 = arith.constant 0 : i32
        %dma_wait3A_132 = tpu.memref_slice %arg15[%dma_wait3A_130, %dma_wait3A_131] : memref<128x128xf32, #tpu.memory_space<vmem>> -> memref<64x128xf32, #tpu.memory_space<vmem>>
        %dma_wait3A_133 = arith.constant 0 : i32
        %dma_wait3A_134 = tpu.memref_slice %arg11[%dma_wait3A_133] : memref<128xi32, #tpu.memory_space<vmem>> -> memref<64xi32, #tpu.memory_space<vmem>>
        %dma_wait3A_135 = arith.constant 0 : i32
        %dma_wait3A_136 = arith.constant 0 : i32
        %dma_wait3A_137 = tpu.memref_slice %arg2[%dma_wait3A_135, %dma_wait3A_136] : memref<10240x128xf32, #tpu.memory_space<hbm>> -> memref<10240x128xf32, #tpu.memory_space<hbm>>
        tpu.wait_indirect_dma semaphore(%arg18 : memref<!tpu.dma_semaphore, #tpu.memory_space<semaphore_mem>>) src(%dma_wait3A_137 : memref<10240x128xf32, #tpu.memory_space<hbm>>) dst(%dma_wait3A_132 : memref<64x128xf32, #tpu.memory_space<vmem>>)
        %dma_wait3A_138 = arith.constant 64 : i32
        %dma_wait3A_139 = arith.constant 0 : i32
        %dma_wait3A_140 = tpu.memref_slice %arg15[%dma_wait3A_138, %dma_wait3A_139] : memref<128x128xf32, #tpu.memory_space<vmem>> -> memref<64x128xf32, #tpu.memory_space<vmem>>
        %dma_wait3A_141 = arith.constant 64 : i32
        %dma_wait3A_142 = tpu.memref_slice %arg11[%dma_wait3A_141] : memref<128xi32, #tpu.memory_space<vmem>> -> memref<64xi32, #tpu.memory_space<vmem>>
        %dma_wait3A_143 = arith.constant 0 : i32
        %dma_wait3A_144 = arith.constant 0 : i32
        %dma_wait3A_145 = tpu.memref_slice %arg2[%dma_wait3A_143, %dma_wait3A_144] : memref<10240x128xf32, #tpu.memory_space<hbm>> -> memref<10240x128xf32, #tpu.memory_space<hbm>>
        tpu.wait_indirect_dma semaphore(%arg20 : memref<!tpu.dma_semaphore, #tpu.memory_space<semaphore_mem>>) src(%dma_wait3A_145 : memref<10240x128xf32, #tpu.memory_space<hbm>>) dst(%dma_wait3A_140 : memref<64x128xf32, #tpu.memory_space<vmem>>)
        %dma_start3A_146 = arith.constant 0 : i32
        %dma_start3A_147 = arith.constant 0 : i32
        %dma_start3A_148 = tpu.memref_slice %arg16[%dma_start3A_146, %dma_start3A_147] : memref<128x128xf32, #tpu.memory_space<vmem>> -> memref<64x128xf32, #tpu.memory_space<vmem>>
        %dma_start3A_149 = arith.constant 0 : i32
        %dma_start3A_150 = tpu.memref_slice %arg13[%dma_start3A_149] : memref<128xi32, #tpu.memory_space<vmem>> -> memref<64xi32, #tpu.memory_space<vmem>>
        %dma_start3A_151 = arith.constant 0 : i32
        %dma_start3A_152 = arith.constant 0 : i32
        %dma_start3A_153 = tpu.memref_slice %arg2[%dma_start3A_151, %dma_start3A_152] : memref<10240x128xf32, #tpu.memory_space<hbm>> -> memref<10240x128xf32, #tpu.memory_space<hbm>>
        tpu.enqueue_indirect_dma source(%dma_start3A_153 : memref<10240x128xf32, #tpu.memory_space<hbm>>) target(%dma_start3A_148 : memref<64x128xf32, #tpu.memory_space<vmem>>) offsets(%dma_start3A_150 : memref<64xi32, #tpu.memory_space<vmem>>) semaphore(%arg19 : memref<!tpu.dma_semaphore, #tpu.memory_space<semaphore_mem>>)
        %dma_start3A_154 = arith.constant 64 : i32
        %dma_start3A_155 = arith.constant 0 : i32
        %dma_start3A_156 = tpu.memref_slice %arg16[%dma_start3A_154, %dma_start3A_155] : memref<128x128xf32, #tpu.memory_space<vmem>> -> memref<64x128xf32, #tpu.memory_space<vmem>>
        %dma_start3A_157 = arith.constant 64 : i32
        %dma_start3A_158 = tpu.memref_slice %arg13[%dma_start3A_157] : memref<128xi32, #tpu.memory_space<vmem>> -> memref<64xi32, #tpu.memory_space<vmem>>
        %dma_start3A_159 = arith.constant 0 : i32
        %dma_start3A_160 = arith.constant 0 : i32
        %dma_start3A_161 = tpu.memref_slice %arg2[%dma_start3A_159, %dma_start3A_160] : memref<10240x128xf32, #tpu.memory_space<hbm>> -> memref<10240x128xf32, #tpu.memory_space<hbm>>
        tpu.enqueue_indirect_dma source(%dma_start3A_161 : memref<10240x128xf32, #tpu.memory_space<hbm>>) target(%dma_start3A_156 : memref<64x128xf32, #tpu.memory_space<vmem>>) offsets(%dma_start3A_158 : memref<64xi32, #tpu.memory_space<vmem>>) semaphore(%arg21 : memref<!tpu.dma_semaphore, #tpu.memory_space<semaphore_mem>>)
        %le3A = arith.constant 36 : i32
        %le3A_162 = arith.cmpi sle, %scan3A_42, %le3A : i32
        %convert_element_type3A_163 = arith.extui %le3A_162 : i1 to i32
        %cond3A_164 = arith.constant 0 : i32
        %cond3A_165 = arith.cmpi ne, %convert_element_type3A_163, %cond3A_164 : i32
        scf.if %cond3A_165 {
          %add3A_196 = arith.addi %mul3A_14, %add3A_129 : i32
          %add3A_197 = arith.constant 2 : i32
          %add3A_198 = arith.addi %add3A_196, %add3A_197 : i32
          "tpu.region"() ({
            %run_scoped3A = tpu.sem_alloc : memref<!tpu.dma_semaphore, #tpu.memory_space<semaphore_mem>>
            %dma_start3A_202 = arith.constant 0 : i32
            %dma_start3A_203 = tpu.memref_slice %arg3[%add3A_198, %dma_start3A_202] : memref<2560x128xi32, #tpu.memory_space<hbm>> -> memref<1x128xi32, #tpu.memory_space<hbm>>
            %dma_start3A_204 = tpu.memref_squeeze %dma_start3A_203 : memref<1x128xi32, #tpu.memory_space<hbm>> -> memref<128xi32, #tpu.memory_space<hbm>>
            %dma_start3A_205 = arith.constant 0 : i32
            %dma_start3A_206 = tpu.memref_slice %arg3[%add3A_198, %dma_start3A_205] : memref<2560x128xi32, #tpu.memory_space<hbm>> -> memref<1x128xi32, #tpu.memory_space<hbm>>
            %dma_start3A_207 = tpu.memref_squeeze %dma_start3A_206 : memref<1x128xi32, #tpu.memory_space<hbm>> -> memref<128xi32, #tpu.memory_space<hbm>>
            tpu.enqueue_dma source(%dma_start3A_207 : memref<128xi32, #tpu.memory_space<hbm>>) target(%arg7 : memref<128xi32, #tpu.memory_space<vmem>>) target_semaphore(%run_scoped3A : memref<!tpu.dma_semaphore, #tpu.memory_space<semaphore_mem>>)
            %dma_wait3A_208 = arith.constant 0 : i32
            %dma_wait3A_209 = tpu.memref_slice %arg3[%add3A_198, %dma_wait3A_208] : memref<2560x128xi32, #tpu.memory_space<hbm>> -> memref<1x128xi32, #tpu.memory_space<hbm>>
            %dma_wait3A_210 = tpu.memref_squeeze %dma_wait3A_209 : memref<1x128xi32, #tpu.memory_space<hbm>> -> memref<128xi32, #tpu.memory_space<hbm>>
            %dma_wait3A_211 = arith.constant 0 : i32
            %dma_wait3A_212 = tpu.memref_slice %arg3[%add3A_198, %dma_wait3A_211] : memref<2560x128xi32, #tpu.memory_space<hbm>> -> memref<1x128xi32, #tpu.memory_space<hbm>>
            %dma_wait3A_213 = tpu.memref_squeeze %dma_wait3A_212 : memref<1x128xi32, #tpu.memory_space<hbm>> -> memref<128xi32, #tpu.memory_space<hbm>>
            tpu.wait_dma2 semaphore(%run_scoped3A : memref<!tpu.dma_semaphore, #tpu.memory_space<semaphore_mem>>) src(%dma_wait3A_213 : memref<128xi32, #tpu.memory_space<hbm>>) dst(%arg7 : memref<128xi32, #tpu.memory_space<vmem>>)
            tpu.yield
          }) : () -> ()
          %add3A_199 = arith.addi %mul3A_14, %add3A_129 : i32
          %add3A_200 = arith.constant 2 : i32
          %add3A_201 = arith.addi %add3A_199, %add3A_200 : i32
          "tpu.region"() ({
            %run_scoped3A = tpu.sem_alloc : memref<!tpu.dma_semaphore, #tpu.memory_space<semaphore_mem>>
            %dma_start3A_202 = arith.constant 0 : i32
            %dma_start3A_203 = tpu.memref_slice %arg4[%add3A_201, %dma_start3A_202] : memref<2560x128xi32, #tpu.memory_space<hbm>> -> memref<1x128xi32, #tpu.memory_space<hbm>>
            %dma_start3A_204 = tpu.memref_squeeze %dma_start3A_203 : memref<1x128xi32, #tpu.memory_space<hbm>> -> memref<128xi32, #tpu.memory_space<hbm>>
            %dma_start3A_205 = arith.constant 0 : i32
            %dma_start3A_206 = tpu.memref_slice %arg4[%add3A_201, %dma_start3A_205] : memref<2560x128xi32, #tpu.memory_space<hbm>> -> memref<1x128xi32, #tpu.memory_space<hbm>>
            %dma_start3A_207 = tpu.memref_squeeze %dma_start3A_206 : memref<1x128xi32, #tpu.memory_space<hbm>> -> memref<128xi32, #tpu.memory_space<hbm>>
            tpu.enqueue_dma source(%dma_start3A_207 : memref<128xi32, #tpu.memory_space<hbm>>) target(%arg8 : memref<128xi32, #tpu.memory_space<vmem>>) target_semaphore(%run_scoped3A : memref<!tpu.dma_semaphore, #tpu.memory_space<semaphore_mem>>)
            %dma_wait3A_208 = arith.constant 0 : i32
            %dma_wait3A_209 = tpu.memref_slice %arg4[%add3A_201, %dma_wait3A_208] : memref<2560x128xi32, #tpu.memory_space<hbm>> -> memref<1x128xi32, #tpu.memory_space<hbm>>
            %dma_wait3A_210 = tpu.memref_squeeze %dma_wait3A_209 : memref<1x128xi32, #tpu.memory_space<hbm>> -> memref<128xi32, #tpu.memory_space<hbm>>
            %dma_wait3A_211 = arith.constant 0 : i32
            %dma_wait3A_212 = tpu.memref_slice %arg4[%add3A_201, %dma_wait3A_211] : memref<2560x128xi32, #tpu.memory_space<hbm>> -> memref<1x128xi32, #tpu.memory_space<hbm>>
            %dma_wait3A_213 = tpu.memref_squeeze %dma_wait3A_212 : memref<1x128xi32, #tpu.memory_space<hbm>> -> memref<128xi32, #tpu.memory_space<hbm>>
            tpu.wait_dma2 semaphore(%run_scoped3A : memref<!tpu.dma_semaphore, #tpu.memory_space<semaphore_mem>>) src(%dma_wait3A_213 : memref<128xi32, #tpu.memory_space<hbm>>) dst(%arg8 : memref<128xi32, #tpu.memory_space<vmem>>)
            tpu.yield
          }) : () -> ()
        } else {
        }
        "tpu.region"() ({
          %run_scoped3A = tpu.sem_alloc : memref<!tpu.dma_semaphore, #tpu.memory_space<semaphore_mem>>
          %dma_start3A_196 = arith.constant 0 : i32
          %dma_start3A_197 = arith.constant 0 : i32
          %dma_start3A_198 = tpu.memref_slice %arg17[%dma_start3A_196, %dma_start3A_197] : memref<10240x128xf32, #tpu.memory_space<vmem_shared>> -> memref<10240x128xf32, #tpu.memory_space<vmem_shared>>
          tpu.enqueue_indirect_dma source(%arg15 : memref<128x128xf32, #tpu.memory_space<vmem>>) target(%dma_start3A_198 : memref<10240x128xf32, #tpu.memory_space<vmem_shared>>) offsets(%arg12 : memref<128xi32, #tpu.memory_space<vmem>>) semaphore(%run_scoped3A : memref<!tpu.dma_semaphore, #tpu.memory_space<semaphore_mem>>) {add = true}
          %dma_wait3A_199 = arith.constant 0 : i32
          %dma_wait3A_200 = arith.constant 0 : i32
          %dma_wait3A_201 = tpu.memref_slice %arg17[%dma_wait3A_199, %dma_wait3A_200] : memref<10240x128xf32, #tpu.memory_space<vmem_shared>> -> memref<10240x128xf32, #tpu.memory_space<vmem_shared>>
          tpu.wait_indirect_dma semaphore(%run_scoped3A : memref<!tpu.dma_semaphore, #tpu.memory_space<semaphore_mem>>) src(%arg15 : memref<128x128xf32, #tpu.memory_space<vmem>>) dst(%dma_wait3A_201 : memref<10240x128xf32, #tpu.memory_space<vmem_shared>>)
          tpu.yield
        }) : () -> ()
        %mul3A_166 = arith.constant 4 : i32
        %mul3A_167 = arith.muli %mul3A_166, %scan3A_42 : i32
        %add3A_168 = arith.constant 3 : i32
        %add3A_169 = arith.addi %mul3A_167, %add3A_168 : i32
        %dma_wait3A_170 = arith.constant 0 : i32
        %dma_wait3A_171 = arith.constant 0 : i32
        %dma_wait3A_172 = tpu.memref_slice %arg16[%dma_wait3A_170, %dma_wait3A_171] : memref<128x128xf32, #tpu.memory_space<vmem>> -> memref<64x128xf32, #tpu.memory_space<vmem>>
        %dma_wait3A_173 = arith.constant 0 : i32
        %dma_wait3A_174 = tpu.memref_slice %arg13[%dma_wait3A_173] : memref<128xi32, #tpu.memory_space<vmem>> -> memref<64xi32, #tpu.memory_space<vmem>>
        %dma_wait3A_175 = arith.constant 0 : i32
        %dma_wait3A_176 = arith.constant 0 : i32
        %dma_wait3A_177 = tpu.memref_slice %arg2[%dma_wait3A_175, %dma_wait3A_176] : memref<10240x128xf32, #tpu.memory_space<hbm>> -> memref<10240x128xf32, #tpu.memory_space<hbm>>
        tpu.wait_indirect_dma semaphore(%arg19 : memref<!tpu.dma_semaphore, #tpu.memory_space<semaphore_mem>>) src(%dma_wait3A_177 : memref<10240x128xf32, #tpu.memory_space<hbm>>) dst(%dma_wait3A_172 : memref<64x128xf32, #tpu.memory_space<vmem>>)
        %dma_wait3A_178 = arith.constant 64 : i32
        %dma_wait3A_179 = arith.constant 0 : i32
        %dma_wait3A_180 = tpu.memref_slice %arg16[%dma_wait3A_178, %dma_wait3A_179] : memref<128x128xf32, #tpu.memory_space<vmem>> -> memref<64x128xf32, #tpu.memory_space<vmem>>
        %dma_wait3A_181 = arith.constant 64 : i32
        %dma_wait3A_182 = tpu.memref_slice %arg13[%dma_wait3A_181] : memref<128xi32, #tpu.memory_space<vmem>> -> memref<64xi32, #tpu.memory_space<vmem>>
        %dma_wait3A_183 = arith.constant 0 : i32
        %dma_wait3A_184 = arith.constant 0 : i32
        %dma_wait3A_185 = tpu.memref_slice %arg2[%dma_wait3A_183, %dma_wait3A_184] : memref<10240x128xf32, #tpu.memory_space<hbm>> -> memref<10240x128xf32, #tpu.memory_space<hbm>>
        tpu.wait_indirect_dma semaphore(%arg21 : memref<!tpu.dma_semaphore, #tpu.memory_space<semaphore_mem>>) src(%dma_wait3A_185 : memref<10240x128xf32, #tpu.memory_space<hbm>>) dst(%dma_wait3A_180 : memref<64x128xf32, #tpu.memory_space<vmem>>)
        %le3A_186 = arith.constant 36 : i32
        %le3A_187 = arith.cmpi sle, %scan3A_42, %le3A_186 : i32
        %convert_element_type3A_188 = arith.extui %le3A_187 : i1 to i32
        %cond3A_189 = arith.constant 0 : i32
        %cond3A_190 = arith.cmpi ne, %convert_element_type3A_188, %cond3A_189 : i32
        scf.if %cond3A_190 {
          %dma_start3A_196 = arith.constant 0 : i32
          %dma_start3A_197 = arith.constant 0 : i32
          %dma_start3A_198 = tpu.memref_slice %arg15[%dma_start3A_196, %dma_start3A_197] : memref<128x128xf32, #tpu.memory_space<vmem>> -> memref<64x128xf32, #tpu.memory_space<vmem>>
          %dma_start3A_199 = arith.constant 0 : i32
          %dma_start3A_200 = tpu.memref_slice %arg7[%dma_start3A_199] : memref<128xi32, #tpu.memory_space<vmem>> -> memref<64xi32, #tpu.memory_space<vmem>>
          %dma_start3A_201 = arith.constant 0 : i32
          %dma_start3A_202 = arith.constant 0 : i32
          %dma_start3A_203 = tpu.memref_slice %arg2[%dma_start3A_201, %dma_start3A_202] : memref<10240x128xf32, #tpu.memory_space<hbm>> -> memref<10240x128xf32, #tpu.memory_space<hbm>>
          tpu.enqueue_indirect_dma source(%dma_start3A_203 : memref<10240x128xf32, #tpu.memory_space<hbm>>) target(%dma_start3A_198 : memref<64x128xf32, #tpu.memory_space<vmem>>) offsets(%dma_start3A_200 : memref<64xi32, #tpu.memory_space<vmem>>) semaphore(%arg18 : memref<!tpu.dma_semaphore, #tpu.memory_space<semaphore_mem>>)
          %dma_start3A_204 = arith.constant 64 : i32
          %dma_start3A_205 = arith.constant 0 : i32
          %dma_start3A_206 = tpu.memref_slice %arg15[%dma_start3A_204, %dma_start3A_205] : memref<128x128xf32, #tpu.memory_space<vmem>> -> memref<64x128xf32, #tpu.memory_space<vmem>>
          %dma_start3A_207 = arith.constant 64 : i32
          %dma_start3A_208 = tpu.memref_slice %arg7[%dma_start3A_207] : memref<128xi32, #tpu.memory_space<vmem>> -> memref<64xi32, #tpu.memory_space<vmem>>
          %dma_start3A_209 = arith.constant 0 : i32
          %dma_start3A_210 = arith.constant 0 : i32
          %dma_start3A_211 = tpu.memref_slice %arg2[%dma_start3A_209, %dma_start3A_210] : memref<10240x128xf32, #tpu.memory_space<hbm>> -> memref<10240x128xf32, #tpu.memory_space<hbm>>
          tpu.enqueue_indirect_dma source(%dma_start3A_211 : memref<10240x128xf32, #tpu.memory_space<hbm>>) target(%dma_start3A_206 : memref<64x128xf32, #tpu.memory_space<vmem>>) offsets(%dma_start3A_208 : memref<64xi32, #tpu.memory_space<vmem>>) semaphore(%arg20 : memref<!tpu.dma_semaphore, #tpu.memory_space<semaphore_mem>>)
        } else {
        }
        %le3A_191 = arith.constant 36 : i32
        %le3A_192 = arith.cmpi sle, %scan3A_42, %le3A_191 : i32
        %convert_element_type3A_193 = arith.extui %le3A_192 : i1 to i32
        %cond3A_194 = arith.constant 0 : i32
        %cond3A_195 = arith.cmpi ne, %convert_element_type3A_193, %cond3A_194 : i32
        scf.if %cond3A_195 {
          %add3A_196 = arith.addi %mul3A_14, %add3A_169 : i32
          %add3A_197 = arith.constant 2 : i32
          %add3A_198 = arith.addi %add3A_196, %add3A_197 : i32
          "tpu.region"() ({
            %run_scoped3A = tpu.sem_alloc : memref<!tpu.dma_semaphore, #tpu.memory_space<semaphore_mem>>
            %dma_start3A_202 = arith.constant 0 : i32
            %dma_start3A_203 = tpu.memref_slice %arg3[%add3A_198, %dma_start3A_202] : memref<2560x128xi32, #tpu.memory_space<hbm>> -> memref<1x128xi32, #tpu.memory_space<hbm>>
            %dma_start3A_204 = tpu.memref_squeeze %dma_start3A_203 : memref<1x128xi32, #tpu.memory_space<hbm>> -> memref<128xi32, #tpu.memory_space<hbm>>
            %dma_start3A_205 = arith.constant 0 : i32
            %dma_start3A_206 = tpu.memref_slice %arg3[%add3A_198, %dma_start3A_205] : memref<2560x128xi32, #tpu.memory_space<hbm>> -> memref<1x128xi32, #tpu.memory_space<hbm>>
            %dma_start3A_207 = tpu.memref_squeeze %dma_start3A_206 : memref<1x128xi32, #tpu.memory_space<hbm>> -> memref<128xi32, #tpu.memory_space<hbm>>
            tpu.enqueue_dma source(%dma_start3A_207 : memref<128xi32, #tpu.memory_space<hbm>>) target(%arg9 : memref<128xi32, #tpu.memory_space<vmem>>) target_semaphore(%run_scoped3A : memref<!tpu.dma_semaphore, #tpu.memory_space<semaphore_mem>>)
            %dma_wait3A_208 = arith.constant 0 : i32
            %dma_wait3A_209 = tpu.memref_slice %arg3[%add3A_198, %dma_wait3A_208] : memref<2560x128xi32, #tpu.memory_space<hbm>> -> memref<1x128xi32, #tpu.memory_space<hbm>>
            %dma_wait3A_210 = tpu.memref_squeeze %dma_wait3A_209 : memref<1x128xi32, #tpu.memory_space<hbm>> -> memref<128xi32, #tpu.memory_space<hbm>>
            %dma_wait3A_211 = arith.constant 0 : i32
            %dma_wait3A_212 = tpu.memref_slice %arg3[%add3A_198, %dma_wait3A_211] : memref<2560x128xi32, #tpu.memory_space<hbm>> -> memref<1x128xi32, #tpu.memory_space<hbm>>
            %dma_wait3A_213 = tpu.memref_squeeze %dma_wait3A_212 : memref<1x128xi32, #tpu.memory_space<hbm>> -> memref<128xi32, #tpu.memory_space<hbm>>
            tpu.wait_dma2 semaphore(%run_scoped3A : memref<!tpu.dma_semaphore, #tpu.memory_space<semaphore_mem>>) src(%dma_wait3A_213 : memref<128xi32, #tpu.memory_space<hbm>>) dst(%arg9 : memref<128xi32, #tpu.memory_space<vmem>>)
            tpu.yield
          }) : () -> ()
          %add3A_199 = arith.addi %mul3A_14, %add3A_169 : i32
          %add3A_200 = arith.constant 2 : i32
          %add3A_201 = arith.addi %add3A_199, %add3A_200 : i32
          "tpu.region"() ({
            %run_scoped3A = tpu.sem_alloc : memref<!tpu.dma_semaphore, #tpu.memory_space<semaphore_mem>>
            %dma_start3A_202 = arith.constant 0 : i32
            %dma_start3A_203 = tpu.memref_slice %arg4[%add3A_201, %dma_start3A_202] : memref<2560x128xi32, #tpu.memory_space<hbm>> -> memref<1x128xi32, #tpu.memory_space<hbm>>
            %dma_start3A_204 = tpu.memref_squeeze %dma_start3A_203 : memref<1x128xi32, #tpu.memory_space<hbm>> -> memref<128xi32, #tpu.memory_space<hbm>>
            %dma_start3A_205 = arith.constant 0 : i32
            %dma_start3A_206 = tpu.memref_slice %arg4[%add3A_201, %dma_start3A_205] : memref<2560x128xi32, #tpu.memory_space<hbm>> -> memref<1x128xi32, #tpu.memory_space<hbm>>
            %dma_start3A_207 = tpu.memref_squeeze %dma_start3A_206 : memref<1x128xi32, #tpu.memory_space<hbm>> -> memref<128xi32, #tpu.memory_space<hbm>>
            tpu.enqueue_dma source(%dma_start3A_207 : memref<128xi32, #tpu.memory_space<hbm>>) target(%arg10 : memref<128xi32, #tpu.memory_space<vmem>>) target_semaphore(%run_scoped3A : memref<!tpu.dma_semaphore, #tpu.memory_space<semaphore_mem>>)
            %dma_wait3A_208 = arith.constant 0 : i32
            %dma_wait3A_209 = tpu.memref_slice %arg4[%add3A_201, %dma_wait3A_208] : memref<2560x128xi32, #tpu.memory_space<hbm>> -> memref<1x128xi32, #tpu.memory_space<hbm>>
            %dma_wait3A_210 = tpu.memref_squeeze %dma_wait3A_209 : memref<1x128xi32, #tpu.memory_space<hbm>> -> memref<128xi32, #tpu.memory_space<hbm>>
            %dma_wait3A_211 = arith.constant 0 : i32
            %dma_wait3A_212 = tpu.memref_slice %arg4[%add3A_201, %dma_wait3A_211] : memref<2560x128xi32, #tpu.memory_space<hbm>> -> memref<1x128xi32, #tpu.memory_space<hbm>>
            %dma_wait3A_213 = tpu.memref_squeeze %dma_wait3A_212 : memref<1x128xi32, #tpu.memory_space<hbm>> -> memref<128xi32, #tpu.memory_space<hbm>>
            tpu.wait_dma2 semaphore(%run_scoped3A : memref<!tpu.dma_semaphore, #tpu.memory_space<semaphore_mem>>) src(%dma_wait3A_213 : memref<128xi32, #tpu.memory_space<hbm>>) dst(%arg10 : memref<128xi32, #tpu.memory_space<vmem>>)
            tpu.yield
          }) : () -> ()
        } else {
        }
        "tpu.region"() ({
          %run_scoped3A = tpu.sem_alloc : memref<!tpu.dma_semaphore, #tpu.memory_space<semaphore_mem>>
          %dma_start3A_196 = arith.constant 0 : i32
          %dma_start3A_197 = arith.constant 0 : i32
          %dma_start3A_198 = tpu.memref_slice %arg17[%dma_start3A_196, %dma_start3A_197] : memref<10240x128xf32, #tpu.memory_space<vmem_shared>> -> memref<10240x128xf32, #tpu.memory_space<vmem_shared>>
          tpu.enqueue_indirect_dma source(%arg16 : memref<128x128xf32, #tpu.memory_space<vmem>>) target(%dma_start3A_198 : memref<10240x128xf32, #tpu.memory_space<vmem_shared>>) offsets(%arg14 : memref<128xi32, #tpu.memory_space<vmem>>) semaphore(%run_scoped3A : memref<!tpu.dma_semaphore, #tpu.memory_space<semaphore_mem>>) {add = true}
          %dma_wait3A_199 = arith.constant 0 : i32
          %dma_wait3A_200 = arith.constant 0 : i32
          %dma_wait3A_201 = tpu.memref_slice %arg17[%dma_wait3A_199, %dma_wait3A_200] : memref<10240x128xf32, #tpu.memory_space<vmem_shared>> -> memref<10240x128xf32, #tpu.memory_space<vmem_shared>>
          tpu.wait_indirect_dma semaphore(%run_scoped3A : memref<!tpu.dma_semaphore, #tpu.memory_space<semaphore_mem>>) src(%arg16 : memref<128x128xf32, #tpu.memory_space<vmem>>) dst(%dma_wait3A_201 : memref<10240x128xf32, #tpu.memory_space<vmem_shared>>)
          tpu.yield
        }) : () -> ()
      }
      %scan3A_41 = arith.constant 38 : i32
    } else {
    }
    %eq3A_3 = arith.constant 1 : i32
    %eq3A_4 = arith.cmpi eq, %arg0, %eq3A_3 : i32
    %convert_element_type3A_5 = arith.extui %eq3A_4 : i1 to i32
    %cond3A_6 = arith.constant 0 : i32
    %cond3A_7 = arith.cmpi ne, %convert_element_type3A_5, %cond3A_6 : i32
    scf.if %cond3A_7 {
      %mul3A_13 = arith.constant 8 : i32
      %mul3A_14 = arith.muli %arg1, %mul3A_13 : i32
      %add3A = arith.constant 2432 : i32
      %add3A_15 = arith.addi %add3A, %mul3A_14 : i32
      %add3A_16 = arith.constant 0 : i32
      %add3A_17 = arith.addi %add3A_15, %add3A_16 : i32
      "tpu.region"() ({
        %run_scoped3A = tpu.sem_alloc : memref<!tpu.dma_semaphore, #tpu.memory_space<semaphore_mem>>
        %dma_start3A_44 = arith.constant 0 : i32
        %dma_start3A_45 = tpu.memref_slice %arg3[%add3A_17, %dma_start3A_44] : memref<2560x128xi32, #tpu.memory_space<hbm>> -> memref<1x128xi32, #tpu.memory_space<hbm>>
        %dma_start3A_46 = tpu.memref_squeeze %dma_start3A_45 : memref<1x128xi32, #tpu.memory_space<hbm>> -> memref<128xi32, #tpu.memory_space<hbm>>
        %dma_start3A_47 = arith.constant 0 : i32
        %dma_start3A_48 = tpu.memref_slice %arg3[%add3A_17, %dma_start3A_47] : memref<2560x128xi32, #tpu.memory_space<hbm>> -> memref<1x128xi32, #tpu.memory_space<hbm>>
        %dma_start3A_49 = tpu.memref_squeeze %dma_start3A_48 : memref<1x128xi32, #tpu.memory_space<hbm>> -> memref<128xi32, #tpu.memory_space<hbm>>
        tpu.enqueue_dma source(%dma_start3A_49 : memref<128xi32, #tpu.memory_space<hbm>>) target(%arg7 : memref<128xi32, #tpu.memory_space<vmem>>) target_semaphore(%run_scoped3A : memref<!tpu.dma_semaphore, #tpu.memory_space<semaphore_mem>>)
        %dma_wait3A = arith.constant 0 : i32
        %dma_wait3A_50 = tpu.memref_slice %arg3[%add3A_17, %dma_wait3A] : memref<2560x128xi32, #tpu.memory_space<hbm>> -> memref<1x128xi32, #tpu.memory_space<hbm>>
        %dma_wait3A_51 = tpu.memref_squeeze %dma_wait3A_50 : memref<1x128xi32, #tpu.memory_space<hbm>> -> memref<128xi32, #tpu.memory_space<hbm>>
        %dma_wait3A_52 = arith.constant 0 : i32
        %dma_wait3A_53 = tpu.memref_slice %arg3[%add3A_17, %dma_wait3A_52] : memref<2560x128xi32, #tpu.memory_space<hbm>> -> memref<1x128xi32, #tpu.memory_space<hbm>>
        %dma_wait3A_54 = tpu.memref_squeeze %dma_wait3A_53 : memref<1x128xi32, #tpu.memory_space<hbm>> -> memref<128xi32, #tpu.memory_space<hbm>>
        tpu.wait_dma2 semaphore(%run_scoped3A : memref<!tpu.dma_semaphore, #tpu.memory_space<semaphore_mem>>) src(%dma_wait3A_54 : memref<128xi32, #tpu.memory_space<hbm>>) dst(%arg7 : memref<128xi32, #tpu.memory_space<vmem>>)
        tpu.yield
      }) : () -> ()
      %add3A_18 = arith.constant 0 : i32
      %add3A_19 = arith.addi %add3A_15, %add3A_18 : i32
      "tpu.region"() ({
        %run_scoped3A = tpu.sem_alloc : memref<!tpu.dma_semaphore, #tpu.memory_space<semaphore_mem>>
        %dma_start3A_44 = arith.constant 0 : i32
        %dma_start3A_45 = tpu.memref_slice %arg4[%add3A_19, %dma_start3A_44] : memref<2560x128xi32, #tpu.memory_space<hbm>> -> memref<1x128xi32, #tpu.memory_space<hbm>>
        %dma_start3A_46 = tpu.memref_squeeze %dma_start3A_45 : memref<1x128xi32, #tpu.memory_space<hbm>> -> memref<128xi32, #tpu.memory_space<hbm>>
        %dma_start3A_47 = arith.constant 0 : i32
        %dma_start3A_48 = tpu.memref_slice %arg4[%add3A_19, %dma_start3A_47] : memref<2560x128xi32, #tpu.memory_space<hbm>> -> memref<1x128xi32, #tpu.memory_space<hbm>>
        %dma_start3A_49 = tpu.memref_squeeze %dma_start3A_48 : memref<1x128xi32, #tpu.memory_space<hbm>> -> memref<128xi32, #tpu.memory_space<hbm>>
        tpu.enqueue_dma source(%dma_start3A_49 : memref<128xi32, #tpu.memory_space<hbm>>) target(%arg8 : memref<128xi32, #tpu.memory_space<vmem>>) target_semaphore(%run_scoped3A : memref<!tpu.dma_semaphore, #tpu.memory_space<semaphore_mem>>)
        %dma_wait3A = arith.constant 0 : i32
        %dma_wait3A_50 = tpu.memref_slice %arg4[%add3A_19, %dma_wait3A] : memref<2560x128xi32, #tpu.memory_space<hbm>> -> memref<1x128xi32, #tpu.memory_space<hbm>>
        %dma_wait3A_51 = tpu.memref_squeeze %dma_wait3A_50 : memref<1x128xi32, #tpu.memory_space<hbm>> -> memref<128xi32, #tpu.memory_space<hbm>>
        %dma_wait3A_52 = arith.constant 0 : i32
        %dma_wait3A_53 = tpu.memref_slice %arg4[%add3A_19, %dma_wait3A_52] : memref<2560x128xi32, #tpu.memory_space<hbm>> -> memref<1x128xi32, #tpu.memory_space<hbm>>
        %dma_wait3A_54 = tpu.memref_squeeze %dma_wait3A_53 : memref<1x128xi32, #tpu.memory_space<hbm>> -> memref<128xi32, #tpu.memory_space<hbm>>
        tpu.wait_dma2 semaphore(%run_scoped3A : memref<!tpu.dma_semaphore, #tpu.memory_space<semaphore_mem>>) src(%dma_wait3A_54 : memref<128xi32, #tpu.memory_space<hbm>>) dst(%arg8 : memref<128xi32, #tpu.memory_space<vmem>>)
        tpu.yield
      }) : () -> ()
      %add3A_20 = arith.constant 1 : i32
      %add3A_21 = arith.addi %add3A_15, %add3A_20 : i32
      "tpu.region"() ({
        %run_scoped3A = tpu.sem_alloc : memref<!tpu.dma_semaphore, #tpu.memory_space<semaphore_mem>>
        %dma_start3A_44 = arith.constant 0 : i32
        %dma_start3A_45 = tpu.memref_slice %arg3[%add3A_21, %dma_start3A_44] : memref<2560x128xi32, #tpu.memory_space<hbm>> -> memref<1x128xi32, #tpu.memory_space<hbm>>
        %dma_start3A_46 = tpu.memref_squeeze %dma_start3A_45 : memref<1x128xi32, #tpu.memory_space<hbm>> -> memref<128xi32, #tpu.memory_space<hbm>>
        %dma_start3A_47 = arith.constant 0 : i32
        %dma_start3A_48 = tpu.memref_slice %arg3[%add3A_21, %dma_start3A_47] : memref<2560x128xi32, #tpu.memory_space<hbm>> -> memref<1x128xi32, #tpu.memory_space<hbm>>
        %dma_start3A_49 = tpu.memref_squeeze %dma_start3A_48 : memref<1x128xi32, #tpu.memory_space<hbm>> -> memref<128xi32, #tpu.memory_space<hbm>>
        tpu.enqueue_dma source(%dma_start3A_49 : memref<128xi32, #tpu.memory_space<hbm>>) target(%arg9 : memref<128xi32, #tpu.memory_space<vmem>>) target_semaphore(%run_scoped3A : memref<!tpu.dma_semaphore, #tpu.memory_space<semaphore_mem>>)
        %dma_wait3A = arith.constant 0 : i32
        %dma_wait3A_50 = tpu.memref_slice %arg3[%add3A_21, %dma_wait3A] : memref<2560x128xi32, #tpu.memory_space<hbm>> -> memref<1x128xi32, #tpu.memory_space<hbm>>
        %dma_wait3A_51 = tpu.memref_squeeze %dma_wait3A_50 : memref<1x128xi32, #tpu.memory_space<hbm>> -> memref<128xi32, #tpu.memory_space<hbm>>
        %dma_wait3A_52 = arith.constant 0 : i32
        %dma_wait3A_53 = tpu.memref_slice %arg3[%add3A_21, %dma_wait3A_52] : memref<2560x128xi32, #tpu.memory_space<hbm>> -> memref<1x128xi32, #tpu.memory_space<hbm>>
        %dma_wait3A_54 = tpu.memref_squeeze %dma_wait3A_53 : memref<1x128xi32, #tpu.memory_space<hbm>> -> memref<128xi32, #tpu.memory_space<hbm>>
        tpu.wait_dma2 semaphore(%run_scoped3A : memref<!tpu.dma_semaphore, #tpu.memory_space<semaphore_mem>>) src(%dma_wait3A_54 : memref<128xi32, #tpu.memory_space<hbm>>) dst(%arg9 : memref<128xi32, #tpu.memory_space<vmem>>)
        tpu.yield
      }) : () -> ()
      %add3A_22 = arith.constant 1 : i32
      %add3A_23 = arith.addi %add3A_15, %add3A_22 : i32
      "tpu.region"() ({
        %run_scoped3A = tpu.sem_alloc : memref<!tpu.dma_semaphore, #tpu.memory_space<semaphore_mem>>
        %dma_start3A_44 = arith.constant 0 : i32
        %dma_start3A_45 = tpu.memref_slice %arg4[%add3A_23, %dma_start3A_44] : memref<2560x128xi32, #tpu.memory_space<hbm>> -> memref<1x128xi32, #tpu.memory_space<hbm>>
        %dma_start3A_46 = tpu.memref_squeeze %dma_start3A_45 : memref<1x128xi32, #tpu.memory_space<hbm>> -> memref<128xi32, #tpu.memory_space<hbm>>
        %dma_start3A_47 = arith.constant 0 : i32
        %dma_start3A_48 = tpu.memref_slice %arg4[%add3A_23, %dma_start3A_47] : memref<2560x128xi32, #tpu.memory_space<hbm>> -> memref<1x128xi32, #tpu.memory_space<hbm>>
        %dma_start3A_49 = tpu.memref_squeeze %dma_start3A_48 : memref<1x128xi32, #tpu.memory_space<hbm>> -> memref<128xi32, #tpu.memory_space<hbm>>
        tpu.enqueue_dma source(%dma_start3A_49 : memref<128xi32, #tpu.memory_space<hbm>>) target(%arg10 : memref<128xi32, #tpu.memory_space<vmem>>) target_semaphore(%run_scoped3A : memref<!tpu.dma_semaphore, #tpu.memory_space<semaphore_mem>>)
        %dma_wait3A = arith.constant 0 : i32
        %dma_wait3A_50 = tpu.memref_slice %arg4[%add3A_23, %dma_wait3A] : memref<2560x128xi32, #tpu.memory_space<hbm>> -> memref<1x128xi32, #tpu.memory_space<hbm>>
        %dma_wait3A_51 = tpu.memref_squeeze %dma_wait3A_50 : memref<1x128xi32, #tpu.memory_space<hbm>> -> memref<128xi32, #tpu.memory_space<hbm>>
        %dma_wait3A_52 = arith.constant 0 : i32
        %dma_wait3A_53 = tpu.memref_slice %arg4[%add3A_23, %dma_wait3A_52] : memref<2560x128xi32, #tpu.memory_space<hbm>> -> memref<1x128xi32, #tpu.memory_space<hbm>>
        %dma_wait3A_54 = tpu.memref_squeeze %dma_wait3A_53 : memref<1x128xi32, #tpu.memory_space<hbm>> -> memref<128xi32, #tpu.memory_space<hbm>>
        tpu.wait_dma2 semaphore(%run_scoped3A : memref<!tpu.dma_semaphore, #tpu.memory_space<semaphore_mem>>) src(%dma_wait3A_54 : memref<128xi32, #tpu.memory_space<hbm>>) dst(%arg10 : memref<128xi32, #tpu.memory_space<vmem>>)
        tpu.yield
      }) : () -> ()
      %dma_start3A = arith.constant 0 : i32
      %dma_start3A_24 = arith.constant 0 : i32
      %dma_start3A_25 = tpu.memref_slice %arg15[%dma_start3A, %dma_start3A_24] : memref<128x128xf32, #tpu.memory_space<vmem>> -> memref<64x128xf32, #tpu.memory_space<vmem>>
      %dma_start3A_26 = arith.constant 0 : i32
      %dma_start3A_27 = tpu.memref_slice %arg7[%dma_start3A_26] : memref<128xi32, #tpu.memory_space<vmem>> -> memref<64xi32, #tpu.memory_space<vmem>>
      %dma_start3A_28 = arith.constant 0 : i32
      %dma_start3A_29 = arith.constant 0 : i32
      %dma_start3A_30 = tpu.memref_slice %arg2[%dma_start3A_28, %dma_start3A_29] : memref<10240x128xf32, #tpu.memory_space<hbm>> -> memref<10240x128xf32, #tpu.memory_space<hbm>>
      tpu.enqueue_indirect_dma source(%dma_start3A_30 : memref<10240x128xf32, #tpu.memory_space<hbm>>) target(%dma_start3A_25 : memref<64x128xf32, #tpu.memory_space<vmem>>) offsets(%dma_start3A_27 : memref<64xi32, #tpu.memory_space<vmem>>) semaphore(%arg18 : memref<!tpu.dma_semaphore, #tpu.memory_space<semaphore_mem>>)
      %dma_start3A_31 = arith.constant 64 : i32
      %dma_start3A_32 = arith.constant 0 : i32
      %dma_start3A_33 = tpu.memref_slice %arg15[%dma_start3A_31, %dma_start3A_32] : memref<128x128xf32, #tpu.memory_space<vmem>> -> memref<64x128xf32, #tpu.memory_space<vmem>>
      %dma_start3A_34 = arith.constant 64 : i32
      %dma_start3A_35 = tpu.memref_slice %arg7[%dma_start3A_34] : memref<128xi32, #tpu.memory_space<vmem>> -> memref<64xi32, #tpu.memory_space<vmem>>
      %dma_start3A_36 = arith.constant 0 : i32
      %dma_start3A_37 = arith.constant 0 : i32
      %dma_start3A_38 = tpu.memref_slice %arg2[%dma_start3A_36, %dma_start3A_37] : memref<10240x128xf32, #tpu.memory_space<hbm>> -> memref<10240x128xf32, #tpu.memory_space<hbm>>
      tpu.enqueue_indirect_dma source(%dma_start3A_38 : memref<10240x128xf32, #tpu.memory_space<hbm>>) target(%dma_start3A_33 : memref<64x128xf32, #tpu.memory_space<vmem>>) offsets(%dma_start3A_35 : memref<64xi32, #tpu.memory_space<vmem>>) semaphore(%arg20 : memref<!tpu.dma_semaphore, #tpu.memory_space<semaphore_mem>>)
      %scan3A = arith.constant 0 : i32
      %scan3A_39 = arith.constant 0 : i32
      %scan3A_40 = arith.constant 2 : i32
      %scan3A_41 = arith.addi %scan3A_39, %scan3A_40 : i32
      %scan3A_42 = arith.constant 1 : i32
      scf.for %scan3A_44 = %scan3A_39 to %scan3A_41 step %scan3A_42  : i32 {
        %mul3A_45 = arith.constant 4 : i32
        %mul3A_46 = arith.muli %mul3A_45, %scan3A_44 : i32
        %add3A_47 = arith.constant 0 : i32
        %add3A_48 = arith.addi %mul3A_46, %add3A_47 : i32
        %dma_wait3A = arith.constant 0 : i32
        %dma_wait3A_49 = arith.constant 0 : i32
        %dma_wait3A_50 = tpu.memref_slice %arg15[%dma_wait3A, %dma_wait3A_49] : memref<128x128xf32, #tpu.memory_space<vmem>> -> memref<64x128xf32, #tpu.memory_space<vmem>>
        %dma_wait3A_51 = arith.constant 0 : i32
        %dma_wait3A_52 = tpu.memref_slice %arg7[%dma_wait3A_51] : memref<128xi32, #tpu.memory_space<vmem>> -> memref<64xi32, #tpu.memory_space<vmem>>
        %dma_wait3A_53 = arith.constant 0 : i32
        %dma_wait3A_54 = arith.constant 0 : i32
        %dma_wait3A_55 = tpu.memref_slice %arg2[%dma_wait3A_53, %dma_wait3A_54] : memref<10240x128xf32, #tpu.memory_space<hbm>> -> memref<10240x128xf32, #tpu.memory_space<hbm>>
        tpu.wait_indirect_dma semaphore(%arg18 : memref<!tpu.dma_semaphore, #tpu.memory_space<semaphore_mem>>) src(%dma_wait3A_55 : memref<10240x128xf32, #tpu.memory_space<hbm>>) dst(%dma_wait3A_50 : memref<64x128xf32, #tpu.memory_space<vmem>>)
        %dma_wait3A_56 = arith.constant 64 : i32
        %dma_wait3A_57 = arith.constant 0 : i32
        %dma_wait3A_58 = tpu.memref_slice %arg15[%dma_wait3A_56, %dma_wait3A_57] : memref<128x128xf32, #tpu.memory_space<vmem>> -> memref<64x128xf32, #tpu.memory_space<vmem>>
        %dma_wait3A_59 = arith.constant 64 : i32
        %dma_wait3A_60 = tpu.memref_slice %arg7[%dma_wait3A_59] : memref<128xi32, #tpu.memory_space<vmem>> -> memref<64xi32, #tpu.memory_space<vmem>>
        %dma_wait3A_61 = arith.constant 0 : i32
        %dma_wait3A_62 = arith.constant 0 : i32
        %dma_wait3A_63 = tpu.memref_slice %arg2[%dma_wait3A_61, %dma_wait3A_62] : memref<10240x128xf32, #tpu.memory_space<hbm>> -> memref<10240x128xf32, #tpu.memory_space<hbm>>
        tpu.wait_indirect_dma semaphore(%arg20 : memref<!tpu.dma_semaphore, #tpu.memory_space<semaphore_mem>>) src(%dma_wait3A_63 : memref<10240x128xf32, #tpu.memory_space<hbm>>) dst(%dma_wait3A_58 : memref<64x128xf32, #tpu.memory_space<vmem>>)
        %dma_start3A_64 = arith.constant 0 : i32
        %dma_start3A_65 = arith.constant 0 : i32
        %dma_start3A_66 = tpu.memref_slice %arg16[%dma_start3A_64, %dma_start3A_65] : memref<128x128xf32, #tpu.memory_space<vmem>> -> memref<64x128xf32, #tpu.memory_space<vmem>>
        %dma_start3A_67 = arith.constant 0 : i32
        %dma_start3A_68 = tpu.memref_slice %arg9[%dma_start3A_67] : memref<128xi32, #tpu.memory_space<vmem>> -> memref<64xi32, #tpu.memory_space<vmem>>
        %dma_start3A_69 = arith.constant 0 : i32
        %dma_start3A_70 = arith.constant 0 : i32
        %dma_start3A_71 = tpu.memref_slice %arg2[%dma_start3A_69, %dma_start3A_70] : memref<10240x128xf32, #tpu.memory_space<hbm>> -> memref<10240x128xf32, #tpu.memory_space<hbm>>
        tpu.enqueue_indirect_dma source(%dma_start3A_71 : memref<10240x128xf32, #tpu.memory_space<hbm>>) target(%dma_start3A_66 : memref<64x128xf32, #tpu.memory_space<vmem>>) offsets(%dma_start3A_68 : memref<64xi32, #tpu.memory_space<vmem>>) semaphore(%arg19 : memref<!tpu.dma_semaphore, #tpu.memory_space<semaphore_mem>>)
        %dma_start3A_72 = arith.constant 64 : i32
        %dma_start3A_73 = arith.constant 0 : i32
        %dma_start3A_74 = tpu.memref_slice %arg16[%dma_start3A_72, %dma_start3A_73] : memref<128x128xf32, #tpu.memory_space<vmem>> -> memref<64x128xf32, #tpu.memory_space<vmem>>
        %dma_start3A_75 = arith.constant 64 : i32
        %dma_start3A_76 = tpu.memref_slice %arg9[%dma_start3A_75] : memref<128xi32, #tpu.memory_space<vmem>> -> memref<64xi32, #tpu.memory_space<vmem>>
        %dma_start3A_77 = arith.constant 0 : i32
        %dma_start3A_78 = arith.constant 0 : i32
        %dma_start3A_79 = tpu.memref_slice %arg2[%dma_start3A_77, %dma_start3A_78] : memref<10240x128xf32, #tpu.memory_space<hbm>> -> memref<10240x128xf32, #tpu.memory_space<hbm>>
        tpu.enqueue_indirect_dma source(%dma_start3A_79 : memref<10240x128xf32, #tpu.memory_space<hbm>>) target(%dma_start3A_74 : memref<64x128xf32, #tpu.memory_space<vmem>>) offsets(%dma_start3A_76 : memref<64xi32, #tpu.memory_space<vmem>>) semaphore(%arg21 : memref<!tpu.dma_semaphore, #tpu.memory_space<semaphore_mem>>)
        %add3A_80 = arith.addi %add3A_15, %add3A_48 : i32
        %add3A_81 = arith.constant 2 : i32
        %add3A_82 = arith.addi %add3A_80, %add3A_81 : i32
        "tpu.region"() ({
          %run_scoped3A = tpu.sem_alloc : memref<!tpu.dma_semaphore, #tpu.memory_space<semaphore_mem>>
          %dma_start3A_198 = arith.constant 0 : i32
          %dma_start3A_199 = tpu.memref_slice %arg3[%add3A_82, %dma_start3A_198] : memref<2560x128xi32, #tpu.memory_space<hbm>> -> memref<1x128xi32, #tpu.memory_space<hbm>>
          %dma_start3A_200 = tpu.memref_squeeze %dma_start3A_199 : memref<1x128xi32, #tpu.memory_space<hbm>> -> memref<128xi32, #tpu.memory_space<hbm>>
          %dma_start3A_201 = arith.constant 0 : i32
          %dma_start3A_202 = tpu.memref_slice %arg3[%add3A_82, %dma_start3A_201] : memref<2560x128xi32, #tpu.memory_space<hbm>> -> memref<1x128xi32, #tpu.memory_space<hbm>>
          %dma_start3A_203 = tpu.memref_squeeze %dma_start3A_202 : memref<1x128xi32, #tpu.memory_space<hbm>> -> memref<128xi32, #tpu.memory_space<hbm>>
          tpu.enqueue_dma source(%dma_start3A_203 : memref<128xi32, #tpu.memory_space<hbm>>) target(%arg11 : memref<128xi32, #tpu.memory_space<vmem>>) target_semaphore(%run_scoped3A : memref<!tpu.dma_semaphore, #tpu.memory_space<semaphore_mem>>)
          %dma_wait3A_204 = arith.constant 0 : i32
          %dma_wait3A_205 = tpu.memref_slice %arg3[%add3A_82, %dma_wait3A_204] : memref<2560x128xi32, #tpu.memory_space<hbm>> -> memref<1x128xi32, #tpu.memory_space<hbm>>
          %dma_wait3A_206 = tpu.memref_squeeze %dma_wait3A_205 : memref<1x128xi32, #tpu.memory_space<hbm>> -> memref<128xi32, #tpu.memory_space<hbm>>
          %dma_wait3A_207 = arith.constant 0 : i32
          %dma_wait3A_208 = tpu.memref_slice %arg3[%add3A_82, %dma_wait3A_207] : memref<2560x128xi32, #tpu.memory_space<hbm>> -> memref<1x128xi32, #tpu.memory_space<hbm>>
          %dma_wait3A_209 = tpu.memref_squeeze %dma_wait3A_208 : memref<1x128xi32, #tpu.memory_space<hbm>> -> memref<128xi32, #tpu.memory_space<hbm>>
          tpu.wait_dma2 semaphore(%run_scoped3A : memref<!tpu.dma_semaphore, #tpu.memory_space<semaphore_mem>>) src(%dma_wait3A_209 : memref<128xi32, #tpu.memory_space<hbm>>) dst(%arg11 : memref<128xi32, #tpu.memory_space<vmem>>)
          tpu.yield
        }) : () -> ()
        %add3A_83 = arith.addi %add3A_15, %add3A_48 : i32
        %add3A_84 = arith.constant 2 : i32
        %add3A_85 = arith.addi %add3A_83, %add3A_84 : i32
        "tpu.region"() ({
          %run_scoped3A = tpu.sem_alloc : memref<!tpu.dma_semaphore, #tpu.memory_space<semaphore_mem>>
          %dma_start3A_198 = arith.constant 0 : i32
          %dma_start3A_199 = tpu.memref_slice %arg4[%add3A_85, %dma_start3A_198] : memref<2560x128xi32, #tpu.memory_space<hbm>> -> memref<1x128xi32, #tpu.memory_space<hbm>>
          %dma_start3A_200 = tpu.memref_squeeze %dma_start3A_199 : memref<1x128xi32, #tpu.memory_space<hbm>> -> memref<128xi32, #tpu.memory_space<hbm>>
          %dma_start3A_201 = arith.constant 0 : i32
          %dma_start3A_202 = tpu.memref_slice %arg4[%add3A_85, %dma_start3A_201] : memref<2560x128xi32, #tpu.memory_space<hbm>> -> memref<1x128xi32, #tpu.memory_space<hbm>>
          %dma_start3A_203 = tpu.memref_squeeze %dma_start3A_202 : memref<1x128xi32, #tpu.memory_space<hbm>> -> memref<128xi32, #tpu.memory_space<hbm>>
          tpu.enqueue_dma source(%dma_start3A_203 : memref<128xi32, #tpu.memory_space<hbm>>) target(%arg12 : memref<128xi32, #tpu.memory_space<vmem>>) target_semaphore(%run_scoped3A : memref<!tpu.dma_semaphore, #tpu.memory_space<semaphore_mem>>)
          %dma_wait3A_204 = arith.constant 0 : i32
          %dma_wait3A_205 = tpu.memref_slice %arg4[%add3A_85, %dma_wait3A_204] : memref<2560x128xi32, #tpu.memory_space<hbm>> -> memref<1x128xi32, #tpu.memory_space<hbm>>
          %dma_wait3A_206 = tpu.memref_squeeze %dma_wait3A_205 : memref<1x128xi32, #tpu.memory_space<hbm>> -> memref<128xi32, #tpu.memory_space<hbm>>
          %dma_wait3A_207 = arith.constant 0 : i32
          %dma_wait3A_208 = tpu.memref_slice %arg4[%add3A_85, %dma_wait3A_207] : memref<2560x128xi32, #tpu.memory_space<hbm>> -> memref<1x128xi32, #tpu.memory_space<hbm>>
          %dma_wait3A_209 = tpu.memref_squeeze %dma_wait3A_208 : memref<1x128xi32, #tpu.memory_space<hbm>> -> memref<128xi32, #tpu.memory_space<hbm>>
          tpu.wait_dma2 semaphore(%run_scoped3A : memref<!tpu.dma_semaphore, #tpu.memory_space<semaphore_mem>>) src(%dma_wait3A_209 : memref<128xi32, #tpu.memory_space<hbm>>) dst(%arg12 : memref<128xi32, #tpu.memory_space<vmem>>)
          tpu.yield
        }) : () -> ()
        "tpu.region"() ({
          %run_scoped3A = tpu.sem_alloc : memref<!tpu.dma_semaphore, #tpu.memory_space<semaphore_mem>>
          %dma_start3A_198 = arith.constant 0 : i32
          %dma_start3A_199 = arith.constant 0 : i32
          %dma_start3A_200 = tpu.memref_slice %arg17[%dma_start3A_198, %dma_start3A_199] : memref<10240x128xf32, #tpu.memory_space<vmem_shared>> -> memref<10240x128xf32, #tpu.memory_space<vmem_shared>>
          tpu.enqueue_indirect_dma source(%arg15 : memref<128x128xf32, #tpu.memory_space<vmem>>) target(%dma_start3A_200 : memref<10240x128xf32, #tpu.memory_space<vmem_shared>>) offsets(%arg8 : memref<128xi32, #tpu.memory_space<vmem>>) semaphore(%run_scoped3A : memref<!tpu.dma_semaphore, #tpu.memory_space<semaphore_mem>>) {add = true}
          %dma_wait3A_201 = arith.constant 0 : i32
          %dma_wait3A_202 = arith.constant 0 : i32
          %dma_wait3A_203 = tpu.memref_slice %arg17[%dma_wait3A_201, %dma_wait3A_202] : memref<10240x128xf32, #tpu.memory_space<vmem_shared>> -> memref<10240x128xf32, #tpu.memory_space<vmem_shared>>
          tpu.wait_indirect_dma semaphore(%run_scoped3A : memref<!tpu.dma_semaphore, #tpu.memory_space<semaphore_mem>>) src(%arg15 : memref<128x128xf32, #tpu.memory_space<vmem>>) dst(%dma_wait3A_203 : memref<10240x128xf32, #tpu.memory_space<vmem_shared>>)
          tpu.yield
        }) : () -> ()
        %mul3A_86 = arith.constant 4 : i32
        %mul3A_87 = arith.muli %mul3A_86, %scan3A_44 : i32
        %add3A_88 = arith.constant 1 : i32
        %add3A_89 = arith.addi %mul3A_87, %add3A_88 : i32
        %dma_wait3A_90 = arith.constant 0 : i32
        %dma_wait3A_91 = arith.constant 0 : i32
        %dma_wait3A_92 = tpu.memref_slice %arg16[%dma_wait3A_90, %dma_wait3A_91] : memref<128x128xf32, #tpu.memory_space<vmem>> -> memref<64x128xf32, #tpu.memory_space<vmem>>
        %dma_wait3A_93 = arith.constant 0 : i32
        %dma_wait3A_94 = tpu.memref_slice %arg9[%dma_wait3A_93] : memref<128xi32, #tpu.memory_space<vmem>> -> memref<64xi32, #tpu.memory_space<vmem>>
        %dma_wait3A_95 = arith.constant 0 : i32
        %dma_wait3A_96 = arith.constant 0 : i32
        %dma_wait3A_97 = tpu.memref_slice %arg2[%dma_wait3A_95, %dma_wait3A_96] : memref<10240x128xf32, #tpu.memory_space<hbm>> -> memref<10240x128xf32, #tpu.memory_space<hbm>>
        tpu.wait_indirect_dma semaphore(%arg19 : memref<!tpu.dma_semaphore, #tpu.memory_space<semaphore_mem>>) src(%dma_wait3A_97 : memref<10240x128xf32, #tpu.memory_space<hbm>>) dst(%dma_wait3A_92 : memref<64x128xf32, #tpu.memory_space<vmem>>)
        %dma_wait3A_98 = arith.constant 64 : i32
        %dma_wait3A_99 = arith.constant 0 : i32
        %dma_wait3A_100 = tpu.memref_slice %arg16[%dma_wait3A_98, %dma_wait3A_99] : memref<128x128xf32, #tpu.memory_space<vmem>> -> memref<64x128xf32, #tpu.memory_space<vmem>>
        %dma_wait3A_101 = arith.constant 64 : i32
        %dma_wait3A_102 = tpu.memref_slice %arg9[%dma_wait3A_101] : memref<128xi32, #tpu.memory_space<vmem>> -> memref<64xi32, #tpu.memory_space<vmem>>
        %dma_wait3A_103 = arith.constant 0 : i32
        %dma_wait3A_104 = arith.constant 0 : i32
        %dma_wait3A_105 = tpu.memref_slice %arg2[%dma_wait3A_103, %dma_wait3A_104] : memref<10240x128xf32, #tpu.memory_space<hbm>> -> memref<10240x128xf32, #tpu.memory_space<hbm>>
        tpu.wait_indirect_dma semaphore(%arg21 : memref<!tpu.dma_semaphore, #tpu.memory_space<semaphore_mem>>) src(%dma_wait3A_105 : memref<10240x128xf32, #tpu.memory_space<hbm>>) dst(%dma_wait3A_100 : memref<64x128xf32, #tpu.memory_space<vmem>>)
        %dma_start3A_106 = arith.constant 0 : i32
        %dma_start3A_107 = arith.constant 0 : i32
        %dma_start3A_108 = tpu.memref_slice %arg15[%dma_start3A_106, %dma_start3A_107] : memref<128x128xf32, #tpu.memory_space<vmem>> -> memref<64x128xf32, #tpu.memory_space<vmem>>
        %dma_start3A_109 = arith.constant 0 : i32
        %dma_start3A_110 = tpu.memref_slice %arg11[%dma_start3A_109] : memref<128xi32, #tpu.memory_space<vmem>> -> memref<64xi32, #tpu.memory_space<vmem>>
        %dma_start3A_111 = arith.constant 0 : i32
        %dma_start3A_112 = arith.constant 0 : i32
        %dma_start3A_113 = tpu.memref_slice %arg2[%dma_start3A_111, %dma_start3A_112] : memref<10240x128xf32, #tpu.memory_space<hbm>> -> memref<10240x128xf32, #tpu.memory_space<hbm>>
        tpu.enqueue_indirect_dma source(%dma_start3A_113 : memref<10240x128xf32, #tpu.memory_space<hbm>>) target(%dma_start3A_108 : memref<64x128xf32, #tpu.memory_space<vmem>>) offsets(%dma_start3A_110 : memref<64xi32, #tpu.memory_space<vmem>>) semaphore(%arg18 : memref<!tpu.dma_semaphore, #tpu.memory_space<semaphore_mem>>)
        %dma_start3A_114 = arith.constant 64 : i32
        %dma_start3A_115 = arith.constant 0 : i32
        %dma_start3A_116 = tpu.memref_slice %arg15[%dma_start3A_114, %dma_start3A_115] : memref<128x128xf32, #tpu.memory_space<vmem>> -> memref<64x128xf32, #tpu.memory_space<vmem>>
        %dma_start3A_117 = arith.constant 64 : i32
        %dma_start3A_118 = tpu.memref_slice %arg11[%dma_start3A_117] : memref<128xi32, #tpu.memory_space<vmem>> -> memref<64xi32, #tpu.memory_space<vmem>>
        %dma_start3A_119 = arith.constant 0 : i32
        %dma_start3A_120 = arith.constant 0 : i32
        %dma_start3A_121 = tpu.memref_slice %arg2[%dma_start3A_119, %dma_start3A_120] : memref<10240x128xf32, #tpu.memory_space<hbm>> -> memref<10240x128xf32, #tpu.memory_space<hbm>>
        tpu.enqueue_indirect_dma source(%dma_start3A_121 : memref<10240x128xf32, #tpu.memory_space<hbm>>) target(%dma_start3A_116 : memref<64x128xf32, #tpu.memory_space<vmem>>) offsets(%dma_start3A_118 : memref<64xi32, #tpu.memory_space<vmem>>) semaphore(%arg20 : memref<!tpu.dma_semaphore, #tpu.memory_space<semaphore_mem>>)
        %add3A_122 = arith.addi %add3A_15, %add3A_89 : i32
        %add3A_123 = arith.constant 2 : i32
        %add3A_124 = arith.addi %add3A_122, %add3A_123 : i32
        "tpu.region"() ({
          %run_scoped3A = tpu.sem_alloc : memref<!tpu.dma_semaphore, #tpu.memory_space<semaphore_mem>>
          %dma_start3A_198 = arith.constant 0 : i32
          %dma_start3A_199 = tpu.memref_slice %arg3[%add3A_124, %dma_start3A_198] : memref<2560x128xi32, #tpu.memory_space<hbm>> -> memref<1x128xi32, #tpu.memory_space<hbm>>
          %dma_start3A_200 = tpu.memref_squeeze %dma_start3A_199 : memref<1x128xi32, #tpu.memory_space<hbm>> -> memref<128xi32, #tpu.memory_space<hbm>>
          %dma_start3A_201 = arith.constant 0 : i32
          %dma_start3A_202 = tpu.memref_slice %arg3[%add3A_124, %dma_start3A_201] : memref<2560x128xi32, #tpu.memory_space<hbm>> -> memref<1x128xi32, #tpu.memory_space<hbm>>
          %dma_start3A_203 = tpu.memref_squeeze %dma_start3A_202 : memref<1x128xi32, #tpu.memory_space<hbm>> -> memref<128xi32, #tpu.memory_space<hbm>>
          tpu.enqueue_dma source(%dma_start3A_203 : memref<128xi32, #tpu.memory_space<hbm>>) target(%arg13 : memref<128xi32, #tpu.memory_space<vmem>>) target_semaphore(%run_scoped3A : memref<!tpu.dma_semaphore, #tpu.memory_space<semaphore_mem>>)
          %dma_wait3A_204 = arith.constant 0 : i32
          %dma_wait3A_205 = tpu.memref_slice %arg3[%add3A_124, %dma_wait3A_204] : memref<2560x128xi32, #tpu.memory_space<hbm>> -> memref<1x128xi32, #tpu.memory_space<hbm>>
          %dma_wait3A_206 = tpu.memref_squeeze %dma_wait3A_205 : memref<1x128xi32, #tpu.memory_space<hbm>> -> memref<128xi32, #tpu.memory_space<hbm>>
          %dma_wait3A_207 = arith.constant 0 : i32
          %dma_wait3A_208 = tpu.memref_slice %arg3[%add3A_124, %dma_wait3A_207] : memref<2560x128xi32, #tpu.memory_space<hbm>> -> memref<1x128xi32, #tpu.memory_space<hbm>>
          %dma_wait3A_209 = tpu.memref_squeeze %dma_wait3A_208 : memref<1x128xi32, #tpu.memory_space<hbm>> -> memref<128xi32, #tpu.memory_space<hbm>>
          tpu.wait_dma2 semaphore(%run_scoped3A : memref<!tpu.dma_semaphore, #tpu.memory_space<semaphore_mem>>) src(%dma_wait3A_209 : memref<128xi32, #tpu.memory_space<hbm>>) dst(%arg13 : memref<128xi32, #tpu.memory_space<vmem>>)
          tpu.yield
        }) : () -> ()
        %add3A_125 = arith.addi %add3A_15, %add3A_89 : i32
        %add3A_126 = arith.constant 2 : i32
        %add3A_127 = arith.addi %add3A_125, %add3A_126 : i32
        "tpu.region"() ({
          %run_scoped3A = tpu.sem_alloc : memref<!tpu.dma_semaphore, #tpu.memory_space<semaphore_mem>>
          %dma_start3A_198 = arith.constant 0 : i32
          %dma_start3A_199 = tpu.memref_slice %arg4[%add3A_127, %dma_start3A_198] : memref<2560x128xi32, #tpu.memory_space<hbm>> -> memref<1x128xi32, #tpu.memory_space<hbm>>
          %dma_start3A_200 = tpu.memref_squeeze %dma_start3A_199 : memref<1x128xi32, #tpu.memory_space<hbm>> -> memref<128xi32, #tpu.memory_space<hbm>>
          %dma_start3A_201 = arith.constant 0 : i32
          %dma_start3A_202 = tpu.memref_slice %arg4[%add3A_127, %dma_start3A_201] : memref<2560x128xi32, #tpu.memory_space<hbm>> -> memref<1x128xi32, #tpu.memory_space<hbm>>
          %dma_start3A_203 = tpu.memref_squeeze %dma_start3A_202 : memref<1x128xi32, #tpu.memory_space<hbm>> -> memref<128xi32, #tpu.memory_space<hbm>>
          tpu.enqueue_dma source(%dma_start3A_203 : memref<128xi32, #tpu.memory_space<hbm>>) target(%arg14 : memref<128xi32, #tpu.memory_space<vmem>>) target_semaphore(%run_scoped3A : memref<!tpu.dma_semaphore, #tpu.memory_space<semaphore_mem>>)
          %dma_wait3A_204 = arith.constant 0 : i32
          %dma_wait3A_205 = tpu.memref_slice %arg4[%add3A_127, %dma_wait3A_204] : memref<2560x128xi32, #tpu.memory_space<hbm>> -> memref<1x128xi32, #tpu.memory_space<hbm>>
          %dma_wait3A_206 = tpu.memref_squeeze %dma_wait3A_205 : memref<1x128xi32, #tpu.memory_space<hbm>> -> memref<128xi32, #tpu.memory_space<hbm>>
          %dma_wait3A_207 = arith.constant 0 : i32
          %dma_wait3A_208 = tpu.memref_slice %arg4[%add3A_127, %dma_wait3A_207] : memref<2560x128xi32, #tpu.memory_space<hbm>> -> memref<1x128xi32, #tpu.memory_space<hbm>>
          %dma_wait3A_209 = tpu.memref_squeeze %dma_wait3A_208 : memref<1x128xi32, #tpu.memory_space<hbm>> -> memref<128xi32, #tpu.memory_space<hbm>>
          tpu.wait_dma2 semaphore(%run_scoped3A : memref<!tpu.dma_semaphore, #tpu.memory_space<semaphore_mem>>) src(%dma_wait3A_209 : memref<128xi32, #tpu.memory_space<hbm>>) dst(%arg14 : memref<128xi32, #tpu.memory_space<vmem>>)
          tpu.yield
        }) : () -> ()
        "tpu.region"() ({
          %run_scoped3A = tpu.sem_alloc : memref<!tpu.dma_semaphore, #tpu.memory_space<semaphore_mem>>
          %dma_start3A_198 = arith.constant 0 : i32
          %dma_start3A_199 = arith.constant 0 : i32
          %dma_start3A_200 = tpu.memref_slice %arg17[%dma_start3A_198, %dma_start3A_199] : memref<10240x128xf32, #tpu.memory_space<vmem_shared>> -> memref<10240x128xf32, #tpu.memory_space<vmem_shared>>
          tpu.enqueue_indirect_dma source(%arg16 : memref<128x128xf32, #tpu.memory_space<vmem>>) target(%dma_start3A_200 : memref<10240x128xf32, #tpu.memory_space<vmem_shared>>) offsets(%arg10 : memref<128xi32, #tpu.memory_space<vmem>>) semaphore(%run_scoped3A : memref<!tpu.dma_semaphore, #tpu.memory_space<semaphore_mem>>) {add = true}
          %dma_wait3A_201 = arith.constant 0 : i32
          %dma_wait3A_202 = arith.constant 0 : i32
          %dma_wait3A_203 = tpu.memref_slice %arg17[%dma_wait3A_201, %dma_wait3A_202] : memref<10240x128xf32, #tpu.memory_space<vmem_shared>> -> memref<10240x128xf32, #tpu.memory_space<vmem_shared>>
          tpu.wait_indirect_dma semaphore(%run_scoped3A : memref<!tpu.dma_semaphore, #tpu.memory_space<semaphore_mem>>) src(%arg16 : memref<128x128xf32, #tpu.memory_space<vmem>>) dst(%dma_wait3A_203 : memref<10240x128xf32, #tpu.memory_space<vmem_shared>>)
          tpu.yield
        }) : () -> ()
        %mul3A_128 = arith.constant 4 : i32
        %mul3A_129 = arith.muli %mul3A_128, %scan3A_44 : i32
        %add3A_130 = arith.constant 2 : i32
        %add3A_131 = arith.addi %mul3A_129, %add3A_130 : i32
        %dma_wait3A_132 = arith.constant 0 : i32
        %dma_wait3A_133 = arith.constant 0 : i32
        %dma_wait3A_134 = tpu.memref_slice %arg15[%dma_wait3A_132, %dma_wait3A_133] : memref<128x128xf32, #tpu.memory_space<vmem>> -> memref<64x128xf32, #tpu.memory_space<vmem>>
        %dma_wait3A_135 = arith.constant 0 : i32
        %dma_wait3A_136 = tpu.memref_slice %arg11[%dma_wait3A_135] : memref<128xi32, #tpu.memory_space<vmem>> -> memref<64xi32, #tpu.memory_space<vmem>>
        %dma_wait3A_137 = arith.constant 0 : i32
        %dma_wait3A_138 = arith.constant 0 : i32
        %dma_wait3A_139 = tpu.memref_slice %arg2[%dma_wait3A_137, %dma_wait3A_138] : memref<10240x128xf32, #tpu.memory_space<hbm>> -> memref<10240x128xf32, #tpu.memory_space<hbm>>
        tpu.wait_indirect_dma semaphore(%arg18 : memref<!tpu.dma_semaphore, #tpu.memory_space<semaphore_mem>>) src(%dma_wait3A_139 : memref<10240x128xf32, #tpu.memory_space<hbm>>) dst(%dma_wait3A_134 : memref<64x128xf32, #tpu.memory_space<vmem>>)
        %dma_wait3A_140 = arith.constant 64 : i32
        %dma_wait3A_141 = arith.constant 0 : i32
        %dma_wait3A_142 = tpu.memref_slice %arg15[%dma_wait3A_140, %dma_wait3A_141] : memref<128x128xf32, #tpu.memory_space<vmem>> -> memref<64x128xf32, #tpu.memory_space<vmem>>
        %dma_wait3A_143 = arith.constant 64 : i32
        %dma_wait3A_144 = tpu.memref_slice %arg11[%dma_wait3A_143] : memref<128xi32, #tpu.memory_space<vmem>> -> memref<64xi32, #tpu.memory_space<vmem>>
        %dma_wait3A_145 = arith.constant 0 : i32
        %dma_wait3A_146 = arith.constant 0 : i32
        %dma_wait3A_147 = tpu.memref_slice %arg2[%dma_wait3A_145, %dma_wait3A_146] : memref<10240x128xf32, #tpu.memory_space<hbm>> -> memref<10240x128xf32, #tpu.memory_space<hbm>>
        tpu.wait_indirect_dma semaphore(%arg20 : memref<!tpu.dma_semaphore, #tpu.memory_space<semaphore_mem>>) src(%dma_wait3A_147 : memref<10240x128xf32, #tpu.memory_space<hbm>>) dst(%dma_wait3A_142 : memref<64x128xf32, #tpu.memory_space<vmem>>)
        %dma_start3A_148 = arith.constant 0 : i32
        %dma_start3A_149 = arith.constant 0 : i32
        %dma_start3A_150 = tpu.memref_slice %arg16[%dma_start3A_148, %dma_start3A_149] : memref<128x128xf32, #tpu.memory_space<vmem>> -> memref<64x128xf32, #tpu.memory_space<vmem>>
        %dma_start3A_151 = arith.constant 0 : i32
        %dma_start3A_152 = tpu.memref_slice %arg13[%dma_start3A_151] : memref<128xi32, #tpu.memory_space<vmem>> -> memref<64xi32, #tpu.memory_space<vmem>>
        %dma_start3A_153 = arith.constant 0 : i32
        %dma_start3A_154 = arith.constant 0 : i32
        %dma_start3A_155 = tpu.memref_slice %arg2[%dma_start3A_153, %dma_start3A_154] : memref<10240x128xf32, #tpu.memory_space<hbm>> -> memref<10240x128xf32, #tpu.memory_space<hbm>>
        tpu.enqueue_indirect_dma source(%dma_start3A_155 : memref<10240x128xf32, #tpu.memory_space<hbm>>) target(%dma_start3A_150 : memref<64x128xf32, #tpu.memory_space<vmem>>) offsets(%dma_start3A_152 : memref<64xi32, #tpu.memory_space<vmem>>) semaphore(%arg19 : memref<!tpu.dma_semaphore, #tpu.memory_space<semaphore_mem>>)
        %dma_start3A_156 = arith.constant 64 : i32
        %dma_start3A_157 = arith.constant 0 : i32
        %dma_start3A_158 = tpu.memref_slice %arg16[%dma_start3A_156, %dma_start3A_157] : memref<128x128xf32, #tpu.memory_space<vmem>> -> memref<64x128xf32, #tpu.memory_space<vmem>>
        %dma_start3A_159 = arith.constant 64 : i32
        %dma_start3A_160 = tpu.memref_slice %arg13[%dma_start3A_159] : memref<128xi32, #tpu.memory_space<vmem>> -> memref<64xi32, #tpu.memory_space<vmem>>
        %dma_start3A_161 = arith.constant 0 : i32
        %dma_start3A_162 = arith.constant 0 : i32
        %dma_start3A_163 = tpu.memref_slice %arg2[%dma_start3A_161, %dma_start3A_162] : memref<10240x128xf32, #tpu.memory_space<hbm>> -> memref<10240x128xf32, #tpu.memory_space<hbm>>
        tpu.enqueue_indirect_dma source(%dma_start3A_163 : memref<10240x128xf32, #tpu.memory_space<hbm>>) target(%dma_start3A_158 : memref<64x128xf32, #tpu.memory_space<vmem>>) offsets(%dma_start3A_160 : memref<64xi32, #tpu.memory_space<vmem>>) semaphore(%arg21 : memref<!tpu.dma_semaphore, #tpu.memory_space<semaphore_mem>>)
        %le3A = arith.constant 0 : i32
        %le3A_164 = arith.cmpi sle, %scan3A_44, %le3A : i32
        %convert_element_type3A_165 = arith.extui %le3A_164 : i1 to i32
        %cond3A_166 = arith.constant 0 : i32
        %cond3A_167 = arith.cmpi ne, %convert_element_type3A_165, %cond3A_166 : i32
        scf.if %cond3A_167 {
          %add3A_198 = arith.addi %add3A_15, %add3A_131 : i32
          %add3A_199 = arith.constant 2 : i32
          %add3A_200 = arith.addi %add3A_198, %add3A_199 : i32
          "tpu.region"() ({
            %run_scoped3A = tpu.sem_alloc : memref<!tpu.dma_semaphore, #tpu.memory_space<semaphore_mem>>
            %dma_start3A_204 = arith.constant 0 : i32
            %dma_start3A_205 = tpu.memref_slice %arg3[%add3A_200, %dma_start3A_204] : memref<2560x128xi32, #tpu.memory_space<hbm>> -> memref<1x128xi32, #tpu.memory_space<hbm>>
            %dma_start3A_206 = tpu.memref_squeeze %dma_start3A_205 : memref<1x128xi32, #tpu.memory_space<hbm>> -> memref<128xi32, #tpu.memory_space<hbm>>
            %dma_start3A_207 = arith.constant 0 : i32
            %dma_start3A_208 = tpu.memref_slice %arg3[%add3A_200, %dma_start3A_207] : memref<2560x128xi32, #tpu.memory_space<hbm>> -> memref<1x128xi32, #tpu.memory_space<hbm>>
            %dma_start3A_209 = tpu.memref_squeeze %dma_start3A_208 : memref<1x128xi32, #tpu.memory_space<hbm>> -> memref<128xi32, #tpu.memory_space<hbm>>
            tpu.enqueue_dma source(%dma_start3A_209 : memref<128xi32, #tpu.memory_space<hbm>>) target(%arg7 : memref<128xi32, #tpu.memory_space<vmem>>) target_semaphore(%run_scoped3A : memref<!tpu.dma_semaphore, #tpu.memory_space<semaphore_mem>>)
            %dma_wait3A_210 = arith.constant 0 : i32
            %dma_wait3A_211 = tpu.memref_slice %arg3[%add3A_200, %dma_wait3A_210] : memref<2560x128xi32, #tpu.memory_space<hbm>> -> memref<1x128xi32, #tpu.memory_space<hbm>>
            %dma_wait3A_212 = tpu.memref_squeeze %dma_wait3A_211 : memref<1x128xi32, #tpu.memory_space<hbm>> -> memref<128xi32, #tpu.memory_space<hbm>>
            %dma_wait3A_213 = arith.constant 0 : i32
            %dma_wait3A_214 = tpu.memref_slice %arg3[%add3A_200, %dma_wait3A_213] : memref<2560x128xi32, #tpu.memory_space<hbm>> -> memref<1x128xi32, #tpu.memory_space<hbm>>
            %dma_wait3A_215 = tpu.memref_squeeze %dma_wait3A_214 : memref<1x128xi32, #tpu.memory_space<hbm>> -> memref<128xi32, #tpu.memory_space<hbm>>
            tpu.wait_dma2 semaphore(%run_scoped3A : memref<!tpu.dma_semaphore, #tpu.memory_space<semaphore_mem>>) src(%dma_wait3A_215 : memref<128xi32, #tpu.memory_space<hbm>>) dst(%arg7 : memref<128xi32, #tpu.memory_space<vmem>>)
            tpu.yield
          }) : () -> ()
          %add3A_201 = arith.addi %add3A_15, %add3A_131 : i32
          %add3A_202 = arith.constant 2 : i32
          %add3A_203 = arith.addi %add3A_201, %add3A_202 : i32
          "tpu.region"() ({
            %run_scoped3A = tpu.sem_alloc : memref<!tpu.dma_semaphore, #tpu.memory_space<semaphore_mem>>
            %dma_start3A_204 = arith.constant 0 : i32
            %dma_start3A_205 = tpu.memref_slice %arg4[%add3A_203, %dma_start3A_204] : memref<2560x128xi32, #tpu.memory_space<hbm>> -> memref<1x128xi32, #tpu.memory_space<hbm>>
            %dma_start3A_206 = tpu.memref_squeeze %dma_start3A_205 : memref<1x128xi32, #tpu.memory_space<hbm>> -> memref<128xi32, #tpu.memory_space<hbm>>
            %dma_start3A_207 = arith.constant 0 : i32
            %dma_start3A_208 = tpu.memref_slice %arg4[%add3A_203, %dma_start3A_207] : memref<2560x128xi32, #tpu.memory_space<hbm>> -> memref<1x128xi32, #tpu.memory_space<hbm>>
            %dma_start3A_209 = tpu.memref_squeeze %dma_start3A_208 : memref<1x128xi32, #tpu.memory_space<hbm>> -> memref<128xi32, #tpu.memory_space<hbm>>
            tpu.enqueue_dma source(%dma_start3A_209 : memref<128xi32, #tpu.memory_space<hbm>>) target(%arg8 : memref<128xi32, #tpu.memory_space<vmem>>) target_semaphore(%run_scoped3A : memref<!tpu.dma_semaphore, #tpu.memory_space<semaphore_mem>>)
            %dma_wait3A_210 = arith.constant 0 : i32
            %dma_wait3A_211 = tpu.memref_slice %arg4[%add3A_203, %dma_wait3A_210] : memref<2560x128xi32, #tpu.memory_space<hbm>> -> memref<1x128xi32, #tpu.memory_space<hbm>>
            %dma_wait3A_212 = tpu.memref_squeeze %dma_wait3A_211 : memref<1x128xi32, #tpu.memory_space<hbm>> -> memref<128xi32, #tpu.memory_space<hbm>>
            %dma_wait3A_213 = arith.constant 0 : i32
            %dma_wait3A_214 = tpu.memref_slice %arg4[%add3A_203, %dma_wait3A_213] : memref<2560x128xi32, #tpu.memory_space<hbm>> -> memref<1x128xi32, #tpu.memory_space<hbm>>
            %dma_wait3A_215 = tpu.memref_squeeze %dma_wait3A_214 : memref<1x128xi32, #tpu.memory_space<hbm>> -> memref<128xi32, #tpu.memory_space<hbm>>
            tpu.wait_dma2 semaphore(%run_scoped3A : memref<!tpu.dma_semaphore, #tpu.memory_space<semaphore_mem>>) src(%dma_wait3A_215 : memref<128xi32, #tpu.memory_space<hbm>>) dst(%arg8 : memref<128xi32, #tpu.memory_space<vmem>>)
            tpu.yield
          }) : () -> ()
        } else {
        }
        "tpu.region"() ({
          %run_scoped3A = tpu.sem_alloc : memref<!tpu.dma_semaphore, #tpu.memory_space<semaphore_mem>>
          %dma_start3A_198 = arith.constant 0 : i32
          %dma_start3A_199 = arith.constant 0 : i32
          %dma_start3A_200 = tpu.memref_slice %arg17[%dma_start3A_198, %dma_start3A_199] : memref<10240x128xf32, #tpu.memory_space<vmem_shared>> -> memref<10240x128xf32, #tpu.memory_space<vmem_shared>>
          tpu.enqueue_indirect_dma source(%arg15 : memref<128x128xf32, #tpu.memory_space<vmem>>) target(%dma_start3A_200 : memref<10240x128xf32, #tpu.memory_space<vmem_shared>>) offsets(%arg12 : memref<128xi32, #tpu.memory_space<vmem>>) semaphore(%run_scoped3A : memref<!tpu.dma_semaphore, #tpu.memory_space<semaphore_mem>>) {add = true}
          %dma_wait3A_201 = arith.constant 0 : i32
          %dma_wait3A_202 = arith.constant 0 : i32
          %dma_wait3A_203 = tpu.memref_slice %arg17[%dma_wait3A_201, %dma_wait3A_202] : memref<10240x128xf32, #tpu.memory_space<vmem_shared>> -> memref<10240x128xf32, #tpu.memory_space<vmem_shared>>
          tpu.wait_indirect_dma semaphore(%run_scoped3A : memref<!tpu.dma_semaphore, #tpu.memory_space<semaphore_mem>>) src(%arg15 : memref<128x128xf32, #tpu.memory_space<vmem>>) dst(%dma_wait3A_203 : memref<10240x128xf32, #tpu.memory_space<vmem_shared>>)
          tpu.yield
        }) : () -> ()
        %mul3A_168 = arith.constant 4 : i32
        %mul3A_169 = arith.muli %mul3A_168, %scan3A_44 : i32
        %add3A_170 = arith.constant 3 : i32
        %add3A_171 = arith.addi %mul3A_169, %add3A_170 : i32
        %dma_wait3A_172 = arith.constant 0 : i32
        %dma_wait3A_173 = arith.constant 0 : i32
        %dma_wait3A_174 = tpu.memref_slice %arg16[%dma_wait3A_172, %dma_wait3A_173] : memref<128x128xf32, #tpu.memory_space<vmem>> -> memref<64x128xf32, #tpu.memory_space<vmem>>
        %dma_wait3A_175 = arith.constant 0 : i32
        %dma_wait3A_176 = tpu.memref_slice %arg13[%dma_wait3A_175] : memref<128xi32, #tpu.memory_space<vmem>> -> memref<64xi32, #tpu.memory_space<vmem>>
        %dma_wait3A_177 = arith.constant 0 : i32
        %dma_wait3A_178 = arith.constant 0 : i32
        %dma_wait3A_179 = tpu.memref_slice %arg2[%dma_wait3A_177, %dma_wait3A_178] : memref<10240x128xf32, #tpu.memory_space<hbm>> -> memref<10240x128xf32, #tpu.memory_space<hbm>>
        tpu.wait_indirect_dma semaphore(%arg19 : memref<!tpu.dma_semaphore, #tpu.memory_space<semaphore_mem>>) src(%dma_wait3A_179 : memref<10240x128xf32, #tpu.memory_space<hbm>>) dst(%dma_wait3A_174 : memref<64x128xf32, #tpu.memory_space<vmem>>)
        %dma_wait3A_180 = arith.constant 64 : i32
        %dma_wait3A_181 = arith.constant 0 : i32
        %dma_wait3A_182 = tpu.memref_slice %arg16[%dma_wait3A_180, %dma_wait3A_181] : memref<128x128xf32, #tpu.memory_space<vmem>> -> memref<64x128xf32, #tpu.memory_space<vmem>>
        %dma_wait3A_183 = arith.constant 64 : i32
        %dma_wait3A_184 = tpu.memref_slice %arg13[%dma_wait3A_183] : memref<128xi32, #tpu.memory_space<vmem>> -> memref<64xi32, #tpu.memory_space<vmem>>
        %dma_wait3A_185 = arith.constant 0 : i32
        %dma_wait3A_186 = arith.constant 0 : i32
        %dma_wait3A_187 = tpu.memref_slice %arg2[%dma_wait3A_185, %dma_wait3A_186] : memref<10240x128xf32, #tpu.memory_space<hbm>> -> memref<10240x128xf32, #tpu.memory_space<hbm>>
        tpu.wait_indirect_dma semaphore(%arg21 : memref<!tpu.dma_semaphore, #tpu.memory_space<semaphore_mem>>) src(%dma_wait3A_187 : memref<10240x128xf32, #tpu.memory_space<hbm>>) dst(%dma_wait3A_182 : memref<64x128xf32, #tpu.memory_space<vmem>>)
        %le3A_188 = arith.constant 0 : i32
        %le3A_189 = arith.cmpi sle, %scan3A_44, %le3A_188 : i32
        %convert_element_type3A_190 = arith.extui %le3A_189 : i1 to i32
        %cond3A_191 = arith.constant 0 : i32
        %cond3A_192 = arith.cmpi ne, %convert_element_type3A_190, %cond3A_191 : i32
        scf.if %cond3A_192 {
          %dma_start3A_198 = arith.constant 0 : i32
          %dma_start3A_199 = arith.constant 0 : i32
          %dma_start3A_200 = tpu.memref_slice %arg15[%dma_start3A_198, %dma_start3A_199] : memref<128x128xf32, #tpu.memory_space<vmem>> -> memref<64x128xf32, #tpu.memory_space<vmem>>
          %dma_start3A_201 = arith.constant 0 : i32
          %dma_start3A_202 = tpu.memref_slice %arg7[%dma_start3A_201] : memref<128xi32, #tpu.memory_space<vmem>> -> memref<64xi32, #tpu.memory_space<vmem>>
          %dma_start3A_203 = arith.constant 0 : i32
          %dma_start3A_204 = arith.constant 0 : i32
          %dma_start3A_205 = tpu.memref_slice %arg2[%dma_start3A_203, %dma_start3A_204] : memref<10240x128xf32, #tpu.memory_space<hbm>> -> memref<10240x128xf32, #tpu.memory_space<hbm>>
          tpu.enqueue_indirect_dma source(%dma_start3A_205 : memref<10240x128xf32, #tpu.memory_space<hbm>>) target(%dma_start3A_200 : memref<64x128xf32, #tpu.memory_space<vmem>>) offsets(%dma_start3A_202 : memref<64xi32, #tpu.memory_space<vmem>>) semaphore(%arg18 : memref<!tpu.dma_semaphore, #tpu.memory_space<semaphore_mem>>)
          %dma_start3A_206 = arith.constant 64 : i32
          %dma_start3A_207 = arith.constant 0 : i32
          %dma_start3A_208 = tpu.memref_slice %arg15[%dma_start3A_206, %dma_start3A_207] : memref<128x128xf32, #tpu.memory_space<vmem>> -> memref<64x128xf32, #tpu.memory_space<vmem>>
          %dma_start3A_209 = arith.constant 64 : i32
          %dma_start3A_210 = tpu.memref_slice %arg7[%dma_start3A_209] : memref<128xi32, #tpu.memory_space<vmem>> -> memref<64xi32, #tpu.memory_space<vmem>>
          %dma_start3A_211 = arith.constant 0 : i32
          %dma_start3A_212 = arith.constant 0 : i32
          %dma_start3A_213 = tpu.memref_slice %arg2[%dma_start3A_211, %dma_start3A_212] : memref<10240x128xf32, #tpu.memory_space<hbm>> -> memref<10240x128xf32, #tpu.memory_space<hbm>>
          tpu.enqueue_indirect_dma source(%dma_start3A_213 : memref<10240x128xf32, #tpu.memory_space<hbm>>) target(%dma_start3A_208 : memref<64x128xf32, #tpu.memory_space<vmem>>) offsets(%dma_start3A_210 : memref<64xi32, #tpu.memory_space<vmem>>) semaphore(%arg20 : memref<!tpu.dma_semaphore, #tpu.memory_space<semaphore_mem>>)
        } else {
        }
        %le3A_193 = arith.constant 0 : i32
        %le3A_194 = arith.cmpi sle, %scan3A_44, %le3A_193 : i32
        %convert_element_type3A_195 = arith.extui %le3A_194 : i1 to i32
        %cond3A_196 = arith.constant 0 : i32
        %cond3A_197 = arith.cmpi ne, %convert_element_type3A_195, %cond3A_196 : i32
        scf.if %cond3A_197 {
          %add3A_198 = arith.addi %add3A_15, %add3A_171 : i32
          %add3A_199 = arith.constant 2 : i32
          %add3A_200 = arith.addi %add3A_198, %add3A_199 : i32
          "tpu.region"() ({
            %run_scoped3A = tpu.sem_alloc : memref<!tpu.dma_semaphore, #tpu.memory_space<semaphore_mem>>
            %dma_start3A_204 = arith.constant 0 : i32
            %dma_start3A_205 = tpu.memref_slice %arg3[%add3A_200, %dma_start3A_204] : memref<2560x128xi32, #tpu.memory_space<hbm>> -> memref<1x128xi32, #tpu.memory_space<hbm>>
            %dma_start3A_206 = tpu.memref_squeeze %dma_start3A_205 : memref<1x128xi32, #tpu.memory_space<hbm>> -> memref<128xi32, #tpu.memory_space<hbm>>
            %dma_start3A_207 = arith.constant 0 : i32
            %dma_start3A_208 = tpu.memref_slice %arg3[%add3A_200, %dma_start3A_207] : memref<2560x128xi32, #tpu.memory_space<hbm>> -> memref<1x128xi32, #tpu.memory_space<hbm>>
            %dma_start3A_209 = tpu.memref_squeeze %dma_start3A_208 : memref<1x128xi32, #tpu.memory_space<hbm>> -> memref<128xi32, #tpu.memory_space<hbm>>
            tpu.enqueue_dma source(%dma_start3A_209 : memref<128xi32, #tpu.memory_space<hbm>>) target(%arg9 : memref<128xi32, #tpu.memory_space<vmem>>) target_semaphore(%run_scoped3A : memref<!tpu.dma_semaphore, #tpu.memory_space<semaphore_mem>>)
            %dma_wait3A_210 = arith.constant 0 : i32
            %dma_wait3A_211 = tpu.memref_slice %arg3[%add3A_200, %dma_wait3A_210] : memref<2560x128xi32, #tpu.memory_space<hbm>> -> memref<1x128xi32, #tpu.memory_space<hbm>>
            %dma_wait3A_212 = tpu.memref_squeeze %dma_wait3A_211 : memref<1x128xi32, #tpu.memory_space<hbm>> -> memref<128xi32, #tpu.memory_space<hbm>>
            %dma_wait3A_213 = arith.constant 0 : i32
            %dma_wait3A_214 = tpu.memref_slice %arg3[%add3A_200, %dma_wait3A_213] : memref<2560x128xi32, #tpu.memory_space<hbm>> -> memref<1x128xi32, #tpu.memory_space<hbm>>
            %dma_wait3A_215 = tpu.memref_squeeze %dma_wait3A_214 : memref<1x128xi32, #tpu.memory_space<hbm>> -> memref<128xi32, #tpu.memory_space<hbm>>
            tpu.wait_dma2 semaphore(%run_scoped3A : memref<!tpu.dma_semaphore, #tpu.memory_space<semaphore_mem>>) src(%dma_wait3A_215 : memref<128xi32, #tpu.memory_space<hbm>>) dst(%arg9 : memref<128xi32, #tpu.memory_space<vmem>>)
            tpu.yield
          }) : () -> ()
          %add3A_201 = arith.addi %add3A_15, %add3A_171 : i32
          %add3A_202 = arith.constant 2 : i32
          %add3A_203 = arith.addi %add3A_201, %add3A_202 : i32
          "tpu.region"() ({
            %run_scoped3A = tpu.sem_alloc : memref<!tpu.dma_semaphore, #tpu.memory_space<semaphore_mem>>
            %dma_start3A_204 = arith.constant 0 : i32
            %dma_start3A_205 = tpu.memref_slice %arg4[%add3A_203, %dma_start3A_204] : memref<2560x128xi32, #tpu.memory_space<hbm>> -> memref<1x128xi32, #tpu.memory_space<hbm>>
            %dma_start3A_206 = tpu.memref_squeeze %dma_start3A_205 : memref<1x128xi32, #tpu.memory_space<hbm>> -> memref<128xi32, #tpu.memory_space<hbm>>
            %dma_start3A_207 = arith.constant 0 : i32
            %dma_start3A_208 = tpu.memref_slice %arg4[%add3A_203, %dma_start3A_207] : memref<2560x128xi32, #tpu.memory_space<hbm>> -> memref<1x128xi32, #tpu.memory_space<hbm>>
            %dma_start3A_209 = tpu.memref_squeeze %dma_start3A_208 : memref<1x128xi32, #tpu.memory_space<hbm>> -> memref<128xi32, #tpu.memory_space<hbm>>
            tpu.enqueue_dma source(%dma_start3A_209 : memref<128xi32, #tpu.memory_space<hbm>>) target(%arg10 : memref<128xi32, #tpu.memory_space<vmem>>) target_semaphore(%run_scoped3A : memref<!tpu.dma_semaphore, #tpu.memory_space<semaphore_mem>>)
            %dma_wait3A_210 = arith.constant 0 : i32
            %dma_wait3A_211 = tpu.memref_slice %arg4[%add3A_203, %dma_wait3A_210] : memref<2560x128xi32, #tpu.memory_space<hbm>> -> memref<1x128xi32, #tpu.memory_space<hbm>>
            %dma_wait3A_212 = tpu.memref_squeeze %dma_wait3A_211 : memref<1x128xi32, #tpu.memory_space<hbm>> -> memref<128xi32, #tpu.memory_space<hbm>>
            %dma_wait3A_213 = arith.constant 0 : i32
            %dma_wait3A_214 = tpu.memref_slice %arg4[%add3A_203, %dma_wait3A_213] : memref<2560x128xi32, #tpu.memory_space<hbm>> -> memref<1x128xi32, #tpu.memory_space<hbm>>
            %dma_wait3A_215 = tpu.memref_squeeze %dma_wait3A_214 : memref<1x128xi32, #tpu.memory_space<hbm>> -> memref<128xi32, #tpu.memory_space<hbm>>
            tpu.wait_dma2 semaphore(%run_scoped3A : memref<!tpu.dma_semaphore, #tpu.memory_space<semaphore_mem>>) src(%dma_wait3A_215 : memref<128xi32, #tpu.memory_space<hbm>>) dst(%arg10 : memref<128xi32, #tpu.memory_space<vmem>>)
            tpu.yield
          }) : () -> ()
        } else {
        }
        "tpu.region"() ({
          %run_scoped3A = tpu.sem_alloc : memref<!tpu.dma_semaphore, #tpu.memory_space<semaphore_mem>>
          %dma_start3A_198 = arith.constant 0 : i32
          %dma_start3A_199 = arith.constant 0 : i32
          %dma_start3A_200 = tpu.memref_slice %arg17[%dma_start3A_198, %dma_start3A_199] : memref<10240x128xf32, #tpu.memory_space<vmem_shared>> -> memref<10240x128xf32, #tpu.memory_space<vmem_shared>>
          tpu.enqueue_indirect_dma source(%arg16 : memref<128x128xf32, #tpu.memory_space<vmem>>) target(%dma_start3A_200 : memref<10240x128xf32, #tpu.memory_space<vmem_shared>>) offsets(%arg14 : memref<128xi32, #tpu.memory_space<vmem>>) semaphore(%run_scoped3A : memref<!tpu.dma_semaphore, #tpu.memory_space<semaphore_mem>>) {add = true}
          %dma_wait3A_201 = arith.constant 0 : i32
          %dma_wait3A_202 = arith.constant 0 : i32
          %dma_wait3A_203 = tpu.memref_slice %arg17[%dma_wait3A_201, %dma_wait3A_202] : memref<10240x128xf32, #tpu.memory_space<vmem_shared>> -> memref<10240x128xf32, #tpu.memory_space<vmem_shared>>
          tpu.wait_indirect_dma semaphore(%run_scoped3A : memref<!tpu.dma_semaphore, #tpu.memory_space<semaphore_mem>>) src(%arg16 : memref<128x128xf32, #tpu.memory_space<vmem>>) dst(%dma_wait3A_203 : memref<10240x128xf32, #tpu.memory_space<vmem_shared>>)
          tpu.yield
        }) : () -> ()
      }
      %scan3A_43 = arith.constant 2 : i32
    } else {
    }
    %barrier3A_8 = arith.constant 0 : index
    tpu.barrier barrier_id(%barrier3A_8)
    %mul3A_9 = arith.constant 640 : i32
    %mul3A_10 = arith.muli %arg1, %mul3A_9 : i32
    %mul3A_11 = arith.constant 640 : i32
    %mul3A_12 = arith.muli %arg1, %mul3A_11 : i32
    "tpu.region"() ({
      %run_scoped3A = tpu.sem_alloc : memref<!tpu.dma_semaphore, #tpu.memory_space<semaphore_mem>>
      %dma_start3A = arith.constant 0 : i32
      %dma_start3A_13 = tpu.memref_slice %arg6[%arg0, %mul3A_12, %dma_start3A] : memref<2x10240x128xf32, #tpu.memory_space<hbm>> -> memref<1x640x128xf32, #tpu.memory_space<hbm>>
      %dma_start3A_14 = tpu.memref_squeeze %dma_start3A_13 : memref<1x640x128xf32, #tpu.memory_space<hbm>> -> memref<640x128xf32, #tpu.memory_space<hbm>>
      %dma_start3A_15 = arith.constant 0 : i32
      %dma_start3A_16 = tpu.memref_slice %arg17[%mul3A_10, %dma_start3A_15] : memref<10240x128xf32, #tpu.memory_space<vmem_shared>> -> memref<640x128xf32, #tpu.memory_space<vmem_shared>>
      tpu.enqueue_dma source(%dma_start3A_16 : memref<640x128xf32, #tpu.memory_space<vmem_shared>>) target(%dma_start3A_14 : memref<640x128xf32, #tpu.memory_space<hbm>>) target_semaphore(%run_scoped3A : memref<!tpu.dma_semaphore, #tpu.memory_space<semaphore_mem>>)
      %dma_wait3A = arith.constant 0 : i32
      %dma_wait3A_17 = tpu.memref_slice %arg6[%arg0, %mul3A_12, %dma_wait3A] : memref<2x10240x128xf32, #tpu.memory_space<hbm>> -> memref<1x640x128xf32, #tpu.memory_space<hbm>>
      %dma_wait3A_18 = tpu.memref_squeeze %dma_wait3A_17 : memref<1x640x128xf32, #tpu.memory_space<hbm>> -> memref<640x128xf32, #tpu.memory_space<hbm>>
      %dma_wait3A_19 = arith.constant 0 : i32
      %dma_wait3A_20 = tpu.memref_slice %arg17[%mul3A_10, %dma_wait3A_19] : memref<10240x128xf32, #tpu.memory_space<vmem_shared>> -> memref<640x128xf32, #tpu.memory_space<vmem_shared>>
      tpu.wait_dma2 semaphore(%run_scoped3A : memref<!tpu.dma_semaphore, #tpu.memory_space<semaphore_mem>>) src(%dma_wait3A_20 : memref<640x128xf32, #tpu.memory_space<vmem_shared>>) dst(%dma_wait3A_18 : memref<640x128xf32, #tpu.memory_space<hbm>>)
      tpu.yield
    }) : () -> ()
    return
  }
}

#map = affine_map<(d0, d1) -> (0, 0)>
#map1 = affine_map<(d0, d1) -> (0, 0, 0)>
module attributes {stable_mosaic.version = 14 : i64} {
  func.func @_edge_body(%arg0: i32, %arg1: i32, %arg2: memref<10240x128xf32, #tpu.memory_space<hbm>>, %arg3: memref<2560x128xi32, #tpu.memory_space<hbm>>, %arg4: memref<2560x128xi32, #tpu.memory_space<hbm>>, %arg5: memref<640x128xf32, #tpu.memory_space<hbm>>, %arg6: memref<2x10240x128xf32, #tpu.memory_space<hbm>>, %arg7: memref<128xi32, #tpu.memory_space<vmem>>, %arg8: memref<128xi32, #tpu.memory_space<vmem>>, %arg9: memref<128xi32, #tpu.memory_space<vmem>>, %arg10: memref<128xi32, #tpu.memory_space<vmem>>, %arg11: memref<128xi32, #tpu.memory_space<vmem>>, %arg12: memref<128xi32, #tpu.memory_space<vmem>>, %arg13: memref<128xi32, #tpu.memory_space<vmem>>, %arg14: memref<128xi32, #tpu.memory_space<vmem>>, %arg15: memref<128x128xf32, #tpu.memory_space<vmem>>, %arg16: memref<128x128xf32, #tpu.memory_space<vmem>>, %arg17: memref<10240x128xf32, #tpu.memory_space<vmem_shared>>, %arg18: memref<!tpu.dma_semaphore, #tpu.memory_space<semaphore_mem>>, %arg19: memref<!tpu.dma_semaphore, #tpu.memory_space<semaphore_mem>>, %arg20: memref<!tpu.dma_semaphore, #tpu.memory_space<semaphore_mem>>, %arg21: memref<!tpu.dma_semaphore, #tpu.memory_space<semaphore_mem>>) attributes {dimension_semantics = [#tpu.dimension_semantics<core_parallel>, #tpu.dimension_semantics<subcore_parallel>], iteration_bounds = array<i64: 2, 16>, scalar_prefetch = 0 : i64, scratch_operands = 15 : i64, tpu.core_type = #tpu.core_type<sc_vector_subcore>, window_params = [{transform_indices = #map}, {transform_indices = #map}, {transform_indices = #map}, {transform_indices = #map}, {transform_indices = #map1}]} {
    %mul3A = arith.constant 640 : i32
    %mul3A_0 = arith.muli %arg1, %mul3A : i32
    "tpu.region"() ({
      %run_scoped3A = tpu.sem_alloc : memref<!tpu.dma_semaphore, #tpu.memory_space<semaphore_mem>>
      %dma_start3A = arith.constant 0 : i32
      %dma_start3A_13 = tpu.memref_slice %arg17[%mul3A_0, %dma_start3A] : memref<10240x128xf32, #tpu.memory_space<vmem_shared>> -> memref<640x128xf32, #tpu.memory_space<vmem_shared>>
      tpu.enqueue_dma source(%arg5 : memref<640x128xf32, #tpu.memory_space<hbm>>) target(%dma_start3A_13 : memref<640x128xf32, #tpu.memory_space<vmem_shared>>) target_semaphore(%run_scoped3A : memref<!tpu.dma_semaphore, #tpu.memory_space<semaphore_mem>>)
      %dma_wait3A = arith.constant 0 : i32
      %dma_wait3A_14 = tpu.memref_slice %arg17[%mul3A_0, %dma_wait3A] : memref<10240x128xf32, #tpu.memory_space<vmem_shared>> -> memref<640x128xf32, #tpu.memory_space<vmem_shared>>
      tpu.wait_dma2 semaphore(%run_scoped3A : memref<!tpu.dma_semaphore, #tpu.memory_space<semaphore_mem>>) src(%arg5 : memref<640x128xf32, #tpu.memory_space<hbm>>) dst(%dma_wait3A_14 : memref<640x128xf32, #tpu.memory_space<vmem_shared>>)
      tpu.yield
    }) : () -> ()
    %barrier3A = arith.constant 0 : index
    tpu.barrier barrier_id(%barrier3A)
    %eq3A = arith.constant 0 : i32
    %eq3A_1 = arith.cmpi eq, %arg0, %eq3A : i32
    %convert_element_type3A = arith.extui %eq3A_1 : i1 to i32
    %cond3A = arith.constant 0 : i32
    %cond3A_2 = arith.cmpi ne, %convert_element_type3A, %cond3A : i32
    scf.if %cond3A_2 {
      %mul3A_13 = arith.constant 152 : i32
      %mul3A_14 = arith.muli %arg1, %mul3A_13 : i32
      %add3A = arith.constant 0 : i32
      %add3A_15 = arith.addi %mul3A_14, %add3A : i32
      "tpu.region"() ({
        %run_scoped3A = tpu.sem_alloc : memref<!tpu.dma_semaphore, #tpu.memory_space<semaphore_mem>>
        %dma_start3A_42 = arith.constant 0 : i32
        %dma_start3A_43 = tpu.memref_slice %arg3[%add3A_15, %dma_start3A_42] : memref<2560x128xi32, #tpu.memory_space<hbm>> -> memref<1x128xi32, #tpu.memory_space<hbm>>
        %dma_start3A_44 = tpu.memref_squeeze %dma_start3A_43 : memref<1x128xi32, #tpu.memory_space<hbm>> -> memref<128xi32, #tpu.memory_space<hbm>>
        %dma_start3A_45 = arith.constant 0 : i32
        %dma_start3A_46 = tpu.memref_slice %arg3[%add3A_15, %dma_start3A_45] : memref<2560x128xi32, #tpu.memory_space<hbm>> -> memref<1x128xi32, #tpu.memory_space<hbm>>
        %dma_start3A_47 = tpu.memref_squeeze %dma_start3A_46 : memref<1x128xi32, #tpu.memory_space<hbm>> -> memref<128xi32, #tpu.memory_space<hbm>>
        tpu.enqueue_dma source(%dma_start3A_47 : memref<128xi32, #tpu.memory_space<hbm>>) target(%arg7 : memref<128xi32, #tpu.memory_space<vmem>>) target_semaphore(%run_scoped3A : memref<!tpu.dma_semaphore, #tpu.memory_space<semaphore_mem>>)
        %dma_wait3A = arith.constant 0 : i32
        %dma_wait3A_48 = tpu.memref_slice %arg3[%add3A_15, %dma_wait3A] : memref<2560x128xi32, #tpu.memory_space<hbm>> -> memref<1x128xi32, #tpu.memory_space<hbm>>
        %dma_wait3A_49 = tpu.memref_squeeze %dma_wait3A_48 : memref<1x128xi32, #tpu.memory_space<hbm>> -> memref<128xi32, #tpu.memory_space<hbm>>
        %dma_wait3A_50 = arith.constant 0 : i32
        %dma_wait3A_51 = tpu.memref_slice %arg3[%add3A_15, %dma_wait3A_50] : memref<2560x128xi32, #tpu.memory_space<hbm>> -> memref<1x128xi32, #tpu.memory_space<hbm>>
        %dma_wait3A_52 = tpu.memref_squeeze %dma_wait3A_51 : memref<1x128xi32, #tpu.memory_space<hbm>> -> memref<128xi32, #tpu.memory_space<hbm>>
        tpu.wait_dma2 semaphore(%run_scoped3A : memref<!tpu.dma_semaphore, #tpu.memory_space<semaphore_mem>>) src(%dma_wait3A_52 : memref<128xi32, #tpu.memory_space<hbm>>) dst(%arg7 : memref<128xi32, #tpu.memory_space<vmem>>)
        tpu.yield
      }) : () -> ()
      %add3A_16 = arith.constant 0 : i32
      %add3A_17 = arith.addi %mul3A_14, %add3A_16 : i32
      "tpu.region"() ({
        %run_scoped3A = tpu.sem_alloc : memref<!tpu.dma_semaphore, #tpu.memory_space<semaphore_mem>>
        %dma_start3A_42 = arith.constant 0 : i32
        %dma_start3A_43 = tpu.memref_slice %arg4[%add3A_17, %dma_start3A_42] : memref<2560x128xi32, #tpu.memory_space<hbm>> -> memref<1x128xi32, #tpu.memory_space<hbm>>
        %dma_start3A_44 = tpu.memref_squeeze %dma_start3A_43 : memref<1x128xi32, #tpu.memory_space<hbm>> -> memref<128xi32, #tpu.memory_space<hbm>>
        %dma_start3A_45 = arith.constant 0 : i32
        %dma_start3A_46 = tpu.memref_slice %arg4[%add3A_17, %dma_start3A_45] : memref<2560x128xi32, #tpu.memory_space<hbm>> -> memref<1x128xi32, #tpu.memory_space<hbm>>
        %dma_start3A_47 = tpu.memref_squeeze %dma_start3A_46 : memref<1x128xi32, #tpu.memory_space<hbm>> -> memref<128xi32, #tpu.memory_space<hbm>>
        tpu.enqueue_dma source(%dma_start3A_47 : memref<128xi32, #tpu.memory_space<hbm>>) target(%arg8 : memref<128xi32, #tpu.memory_space<vmem>>) target_semaphore(%run_scoped3A : memref<!tpu.dma_semaphore, #tpu.memory_space<semaphore_mem>>)
        %dma_wait3A = arith.constant 0 : i32
        %dma_wait3A_48 = tpu.memref_slice %arg4[%add3A_17, %dma_wait3A] : memref<2560x128xi32, #tpu.memory_space<hbm>> -> memref<1x128xi32, #tpu.memory_space<hbm>>
        %dma_wait3A_49 = tpu.memref_squeeze %dma_wait3A_48 : memref<1x128xi32, #tpu.memory_space<hbm>> -> memref<128xi32, #tpu.memory_space<hbm>>
        %dma_wait3A_50 = arith.constant 0 : i32
        %dma_wait3A_51 = tpu.memref_slice %arg4[%add3A_17, %dma_wait3A_50] : memref<2560x128xi32, #tpu.memory_space<hbm>> -> memref<1x128xi32, #tpu.memory_space<hbm>>
        %dma_wait3A_52 = tpu.memref_squeeze %dma_wait3A_51 : memref<1x128xi32, #tpu.memory_space<hbm>> -> memref<128xi32, #tpu.memory_space<hbm>>
        tpu.wait_dma2 semaphore(%run_scoped3A : memref<!tpu.dma_semaphore, #tpu.memory_space<semaphore_mem>>) src(%dma_wait3A_52 : memref<128xi32, #tpu.memory_space<hbm>>) dst(%arg8 : memref<128xi32, #tpu.memory_space<vmem>>)
        tpu.yield
      }) : () -> ()
      %add3A_18 = arith.constant 1 : i32
      %add3A_19 = arith.addi %mul3A_14, %add3A_18 : i32
      "tpu.region"() ({
        %run_scoped3A = tpu.sem_alloc : memref<!tpu.dma_semaphore, #tpu.memory_space<semaphore_mem>>
        %dma_start3A_42 = arith.constant 0 : i32
        %dma_start3A_43 = tpu.memref_slice %arg3[%add3A_19, %dma_start3A_42] : memref<2560x128xi32, #tpu.memory_space<hbm>> -> memref<1x128xi32, #tpu.memory_space<hbm>>
        %dma_start3A_44 = tpu.memref_squeeze %dma_start3A_43 : memref<1x128xi32, #tpu.memory_space<hbm>> -> memref<128xi32, #tpu.memory_space<hbm>>
        %dma_start3A_45 = arith.constant 0 : i32
        %dma_start3A_46 = tpu.memref_slice %arg3[%add3A_19, %dma_start3A_45] : memref<2560x128xi32, #tpu.memory_space<hbm>> -> memref<1x128xi32, #tpu.memory_space<hbm>>
        %dma_start3A_47 = tpu.memref_squeeze %dma_start3A_46 : memref<1x128xi32, #tpu.memory_space<hbm>> -> memref<128xi32, #tpu.memory_space<hbm>>
        tpu.enqueue_dma source(%dma_start3A_47 : memref<128xi32, #tpu.memory_space<hbm>>) target(%arg9 : memref<128xi32, #tpu.memory_space<vmem>>) target_semaphore(%run_scoped3A : memref<!tpu.dma_semaphore, #tpu.memory_space<semaphore_mem>>)
        %dma_wait3A = arith.constant 0 : i32
        %dma_wait3A_48 = tpu.memref_slice %arg3[%add3A_19, %dma_wait3A] : memref<2560x128xi32, #tpu.memory_space<hbm>> -> memref<1x128xi32, #tpu.memory_space<hbm>>
        %dma_wait3A_49 = tpu.memref_squeeze %dma_wait3A_48 : memref<1x128xi32, #tpu.memory_space<hbm>> -> memref<128xi32, #tpu.memory_space<hbm>>
        %dma_wait3A_50 = arith.constant 0 : i32
        %dma_wait3A_51 = tpu.memref_slice %arg3[%add3A_19, %dma_wait3A_50] : memref<2560x128xi32, #tpu.memory_space<hbm>> -> memref<1x128xi32, #tpu.memory_space<hbm>>
        %dma_wait3A_52 = tpu.memref_squeeze %dma_wait3A_51 : memref<1x128xi32, #tpu.memory_space<hbm>> -> memref<128xi32, #tpu.memory_space<hbm>>
        tpu.wait_dma2 semaphore(%run_scoped3A : memref<!tpu.dma_semaphore, #tpu.memory_space<semaphore_mem>>) src(%dma_wait3A_52 : memref<128xi32, #tpu.memory_space<hbm>>) dst(%arg9 : memref<128xi32, #tpu.memory_space<vmem>>)
        tpu.yield
      }) : () -> ()
      %add3A_20 = arith.constant 1 : i32
      %add3A_21 = arith.addi %mul3A_14, %add3A_20 : i32
      "tpu.region"() ({
        %run_scoped3A = tpu.sem_alloc : memref<!tpu.dma_semaphore, #tpu.memory_space<semaphore_mem>>
        %dma_start3A_42 = arith.constant 0 : i32
        %dma_start3A_43 = tpu.memref_slice %arg4[%add3A_21, %dma_start3A_42] : memref<2560x128xi32, #tpu.memory_space<hbm>> -> memref<1x128xi32, #tpu.memory_space<hbm>>
        %dma_start3A_44 = tpu.memref_squeeze %dma_start3A_43 : memref<1x128xi32, #tpu.memory_space<hbm>> -> memref<128xi32, #tpu.memory_space<hbm>>
        %dma_start3A_45 = arith.constant 0 : i32
        %dma_start3A_46 = tpu.memref_slice %arg4[%add3A_21, %dma_start3A_45] : memref<2560x128xi32, #tpu.memory_space<hbm>> -> memref<1x128xi32, #tpu.memory_space<hbm>>
        %dma_start3A_47 = tpu.memref_squeeze %dma_start3A_46 : memref<1x128xi32, #tpu.memory_space<hbm>> -> memref<128xi32, #tpu.memory_space<hbm>>
        tpu.enqueue_dma source(%dma_start3A_47 : memref<128xi32, #tpu.memory_space<hbm>>) target(%arg10 : memref<128xi32, #tpu.memory_space<vmem>>) target_semaphore(%run_scoped3A : memref<!tpu.dma_semaphore, #tpu.memory_space<semaphore_mem>>)
        %dma_wait3A = arith.constant 0 : i32
        %dma_wait3A_48 = tpu.memref_slice %arg4[%add3A_21, %dma_wait3A] : memref<2560x128xi32, #tpu.memory_space<hbm>> -> memref<1x128xi32, #tpu.memory_space<hbm>>
        %dma_wait3A_49 = tpu.memref_squeeze %dma_wait3A_48 : memref<1x128xi32, #tpu.memory_space<hbm>> -> memref<128xi32, #tpu.memory_space<hbm>>
        %dma_wait3A_50 = arith.constant 0 : i32
        %dma_wait3A_51 = tpu.memref_slice %arg4[%add3A_21, %dma_wait3A_50] : memref<2560x128xi32, #tpu.memory_space<hbm>> -> memref<1x128xi32, #tpu.memory_space<hbm>>
        %dma_wait3A_52 = tpu.memref_squeeze %dma_wait3A_51 : memref<1x128xi32, #tpu.memory_space<hbm>> -> memref<128xi32, #tpu.memory_space<hbm>>
        tpu.wait_dma2 semaphore(%run_scoped3A : memref<!tpu.dma_semaphore, #tpu.memory_space<semaphore_mem>>) src(%dma_wait3A_52 : memref<128xi32, #tpu.memory_space<hbm>>) dst(%arg10 : memref<128xi32, #tpu.memory_space<vmem>>)
        tpu.yield
      }) : () -> ()
      %dma_start3A = arith.constant 0 : i32
      %dma_start3A_22 = arith.constant 0 : i32
      %dma_start3A_23 = tpu.memref_slice %arg15[%dma_start3A, %dma_start3A_22] : memref<128x128xf32, #tpu.memory_space<vmem>> -> memref<64x128xf32, #tpu.memory_space<vmem>>
      %dma_start3A_24 = arith.constant 0 : i32
      %dma_start3A_25 = tpu.memref_slice %arg7[%dma_start3A_24] : memref<128xi32, #tpu.memory_space<vmem>> -> memref<64xi32, #tpu.memory_space<vmem>>
      %dma_start3A_26 = arith.constant 0 : i32
      %dma_start3A_27 = arith.constant 0 : i32
      %dma_start3A_28 = tpu.memref_slice %arg2[%dma_start3A_26, %dma_start3A_27] : memref<10240x128xf32, #tpu.memory_space<hbm>> -> memref<10240x128xf32, #tpu.memory_space<hbm>>
      tpu.enqueue_indirect_dma source(%dma_start3A_28 : memref<10240x128xf32, #tpu.memory_space<hbm>>) target(%dma_start3A_23 : memref<64x128xf32, #tpu.memory_space<vmem>>) offsets(%dma_start3A_25 : memref<64xi32, #tpu.memory_space<vmem>>) semaphore(%arg18 : memref<!tpu.dma_semaphore, #tpu.memory_space<semaphore_mem>>)
      %dma_start3A_29 = arith.constant 64 : i32
      %dma_start3A_30 = arith.constant 0 : i32
      %dma_start3A_31 = tpu.memref_slice %arg15[%dma_start3A_29, %dma_start3A_30] : memref<128x128xf32, #tpu.memory_space<vmem>> -> memref<64x128xf32, #tpu.memory_space<vmem>>
      %dma_start3A_32 = arith.constant 64 : i32
      %dma_start3A_33 = tpu.memref_slice %arg7[%dma_start3A_32] : memref<128xi32, #tpu.memory_space<vmem>> -> memref<64xi32, #tpu.memory_space<vmem>>
      %dma_start3A_34 = arith.constant 0 : i32
      %dma_start3A_35 = arith.constant 0 : i32
      %dma_start3A_36 = tpu.memref_slice %arg2[%dma_start3A_34, %dma_start3A_35] : memref<10240x128xf32, #tpu.memory_space<hbm>> -> memref<10240x128xf32, #tpu.memory_space<hbm>>
      tpu.enqueue_indirect_dma source(%dma_start3A_36 : memref<10240x128xf32, #tpu.memory_space<hbm>>) target(%dma_start3A_31 : memref<64x128xf32, #tpu.memory_space<vmem>>) offsets(%dma_start3A_33 : memref<64xi32, #tpu.memory_space<vmem>>) semaphore(%arg20 : memref<!tpu.dma_semaphore, #tpu.memory_space<semaphore_mem>>)
      %scan3A = arith.constant 0 : i32
      %scan3A_37 = arith.constant 0 : i32
      %scan3A_38 = arith.constant 38 : i32
      %scan3A_39 = arith.addi %scan3A_37, %scan3A_38 : i32
      %scan3A_40 = arith.constant 1 : i32
      scf.for %scan3A_42 = %scan3A_37 to %scan3A_39 step %scan3A_40  : i32 {
        %mul3A_43 = arith.constant 4 : i32
        %mul3A_44 = arith.muli %mul3A_43, %scan3A_42 : i32
        %add3A_45 = arith.constant 0 : i32
        %add3A_46 = arith.addi %mul3A_44, %add3A_45 : i32
        %dma_wait3A = arith.constant 0 : i32
        %dma_wait3A_47 = arith.constant 0 : i32
        %dma_wait3A_48 = tpu.memref_slice %arg15[%dma_wait3A, %dma_wait3A_47] : memref<128x128xf32, #tpu.memory_space<vmem>> -> memref<64x128xf32, #tpu.memory_space<vmem>>
        %dma_wait3A_49 = arith.constant 0 : i32
        %dma_wait3A_50 = tpu.memref_slice %arg7[%dma_wait3A_49] : memref<128xi32, #tpu.memory_space<vmem>> -> memref<64xi32, #tpu.memory_space<vmem>>
        %dma_wait3A_51 = arith.constant 0 : i32
        %dma_wait3A_52 = arith.constant 0 : i32
        %dma_wait3A_53 = tpu.memref_slice %arg2[%dma_wait3A_51, %dma_wait3A_52] : memref<10240x128xf32, #tpu.memory_space<hbm>> -> memref<10240x128xf32, #tpu.memory_space<hbm>>
        tpu.wait_indirect_dma semaphore(%arg18 : memref<!tpu.dma_semaphore, #tpu.memory_space<semaphore_mem>>) src(%dma_wait3A_53 : memref<10240x128xf32, #tpu.memory_space<hbm>>) dst(%dma_wait3A_48 : memref<64x128xf32, #tpu.memory_space<vmem>>)
        %dma_wait3A_54 = arith.constant 64 : i32
        %dma_wait3A_55 = arith.constant 0 : i32
        %dma_wait3A_56 = tpu.memref_slice %arg15[%dma_wait3A_54, %dma_wait3A_55] : memref<128x128xf32, #tpu.memory_space<vmem>> -> memref<64x128xf32, #tpu.memory_space<vmem>>
        %dma_wait3A_57 = arith.constant 64 : i32
        %dma_wait3A_58 = tpu.memref_slice %arg7[%dma_wait3A_57] : memref<128xi32, #tpu.memory_space<vmem>> -> memref<64xi32, #tpu.memory_space<vmem>>
        %dma_wait3A_59 = arith.constant 0 : i32
        %dma_wait3A_60 = arith.constant 0 : i32
        %dma_wait3A_61 = tpu.memref_slice %arg2[%dma_wait3A_59, %dma_wait3A_60] : memref<10240x128xf32, #tpu.memory_space<hbm>> -> memref<10240x128xf32, #tpu.memory_space<hbm>>
        tpu.wait_indirect_dma semaphore(%arg20 : memref<!tpu.dma_semaphore, #tpu.memory_space<semaphore_mem>>) src(%dma_wait3A_61 : memref<10240x128xf32, #tpu.memory_space<hbm>>) dst(%dma_wait3A_56 : memref<64x128xf32, #tpu.memory_space<vmem>>)
        %dma_start3A_62 = arith.constant 0 : i32
        %dma_start3A_63 = arith.constant 0 : i32
        %dma_start3A_64 = tpu.memref_slice %arg16[%dma_start3A_62, %dma_start3A_63] : memref<128x128xf32, #tpu.memory_space<vmem>> -> memref<64x128xf32, #tpu.memory_space<vmem>>
        %dma_start3A_65 = arith.constant 0 : i32
        %dma_start3A_66 = tpu.memref_slice %arg9[%dma_start3A_65] : memref<128xi32, #tpu.memory_space<vmem>> -> memref<64xi32, #tpu.memory_space<vmem>>
        %dma_start3A_67 = arith.constant 0 : i32
        %dma_start3A_68 = arith.constant 0 : i32
        %dma_start3A_69 = tpu.memref_slice %arg2[%dma_start3A_67, %dma_start3A_68] : memref<10240x128xf32, #tpu.memory_space<hbm>> -> memref<10240x128xf32, #tpu.memory_space<hbm>>
        tpu.enqueue_indirect_dma source(%dma_start3A_69 : memref<10240x128xf32, #tpu.memory_space<hbm>>) target(%dma_start3A_64 : memref<64x128xf32, #tpu.memory_space<vmem>>) offsets(%dma_start3A_66 : memref<64xi32, #tpu.memory_space<vmem>>) semaphore(%arg19 : memref<!tpu.dma_semaphore, #tpu.memory_space<semaphore_mem>>)
        %dma_start3A_70 = arith.constant 64 : i32
        %dma_start3A_71 = arith.constant 0 : i32
        %dma_start3A_72 = tpu.memref_slice %arg16[%dma_start3A_70, %dma_start3A_71] : memref<128x128xf32, #tpu.memory_space<vmem>> -> memref<64x128xf32, #tpu.memory_space<vmem>>
        %dma_start3A_73 = arith.constant 64 : i32
        %dma_start3A_74 = tpu.memref_slice %arg9[%dma_start3A_73] : memref<128xi32, #tpu.memory_space<vmem>> -> memref<64xi32, #tpu.memory_space<vmem>>
        %dma_start3A_75 = arith.constant 0 : i32
        %dma_start3A_76 = arith.constant 0 : i32
        %dma_start3A_77 = tpu.memref_slice %arg2[%dma_start3A_75, %dma_start3A_76] : memref<10240x128xf32, #tpu.memory_space<hbm>> -> memref<10240x128xf32, #tpu.memory_space<hbm>>
        tpu.enqueue_indirect_dma source(%dma_start3A_77 : memref<10240x128xf32, #tpu.memory_space<hbm>>) target(%dma_start3A_72 : memref<64x128xf32, #tpu.memory_space<vmem>>) offsets(%dma_start3A_74 : memref<64xi32, #tpu.memory_space<vmem>>) semaphore(%arg21 : memref<!tpu.dma_semaphore, #tpu.memory_space<semaphore_mem>>)
        %add3A_78 = arith.addi %mul3A_14, %add3A_46 : i32
        %add3A_79 = arith.constant 2 : i32
        %add3A_80 = arith.addi %add3A_78, %add3A_79 : i32
        "tpu.region"() ({
          %run_scoped3A = tpu.sem_alloc : memref<!tpu.dma_semaphore, #tpu.memory_space<semaphore_mem>>
          %dma_start3A_196 = arith.constant 0 : i32
          %dma_start3A_197 = tpu.memref_slice %arg3[%add3A_80, %dma_start3A_196] : memref<2560x128xi32, #tpu.memory_space<hbm>> -> memref<1x128xi32, #tpu.memory_space<hbm>>
          %dma_start3A_198 = tpu.memref_squeeze %dma_start3A_197 : memref<1x128xi32, #tpu.memory_space<hbm>> -> memref<128xi32, #tpu.memory_space<hbm>>
          %dma_start3A_199 = arith.constant 0 : i32
          %dma_start3A_200 = tpu.memref_slice %arg3[%add3A_80, %dma_start3A_199] : memref<2560x128xi32, #tpu.memory_space<hbm>> -> memref<1x128xi32, #tpu.memory_space<hbm>>
          %dma_start3A_201 = tpu.memref_squeeze %dma_start3A_200 : memref<1x128xi32, #tpu.memory_space<hbm>> -> memref<128xi32, #tpu.memory_space<hbm>>
          tpu.enqueue_dma source(%dma_start3A_201 : memref<128xi32, #tpu.memory_space<hbm>>) target(%arg11 : memref<128xi32, #tpu.memory_space<vmem>>) target_semaphore(%run_scoped3A : memref<!tpu.dma_semaphore, #tpu.memory_space<semaphore_mem>>)
          %dma_wait3A_202 = arith.constant 0 : i32
          %dma_wait3A_203 = tpu.memref_slice %arg3[%add3A_80, %dma_wait3A_202] : memref<2560x128xi32, #tpu.memory_space<hbm>> -> memref<1x128xi32, #tpu.memory_space<hbm>>
          %dma_wait3A_204 = tpu.memref_squeeze %dma_wait3A_203 : memref<1x128xi32, #tpu.memory_space<hbm>> -> memref<128xi32, #tpu.memory_space<hbm>>
          %dma_wait3A_205 = arith.constant 0 : i32
          %dma_wait3A_206 = tpu.memref_slice %arg3[%add3A_80, %dma_wait3A_205] : memref<2560x128xi32, #tpu.memory_space<hbm>> -> memref<1x128xi32, #tpu.memory_space<hbm>>
          %dma_wait3A_207 = tpu.memref_squeeze %dma_wait3A_206 : memref<1x128xi32, #tpu.memory_space<hbm>> -> memref<128xi32, #tpu.memory_space<hbm>>
          tpu.wait_dma2 semaphore(%run_scoped3A : memref<!tpu.dma_semaphore, #tpu.memory_space<semaphore_mem>>) src(%dma_wait3A_207 : memref<128xi32, #tpu.memory_space<hbm>>) dst(%arg11 : memref<128xi32, #tpu.memory_space<vmem>>)
          tpu.yield
        }) : () -> ()
        %add3A_81 = arith.addi %mul3A_14, %add3A_46 : i32
        %add3A_82 = arith.constant 2 : i32
        %add3A_83 = arith.addi %add3A_81, %add3A_82 : i32
        "tpu.region"() ({
          %run_scoped3A = tpu.sem_alloc : memref<!tpu.dma_semaphore, #tpu.memory_space<semaphore_mem>>
          %dma_start3A_196 = arith.constant 0 : i32
          %dma_start3A_197 = tpu.memref_slice %arg4[%add3A_83, %dma_start3A_196] : memref<2560x128xi32, #tpu.memory_space<hbm>> -> memref<1x128xi32, #tpu.memory_space<hbm>>
          %dma_start3A_198 = tpu.memref_squeeze %dma_start3A_197 : memref<1x128xi32, #tpu.memory_space<hbm>> -> memref<128xi32, #tpu.memory_space<hbm>>
          %dma_start3A_199 = arith.constant 0 : i32
          %dma_start3A_200 = tpu.memref_slice %arg4[%add3A_83, %dma_start3A_199] : memref<2560x128xi32, #tpu.memory_space<hbm>> -> memref<1x128xi32, #tpu.memory_space<hbm>>
          %dma_start3A_201 = tpu.memref_squeeze %dma_start3A_200 : memref<1x128xi32, #tpu.memory_space<hbm>> -> memref<128xi32, #tpu.memory_space<hbm>>
          tpu.enqueue_dma source(%dma_start3A_201 : memref<128xi32, #tpu.memory_space<hbm>>) target(%arg12 : memref<128xi32, #tpu.memory_space<vmem>>) target_semaphore(%run_scoped3A : memref<!tpu.dma_semaphore, #tpu.memory_space<semaphore_mem>>)
          %dma_wait3A_202 = arith.constant 0 : i32
          %dma_wait3A_203 = tpu.memref_slice %arg4[%add3A_83, %dma_wait3A_202] : memref<2560x128xi32, #tpu.memory_space<hbm>> -> memref<1x128xi32, #tpu.memory_space<hbm>>
          %dma_wait3A_204 = tpu.memref_squeeze %dma_wait3A_203 : memref<1x128xi32, #tpu.memory_space<hbm>> -> memref<128xi32, #tpu.memory_space<hbm>>
          %dma_wait3A_205 = arith.constant 0 : i32
          %dma_wait3A_206 = tpu.memref_slice %arg4[%add3A_83, %dma_wait3A_205] : memref<2560x128xi32, #tpu.memory_space<hbm>> -> memref<1x128xi32, #tpu.memory_space<hbm>>
          %dma_wait3A_207 = tpu.memref_squeeze %dma_wait3A_206 : memref<1x128xi32, #tpu.memory_space<hbm>> -> memref<128xi32, #tpu.memory_space<hbm>>
          tpu.wait_dma2 semaphore(%run_scoped3A : memref<!tpu.dma_semaphore, #tpu.memory_space<semaphore_mem>>) src(%dma_wait3A_207 : memref<128xi32, #tpu.memory_space<hbm>>) dst(%arg12 : memref<128xi32, #tpu.memory_space<vmem>>)
          tpu.yield
        }) : () -> ()
        "tpu.region"() ({
          %run_scoped3A = tpu.sem_alloc : memref<!tpu.dma_semaphore, #tpu.memory_space<semaphore_mem>>
          %dma_start3A_196 = arith.constant 0 : i32
          %dma_start3A_197 = arith.constant 0 : i32
          %dma_start3A_198 = tpu.memref_slice %arg17[%dma_start3A_196, %dma_start3A_197] : memref<10240x128xf32, #tpu.memory_space<vmem_shared>> -> memref<10240x128xf32, #tpu.memory_space<vmem_shared>>
          tpu.enqueue_indirect_dma source(%arg15 : memref<128x128xf32, #tpu.memory_space<vmem>>) target(%dma_start3A_198 : memref<10240x128xf32, #tpu.memory_space<vmem_shared>>) offsets(%arg8 : memref<128xi32, #tpu.memory_space<vmem>>) semaphore(%run_scoped3A : memref<!tpu.dma_semaphore, #tpu.memory_space<semaphore_mem>>) {add = true}
          %dma_wait3A_199 = arith.constant 0 : i32
          %dma_wait3A_200 = arith.constant 0 : i32
          %dma_wait3A_201 = tpu.memref_slice %arg17[%dma_wait3A_199, %dma_wait3A_200] : memref<10240x128xf32, #tpu.memory_space<vmem_shared>> -> memref<10240x128xf32, #tpu.memory_space<vmem_shared>>
          tpu.wait_indirect_dma semaphore(%run_scoped3A : memref<!tpu.dma_semaphore, #tpu.memory_space<semaphore_mem>>) src(%arg15 : memref<128x128xf32, #tpu.memory_space<vmem>>) dst(%dma_wait3A_201 : memref<10240x128xf32, #tpu.memory_space<vmem_shared>>)
          tpu.yield
        }) : () -> ()
        %mul3A_84 = arith.constant 4 : i32
        %mul3A_85 = arith.muli %mul3A_84, %scan3A_42 : i32
        %add3A_86 = arith.constant 1 : i32
        %add3A_87 = arith.addi %mul3A_85, %add3A_86 : i32
        %dma_wait3A_88 = arith.constant 0 : i32
        %dma_wait3A_89 = arith.constant 0 : i32
        %dma_wait3A_90 = tpu.memref_slice %arg16[%dma_wait3A_88, %dma_wait3A_89] : memref<128x128xf32, #tpu.memory_space<vmem>> -> memref<64x128xf32, #tpu.memory_space<vmem>>
        %dma_wait3A_91 = arith.constant 0 : i32
        %dma_wait3A_92 = tpu.memref_slice %arg9[%dma_wait3A_91] : memref<128xi32, #tpu.memory_space<vmem>> -> memref<64xi32, #tpu.memory_space<vmem>>
        %dma_wait3A_93 = arith.constant 0 : i32
        %dma_wait3A_94 = arith.constant 0 : i32
        %dma_wait3A_95 = tpu.memref_slice %arg2[%dma_wait3A_93, %dma_wait3A_94] : memref<10240x128xf32, #tpu.memory_space<hbm>> -> memref<10240x128xf32, #tpu.memory_space<hbm>>
        tpu.wait_indirect_dma semaphore(%arg19 : memref<!tpu.dma_semaphore, #tpu.memory_space<semaphore_mem>>) src(%dma_wait3A_95 : memref<10240x128xf32, #tpu.memory_space<hbm>>) dst(%dma_wait3A_90 : memref<64x128xf32, #tpu.memory_space<vmem>>)
        %dma_wait3A_96 = arith.constant 64 : i32
        %dma_wait3A_97 = arith.constant 0 : i32
        %dma_wait3A_98 = tpu.memref_slice %arg16[%dma_wait3A_96, %dma_wait3A_97] : memref<128x128xf32, #tpu.memory_space<vmem>> -> memref<64x128xf32, #tpu.memory_space<vmem>>
        %dma_wait3A_99 = arith.constant 64 : i32
        %dma_wait3A_100 = tpu.memref_slice %arg9[%dma_wait3A_99] : memref<128xi32, #tpu.memory_space<vmem>> -> memref<64xi32, #tpu.memory_space<vmem>>
        %dma_wait3A_101 = arith.constant 0 : i32
        %dma_wait3A_102 = arith.constant 0 : i32
        %dma_wait3A_103 = tpu.memref_slice %arg2[%dma_wait3A_101, %dma_wait3A_102] : memref<10240x128xf32, #tpu.memory_space<hbm>> -> memref<10240x128xf32, #tpu.memory_space<hbm>>
        tpu.wait_indirect_dma semaphore(%arg21 : memref<!tpu.dma_semaphore, #tpu.memory_space<semaphore_mem>>) src(%dma_wait3A_103 : memref<10240x128xf32, #tpu.memory_space<hbm>>) dst(%dma_wait3A_98 : memref<64x128xf32, #tpu.memory_space<vmem>>)
        %dma_start3A_104 = arith.constant 0 : i32
        %dma_start3A_105 = arith.constant 0 : i32
        %dma_start3A_106 = tpu.memref_slice %arg15[%dma_start3A_104, %dma_start3A_105] : memref<128x128xf32, #tpu.memory_space<vmem>> -> memref<64x128xf32, #tpu.memory_space<vmem>>
        %dma_start3A_107 = arith.constant 0 : i32
        %dma_start3A_108 = tpu.memref_slice %arg11[%dma_start3A_107] : memref<128xi32, #tpu.memory_space<vmem>> -> memref<64xi32, #tpu.memory_space<vmem>>
        %dma_start3A_109 = arith.constant 0 : i32
        %dma_start3A_110 = arith.constant 0 : i32
        %dma_start3A_111 = tpu.memref_slice %arg2[%dma_start3A_109, %dma_start3A_110] : memref<10240x128xf32, #tpu.memory_space<hbm>> -> memref<10240x128xf32, #tpu.memory_space<hbm>>
        tpu.enqueue_indirect_dma source(%dma_start3A_111 : memref<10240x128xf32, #tpu.memory_space<hbm>>) target(%dma_start3A_106 : memref<64x128xf32, #tpu.memory_space<vmem>>) offsets(%dma_start3A_108 : memref<64xi32, #tpu.memory_space<vmem>>) semaphore(%arg18 : memref<!tpu.dma_semaphore, #tpu.memory_space<semaphore_mem>>)
        %dma_start3A_112 = arith.constant 64 : i32
        %dma_start3A_113 = arith.constant 0 : i32
        %dma_start3A_114 = tpu.memref_slice %arg15[%dma_start3A_112, %dma_start3A_113] : memref<128x128xf32, #tpu.memory_space<vmem>> -> memref<64x128xf32, #tpu.memory_space<vmem>>
        %dma_start3A_115 = arith.constant 64 : i32
        %dma_start3A_116 = tpu.memref_slice %arg11[%dma_start3A_115] : memref<128xi32, #tpu.memory_space<vmem>> -> memref<64xi32, #tpu.memory_space<vmem>>
        %dma_start3A_117 = arith.constant 0 : i32
        %dma_start3A_118 = arith.constant 0 : i32
        %dma_start3A_119 = tpu.memref_slice %arg2[%dma_start3A_117, %dma_start3A_118] : memref<10240x128xf32, #tpu.memory_space<hbm>> -> memref<10240x128xf32, #tpu.memory_space<hbm>>
        tpu.enqueue_indirect_dma source(%dma_start3A_119 : memref<10240x128xf32, #tpu.memory_space<hbm>>) target(%dma_start3A_114 : memref<64x128xf32, #tpu.memory_space<vmem>>) offsets(%dma_start3A_116 : memref<64xi32, #tpu.memory_space<vmem>>) semaphore(%arg20 : memref<!tpu.dma_semaphore, #tpu.memory_space<semaphore_mem>>)
        %add3A_120 = arith.addi %mul3A_14, %add3A_87 : i32
        %add3A_121 = arith.constant 2 : i32
        %add3A_122 = arith.addi %add3A_120, %add3A_121 : i32
        "tpu.region"() ({
          %run_scoped3A = tpu.sem_alloc : memref<!tpu.dma_semaphore, #tpu.memory_space<semaphore_mem>>
          %dma_start3A_196 = arith.constant 0 : i32
          %dma_start3A_197 = tpu.memref_slice %arg3[%add3A_122, %dma_start3A_196] : memref<2560x128xi32, #tpu.memory_space<hbm>> -> memref<1x128xi32, #tpu.memory_space<hbm>>
          %dma_start3A_198 = tpu.memref_squeeze %dma_start3A_197 : memref<1x128xi32, #tpu.memory_space<hbm>> -> memref<128xi32, #tpu.memory_space<hbm>>
          %dma_start3A_199 = arith.constant 0 : i32
          %dma_start3A_200 = tpu.memref_slice %arg3[%add3A_122, %dma_start3A_199] : memref<2560x128xi32, #tpu.memory_space<hbm>> -> memref<1x128xi32, #tpu.memory_space<hbm>>
          %dma_start3A_201 = tpu.memref_squeeze %dma_start3A_200 : memref<1x128xi32, #tpu.memory_space<hbm>> -> memref<128xi32, #tpu.memory_space<hbm>>
          tpu.enqueue_dma source(%dma_start3A_201 : memref<128xi32, #tpu.memory_space<hbm>>) target(%arg13 : memref<128xi32, #tpu.memory_space<vmem>>) target_semaphore(%run_scoped3A : memref<!tpu.dma_semaphore, #tpu.memory_space<semaphore_mem>>)
          %dma_wait3A_202 = arith.constant 0 : i32
          %dma_wait3A_203 = tpu.memref_slice %arg3[%add3A_122, %dma_wait3A_202] : memref<2560x128xi32, #tpu.memory_space<hbm>> -> memref<1x128xi32, #tpu.memory_space<hbm>>
          %dma_wait3A_204 = tpu.memref_squeeze %dma_wait3A_203 : memref<1x128xi32, #tpu.memory_space<hbm>> -> memref<128xi32, #tpu.memory_space<hbm>>
          %dma_wait3A_205 = arith.constant 0 : i32
          %dma_wait3A_206 = tpu.memref_slice %arg3[%add3A_122, %dma_wait3A_205] : memref<2560x128xi32, #tpu.memory_space<hbm>> -> memref<1x128xi32, #tpu.memory_space<hbm>>
          %dma_wait3A_207 = tpu.memref_squeeze %dma_wait3A_206 : memref<1x128xi32, #tpu.memory_space<hbm>> -> memref<128xi32, #tpu.memory_space<hbm>>
          tpu.wait_dma2 semaphore(%run_scoped3A : memref<!tpu.dma_semaphore, #tpu.memory_space<semaphore_mem>>) src(%dma_wait3A_207 : memref<128xi32, #tpu.memory_space<hbm>>) dst(%arg13 : memref<128xi32, #tpu.memory_space<vmem>>)
          tpu.yield
        }) : () -> ()
        %add3A_123 = arith.addi %mul3A_14, %add3A_87 : i32
        %add3A_124 = arith.constant 2 : i32
        %add3A_125 = arith.addi %add3A_123, %add3A_124 : i32
        "tpu.region"() ({
          %run_scoped3A = tpu.sem_alloc : memref<!tpu.dma_semaphore, #tpu.memory_space<semaphore_mem>>
          %dma_start3A_196 = arith.constant 0 : i32
          %dma_start3A_197 = tpu.memref_slice %arg4[%add3A_125, %dma_start3A_196] : memref<2560x128xi32, #tpu.memory_space<hbm>> -> memref<1x128xi32, #tpu.memory_space<hbm>>
          %dma_start3A_198 = tpu.memref_squeeze %dma_start3A_197 : memref<1x128xi32, #tpu.memory_space<hbm>> -> memref<128xi32, #tpu.memory_space<hbm>>
          %dma_start3A_199 = arith.constant 0 : i32
          %dma_start3A_200 = tpu.memref_slice %arg4[%add3A_125, %dma_start3A_199] : memref<2560x128xi32, #tpu.memory_space<hbm>> -> memref<1x128xi32, #tpu.memory_space<hbm>>
          %dma_start3A_201 = tpu.memref_squeeze %dma_start3A_200 : memref<1x128xi32, #tpu.memory_space<hbm>> -> memref<128xi32, #tpu.memory_space<hbm>>
          tpu.enqueue_dma source(%dma_start3A_201 : memref<128xi32, #tpu.memory_space<hbm>>) target(%arg14 : memref<128xi32, #tpu.memory_space<vmem>>) target_semaphore(%run_scoped3A : memref<!tpu.dma_semaphore, #tpu.memory_space<semaphore_mem>>)
          %dma_wait3A_202 = arith.constant 0 : i32
          %dma_wait3A_203 = tpu.memref_slice %arg4[%add3A_125, %dma_wait3A_202] : memref<2560x128xi32, #tpu.memory_space<hbm>> -> memref<1x128xi32, #tpu.memory_space<hbm>>
          %dma_wait3A_204 = tpu.memref_squeeze %dma_wait3A_203 : memref<1x128xi32, #tpu.memory_space<hbm>> -> memref<128xi32, #tpu.memory_space<hbm>>
          %dma_wait3A_205 = arith.constant 0 : i32
          %dma_wait3A_206 = tpu.memref_slice %arg4[%add3A_125, %dma_wait3A_205] : memref<2560x128xi32, #tpu.memory_space<hbm>> -> memref<1x128xi32, #tpu.memory_space<hbm>>
          %dma_wait3A_207 = tpu.memref_squeeze %dma_wait3A_206 : memref<1x128xi32, #tpu.memory_space<hbm>> -> memref<128xi32, #tpu.memory_space<hbm>>
          tpu.wait_dma2 semaphore(%run_scoped3A : memref<!tpu.dma_semaphore, #tpu.memory_space<semaphore_mem>>) src(%dma_wait3A_207 : memref<128xi32, #tpu.memory_space<hbm>>) dst(%arg14 : memref<128xi32, #tpu.memory_space<vmem>>)
          tpu.yield
        }) : () -> ()
        "tpu.region"() ({
          %run_scoped3A = tpu.sem_alloc : memref<!tpu.dma_semaphore, #tpu.memory_space<semaphore_mem>>
          %dma_start3A_196 = arith.constant 0 : i32
          %dma_start3A_197 = arith.constant 0 : i32
          %dma_start3A_198 = tpu.memref_slice %arg17[%dma_start3A_196, %dma_start3A_197] : memref<10240x128xf32, #tpu.memory_space<vmem_shared>> -> memref<10240x128xf32, #tpu.memory_space<vmem_shared>>
          tpu.enqueue_indirect_dma source(%arg16 : memref<128x128xf32, #tpu.memory_space<vmem>>) target(%dma_start3A_198 : memref<10240x128xf32, #tpu.memory_space<vmem_shared>>) offsets(%arg10 : memref<128xi32, #tpu.memory_space<vmem>>) semaphore(%run_scoped3A : memref<!tpu.dma_semaphore, #tpu.memory_space<semaphore_mem>>) {add = true}
          %dma_wait3A_199 = arith.constant 0 : i32
          %dma_wait3A_200 = arith.constant 0 : i32
          %dma_wait3A_201 = tpu.memref_slice %arg17[%dma_wait3A_199, %dma_wait3A_200] : memref<10240x128xf32, #tpu.memory_space<vmem_shared>> -> memref<10240x128xf32, #tpu.memory_space<vmem_shared>>
          tpu.wait_indirect_dma semaphore(%run_scoped3A : memref<!tpu.dma_semaphore, #tpu.memory_space<semaphore_mem>>) src(%arg16 : memref<128x128xf32, #tpu.memory_space<vmem>>) dst(%dma_wait3A_201 : memref<10240x128xf32, #tpu.memory_space<vmem_shared>>)
          tpu.yield
        }) : () -> ()
        %mul3A_126 = arith.constant 4 : i32
        %mul3A_127 = arith.muli %mul3A_126, %scan3A_42 : i32
        %add3A_128 = arith.constant 2 : i32
        %add3A_129 = arith.addi %mul3A_127, %add3A_128 : i32
        %dma_wait3A_130 = arith.constant 0 : i32
        %dma_wait3A_131 = arith.constant 0 : i32
        %dma_wait3A_132 = tpu.memref_slice %arg15[%dma_wait3A_130, %dma_wait3A_131] : memref<128x128xf32, #tpu.memory_space<vmem>> -> memref<64x128xf32, #tpu.memory_space<vmem>>
        %dma_wait3A_133 = arith.constant 0 : i32
        %dma_wait3A_134 = tpu.memref_slice %arg11[%dma_wait3A_133] : memref<128xi32, #tpu.memory_space<vmem>> -> memref<64xi32, #tpu.memory_space<vmem>>
        %dma_wait3A_135 = arith.constant 0 : i32
        %dma_wait3A_136 = arith.constant 0 : i32
        %dma_wait3A_137 = tpu.memref_slice %arg2[%dma_wait3A_135, %dma_wait3A_136] : memref<10240x128xf32, #tpu.memory_space<hbm>> -> memref<10240x128xf32, #tpu.memory_space<hbm>>
        tpu.wait_indirect_dma semaphore(%arg18 : memref<!tpu.dma_semaphore, #tpu.memory_space<semaphore_mem>>) src(%dma_wait3A_137 : memref<10240x128xf32, #tpu.memory_space<hbm>>) dst(%dma_wait3A_132 : memref<64x128xf32, #tpu.memory_space<vmem>>)
        %dma_wait3A_138 = arith.constant 64 : i32
        %dma_wait3A_139 = arith.constant 0 : i32
        %dma_wait3A_140 = tpu.memref_slice %arg15[%dma_wait3A_138, %dma_wait3A_139] : memref<128x128xf32, #tpu.memory_space<vmem>> -> memref<64x128xf32, #tpu.memory_space<vmem>>
        %dma_wait3A_141 = arith.constant 64 : i32
        %dma_wait3A_142 = tpu.memref_slice %arg11[%dma_wait3A_141] : memref<128xi32, #tpu.memory_space<vmem>> -> memref<64xi32, #tpu.memory_space<vmem>>
        %dma_wait3A_143 = arith.constant 0 : i32
        %dma_wait3A_144 = arith.constant 0 : i32
        %dma_wait3A_145 = tpu.memref_slice %arg2[%dma_wait3A_143, %dma_wait3A_144] : memref<10240x128xf32, #tpu.memory_space<hbm>> -> memref<10240x128xf32, #tpu.memory_space<hbm>>
        tpu.wait_indirect_dma semaphore(%arg20 : memref<!tpu.dma_semaphore, #tpu.memory_space<semaphore_mem>>) src(%dma_wait3A_145 : memref<10240x128xf32, #tpu.memory_space<hbm>>) dst(%dma_wait3A_140 : memref<64x128xf32, #tpu.memory_space<vmem>>)
        %dma_start3A_146 = arith.constant 0 : i32
        %dma_start3A_147 = arith.constant 0 : i32
        %dma_start3A_148 = tpu.memref_slice %arg16[%dma_start3A_146, %dma_start3A_147] : memref<128x128xf32, #tpu.memory_space<vmem>> -> memref<64x128xf32, #tpu.memory_space<vmem>>
        %dma_start3A_149 = arith.constant 0 : i32
        %dma_start3A_150 = tpu.memref_slice %arg13[%dma_start3A_149] : memref<128xi32, #tpu.memory_space<vmem>> -> memref<64xi32, #tpu.memory_space<vmem>>
        %dma_start3A_151 = arith.constant 0 : i32
        %dma_start3A_152 = arith.constant 0 : i32
        %dma_start3A_153 = tpu.memref_slice %arg2[%dma_start3A_151, %dma_start3A_152] : memref<10240x128xf32, #tpu.memory_space<hbm>> -> memref<10240x128xf32, #tpu.memory_space<hbm>>
        tpu.enqueue_indirect_dma source(%dma_start3A_153 : memref<10240x128xf32, #tpu.memory_space<hbm>>) target(%dma_start3A_148 : memref<64x128xf32, #tpu.memory_space<vmem>>) offsets(%dma_start3A_150 : memref<64xi32, #tpu.memory_space<vmem>>) semaphore(%arg19 : memref<!tpu.dma_semaphore, #tpu.memory_space<semaphore_mem>>)
        %dma_start3A_154 = arith.constant 64 : i32
        %dma_start3A_155 = arith.constant 0 : i32
        %dma_start3A_156 = tpu.memref_slice %arg16[%dma_start3A_154, %dma_start3A_155] : memref<128x128xf32, #tpu.memory_space<vmem>> -> memref<64x128xf32, #tpu.memory_space<vmem>>
        %dma_start3A_157 = arith.constant 64 : i32
        %dma_start3A_158 = tpu.memref_slice %arg13[%dma_start3A_157] : memref<128xi32, #tpu.memory_space<vmem>> -> memref<64xi32, #tpu.memory_space<vmem>>
        %dma_start3A_159 = arith.constant 0 : i32
        %dma_start3A_160 = arith.constant 0 : i32
        %dma_start3A_161 = tpu.memref_slice %arg2[%dma_start3A_159, %dma_start3A_160] : memref<10240x128xf32, #tpu.memory_space<hbm>> -> memref<10240x128xf32, #tpu.memory_space<hbm>>
        tpu.enqueue_indirect_dma source(%dma_start3A_161 : memref<10240x128xf32, #tpu.memory_space<hbm>>) target(%dma_start3A_156 : memref<64x128xf32, #tpu.memory_space<vmem>>) offsets(%dma_start3A_158 : memref<64xi32, #tpu.memory_space<vmem>>) semaphore(%arg21 : memref<!tpu.dma_semaphore, #tpu.memory_space<semaphore_mem>>)
        %le3A = arith.constant 36 : i32
        %le3A_162 = arith.cmpi sle, %scan3A_42, %le3A : i32
        %convert_element_type3A_163 = arith.extui %le3A_162 : i1 to i32
        %cond3A_164 = arith.constant 0 : i32
        %cond3A_165 = arith.cmpi ne, %convert_element_type3A_163, %cond3A_164 : i32
        scf.if %cond3A_165 {
          %add3A_196 = arith.addi %mul3A_14, %add3A_129 : i32
          %add3A_197 = arith.constant 2 : i32
          %add3A_198 = arith.addi %add3A_196, %add3A_197 : i32
          "tpu.region"() ({
            %run_scoped3A = tpu.sem_alloc : memref<!tpu.dma_semaphore, #tpu.memory_space<semaphore_mem>>
            %dma_start3A_202 = arith.constant 0 : i32
            %dma_start3A_203 = tpu.memref_slice %arg3[%add3A_198, %dma_start3A_202] : memref<2560x128xi32, #tpu.memory_space<hbm>> -> memref<1x128xi32, #tpu.memory_space<hbm>>
            %dma_start3A_204 = tpu.memref_squeeze %dma_start3A_203 : memref<1x128xi32, #tpu.memory_space<hbm>> -> memref<128xi32, #tpu.memory_space<hbm>>
            %dma_start3A_205 = arith.constant 0 : i32
            %dma_start3A_206 = tpu.memref_slice %arg3[%add3A_198, %dma_start3A_205] : memref<2560x128xi32, #tpu.memory_space<hbm>> -> memref<1x128xi32, #tpu.memory_space<hbm>>
            %dma_start3A_207 = tpu.memref_squeeze %dma_start3A_206 : memref<1x128xi32, #tpu.memory_space<hbm>> -> memref<128xi32, #tpu.memory_space<hbm>>
            tpu.enqueue_dma source(%dma_start3A_207 : memref<128xi32, #tpu.memory_space<hbm>>) target(%arg7 : memref<128xi32, #tpu.memory_space<vmem>>) target_semaphore(%run_scoped3A : memref<!tpu.dma_semaphore, #tpu.memory_space<semaphore_mem>>)
            %dma_wait3A_208 = arith.constant 0 : i32
            %dma_wait3A_209 = tpu.memref_slice %arg3[%add3A_198, %dma_wait3A_208] : memref<2560x128xi32, #tpu.memory_space<hbm>> -> memref<1x128xi32, #tpu.memory_space<hbm>>
            %dma_wait3A_210 = tpu.memref_squeeze %dma_wait3A_209 : memref<1x128xi32, #tpu.memory_space<hbm>> -> memref<128xi32, #tpu.memory_space<hbm>>
            %dma_wait3A_211 = arith.constant 0 : i32
            %dma_wait3A_212 = tpu.memref_slice %arg3[%add3A_198, %dma_wait3A_211] : memref<2560x128xi32, #tpu.memory_space<hbm>> -> memref<1x128xi32, #tpu.memory_space<hbm>>
            %dma_wait3A_213 = tpu.memref_squeeze %dma_wait3A_212 : memref<1x128xi32, #tpu.memory_space<hbm>> -> memref<128xi32, #tpu.memory_space<hbm>>
            tpu.wait_dma2 semaphore(%run_scoped3A : memref<!tpu.dma_semaphore, #tpu.memory_space<semaphore_mem>>) src(%dma_wait3A_213 : memref<128xi32, #tpu.memory_space<hbm>>) dst(%arg7 : memref<128xi32, #tpu.memory_space<vmem>>)
            tpu.yield
          }) : () -> ()
          %add3A_199 = arith.addi %mul3A_14, %add3A_129 : i32
          %add3A_200 = arith.constant 2 : i32
          %add3A_201 = arith.addi %add3A_199, %add3A_200 : i32
          "tpu.region"() ({
            %run_scoped3A = tpu.sem_alloc : memref<!tpu.dma_semaphore, #tpu.memory_space<semaphore_mem>>
            %dma_start3A_202 = arith.constant 0 : i32
            %dma_start3A_203 = tpu.memref_slice %arg4[%add3A_201, %dma_start3A_202] : memref<2560x128xi32, #tpu.memory_space<hbm>> -> memref<1x128xi32, #tpu.memory_space<hbm>>
            %dma_start3A_204 = tpu.memref_squeeze %dma_start3A_203 : memref<1x128xi32, #tpu.memory_space<hbm>> -> memref<128xi32, #tpu.memory_space<hbm>>
            %dma_start3A_205 = arith.constant 0 : i32
            %dma_start3A_206 = tpu.memref_slice %arg4[%add3A_201, %dma_start3A_205] : memref<2560x128xi32, #tpu.memory_space<hbm>> -> memref<1x128xi32, #tpu.memory_space<hbm>>
            %dma_start3A_207 = tpu.memref_squeeze %dma_start3A_206 : memref<1x128xi32, #tpu.memory_space<hbm>> -> memref<128xi32, #tpu.memory_space<hbm>>
            tpu.enqueue_dma source(%dma_start3A_207 : memref<128xi32, #tpu.memory_space<hbm>>) target(%arg8 : memref<128xi32, #tpu.memory_space<vmem>>) target_semaphore(%run_scoped3A : memref<!tpu.dma_semaphore, #tpu.memory_space<semaphore_mem>>)
            %dma_wait3A_208 = arith.constant 0 : i32
            %dma_wait3A_209 = tpu.memref_slice %arg4[%add3A_201, %dma_wait3A_208] : memref<2560x128xi32, #tpu.memory_space<hbm>> -> memref<1x128xi32, #tpu.memory_space<hbm>>
            %dma_wait3A_210 = tpu.memref_squeeze %dma_wait3A_209 : memref<1x128xi32, #tpu.memory_space<hbm>> -> memref<128xi32, #tpu.memory_space<hbm>>
            %dma_wait3A_211 = arith.constant 0 : i32
            %dma_wait3A_212 = tpu.memref_slice %arg4[%add3A_201, %dma_wait3A_211] : memref<2560x128xi32, #tpu.memory_space<hbm>> -> memref<1x128xi32, #tpu.memory_space<hbm>>
            %dma_wait3A_213 = tpu.memref_squeeze %dma_wait3A_212 : memref<1x128xi32, #tpu.memory_space<hbm>> -> memref<128xi32, #tpu.memory_space<hbm>>
            tpu.wait_dma2 semaphore(%run_scoped3A : memref<!tpu.dma_semaphore, #tpu.memory_space<semaphore_mem>>) src(%dma_wait3A_213 : memref<128xi32, #tpu.memory_space<hbm>>) dst(%arg8 : memref<128xi32, #tpu.memory_space<vmem>>)
            tpu.yield
          }) : () -> ()
        } else {
        }
        "tpu.region"() ({
          %run_scoped3A = tpu.sem_alloc : memref<!tpu.dma_semaphore, #tpu.memory_space<semaphore_mem>>
          %dma_start3A_196 = arith.constant 0 : i32
          %dma_start3A_197 = arith.constant 0 : i32
          %dma_start3A_198 = tpu.memref_slice %arg17[%dma_start3A_196, %dma_start3A_197] : memref<10240x128xf32, #tpu.memory_space<vmem_shared>> -> memref<10240x128xf32, #tpu.memory_space<vmem_shared>>
          tpu.enqueue_indirect_dma source(%arg15 : memref<128x128xf32, #tpu.memory_space<vmem>>) target(%dma_start3A_198 : memref<10240x128xf32, #tpu.memory_space<vmem_shared>>) offsets(%arg12 : memref<128xi32, #tpu.memory_space<vmem>>) semaphore(%run_scoped3A : memref<!tpu.dma_semaphore, #tpu.memory_space<semaphore_mem>>) {add = true}
          %dma_wait3A_199 = arith.constant 0 : i32
          %dma_wait3A_200 = arith.constant 0 : i32
          %dma_wait3A_201 = tpu.memref_slice %arg17[%dma_wait3A_199, %dma_wait3A_200] : memref<10240x128xf32, #tpu.memory_space<vmem_shared>> -> memref<10240x128xf32, #tpu.memory_space<vmem_shared>>
          tpu.wait_indirect_dma semaphore(%run_scoped3A : memref<!tpu.dma_semaphore, #tpu.memory_space<semaphore_mem>>) src(%arg15 : memref<128x128xf32, #tpu.memory_space<vmem>>) dst(%dma_wait3A_201 : memref<10240x128xf32, #tpu.memory_space<vmem_shared>>)
          tpu.yield
        }) : () -> ()
        %mul3A_166 = arith.constant 4 : i32
        %mul3A_167 = arith.muli %mul3A_166, %scan3A_42 : i32
        %add3A_168 = arith.constant 3 : i32
        %add3A_169 = arith.addi %mul3A_167, %add3A_168 : i32
        %dma_wait3A_170 = arith.constant 0 : i32
        %dma_wait3A_171 = arith.constant 0 : i32
        %dma_wait3A_172 = tpu.memref_slice %arg16[%dma_wait3A_170, %dma_wait3A_171] : memref<128x128xf32, #tpu.memory_space<vmem>> -> memref<64x128xf32, #tpu.memory_space<vmem>>
        %dma_wait3A_173 = arith.constant 0 : i32
        %dma_wait3A_174 = tpu.memref_slice %arg13[%dma_wait3A_173] : memref<128xi32, #tpu.memory_space<vmem>> -> memref<64xi32, #tpu.memory_space<vmem>>
        %dma_wait3A_175 = arith.constant 0 : i32
        %dma_wait3A_176 = arith.constant 0 : i32
        %dma_wait3A_177 = tpu.memref_slice %arg2[%dma_wait3A_175, %dma_wait3A_176] : memref<10240x128xf32, #tpu.memory_space<hbm>> -> memref<10240x128xf32, #tpu.memory_space<hbm>>
        tpu.wait_indirect_dma semaphore(%arg19 : memref<!tpu.dma_semaphore, #tpu.memory_space<semaphore_mem>>) src(%dma_wait3A_177 : memref<10240x128xf32, #tpu.memory_space<hbm>>) dst(%dma_wait3A_172 : memref<64x128xf32, #tpu.memory_space<vmem>>)
        %dma_wait3A_178 = arith.constant 64 : i32
        %dma_wait3A_179 = arith.constant 0 : i32
        %dma_wait3A_180 = tpu.memref_slice %arg16[%dma_wait3A_178, %dma_wait3A_179] : memref<128x128xf32, #tpu.memory_space<vmem>> -> memref<64x128xf32, #tpu.memory_space<vmem>>
        %dma_wait3A_181 = arith.constant 64 : i32
        %dma_wait3A_182 = tpu.memref_slice %arg13[%dma_wait3A_181] : memref<128xi32, #tpu.memory_space<vmem>> -> memref<64xi32, #tpu.memory_space<vmem>>
        %dma_wait3A_183 = arith.constant 0 : i32
        %dma_wait3A_184 = arith.constant 0 : i32
        %dma_wait3A_185 = tpu.memref_slice %arg2[%dma_wait3A_183, %dma_wait3A_184] : memref<10240x128xf32, #tpu.memory_space<hbm>> -> memref<10240x128xf32, #tpu.memory_space<hbm>>
        tpu.wait_indirect_dma semaphore(%arg21 : memref<!tpu.dma_semaphore, #tpu.memory_space<semaphore_mem>>) src(%dma_wait3A_185 : memref<10240x128xf32, #tpu.memory_space<hbm>>) dst(%dma_wait3A_180 : memref<64x128xf32, #tpu.memory_space<vmem>>)
        %le3A_186 = arith.constant 36 : i32
        %le3A_187 = arith.cmpi sle, %scan3A_42, %le3A_186 : i32
        %convert_element_type3A_188 = arith.extui %le3A_187 : i1 to i32
        %cond3A_189 = arith.constant 0 : i32
        %cond3A_190 = arith.cmpi ne, %convert_element_type3A_188, %cond3A_189 : i32
        scf.if %cond3A_190 {
          %dma_start3A_196 = arith.constant 0 : i32
          %dma_start3A_197 = arith.constant 0 : i32
          %dma_start3A_198 = tpu.memref_slice %arg15[%dma_start3A_196, %dma_start3A_197] : memref<128x128xf32, #tpu.memory_space<vmem>> -> memref<64x128xf32, #tpu.memory_space<vmem>>
          %dma_start3A_199 = arith.constant 0 : i32
          %dma_start3A_200 = tpu.memref_slice %arg7[%dma_start3A_199] : memref<128xi32, #tpu.memory_space<vmem>> -> memref<64xi32, #tpu.memory_space<vmem>>
          %dma_start3A_201 = arith.constant 0 : i32
          %dma_start3A_202 = arith.constant 0 : i32
          %dma_start3A_203 = tpu.memref_slice %arg2[%dma_start3A_201, %dma_start3A_202] : memref<10240x128xf32, #tpu.memory_space<hbm>> -> memref<10240x128xf32, #tpu.memory_space<hbm>>
          tpu.enqueue_indirect_dma source(%dma_start3A_203 : memref<10240x128xf32, #tpu.memory_space<hbm>>) target(%dma_start3A_198 : memref<64x128xf32, #tpu.memory_space<vmem>>) offsets(%dma_start3A_200 : memref<64xi32, #tpu.memory_space<vmem>>) semaphore(%arg18 : memref<!tpu.dma_semaphore, #tpu.memory_space<semaphore_mem>>)
          %dma_start3A_204 = arith.constant 64 : i32
          %dma_start3A_205 = arith.constant 0 : i32
          %dma_start3A_206 = tpu.memref_slice %arg15[%dma_start3A_204, %dma_start3A_205] : memref<128x128xf32, #tpu.memory_space<vmem>> -> memref<64x128xf32, #tpu.memory_space<vmem>>
          %dma_start3A_207 = arith.constant 64 : i32
          %dma_start3A_208 = tpu.memref_slice %arg7[%dma_start3A_207] : memref<128xi32, #tpu.memory_space<vmem>> -> memref<64xi32, #tpu.memory_space<vmem>>
          %dma_start3A_209 = arith.constant 0 : i32
          %dma_start3A_210 = arith.constant 0 : i32
          %dma_start3A_211 = tpu.memref_slice %arg2[%dma_start3A_209, %dma_start3A_210] : memref<10240x128xf32, #tpu.memory_space<hbm>> -> memref<10240x128xf32, #tpu.memory_space<hbm>>
          tpu.enqueue_indirect_dma source(%dma_start3A_211 : memref<10240x128xf32, #tpu.memory_space<hbm>>) target(%dma_start3A_206 : memref<64x128xf32, #tpu.memory_space<vmem>>) offsets(%dma_start3A_208 : memref<64xi32, #tpu.memory_space<vmem>>) semaphore(%arg20 : memref<!tpu.dma_semaphore, #tpu.memory_space<semaphore_mem>>)
        } else {
        }
        %le3A_191 = arith.constant 36 : i32
        %le3A_192 = arith.cmpi sle, %scan3A_42, %le3A_191 : i32
        %convert_element_type3A_193 = arith.extui %le3A_192 : i1 to i32
        %cond3A_194 = arith.constant 0 : i32
        %cond3A_195 = arith.cmpi ne, %convert_element_type3A_193, %cond3A_194 : i32
        scf.if %cond3A_195 {
          %add3A_196 = arith.addi %mul3A_14, %add3A_169 : i32
          %add3A_197 = arith.constant 2 : i32
          %add3A_198 = arith.addi %add3A_196, %add3A_197 : i32
          "tpu.region"() ({
            %run_scoped3A = tpu.sem_alloc : memref<!tpu.dma_semaphore, #tpu.memory_space<semaphore_mem>>
            %dma_start3A_202 = arith.constant 0 : i32
            %dma_start3A_203 = tpu.memref_slice %arg3[%add3A_198, %dma_start3A_202] : memref<2560x128xi32, #tpu.memory_space<hbm>> -> memref<1x128xi32, #tpu.memory_space<hbm>>
            %dma_start3A_204 = tpu.memref_squeeze %dma_start3A_203 : memref<1x128xi32, #tpu.memory_space<hbm>> -> memref<128xi32, #tpu.memory_space<hbm>>
            %dma_start3A_205 = arith.constant 0 : i32
            %dma_start3A_206 = tpu.memref_slice %arg3[%add3A_198, %dma_start3A_205] : memref<2560x128xi32, #tpu.memory_space<hbm>> -> memref<1x128xi32, #tpu.memory_space<hbm>>
            %dma_start3A_207 = tpu.memref_squeeze %dma_start3A_206 : memref<1x128xi32, #tpu.memory_space<hbm>> -> memref<128xi32, #tpu.memory_space<hbm>>
            tpu.enqueue_dma source(%dma_start3A_207 : memref<128xi32, #tpu.memory_space<hbm>>) target(%arg9 : memref<128xi32, #tpu.memory_space<vmem>>) target_semaphore(%run_scoped3A : memref<!tpu.dma_semaphore, #tpu.memory_space<semaphore_mem>>)
            %dma_wait3A_208 = arith.constant 0 : i32
            %dma_wait3A_209 = tpu.memref_slice %arg3[%add3A_198, %dma_wait3A_208] : memref<2560x128xi32, #tpu.memory_space<hbm>> -> memref<1x128xi32, #tpu.memory_space<hbm>>
            %dma_wait3A_210 = tpu.memref_squeeze %dma_wait3A_209 : memref<1x128xi32, #tpu.memory_space<hbm>> -> memref<128xi32, #tpu.memory_space<hbm>>
            %dma_wait3A_211 = arith.constant 0 : i32
            %dma_wait3A_212 = tpu.memref_slice %arg3[%add3A_198, %dma_wait3A_211] : memref<2560x128xi32, #tpu.memory_space<hbm>> -> memref<1x128xi32, #tpu.memory_space<hbm>>
            %dma_wait3A_213 = tpu.memref_squeeze %dma_wait3A_212 : memref<1x128xi32, #tpu.memory_space<hbm>> -> memref<128xi32, #tpu.memory_space<hbm>>
            tpu.wait_dma2 semaphore(%run_scoped3A : memref<!tpu.dma_semaphore, #tpu.memory_space<semaphore_mem>>) src(%dma_wait3A_213 : memref<128xi32, #tpu.memory_space<hbm>>) dst(%arg9 : memref<128xi32, #tpu.memory_space<vmem>>)
            tpu.yield
          }) : () -> ()
          %add3A_199 = arith.addi %mul3A_14, %add3A_169 : i32
          %add3A_200 = arith.constant 2 : i32
          %add3A_201 = arith.addi %add3A_199, %add3A_200 : i32
          "tpu.region"() ({
            %run_scoped3A = tpu.sem_alloc : memref<!tpu.dma_semaphore, #tpu.memory_space<semaphore_mem>>
            %dma_start3A_202 = arith.constant 0 : i32
            %dma_start3A_203 = tpu.memref_slice %arg4[%add3A_201, %dma_start3A_202] : memref<2560x128xi32, #tpu.memory_space<hbm>> -> memref<1x128xi32, #tpu.memory_space<hbm>>
            %dma_start3A_204 = tpu.memref_squeeze %dma_start3A_203 : memref<1x128xi32, #tpu.memory_space<hbm>> -> memref<128xi32, #tpu.memory_space<hbm>>
            %dma_start3A_205 = arith.constant 0 : i32
            %dma_start3A_206 = tpu.memref_slice %arg4[%add3A_201, %dma_start3A_205] : memref<2560x128xi32, #tpu.memory_space<hbm>> -> memref<1x128xi32, #tpu.memory_space<hbm>>
            %dma_start3A_207 = tpu.memref_squeeze %dma_start3A_206 : memref<1x128xi32, #tpu.memory_space<hbm>> -> memref<128xi32, #tpu.memory_space<hbm>>
            tpu.enqueue_dma source(%dma_start3A_207 : memref<128xi32, #tpu.memory_space<hbm>>) target(%arg10 : memref<128xi32, #tpu.memory_space<vmem>>) target_semaphore(%run_scoped3A : memref<!tpu.dma_semaphore, #tpu.memory_space<semaphore_mem>>)
            %dma_wait3A_208 = arith.constant 0 : i32
            %dma_wait3A_209 = tpu.memref_slice %arg4[%add3A_201, %dma_wait3A_208] : memref<2560x128xi32, #tpu.memory_space<hbm>> -> memref<1x128xi32, #tpu.memory_space<hbm>>
            %dma_wait3A_210 = tpu.memref_squeeze %dma_wait3A_209 : memref<1x128xi32, #tpu.memory_space<hbm>> -> memref<128xi32, #tpu.memory_space<hbm>>
            %dma_wait3A_211 = arith.constant 0 : i32
            %dma_wait3A_212 = tpu.memref_slice %arg4[%add3A_201, %dma_wait3A_211] : memref<2560x128xi32, #tpu.memory_space<hbm>> -> memref<1x128xi32, #tpu.memory_space<hbm>>
            %dma_wait3A_213 = tpu.memref_squeeze %dma_wait3A_212 : memref<1x128xi32, #tpu.memory_space<hbm>> -> memref<128xi32, #tpu.memory_space<hbm>>
            tpu.wait_dma2 semaphore(%run_scoped3A : memref<!tpu.dma_semaphore, #tpu.memory_space<semaphore_mem>>) src(%dma_wait3A_213 : memref<128xi32, #tpu.memory_space<hbm>>) dst(%arg10 : memref<128xi32, #tpu.memory_space<vmem>>)
            tpu.yield
          }) : () -> ()
        } else {
        }
        "tpu.region"() ({
          %run_scoped3A = tpu.sem_alloc : memref<!tpu.dma_semaphore, #tpu.memory_space<semaphore_mem>>
          %dma_start3A_196 = arith.constant 0 : i32
          %dma_start3A_197 = arith.constant 0 : i32
          %dma_start3A_198 = tpu.memref_slice %arg17[%dma_start3A_196, %dma_start3A_197] : memref<10240x128xf32, #tpu.memory_space<vmem_shared>> -> memref<10240x128xf32, #tpu.memory_space<vmem_shared>>
          tpu.enqueue_indirect_dma source(%arg16 : memref<128x128xf32, #tpu.memory_space<vmem>>) target(%dma_start3A_198 : memref<10240x128xf32, #tpu.memory_space<vmem_shared>>) offsets(%arg14 : memref<128xi32, #tpu.memory_space<vmem>>) semaphore(%run_scoped3A : memref<!tpu.dma_semaphore, #tpu.memory_space<semaphore_mem>>) {add = true}
          %dma_wait3A_199 = arith.constant 0 : i32
          %dma_wait3A_200 = arith.constant 0 : i32
          %dma_wait3A_201 = tpu.memref_slice %arg17[%dma_wait3A_199, %dma_wait3A_200] : memref<10240x128xf32, #tpu.memory_space<vmem_shared>> -> memref<10240x128xf32, #tpu.memory_space<vmem_shared>>
          tpu.wait_indirect_dma semaphore(%run_scoped3A : memref<!tpu.dma_semaphore, #tpu.memory_space<semaphore_mem>>) src(%arg16 : memref<128x128xf32, #tpu.memory_space<vmem>>) dst(%dma_wait3A_201 : memref<10240x128xf32, #tpu.memory_space<vmem_shared>>)
          tpu.yield
        }) : () -> ()
      }
      %scan3A_41 = arith.constant 38 : i32
    } else {
    }
    %eq3A_3 = arith.constant 1 : i32
    %eq3A_4 = arith.cmpi eq, %arg0, %eq3A_3 : i32
    %convert_element_type3A_5 = arith.extui %eq3A_4 : i1 to i32
    %cond3A_6 = arith.constant 0 : i32
    %cond3A_7 = arith.cmpi ne, %convert_element_type3A_5, %cond3A_6 : i32
    scf.if %cond3A_7 {
      %mul3A_13 = arith.constant 8 : i32
      %mul3A_14 = arith.muli %arg1, %mul3A_13 : i32
      %add3A = arith.constant 2432 : i32
      %add3A_15 = arith.addi %add3A, %mul3A_14 : i32
      %add3A_16 = arith.constant 0 : i32
      %add3A_17 = arith.addi %add3A_15, %add3A_16 : i32
      "tpu.region"() ({
        %run_scoped3A = tpu.sem_alloc : memref<!tpu.dma_semaphore, #tpu.memory_space<semaphore_mem>>
        %dma_start3A_44 = arith.constant 0 : i32
        %dma_start3A_45 = tpu.memref_slice %arg3[%add3A_17, %dma_start3A_44] : memref<2560x128xi32, #tpu.memory_space<hbm>> -> memref<1x128xi32, #tpu.memory_space<hbm>>
        %dma_start3A_46 = tpu.memref_squeeze %dma_start3A_45 : memref<1x128xi32, #tpu.memory_space<hbm>> -> memref<128xi32, #tpu.memory_space<hbm>>
        %dma_start3A_47 = arith.constant 0 : i32
        %dma_start3A_48 = tpu.memref_slice %arg3[%add3A_17, %dma_start3A_47] : memref<2560x128xi32, #tpu.memory_space<hbm>> -> memref<1x128xi32, #tpu.memory_space<hbm>>
        %dma_start3A_49 = tpu.memref_squeeze %dma_start3A_48 : memref<1x128xi32, #tpu.memory_space<hbm>> -> memref<128xi32, #tpu.memory_space<hbm>>
        tpu.enqueue_dma source(%dma_start3A_49 : memref<128xi32, #tpu.memory_space<hbm>>) target(%arg7 : memref<128xi32, #tpu.memory_space<vmem>>) target_semaphore(%run_scoped3A : memref<!tpu.dma_semaphore, #tpu.memory_space<semaphore_mem>>)
        %dma_wait3A = arith.constant 0 : i32
        %dma_wait3A_50 = tpu.memref_slice %arg3[%add3A_17, %dma_wait3A] : memref<2560x128xi32, #tpu.memory_space<hbm>> -> memref<1x128xi32, #tpu.memory_space<hbm>>
        %dma_wait3A_51 = tpu.memref_squeeze %dma_wait3A_50 : memref<1x128xi32, #tpu.memory_space<hbm>> -> memref<128xi32, #tpu.memory_space<hbm>>
        %dma_wait3A_52 = arith.constant 0 : i32
        %dma_wait3A_53 = tpu.memref_slice %arg3[%add3A_17, %dma_wait3A_52] : memref<2560x128xi32, #tpu.memory_space<hbm>> -> memref<1x128xi32, #tpu.memory_space<hbm>>
        %dma_wait3A_54 = tpu.memref_squeeze %dma_wait3A_53 : memref<1x128xi32, #tpu.memory_space<hbm>> -> memref<128xi32, #tpu.memory_space<hbm>>
        tpu.wait_dma2 semaphore(%run_scoped3A : memref<!tpu.dma_semaphore, #tpu.memory_space<semaphore_mem>>) src(%dma_wait3A_54 : memref<128xi32, #tpu.memory_space<hbm>>) dst(%arg7 : memref<128xi32, #tpu.memory_space<vmem>>)
        tpu.yield
      }) : () -> ()
      %add3A_18 = arith.constant 0 : i32
      %add3A_19 = arith.addi %add3A_15, %add3A_18 : i32
      "tpu.region"() ({
        %run_scoped3A = tpu.sem_alloc : memref<!tpu.dma_semaphore, #tpu.memory_space<semaphore_mem>>
        %dma_start3A_44 = arith.constant 0 : i32
        %dma_start3A_45 = tpu.memref_slice %arg4[%add3A_19, %dma_start3A_44] : memref<2560x128xi32, #tpu.memory_space<hbm>> -> memref<1x128xi32, #tpu.memory_space<hbm>>
        %dma_start3A_46 = tpu.memref_squeeze %dma_start3A_45 : memref<1x128xi32, #tpu.memory_space<hbm>> -> memref<128xi32, #tpu.memory_space<hbm>>
        %dma_start3A_47 = arith.constant 0 : i32
        %dma_start3A_48 = tpu.memref_slice %arg4[%add3A_19, %dma_start3A_47] : memref<2560x128xi32, #tpu.memory_space<hbm>> -> memref<1x128xi32, #tpu.memory_space<hbm>>
        %dma_start3A_49 = tpu.memref_squeeze %dma_start3A_48 : memref<1x128xi32, #tpu.memory_space<hbm>> -> memref<128xi32, #tpu.memory_space<hbm>>
        tpu.enqueue_dma source(%dma_start3A_49 : memref<128xi32, #tpu.memory_space<hbm>>) target(%arg8 : memref<128xi32, #tpu.memory_space<vmem>>) target_semaphore(%run_scoped3A : memref<!tpu.dma_semaphore, #tpu.memory_space<semaphore_mem>>)
        %dma_wait3A = arith.constant 0 : i32
        %dma_wait3A_50 = tpu.memref_slice %arg4[%add3A_19, %dma_wait3A] : memref<2560x128xi32, #tpu.memory_space<hbm>> -> memref<1x128xi32, #tpu.memory_space<hbm>>
        %dma_wait3A_51 = tpu.memref_squeeze %dma_wait3A_50 : memref<1x128xi32, #tpu.memory_space<hbm>> -> memref<128xi32, #tpu.memory_space<hbm>>
        %dma_wait3A_52 = arith.constant 0 : i32
        %dma_wait3A_53 = tpu.memref_slice %arg4[%add3A_19, %dma_wait3A_52] : memref<2560x128xi32, #tpu.memory_space<hbm>> -> memref<1x128xi32, #tpu.memory_space<hbm>>
        %dma_wait3A_54 = tpu.memref_squeeze %dma_wait3A_53 : memref<1x128xi32, #tpu.memory_space<hbm>> -> memref<128xi32, #tpu.memory_space<hbm>>
        tpu.wait_dma2 semaphore(%run_scoped3A : memref<!tpu.dma_semaphore, #tpu.memory_space<semaphore_mem>>) src(%dma_wait3A_54 : memref<128xi32, #tpu.memory_space<hbm>>) dst(%arg8 : memref<128xi32, #tpu.memory_space<vmem>>)
        tpu.yield
      }) : () -> ()
      %add3A_20 = arith.constant 1 : i32
      %add3A_21 = arith.addi %add3A_15, %add3A_20 : i32
      "tpu.region"() ({
        %run_scoped3A = tpu.sem_alloc : memref<!tpu.dma_semaphore, #tpu.memory_space<semaphore_mem>>
        %dma_start3A_44 = arith.constant 0 : i32
        %dma_start3A_45 = tpu.memref_slice %arg3[%add3A_21, %dma_start3A_44] : memref<2560x128xi32, #tpu.memory_space<hbm>> -> memref<1x128xi32, #tpu.memory_space<hbm>>
        %dma_start3A_46 = tpu.memref_squeeze %dma_start3A_45 : memref<1x128xi32, #tpu.memory_space<hbm>> -> memref<128xi32, #tpu.memory_space<hbm>>
        %dma_start3A_47 = arith.constant 0 : i32
        %dma_start3A_48 = tpu.memref_slice %arg3[%add3A_21, %dma_start3A_47] : memref<2560x128xi32, #tpu.memory_space<hbm>> -> memref<1x128xi32, #tpu.memory_space<hbm>>
        %dma_start3A_49 = tpu.memref_squeeze %dma_start3A_48 : memref<1x128xi32, #tpu.memory_space<hbm>> -> memref<128xi32, #tpu.memory_space<hbm>>
        tpu.enqueue_dma source(%dma_start3A_49 : memref<128xi32, #tpu.memory_space<hbm>>) target(%arg9 : memref<128xi32, #tpu.memory_space<vmem>>) target_semaphore(%run_scoped3A : memref<!tpu.dma_semaphore, #tpu.memory_space<semaphore_mem>>)
        %dma_wait3A = arith.constant 0 : i32
        %dma_wait3A_50 = tpu.memref_slice %arg3[%add3A_21, %dma_wait3A] : memref<2560x128xi32, #tpu.memory_space<hbm>> -> memref<1x128xi32, #tpu.memory_space<hbm>>
        %dma_wait3A_51 = tpu.memref_squeeze %dma_wait3A_50 : memref<1x128xi32, #tpu.memory_space<hbm>> -> memref<128xi32, #tpu.memory_space<hbm>>
        %dma_wait3A_52 = arith.constant 0 : i32
        %dma_wait3A_53 = tpu.memref_slice %arg3[%add3A_21, %dma_wait3A_52] : memref<2560x128xi32, #tpu.memory_space<hbm>> -> memref<1x128xi32, #tpu.memory_space<hbm>>
        %dma_wait3A_54 = tpu.memref_squeeze %dma_wait3A_53 : memref<1x128xi32, #tpu.memory_space<hbm>> -> memref<128xi32, #tpu.memory_space<hbm>>
        tpu.wait_dma2 semaphore(%run_scoped3A : memref<!tpu.dma_semaphore, #tpu.memory_space<semaphore_mem>>) src(%dma_wait3A_54 : memref<128xi32, #tpu.memory_space<hbm>>) dst(%arg9 : memref<128xi32, #tpu.memory_space<vmem>>)
        tpu.yield
      }) : () -> ()
      %add3A_22 = arith.constant 1 : i32
      %add3A_23 = arith.addi %add3A_15, %add3A_22 : i32
      "tpu.region"() ({
        %run_scoped3A = tpu.sem_alloc : memref<!tpu.dma_semaphore, #tpu.memory_space<semaphore_mem>>
        %dma_start3A_44 = arith.constant 0 : i32
        %dma_start3A_45 = tpu.memref_slice %arg4[%add3A_23, %dma_start3A_44] : memref<2560x128xi32, #tpu.memory_space<hbm>> -> memref<1x128xi32, #tpu.memory_space<hbm>>
        %dma_start3A_46 = tpu.memref_squeeze %dma_start3A_45 : memref<1x128xi32, #tpu.memory_space<hbm>> -> memref<128xi32, #tpu.memory_space<hbm>>
        %dma_start3A_47 = arith.constant 0 : i32
        %dma_start3A_48 = tpu.memref_slice %arg4[%add3A_23, %dma_start3A_47] : memref<2560x128xi32, #tpu.memory_space<hbm>> -> memref<1x128xi32, #tpu.memory_space<hbm>>
        %dma_start3A_49 = tpu.memref_squeeze %dma_start3A_48 : memref<1x128xi32, #tpu.memory_space<hbm>> -> memref<128xi32, #tpu.memory_space<hbm>>
        tpu.enqueue_dma source(%dma_start3A_49 : memref<128xi32, #tpu.memory_space<hbm>>) target(%arg10 : memref<128xi32, #tpu.memory_space<vmem>>) target_semaphore(%run_scoped3A : memref<!tpu.dma_semaphore, #tpu.memory_space<semaphore_mem>>)
        %dma_wait3A = arith.constant 0 : i32
        %dma_wait3A_50 = tpu.memref_slice %arg4[%add3A_23, %dma_wait3A] : memref<2560x128xi32, #tpu.memory_space<hbm>> -> memref<1x128xi32, #tpu.memory_space<hbm>>
        %dma_wait3A_51 = tpu.memref_squeeze %dma_wait3A_50 : memref<1x128xi32, #tpu.memory_space<hbm>> -> memref<128xi32, #tpu.memory_space<hbm>>
        %dma_wait3A_52 = arith.constant 0 : i32
        %dma_wait3A_53 = tpu.memref_slice %arg4[%add3A_23, %dma_wait3A_52] : memref<2560x128xi32, #tpu.memory_space<hbm>> -> memref<1x128xi32, #tpu.memory_space<hbm>>
        %dma_wait3A_54 = tpu.memref_squeeze %dma_wait3A_53 : memref<1x128xi32, #tpu.memory_space<hbm>> -> memref<128xi32, #tpu.memory_space<hbm>>
        tpu.wait_dma2 semaphore(%run_scoped3A : memref<!tpu.dma_semaphore, #tpu.memory_space<semaphore_mem>>) src(%dma_wait3A_54 : memref<128xi32, #tpu.memory_space<hbm>>) dst(%arg10 : memref<128xi32, #tpu.memory_space<vmem>>)
        tpu.yield
      }) : () -> ()
      %dma_start3A = arith.constant 0 : i32
      %dma_start3A_24 = arith.constant 0 : i32
      %dma_start3A_25 = tpu.memref_slice %arg15[%dma_start3A, %dma_start3A_24] : memref<128x128xf32, #tpu.memory_space<vmem>> -> memref<64x128xf32, #tpu.memory_space<vmem>>
      %dma_start3A_26 = arith.constant 0 : i32
      %dma_start3A_27 = tpu.memref_slice %arg7[%dma_start3A_26] : memref<128xi32, #tpu.memory_space<vmem>> -> memref<64xi32, #tpu.memory_space<vmem>>
      %dma_start3A_28 = arith.constant 0 : i32
      %dma_start3A_29 = arith.constant 0 : i32
      %dma_start3A_30 = tpu.memref_slice %arg2[%dma_start3A_28, %dma_start3A_29] : memref<10240x128xf32, #tpu.memory_space<hbm>> -> memref<10240x128xf32, #tpu.memory_space<hbm>>
      tpu.enqueue_indirect_dma source(%dma_start3A_30 : memref<10240x128xf32, #tpu.memory_space<hbm>>) target(%dma_start3A_25 : memref<64x128xf32, #tpu.memory_space<vmem>>) offsets(%dma_start3A_27 : memref<64xi32, #tpu.memory_space<vmem>>) semaphore(%arg18 : memref<!tpu.dma_semaphore, #tpu.memory_space<semaphore_mem>>)
      %dma_start3A_31 = arith.constant 64 : i32
      %dma_start3A_32 = arith.constant 0 : i32
      %dma_start3A_33 = tpu.memref_slice %arg15[%dma_start3A_31, %dma_start3A_32] : memref<128x128xf32, #tpu.memory_space<vmem>> -> memref<64x128xf32, #tpu.memory_space<vmem>>
      %dma_start3A_34 = arith.constant 64 : i32
      %dma_start3A_35 = tpu.memref_slice %arg7[%dma_start3A_34] : memref<128xi32, #tpu.memory_space<vmem>> -> memref<64xi32, #tpu.memory_space<vmem>>
      %dma_start3A_36 = arith.constant 0 : i32
      %dma_start3A_37 = arith.constant 0 : i32
      %dma_start3A_38 = tpu.memref_slice %arg2[%dma_start3A_36, %dma_start3A_37] : memref<10240x128xf32, #tpu.memory_space<hbm>> -> memref<10240x128xf32, #tpu.memory_space<hbm>>
      tpu.enqueue_indirect_dma source(%dma_start3A_38 : memref<10240x128xf32, #tpu.memory_space<hbm>>) target(%dma_start3A_33 : memref<64x128xf32, #tpu.memory_space<vmem>>) offsets(%dma_start3A_35 : memref<64xi32, #tpu.memory_space<vmem>>) semaphore(%arg20 : memref<!tpu.dma_semaphore, #tpu.memory_space<semaphore_mem>>)
      %scan3A = arith.constant 0 : i32
      %scan3A_39 = arith.constant 0 : i32
      %scan3A_40 = arith.constant 2 : i32
      %scan3A_41 = arith.addi %scan3A_39, %scan3A_40 : i32
      %scan3A_42 = arith.constant 1 : i32
      scf.for %scan3A_44 = %scan3A_39 to %scan3A_41 step %scan3A_42  : i32 {
        %mul3A_45 = arith.constant 4 : i32
        %mul3A_46 = arith.muli %mul3A_45, %scan3A_44 : i32
        %add3A_47 = arith.constant 0 : i32
        %add3A_48 = arith.addi %mul3A_46, %add3A_47 : i32
        %dma_wait3A = arith.constant 0 : i32
        %dma_wait3A_49 = arith.constant 0 : i32
        %dma_wait3A_50 = tpu.memref_slice %arg15[%dma_wait3A, %dma_wait3A_49] : memref<128x128xf32, #tpu.memory_space<vmem>> -> memref<64x128xf32, #tpu.memory_space<vmem>>
        %dma_wait3A_51 = arith.constant 0 : i32
        %dma_wait3A_52 = tpu.memref_slice %arg7[%dma_wait3A_51] : memref<128xi32, #tpu.memory_space<vmem>> -> memref<64xi32, #tpu.memory_space<vmem>>
        %dma_wait3A_53 = arith.constant 0 : i32
        %dma_wait3A_54 = arith.constant 0 : i32
        %dma_wait3A_55 = tpu.memref_slice %arg2[%dma_wait3A_53, %dma_wait3A_54] : memref<10240x128xf32, #tpu.memory_space<hbm>> -> memref<10240x128xf32, #tpu.memory_space<hbm>>
        tpu.wait_indirect_dma semaphore(%arg18 : memref<!tpu.dma_semaphore, #tpu.memory_space<semaphore_mem>>) src(%dma_wait3A_55 : memref<10240x128xf32, #tpu.memory_space<hbm>>) dst(%dma_wait3A_50 : memref<64x128xf32, #tpu.memory_space<vmem>>)
        %dma_wait3A_56 = arith.constant 64 : i32
        %dma_wait3A_57 = arith.constant 0 : i32
        %dma_wait3A_58 = tpu.memref_slice %arg15[%dma_wait3A_56, %dma_wait3A_57] : memref<128x128xf32, #tpu.memory_space<vmem>> -> memref<64x128xf32, #tpu.memory_space<vmem>>
        %dma_wait3A_59 = arith.constant 64 : i32
        %dma_wait3A_60 = tpu.memref_slice %arg7[%dma_wait3A_59] : memref<128xi32, #tpu.memory_space<vmem>> -> memref<64xi32, #tpu.memory_space<vmem>>
        %dma_wait3A_61 = arith.constant 0 : i32
        %dma_wait3A_62 = arith.constant 0 : i32
        %dma_wait3A_63 = tpu.memref_slice %arg2[%dma_wait3A_61, %dma_wait3A_62] : memref<10240x128xf32, #tpu.memory_space<hbm>> -> memref<10240x128xf32, #tpu.memory_space<hbm>>
        tpu.wait_indirect_dma semaphore(%arg20 : memref<!tpu.dma_semaphore, #tpu.memory_space<semaphore_mem>>) src(%dma_wait3A_63 : memref<10240x128xf32, #tpu.memory_space<hbm>>) dst(%dma_wait3A_58 : memref<64x128xf32, #tpu.memory_space<vmem>>)
        %dma_start3A_64 = arith.constant 0 : i32
        %dma_start3A_65 = arith.constant 0 : i32
        %dma_start3A_66 = tpu.memref_slice %arg16[%dma_start3A_64, %dma_start3A_65] : memref<128x128xf32, #tpu.memory_space<vmem>> -> memref<64x128xf32, #tpu.memory_space<vmem>>
        %dma_start3A_67 = arith.constant 0 : i32
        %dma_start3A_68 = tpu.memref_slice %arg9[%dma_start3A_67] : memref<128xi32, #tpu.memory_space<vmem>> -> memref<64xi32, #tpu.memory_space<vmem>>
        %dma_start3A_69 = arith.constant 0 : i32
        %dma_start3A_70 = arith.constant 0 : i32
        %dma_start3A_71 = tpu.memref_slice %arg2[%dma_start3A_69, %dma_start3A_70] : memref<10240x128xf32, #tpu.memory_space<hbm>> -> memref<10240x128xf32, #tpu.memory_space<hbm>>
        tpu.enqueue_indirect_dma source(%dma_start3A_71 : memref<10240x128xf32, #tpu.memory_space<hbm>>) target(%dma_start3A_66 : memref<64x128xf32, #tpu.memory_space<vmem>>) offsets(%dma_start3A_68 : memref<64xi32, #tpu.memory_space<vmem>>) semaphore(%arg19 : memref<!tpu.dma_semaphore, #tpu.memory_space<semaphore_mem>>)
        %dma_start3A_72 = arith.constant 64 : i32
        %dma_start3A_73 = arith.constant 0 : i32
        %dma_start3A_74 = tpu.memref_slice %arg16[%dma_start3A_72, %dma_start3A_73] : memref<128x128xf32, #tpu.memory_space<vmem>> -> memref<64x128xf32, #tpu.memory_space<vmem>>
        %dma_start3A_75 = arith.constant 64 : i32
        %dma_start3A_76 = tpu.memref_slice %arg9[%dma_start3A_75] : memref<128xi32, #tpu.memory_space<vmem>> -> memref<64xi32, #tpu.memory_space<vmem>>
        %dma_start3A_77 = arith.constant 0 : i32
        %dma_start3A_78 = arith.constant 0 : i32
        %dma_start3A_79 = tpu.memref_slice %arg2[%dma_start3A_77, %dma_start3A_78] : memref<10240x128xf32, #tpu.memory_space<hbm>> -> memref<10240x128xf32, #tpu.memory_space<hbm>>
        tpu.enqueue_indirect_dma source(%dma_start3A_79 : memref<10240x128xf32, #tpu.memory_space<hbm>>) target(%dma_start3A_74 : memref<64x128xf32, #tpu.memory_space<vmem>>) offsets(%dma_start3A_76 : memref<64xi32, #tpu.memory_space<vmem>>) semaphore(%arg21 : memref<!tpu.dma_semaphore, #tpu.memory_space<semaphore_mem>>)
        %add3A_80 = arith.addi %add3A_15, %add3A_48 : i32
        %add3A_81 = arith.constant 2 : i32
        %add3A_82 = arith.addi %add3A_80, %add3A_81 : i32
        "tpu.region"() ({
          %run_scoped3A = tpu.sem_alloc : memref<!tpu.dma_semaphore, #tpu.memory_space<semaphore_mem>>
          %dma_start3A_198 = arith.constant 0 : i32
          %dma_start3A_199 = tpu.memref_slice %arg3[%add3A_82, %dma_start3A_198] : memref<2560x128xi32, #tpu.memory_space<hbm>> -> memref<1x128xi32, #tpu.memory_space<hbm>>
          %dma_start3A_200 = tpu.memref_squeeze %dma_start3A_199 : memref<1x128xi32, #tpu.memory_space<hbm>> -> memref<128xi32, #tpu.memory_space<hbm>>
          %dma_start3A_201 = arith.constant 0 : i32
          %dma_start3A_202 = tpu.memref_slice %arg3[%add3A_82, %dma_start3A_201] : memref<2560x128xi32, #tpu.memory_space<hbm>> -> memref<1x128xi32, #tpu.memory_space<hbm>>
          %dma_start3A_203 = tpu.memref_squeeze %dma_start3A_202 : memref<1x128xi32, #tpu.memory_space<hbm>> -> memref<128xi32, #tpu.memory_space<hbm>>
          tpu.enqueue_dma source(%dma_start3A_203 : memref<128xi32, #tpu.memory_space<hbm>>) target(%arg11 : memref<128xi32, #tpu.memory_space<vmem>>) target_semaphore(%run_scoped3A : memref<!tpu.dma_semaphore, #tpu.memory_space<semaphore_mem>>)
          %dma_wait3A_204 = arith.constant 0 : i32
          %dma_wait3A_205 = tpu.memref_slice %arg3[%add3A_82, %dma_wait3A_204] : memref<2560x128xi32, #tpu.memory_space<hbm>> -> memref<1x128xi32, #tpu.memory_space<hbm>>
          %dma_wait3A_206 = tpu.memref_squeeze %dma_wait3A_205 : memref<1x128xi32, #tpu.memory_space<hbm>> -> memref<128xi32, #tpu.memory_space<hbm>>
          %dma_wait3A_207 = arith.constant 0 : i32
          %dma_wait3A_208 = tpu.memref_slice %arg3[%add3A_82, %dma_wait3A_207] : memref<2560x128xi32, #tpu.memory_space<hbm>> -> memref<1x128xi32, #tpu.memory_space<hbm>>
          %dma_wait3A_209 = tpu.memref_squeeze %dma_wait3A_208 : memref<1x128xi32, #tpu.memory_space<hbm>> -> memref<128xi32, #tpu.memory_space<hbm>>
          tpu.wait_dma2 semaphore(%run_scoped3A : memref<!tpu.dma_semaphore, #tpu.memory_space<semaphore_mem>>) src(%dma_wait3A_209 : memref<128xi32, #tpu.memory_space<hbm>>) dst(%arg11 : memref<128xi32, #tpu.memory_space<vmem>>)
          tpu.yield
        }) : () -> ()
        %add3A_83 = arith.addi %add3A_15, %add3A_48 : i32
        %add3A_84 = arith.constant 2 : i32
        %add3A_85 = arith.addi %add3A_83, %add3A_84 : i32
        "tpu.region"() ({
          %run_scoped3A = tpu.sem_alloc : memref<!tpu.dma_semaphore, #tpu.memory_space<semaphore_mem>>
          %dma_start3A_198 = arith.constant 0 : i32
          %dma_start3A_199 = tpu.memref_slice %arg4[%add3A_85, %dma_start3A_198] : memref<2560x128xi32, #tpu.memory_space<hbm>> -> memref<1x128xi32, #tpu.memory_space<hbm>>
          %dma_start3A_200 = tpu.memref_squeeze %dma_start3A_199 : memref<1x128xi32, #tpu.memory_space<hbm>> -> memref<128xi32, #tpu.memory_space<hbm>>
          %dma_start3A_201 = arith.constant 0 : i32
          %dma_start3A_202 = tpu.memref_slice %arg4[%add3A_85, %dma_start3A_201] : memref<2560x128xi32, #tpu.memory_space<hbm>> -> memref<1x128xi32, #tpu.memory_space<hbm>>
          %dma_start3A_203 = tpu.memref_squeeze %dma_start3A_202 : memref<1x128xi32, #tpu.memory_space<hbm>> -> memref<128xi32, #tpu.memory_space<hbm>>
          tpu.enqueue_dma source(%dma_start3A_203 : memref<128xi32, #tpu.memory_space<hbm>>) target(%arg12 : memref<128xi32, #tpu.memory_space<vmem>>) target_semaphore(%run_scoped3A : memref<!tpu.dma_semaphore, #tpu.memory_space<semaphore_mem>>)
          %dma_wait3A_204 = arith.constant 0 : i32
          %dma_wait3A_205 = tpu.memref_slice %arg4[%add3A_85, %dma_wait3A_204] : memref<2560x128xi32, #tpu.memory_space<hbm>> -> memref<1x128xi32, #tpu.memory_space<hbm>>
          %dma_wait3A_206 = tpu.memref_squeeze %dma_wait3A_205 : memref<1x128xi32, #tpu.memory_space<hbm>> -> memref<128xi32, #tpu.memory_space<hbm>>
          %dma_wait3A_207 = arith.constant 0 : i32
          %dma_wait3A_208 = tpu.memref_slice %arg4[%add3A_85, %dma_wait3A_207] : memref<2560x128xi32, #tpu.memory_space<hbm>> -> memref<1x128xi32, #tpu.memory_space<hbm>>
          %dma_wait3A_209 = tpu.memref_squeeze %dma_wait3A_208 : memref<1x128xi32, #tpu.memory_space<hbm>> -> memref<128xi32, #tpu.memory_space<hbm>>
          tpu.wait_dma2 semaphore(%run_scoped3A : memref<!tpu.dma_semaphore, #tpu.memory_space<semaphore_mem>>) src(%dma_wait3A_209 : memref<128xi32, #tpu.memory_space<hbm>>) dst(%arg12 : memref<128xi32, #tpu.memory_space<vmem>>)
          tpu.yield
        }) : () -> ()
        "tpu.region"() ({
          %run_scoped3A = tpu.sem_alloc : memref<!tpu.dma_semaphore, #tpu.memory_space<semaphore_mem>>
          %dma_start3A_198 = arith.constant 0 : i32
          %dma_start3A_199 = arith.constant 0 : i32
          %dma_start3A_200 = tpu.memref_slice %arg17[%dma_start3A_198, %dma_start3A_199] : memref<10240x128xf32, #tpu.memory_space<vmem_shared>> -> memref<10240x128xf32, #tpu.memory_space<vmem_shared>>
          tpu.enqueue_indirect_dma source(%arg15 : memref<128x128xf32, #tpu.memory_space<vmem>>) target(%dma_start3A_200 : memref<10240x128xf32, #tpu.memory_space<vmem_shared>>) offsets(%arg8 : memref<128xi32, #tpu.memory_space<vmem>>) semaphore(%run_scoped3A : memref<!tpu.dma_semaphore, #tpu.memory_space<semaphore_mem>>) {add = true}
          %dma_wait3A_201 = arith.constant 0 : i32
          %dma_wait3A_202 = arith.constant 0 : i32
          %dma_wait3A_203 = tpu.memref_slice %arg17[%dma_wait3A_201, %dma_wait3A_202] : memref<10240x128xf32, #tpu.memory_space<vmem_shared>> -> memref<10240x128xf32, #tpu.memory_space<vmem_shared>>
          tpu.wait_indirect_dma semaphore(%run_scoped3A : memref<!tpu.dma_semaphore, #tpu.memory_space<semaphore_mem>>) src(%arg15 : memref<128x128xf32, #tpu.memory_space<vmem>>) dst(%dma_wait3A_203 : memref<10240x128xf32, #tpu.memory_space<vmem_shared>>)
          tpu.yield
        }) : () -> ()
        %mul3A_86 = arith.constant 4 : i32
        %mul3A_87 = arith.muli %mul3A_86, %scan3A_44 : i32
        %add3A_88 = arith.constant 1 : i32
        %add3A_89 = arith.addi %mul3A_87, %add3A_88 : i32
        %dma_wait3A_90 = arith.constant 0 : i32
        %dma_wait3A_91 = arith.constant 0 : i32
        %dma_wait3A_92 = tpu.memref_slice %arg16[%dma_wait3A_90, %dma_wait3A_91] : memref<128x128xf32, #tpu.memory_space<vmem>> -> memref<64x128xf32, #tpu.memory_space<vmem>>
        %dma_wait3A_93 = arith.constant 0 : i32
        %dma_wait3A_94 = tpu.memref_slice %arg9[%dma_wait3A_93] : memref<128xi32, #tpu.memory_space<vmem>> -> memref<64xi32, #tpu.memory_space<vmem>>
        %dma_wait3A_95 = arith.constant 0 : i32
        %dma_wait3A_96 = arith.constant 0 : i32
        %dma_wait3A_97 = tpu.memref_slice %arg2[%dma_wait3A_95, %dma_wait3A_96] : memref<10240x128xf32, #tpu.memory_space<hbm>> -> memref<10240x128xf32, #tpu.memory_space<hbm>>
        tpu.wait_indirect_dma semaphore(%arg19 : memref<!tpu.dma_semaphore, #tpu.memory_space<semaphore_mem>>) src(%dma_wait3A_97 : memref<10240x128xf32, #tpu.memory_space<hbm>>) dst(%dma_wait3A_92 : memref<64x128xf32, #tpu.memory_space<vmem>>)
        %dma_wait3A_98 = arith.constant 64 : i32
        %dma_wait3A_99 = arith.constant 0 : i32
        %dma_wait3A_100 = tpu.memref_slice %arg16[%dma_wait3A_98, %dma_wait3A_99] : memref<128x128xf32, #tpu.memory_space<vmem>> -> memref<64x128xf32, #tpu.memory_space<vmem>>
        %dma_wait3A_101 = arith.constant 64 : i32
        %dma_wait3A_102 = tpu.memref_slice %arg9[%dma_wait3A_101] : memref<128xi32, #tpu.memory_space<vmem>> -> memref<64xi32, #tpu.memory_space<vmem>>
        %dma_wait3A_103 = arith.constant 0 : i32
        %dma_wait3A_104 = arith.constant 0 : i32
        %dma_wait3A_105 = tpu.memref_slice %arg2[%dma_wait3A_103, %dma_wait3A_104] : memref<10240x128xf32, #tpu.memory_space<hbm>> -> memref<10240x128xf32, #tpu.memory_space<hbm>>
        tpu.wait_indirect_dma semaphore(%arg21 : memref<!tpu.dma_semaphore, #tpu.memory_space<semaphore_mem>>) src(%dma_wait3A_105 : memref<10240x128xf32, #tpu.memory_space<hbm>>) dst(%dma_wait3A_100 : memref<64x128xf32, #tpu.memory_space<vmem>>)
        %dma_start3A_106 = arith.constant 0 : i32
        %dma_start3A_107 = arith.constant 0 : i32
        %dma_start3A_108 = tpu.memref_slice %arg15[%dma_start3A_106, %dma_start3A_107] : memref<128x128xf32, #tpu.memory_space<vmem>> -> memref<64x128xf32, #tpu.memory_space<vmem>>
        %dma_start3A_109 = arith.constant 0 : i32
        %dma_start3A_110 = tpu.memref_slice %arg11[%dma_start3A_109] : memref<128xi32, #tpu.memory_space<vmem>> -> memref<64xi32, #tpu.memory_space<vmem>>
        %dma_start3A_111 = arith.constant 0 : i32
        %dma_start3A_112 = arith.constant 0 : i32
        %dma_start3A_113 = tpu.memref_slice %arg2[%dma_start3A_111, %dma_start3A_112] : memref<10240x128xf32, #tpu.memory_space<hbm>> -> memref<10240x128xf32, #tpu.memory_space<hbm>>
        tpu.enqueue_indirect_dma source(%dma_start3A_113 : memref<10240x128xf32, #tpu.memory_space<hbm>>) target(%dma_start3A_108 : memref<64x128xf32, #tpu.memory_space<vmem>>) offsets(%dma_start3A_110 : memref<64xi32, #tpu.memory_space<vmem>>) semaphore(%arg18 : memref<!tpu.dma_semaphore, #tpu.memory_space<semaphore_mem>>)
        %dma_start3A_114 = arith.constant 64 : i32
        %dma_start3A_115 = arith.constant 0 : i32
        %dma_start3A_116 = tpu.memref_slice %arg15[%dma_start3A_114, %dma_start3A_115] : memref<128x128xf32, #tpu.memory_space<vmem>> -> memref<64x128xf32, #tpu.memory_space<vmem>>
        %dma_start3A_117 = arith.constant 64 : i32
        %dma_start3A_118 = tpu.memref_slice %arg11[%dma_start3A_117] : memref<128xi32, #tpu.memory_space<vmem>> -> memref<64xi32, #tpu.memory_space<vmem>>
        %dma_start3A_119 = arith.constant 0 : i32
        %dma_start3A_120 = arith.constant 0 : i32
        %dma_start3A_121 = tpu.memref_slice %arg2[%dma_start3A_119, %dma_start3A_120] : memref<10240x128xf32, #tpu.memory_space<hbm>> -> memref<10240x128xf32, #tpu.memory_space<hbm>>
        tpu.enqueue_indirect_dma source(%dma_start3A_121 : memref<10240x128xf32, #tpu.memory_space<hbm>>) target(%dma_start3A_116 : memref<64x128xf32, #tpu.memory_space<vmem>>) offsets(%dma_start3A_118 : memref<64xi32, #tpu.memory_space<vmem>>) semaphore(%arg20 : memref<!tpu.dma_semaphore, #tpu.memory_space<semaphore_mem>>)
        %add3A_122 = arith.addi %add3A_15, %add3A_89 : i32
        %add3A_123 = arith.constant 2 : i32
        %add3A_124 = arith.addi %add3A_122, %add3A_123 : i32
        "tpu.region"() ({
          %run_scoped3A = tpu.sem_alloc : memref<!tpu.dma_semaphore, #tpu.memory_space<semaphore_mem>>
          %dma_start3A_198 = arith.constant 0 : i32
          %dma_start3A_199 = tpu.memref_slice %arg3[%add3A_124, %dma_start3A_198] : memref<2560x128xi32, #tpu.memory_space<hbm>> -> memref<1x128xi32, #tpu.memory_space<hbm>>
          %dma_start3A_200 = tpu.memref_squeeze %dma_start3A_199 : memref<1x128xi32, #tpu.memory_space<hbm>> -> memref<128xi32, #tpu.memory_space<hbm>>
          %dma_start3A_201 = arith.constant 0 : i32
          %dma_start3A_202 = tpu.memref_slice %arg3[%add3A_124, %dma_start3A_201] : memref<2560x128xi32, #tpu.memory_space<hbm>> -> memref<1x128xi32, #tpu.memory_space<hbm>>
          %dma_start3A_203 = tpu.memref_squeeze %dma_start3A_202 : memref<1x128xi32, #tpu.memory_space<hbm>> -> memref<128xi32, #tpu.memory_space<hbm>>
          tpu.enqueue_dma source(%dma_start3A_203 : memref<128xi32, #tpu.memory_space<hbm>>) target(%arg13 : memref<128xi32, #tpu.memory_space<vmem>>) target_semaphore(%run_scoped3A : memref<!tpu.dma_semaphore, #tpu.memory_space<semaphore_mem>>)
          %dma_wait3A_204 = arith.constant 0 : i32
          %dma_wait3A_205 = tpu.memref_slice %arg3[%add3A_124, %dma_wait3A_204] : memref<2560x128xi32, #tpu.memory_space<hbm>> -> memref<1x128xi32, #tpu.memory_space<hbm>>
          %dma_wait3A_206 = tpu.memref_squeeze %dma_wait3A_205 : memref<1x128xi32, #tpu.memory_space<hbm>> -> memref<128xi32, #tpu.memory_space<hbm>>
          %dma_wait3A_207 = arith.constant 0 : i32
          %dma_wait3A_208 = tpu.memref_slice %arg3[%add3A_124, %dma_wait3A_207] : memref<2560x128xi32, #tpu.memory_space<hbm>> -> memref<1x128xi32, #tpu.memory_space<hbm>>
          %dma_wait3A_209 = tpu.memref_squeeze %dma_wait3A_208 : memref<1x128xi32, #tpu.memory_space<hbm>> -> memref<128xi32, #tpu.memory_space<hbm>>
          tpu.wait_dma2 semaphore(%run_scoped3A : memref<!tpu.dma_semaphore, #tpu.memory_space<semaphore_mem>>) src(%dma_wait3A_209 : memref<128xi32, #tpu.memory_space<hbm>>) dst(%arg13 : memref<128xi32, #tpu.memory_space<vmem>>)
          tpu.yield
        }) : () -> ()
        %add3A_125 = arith.addi %add3A_15, %add3A_89 : i32
        %add3A_126 = arith.constant 2 : i32
        %add3A_127 = arith.addi %add3A_125, %add3A_126 : i32
        "tpu.region"() ({
          %run_scoped3A = tpu.sem_alloc : memref<!tpu.dma_semaphore, #tpu.memory_space<semaphore_mem>>
          %dma_start3A_198 = arith.constant 0 : i32
          %dma_start3A_199 = tpu.memref_slice %arg4[%add3A_127, %dma_start3A_198] : memref<2560x128xi32, #tpu.memory_space<hbm>> -> memref<1x128xi32, #tpu.memory_space<hbm>>
          %dma_start3A_200 = tpu.memref_squeeze %dma_start3A_199 : memref<1x128xi32, #tpu.memory_space<hbm>> -> memref<128xi32, #tpu.memory_space<hbm>>
          %dma_start3A_201 = arith.constant 0 : i32
          %dma_start3A_202 = tpu.memref_slice %arg4[%add3A_127, %dma_start3A_201] : memref<2560x128xi32, #tpu.memory_space<hbm>> -> memref<1x128xi32, #tpu.memory_space<hbm>>
          %dma_start3A_203 = tpu.memref_squeeze %dma_start3A_202 : memref<1x128xi32, #tpu.memory_space<hbm>> -> memref<128xi32, #tpu.memory_space<hbm>>
          tpu.enqueue_dma source(%dma_start3A_203 : memref<128xi32, #tpu.memory_space<hbm>>) target(%arg14 : memref<128xi32, #tpu.memory_space<vmem>>) target_semaphore(%run_scoped3A : memref<!tpu.dma_semaphore, #tpu.memory_space<semaphore_mem>>)
          %dma_wait3A_204 = arith.constant 0 : i32
          %dma_wait3A_205 = tpu.memref_slice %arg4[%add3A_127, %dma_wait3A_204] : memref<2560x128xi32, #tpu.memory_space<hbm>> -> memref<1x128xi32, #tpu.memory_space<hbm>>
          %dma_wait3A_206 = tpu.memref_squeeze %dma_wait3A_205 : memref<1x128xi32, #tpu.memory_space<hbm>> -> memref<128xi32, #tpu.memory_space<hbm>>
          %dma_wait3A_207 = arith.constant 0 : i32
          %dma_wait3A_208 = tpu.memref_slice %arg4[%add3A_127, %dma_wait3A_207] : memref<2560x128xi32, #tpu.memory_space<hbm>> -> memref<1x128xi32, #tpu.memory_space<hbm>>
          %dma_wait3A_209 = tpu.memref_squeeze %dma_wait3A_208 : memref<1x128xi32, #tpu.memory_space<hbm>> -> memref<128xi32, #tpu.memory_space<hbm>>
          tpu.wait_dma2 semaphore(%run_scoped3A : memref<!tpu.dma_semaphore, #tpu.memory_space<semaphore_mem>>) src(%dma_wait3A_209 : memref<128xi32, #tpu.memory_space<hbm>>) dst(%arg14 : memref<128xi32, #tpu.memory_space<vmem>>)
          tpu.yield
        }) : () -> ()
        "tpu.region"() ({
          %run_scoped3A = tpu.sem_alloc : memref<!tpu.dma_semaphore, #tpu.memory_space<semaphore_mem>>
          %dma_start3A_198 = arith.constant 0 : i32
          %dma_start3A_199 = arith.constant 0 : i32
          %dma_start3A_200 = tpu.memref_slice %arg17[%dma_start3A_198, %dma_start3A_199] : memref<10240x128xf32, #tpu.memory_space<vmem_shared>> -> memref<10240x128xf32, #tpu.memory_space<vmem_shared>>
          tpu.enqueue_indirect_dma source(%arg16 : memref<128x128xf32, #tpu.memory_space<vmem>>) target(%dma_start3A_200 : memref<10240x128xf32, #tpu.memory_space<vmem_shared>>) offsets(%arg10 : memref<128xi32, #tpu.memory_space<vmem>>) semaphore(%run_scoped3A : memref<!tpu.dma_semaphore, #tpu.memory_space<semaphore_mem>>) {add = true}
          %dma_wait3A_201 = arith.constant 0 : i32
          %dma_wait3A_202 = arith.constant 0 : i32
          %dma_wait3A_203 = tpu.memref_slice %arg17[%dma_wait3A_201, %dma_wait3A_202] : memref<10240x128xf32, #tpu.memory_space<vmem_shared>> -> memref<10240x128xf32, #tpu.memory_space<vmem_shared>>
          tpu.wait_indirect_dma semaphore(%run_scoped3A : memref<!tpu.dma_semaphore, #tpu.memory_space<semaphore_mem>>) src(%arg16 : memref<128x128xf32, #tpu.memory_space<vmem>>) dst(%dma_wait3A_203 : memref<10240x128xf32, #tpu.memory_space<vmem_shared>>)
          tpu.yield
        }) : () -> ()
        %mul3A_128 = arith.constant 4 : i32
        %mul3A_129 = arith.muli %mul3A_128, %scan3A_44 : i32
        %add3A_130 = arith.constant 2 : i32
        %add3A_131 = arith.addi %mul3A_129, %add3A_130 : i32
        %dma_wait3A_132 = arith.constant 0 : i32
        %dma_wait3A_133 = arith.constant 0 : i32
        %dma_wait3A_134 = tpu.memref_slice %arg15[%dma_wait3A_132, %dma_wait3A_133] : memref<128x128xf32, #tpu.memory_space<vmem>> -> memref<64x128xf32, #tpu.memory_space<vmem>>
        %dma_wait3A_135 = arith.constant 0 : i32
        %dma_wait3A_136 = tpu.memref_slice %arg11[%dma_wait3A_135] : memref<128xi32, #tpu.memory_space<vmem>> -> memref<64xi32, #tpu.memory_space<vmem>>
        %dma_wait3A_137 = arith.constant 0 : i32
        %dma_wait3A_138 = arith.constant 0 : i32
        %dma_wait3A_139 = tpu.memref_slice %arg2[%dma_wait3A_137, %dma_wait3A_138] : memref<10240x128xf32, #tpu.memory_space<hbm>> -> memref<10240x128xf32, #tpu.memory_space<hbm>>
        tpu.wait_indirect_dma semaphore(%arg18 : memref<!tpu.dma_semaphore, #tpu.memory_space<semaphore_mem>>) src(%dma_wait3A_139 : memref<10240x128xf32, #tpu.memory_space<hbm>>) dst(%dma_wait3A_134 : memref<64x128xf32, #tpu.memory_space<vmem>>)
        %dma_wait3A_140 = arith.constant 64 : i32
        %dma_wait3A_141 = arith.constant 0 : i32
        %dma_wait3A_142 = tpu.memref_slice %arg15[%dma_wait3A_140, %dma_wait3A_141] : memref<128x128xf32, #tpu.memory_space<vmem>> -> memref<64x128xf32, #tpu.memory_space<vmem>>
        %dma_wait3A_143 = arith.constant 64 : i32
        %dma_wait3A_144 = tpu.memref_slice %arg11[%dma_wait3A_143] : memref<128xi32, #tpu.memory_space<vmem>> -> memref<64xi32, #tpu.memory_space<vmem>>
        %dma_wait3A_145 = arith.constant 0 : i32
        %dma_wait3A_146 = arith.constant 0 : i32
        %dma_wait3A_147 = tpu.memref_slice %arg2[%dma_wait3A_145, %dma_wait3A_146] : memref<10240x128xf32, #tpu.memory_space<hbm>> -> memref<10240x128xf32, #tpu.memory_space<hbm>>
        tpu.wait_indirect_dma semaphore(%arg20 : memref<!tpu.dma_semaphore, #tpu.memory_space<semaphore_mem>>) src(%dma_wait3A_147 : memref<10240x128xf32, #tpu.memory_space<hbm>>) dst(%dma_wait3A_142 : memref<64x128xf32, #tpu.memory_space<vmem>>)
        %dma_start3A_148 = arith.constant 0 : i32
        %dma_start3A_149 = arith.constant 0 : i32
        %dma_start3A_150 = tpu.memref_slice %arg16[%dma_start3A_148, %dma_start3A_149] : memref<128x128xf32, #tpu.memory_space<vmem>> -> memref<64x128xf32, #tpu.memory_space<vmem>>
        %dma_start3A_151 = arith.constant 0 : i32
        %dma_start3A_152 = tpu.memref_slice %arg13[%dma_start3A_151] : memref<128xi32, #tpu.memory_space<vmem>> -> memref<64xi32, #tpu.memory_space<vmem>>
        %dma_start3A_153 = arith.constant 0 : i32
        %dma_start3A_154 = arith.constant 0 : i32
        %dma_start3A_155 = tpu.memref_slice %arg2[%dma_start3A_153, %dma_start3A_154] : memref<10240x128xf32, #tpu.memory_space<hbm>> -> memref<10240x128xf32, #tpu.memory_space<hbm>>
        tpu.enqueue_indirect_dma source(%dma_start3A_155 : memref<10240x128xf32, #tpu.memory_space<hbm>>) target(%dma_start3A_150 : memref<64x128xf32, #tpu.memory_space<vmem>>) offsets(%dma_start3A_152 : memref<64xi32, #tpu.memory_space<vmem>>) semaphore(%arg19 : memref<!tpu.dma_semaphore, #tpu.memory_space<semaphore_mem>>)
        %dma_start3A_156 = arith.constant 64 : i32
        %dma_start3A_157 = arith.constant 0 : i32
        %dma_start3A_158 = tpu.memref_slice %arg16[%dma_start3A_156, %dma_start3A_157] : memref<128x128xf32, #tpu.memory_space<vmem>> -> memref<64x128xf32, #tpu.memory_space<vmem>>
        %dma_start3A_159 = arith.constant 64 : i32
        %dma_start3A_160 = tpu.memref_slice %arg13[%dma_start3A_159] : memref<128xi32, #tpu.memory_space<vmem>> -> memref<64xi32, #tpu.memory_space<vmem>>
        %dma_start3A_161 = arith.constant 0 : i32
        %dma_start3A_162 = arith.constant 0 : i32
        %dma_start3A_163 = tpu.memref_slice %arg2[%dma_start3A_161, %dma_start3A_162] : memref<10240x128xf32, #tpu.memory_space<hbm>> -> memref<10240x128xf32, #tpu.memory_space<hbm>>
        tpu.enqueue_indirect_dma source(%dma_start3A_163 : memref<10240x128xf32, #tpu.memory_space<hbm>>) target(%dma_start3A_158 : memref<64x128xf32, #tpu.memory_space<vmem>>) offsets(%dma_start3A_160 : memref<64xi32, #tpu.memory_space<vmem>>) semaphore(%arg21 : memref<!tpu.dma_semaphore, #tpu.memory_space<semaphore_mem>>)
        %le3A = arith.constant 0 : i32
        %le3A_164 = arith.cmpi sle, %scan3A_44, %le3A : i32
        %convert_element_type3A_165 = arith.extui %le3A_164 : i1 to i32
        %cond3A_166 = arith.constant 0 : i32
        %cond3A_167 = arith.cmpi ne, %convert_element_type3A_165, %cond3A_166 : i32
        scf.if %cond3A_167 {
          %add3A_198 = arith.addi %add3A_15, %add3A_131 : i32
          %add3A_199 = arith.constant 2 : i32
          %add3A_200 = arith.addi %add3A_198, %add3A_199 : i32
          "tpu.region"() ({
            %run_scoped3A = tpu.sem_alloc : memref<!tpu.dma_semaphore, #tpu.memory_space<semaphore_mem>>
            %dma_start3A_204 = arith.constant 0 : i32
            %dma_start3A_205 = tpu.memref_slice %arg3[%add3A_200, %dma_start3A_204] : memref<2560x128xi32, #tpu.memory_space<hbm>> -> memref<1x128xi32, #tpu.memory_space<hbm>>
            %dma_start3A_206 = tpu.memref_squeeze %dma_start3A_205 : memref<1x128xi32, #tpu.memory_space<hbm>> -> memref<128xi32, #tpu.memory_space<hbm>>
            %dma_start3A_207 = arith.constant 0 : i32
            %dma_start3A_208 = tpu.memref_slice %arg3[%add3A_200, %dma_start3A_207] : memref<2560x128xi32, #tpu.memory_space<hbm>> -> memref<1x128xi32, #tpu.memory_space<hbm>>
            %dma_start3A_209 = tpu.memref_squeeze %dma_start3A_208 : memref<1x128xi32, #tpu.memory_space<hbm>> -> memref<128xi32, #tpu.memory_space<hbm>>
            tpu.enqueue_dma source(%dma_start3A_209 : memref<128xi32, #tpu.memory_space<hbm>>) target(%arg7 : memref<128xi32, #tpu.memory_space<vmem>>) target_semaphore(%run_scoped3A : memref<!tpu.dma_semaphore, #tpu.memory_space<semaphore_mem>>)
            %dma_wait3A_210 = arith.constant 0 : i32
            %dma_wait3A_211 = tpu.memref_slice %arg3[%add3A_200, %dma_wait3A_210] : memref<2560x128xi32, #tpu.memory_space<hbm>> -> memref<1x128xi32, #tpu.memory_space<hbm>>
            %dma_wait3A_212 = tpu.memref_squeeze %dma_wait3A_211 : memref<1x128xi32, #tpu.memory_space<hbm>> -> memref<128xi32, #tpu.memory_space<hbm>>
            %dma_wait3A_213 = arith.constant 0 : i32
            %dma_wait3A_214 = tpu.memref_slice %arg3[%add3A_200, %dma_wait3A_213] : memref<2560x128xi32, #tpu.memory_space<hbm>> -> memref<1x128xi32, #tpu.memory_space<hbm>>
            %dma_wait3A_215 = tpu.memref_squeeze %dma_wait3A_214 : memref<1x128xi32, #tpu.memory_space<hbm>> -> memref<128xi32, #tpu.memory_space<hbm>>
            tpu.wait_dma2 semaphore(%run_scoped3A : memref<!tpu.dma_semaphore, #tpu.memory_space<semaphore_mem>>) src(%dma_wait3A_215 : memref<128xi32, #tpu.memory_space<hbm>>) dst(%arg7 : memref<128xi32, #tpu.memory_space<vmem>>)
            tpu.yield
          }) : () -> ()
          %add3A_201 = arith.addi %add3A_15, %add3A_131 : i32
          %add3A_202 = arith.constant 2 : i32
          %add3A_203 = arith.addi %add3A_201, %add3A_202 : i32
          "tpu.region"() ({
            %run_scoped3A = tpu.sem_alloc : memref<!tpu.dma_semaphore, #tpu.memory_space<semaphore_mem>>
            %dma_start3A_204 = arith.constant 0 : i32
            %dma_start3A_205 = tpu.memref_slice %arg4[%add3A_203, %dma_start3A_204] : memref<2560x128xi32, #tpu.memory_space<hbm>> -> memref<1x128xi32, #tpu.memory_space<hbm>>
            %dma_start3A_206 = tpu.memref_squeeze %dma_start3A_205 : memref<1x128xi32, #tpu.memory_space<hbm>> -> memref<128xi32, #tpu.memory_space<hbm>>
            %dma_start3A_207 = arith.constant 0 : i32
            %dma_start3A_208 = tpu.memref_slice %arg4[%add3A_203, %dma_start3A_207] : memref<2560x128xi32, #tpu.memory_space<hbm>> -> memref<1x128xi32, #tpu.memory_space<hbm>>
            %dma_start3A_209 = tpu.memref_squeeze %dma_start3A_208 : memref<1x128xi32, #tpu.memory_space<hbm>> -> memref<128xi32, #tpu.memory_space<hbm>>
            tpu.enqueue_dma source(%dma_start3A_209 : memref<128xi32, #tpu.memory_space<hbm>>) target(%arg8 : memref<128xi32, #tpu.memory_space<vmem>>) target_semaphore(%run_scoped3A : memref<!tpu.dma_semaphore, #tpu.memory_space<semaphore_mem>>)
            %dma_wait3A_210 = arith.constant 0 : i32
            %dma_wait3A_211 = tpu.memref_slice %arg4[%add3A_203, %dma_wait3A_210] : memref<2560x128xi32, #tpu.memory_space<hbm>> -> memref<1x128xi32, #tpu.memory_space<hbm>>
            %dma_wait3A_212 = tpu.memref_squeeze %dma_wait3A_211 : memref<1x128xi32, #tpu.memory_space<hbm>> -> memref<128xi32, #tpu.memory_space<hbm>>
            %dma_wait3A_213 = arith.constant 0 : i32
            %dma_wait3A_214 = tpu.memref_slice %arg4[%add3A_203, %dma_wait3A_213] : memref<2560x128xi32, #tpu.memory_space<hbm>> -> memref<1x128xi32, #tpu.memory_space<hbm>>
            %dma_wait3A_215 = tpu.memref_squeeze %dma_wait3A_214 : memref<1x128xi32, #tpu.memory_space<hbm>> -> memref<128xi32, #tpu.memory_space<hbm>>
            tpu.wait_dma2 semaphore(%run_scoped3A : memref<!tpu.dma_semaphore, #tpu.memory_space<semaphore_mem>>) src(%dma_wait3A_215 : memref<128xi32, #tpu.memory_space<hbm>>) dst(%arg8 : memref<128xi32, #tpu.memory_space<vmem>>)
            tpu.yield
          }) : () -> ()
        } else {
        }
        "tpu.region"() ({
          %run_scoped3A = tpu.sem_alloc : memref<!tpu.dma_semaphore, #tpu.memory_space<semaphore_mem>>
          %dma_start3A_198 = arith.constant 0 : i32
          %dma_start3A_199 = arith.constant 0 : i32
          %dma_start3A_200 = tpu.memref_slice %arg17[%dma_start3A_198, %dma_start3A_199] : memref<10240x128xf32, #tpu.memory_space<vmem_shared>> -> memref<10240x128xf32, #tpu.memory_space<vmem_shared>>
          tpu.enqueue_indirect_dma source(%arg15 : memref<128x128xf32, #tpu.memory_space<vmem>>) target(%dma_start3A_200 : memref<10240x128xf32, #tpu.memory_space<vmem_shared>>) offsets(%arg12 : memref<128xi32, #tpu.memory_space<vmem>>) semaphore(%run_scoped3A : memref<!tpu.dma_semaphore, #tpu.memory_space<semaphore_mem>>) {add = true}
          %dma_wait3A_201 = arith.constant 0 : i32
          %dma_wait3A_202 = arith.constant 0 : i32
          %dma_wait3A_203 = tpu.memref_slice %arg17[%dma_wait3A_201, %dma_wait3A_202] : memref<10240x128xf32, #tpu.memory_space<vmem_shared>> -> memref<10240x128xf32, #tpu.memory_space<vmem_shared>>
          tpu.wait_indirect_dma semaphore(%run_scoped3A : memref<!tpu.dma_semaphore, #tpu.memory_space<semaphore_mem>>) src(%arg15 : memref<128x128xf32, #tpu.memory_space<vmem>>) dst(%dma_wait3A_203 : memref<10240x128xf32, #tpu.memory_space<vmem_shared>>)
          tpu.yield
        }) : () -> ()
        %mul3A_168 = arith.constant 4 : i32
        %mul3A_169 = arith.muli %mul3A_168, %scan3A_44 : i32
        %add3A_170 = arith.constant 3 : i32
        %add3A_171 = arith.addi %mul3A_169, %add3A_170 : i32
        %dma_wait3A_172 = arith.constant 0 : i32
        %dma_wait3A_173 = arith.constant 0 : i32
        %dma_wait3A_174 = tpu.memref_slice %arg16[%dma_wait3A_172, %dma_wait3A_173] : memref<128x128xf32, #tpu.memory_space<vmem>> -> memref<64x128xf32, #tpu.memory_space<vmem>>
        %dma_wait3A_175 = arith.constant 0 : i32
        %dma_wait3A_176 = tpu.memref_slice %arg13[%dma_wait3A_175] : memref<128xi32, #tpu.memory_space<vmem>> -> memref<64xi32, #tpu.memory_space<vmem>>
        %dma_wait3A_177 = arith.constant 0 : i32
        %dma_wait3A_178 = arith.constant 0 : i32
        %dma_wait3A_179 = tpu.memref_slice %arg2[%dma_wait3A_177, %dma_wait3A_178] : memref<10240x128xf32, #tpu.memory_space<hbm>> -> memref<10240x128xf32, #tpu.memory_space<hbm>>
        tpu.wait_indirect_dma semaphore(%arg19 : memref<!tpu.dma_semaphore, #tpu.memory_space<semaphore_mem>>) src(%dma_wait3A_179 : memref<10240x128xf32, #tpu.memory_space<hbm>>) dst(%dma_wait3A_174 : memref<64x128xf32, #tpu.memory_space<vmem>>)
        %dma_wait3A_180 = arith.constant 64 : i32
        %dma_wait3A_181 = arith.constant 0 : i32
        %dma_wait3A_182 = tpu.memref_slice %arg16[%dma_wait3A_180, %dma_wait3A_181] : memref<128x128xf32, #tpu.memory_space<vmem>> -> memref<64x128xf32, #tpu.memory_space<vmem>>
        %dma_wait3A_183 = arith.constant 64 : i32
        %dma_wait3A_184 = tpu.memref_slice %arg13[%dma_wait3A_183] : memref<128xi32, #tpu.memory_space<vmem>> -> memref<64xi32, #tpu.memory_space<vmem>>
        %dma_wait3A_185 = arith.constant 0 : i32
        %dma_wait3A_186 = arith.constant 0 : i32
        %dma_wait3A_187 = tpu.memref_slice %arg2[%dma_wait3A_185, %dma_wait3A_186] : memref<10240x128xf32, #tpu.memory_space<hbm>> -> memref<10240x128xf32, #tpu.memory_space<hbm>>
        tpu.wait_indirect_dma semaphore(%arg21 : memref<!tpu.dma_semaphore, #tpu.memory_space<semaphore_mem>>) src(%dma_wait3A_187 : memref<10240x128xf32, #tpu.memory_space<hbm>>) dst(%dma_wait3A_182 : memref<64x128xf32, #tpu.memory_space<vmem>>)
        %le3A_188 = arith.constant 0 : i32
        %le3A_189 = arith.cmpi sle, %scan3A_44, %le3A_188 : i32
        %convert_element_type3A_190 = arith.extui %le3A_189 : i1 to i32
        %cond3A_191 = arith.constant 0 : i32
        %cond3A_192 = arith.cmpi ne, %convert_element_type3A_190, %cond3A_191 : i32
        scf.if %cond3A_192 {
          %dma_start3A_198 = arith.constant 0 : i32
          %dma_start3A_199 = arith.constant 0 : i32
          %dma_start3A_200 = tpu.memref_slice %arg15[%dma_start3A_198, %dma_start3A_199] : memref<128x128xf32, #tpu.memory_space<vmem>> -> memref<64x128xf32, #tpu.memory_space<vmem>>
          %dma_start3A_201 = arith.constant 0 : i32
          %dma_start3A_202 = tpu.memref_slice %arg7[%dma_start3A_201] : memref<128xi32, #tpu.memory_space<vmem>> -> memref<64xi32, #tpu.memory_space<vmem>>
          %dma_start3A_203 = arith.constant 0 : i32
          %dma_start3A_204 = arith.constant 0 : i32
          %dma_start3A_205 = tpu.memref_slice %arg2[%dma_start3A_203, %dma_start3A_204] : memref<10240x128xf32, #tpu.memory_space<hbm>> -> memref<10240x128xf32, #tpu.memory_space<hbm>>
          tpu.enqueue_indirect_dma source(%dma_start3A_205 : memref<10240x128xf32, #tpu.memory_space<hbm>>) target(%dma_start3A_200 : memref<64x128xf32, #tpu.memory_space<vmem>>) offsets(%dma_start3A_202 : memref<64xi32, #tpu.memory_space<vmem>>) semaphore(%arg18 : memref<!tpu.dma_semaphore, #tpu.memory_space<semaphore_mem>>)
          %dma_start3A_206 = arith.constant 64 : i32
          %dma_start3A_207 = arith.constant 0 : i32
          %dma_start3A_208 = tpu.memref_slice %arg15[%dma_start3A_206, %dma_start3A_207] : memref<128x128xf32, #tpu.memory_space<vmem>> -> memref<64x128xf32, #tpu.memory_space<vmem>>
          %dma_start3A_209 = arith.constant 64 : i32
          %dma_start3A_210 = tpu.memref_slice %arg7[%dma_start3A_209] : memref<128xi32, #tpu.memory_space<vmem>> -> memref<64xi32, #tpu.memory_space<vmem>>
          %dma_start3A_211 = arith.constant 0 : i32
          %dma_start3A_212 = arith.constant 0 : i32
          %dma_start3A_213 = tpu.memref_slice %arg2[%dma_start3A_211, %dma_start3A_212] : memref<10240x128xf32, #tpu.memory_space<hbm>> -> memref<10240x128xf32, #tpu.memory_space<hbm>>
          tpu.enqueue_indirect_dma source(%dma_start3A_213 : memref<10240x128xf32, #tpu.memory_space<hbm>>) target(%dma_start3A_208 : memref<64x128xf32, #tpu.memory_space<vmem>>) offsets(%dma_start3A_210 : memref<64xi32, #tpu.memory_space<vmem>>) semaphore(%arg20 : memref<!tpu.dma_semaphore, #tpu.memory_space<semaphore_mem>>)
        } else {
        }
        %le3A_193 = arith.constant 0 : i32
        %le3A_194 = arith.cmpi sle, %scan3A_44, %le3A_193 : i32
        %convert_element_type3A_195 = arith.extui %le3A_194 : i1 to i32
        %cond3A_196 = arith.constant 0 : i32
        %cond3A_197 = arith.cmpi ne, %convert_element_type3A_195, %cond3A_196 : i32
        scf.if %cond3A_197 {
          %add3A_198 = arith.addi %add3A_15, %add3A_171 : i32
          %add3A_199 = arith.constant 2 : i32
          %add3A_200 = arith.addi %add3A_198, %add3A_199 : i32
          "tpu.region"() ({
            %run_scoped3A = tpu.sem_alloc : memref<!tpu.dma_semaphore, #tpu.memory_space<semaphore_mem>>
            %dma_start3A_204 = arith.constant 0 : i32
            %dma_start3A_205 = tpu.memref_slice %arg3[%add3A_200, %dma_start3A_204] : memref<2560x128xi32, #tpu.memory_space<hbm>> -> memref<1x128xi32, #tpu.memory_space<hbm>>
            %dma_start3A_206 = tpu.memref_squeeze %dma_start3A_205 : memref<1x128xi32, #tpu.memory_space<hbm>> -> memref<128xi32, #tpu.memory_space<hbm>>
            %dma_start3A_207 = arith.constant 0 : i32
            %dma_start3A_208 = tpu.memref_slice %arg3[%add3A_200, %dma_start3A_207] : memref<2560x128xi32, #tpu.memory_space<hbm>> -> memref<1x128xi32, #tpu.memory_space<hbm>>
            %dma_start3A_209 = tpu.memref_squeeze %dma_start3A_208 : memref<1x128xi32, #tpu.memory_space<hbm>> -> memref<128xi32, #tpu.memory_space<hbm>>
            tpu.enqueue_dma source(%dma_start3A_209 : memref<128xi32, #tpu.memory_space<hbm>>) target(%arg9 : memref<128xi32, #tpu.memory_space<vmem>>) target_semaphore(%run_scoped3A : memref<!tpu.dma_semaphore, #tpu.memory_space<semaphore_mem>>)
            %dma_wait3A_210 = arith.constant 0 : i32
            %dma_wait3A_211 = tpu.memref_slice %arg3[%add3A_200, %dma_wait3A_210] : memref<2560x128xi32, #tpu.memory_space<hbm>> -> memref<1x128xi32, #tpu.memory_space<hbm>>
            %dma_wait3A_212 = tpu.memref_squeeze %dma_wait3A_211 : memref<1x128xi32, #tpu.memory_space<hbm>> -> memref<128xi32, #tpu.memory_space<hbm>>
            %dma_wait3A_213 = arith.constant 0 : i32
            %dma_wait3A_214 = tpu.memref_slice %arg3[%add3A_200, %dma_wait3A_213] : memref<2560x128xi32, #tpu.memory_space<hbm>> -> memref<1x128xi32, #tpu.memory_space<hbm>>
            %dma_wait3A_215 = tpu.memref_squeeze %dma_wait3A_214 : memref<1x128xi32, #tpu.memory_space<hbm>> -> memref<128xi32, #tpu.memory_space<hbm>>
            tpu.wait_dma2 semaphore(%run_scoped3A : memref<!tpu.dma_semaphore, #tpu.memory_space<semaphore_mem>>) src(%dma_wait3A_215 : memref<128xi32, #tpu.memory_space<hbm>>) dst(%arg9 : memref<128xi32, #tpu.memory_space<vmem>>)
            tpu.yield
          }) : () -> ()
          %add3A_201 = arith.addi %add3A_15, %add3A_171 : i32
          %add3A_202 = arith.constant 2 : i32
          %add3A_203 = arith.addi %add3A_201, %add3A_202 : i32
          "tpu.region"() ({
            %run_scoped3A = tpu.sem_alloc : memref<!tpu.dma_semaphore, #tpu.memory_space<semaphore_mem>>
            %dma_start3A_204 = arith.constant 0 : i32
            %dma_start3A_205 = tpu.memref_slice %arg4[%add3A_203, %dma_start3A_204] : memref<2560x128xi32, #tpu.memory_space<hbm>> -> memref<1x128xi32, #tpu.memory_space<hbm>>
            %dma_start3A_206 = tpu.memref_squeeze %dma_start3A_205 : memref<1x128xi32, #tpu.memory_space<hbm>> -> memref<128xi32, #tpu.memory_space<hbm>>
            %dma_start3A_207 = arith.constant 0 : i32
            %dma_start3A_208 = tpu.memref_slice %arg4[%add3A_203, %dma_start3A_207] : memref<2560x128xi32, #tpu.memory_space<hbm>> -> memref<1x128xi32, #tpu.memory_space<hbm>>
            %dma_start3A_209 = tpu.memref_squeeze %dma_start3A_208 : memref<1x128xi32, #tpu.memory_space<hbm>> -> memref<128xi32, #tpu.memory_space<hbm>>
            tpu.enqueue_dma source(%dma_start3A_209 : memref<128xi32, #tpu.memory_space<hbm>>) target(%arg10 : memref<128xi32, #tpu.memory_space<vmem>>) target_semaphore(%run_scoped3A : memref<!tpu.dma_semaphore, #tpu.memory_space<semaphore_mem>>)
            %dma_wait3A_210 = arith.constant 0 : i32
            %dma_wait3A_211 = tpu.memref_slice %arg4[%add3A_203, %dma_wait3A_210] : memref<2560x128xi32, #tpu.memory_space<hbm>> -> memref<1x128xi32, #tpu.memory_space<hbm>>
            %dma_wait3A_212 = tpu.memref_squeeze %dma_wait3A_211 : memref<1x128xi32, #tpu.memory_space<hbm>> -> memref<128xi32, #tpu.memory_space<hbm>>
            %dma_wait3A_213 = arith.constant 0 : i32
            %dma_wait3A_214 = tpu.memref_slice %arg4[%add3A_203, %dma_wait3A_213] : memref<2560x128xi32, #tpu.memory_space<hbm>> -> memref<1x128xi32, #tpu.memory_space<hbm>>
            %dma_wait3A_215 = tpu.memref_squeeze %dma_wait3A_214 : memref<1x128xi32, #tpu.memory_space<hbm>> -> memref<128xi32, #tpu.memory_space<hbm>>
            tpu.wait_dma2 semaphore(%run_scoped3A : memref<!tpu.dma_semaphore, #tpu.memory_space<semaphore_mem>>) src(%dma_wait3A_215 : memref<128xi32, #tpu.memory_space<hbm>>) dst(%arg10 : memref<128xi32, #tpu.memory_space<vmem>>)
            tpu.yield
          }) : () -> ()
        } else {
        }
        "tpu.region"() ({
          %run_scoped3A = tpu.sem_alloc : memref<!tpu.dma_semaphore, #tpu.memory_space<semaphore_mem>>
          %dma_start3A_198 = arith.constant 0 : i32
          %dma_start3A_199 = arith.constant 0 : i32
          %dma_start3A_200 = tpu.memref_slice %arg17[%dma_start3A_198, %dma_start3A_199] : memref<10240x128xf32, #tpu.memory_space<vmem_shared>> -> memref<10240x128xf32, #tpu.memory_space<vmem_shared>>
          tpu.enqueue_indirect_dma source(%arg16 : memref<128x128xf32, #tpu.memory_space<vmem>>) target(%dma_start3A_200 : memref<10240x128xf32, #tpu.memory_space<vmem_shared>>) offsets(%arg14 : memref<128xi32, #tpu.memory_space<vmem>>) semaphore(%run_scoped3A : memref<!tpu.dma_semaphore, #tpu.memory_space<semaphore_mem>>) {add = true}
          %dma_wait3A_201 = arith.constant 0 : i32
          %dma_wait3A_202 = arith.constant 0 : i32
          %dma_wait3A_203 = tpu.memref_slice %arg17[%dma_wait3A_201, %dma_wait3A_202] : memref<10240x128xf32, #tpu.memory_space<vmem_shared>> -> memref<10240x128xf32, #tpu.memory_space<vmem_shared>>
          tpu.wait_indirect_dma semaphore(%run_scoped3A : memref<!tpu.dma_semaphore, #tpu.memory_space<semaphore_mem>>) src(%arg16 : memref<128x128xf32, #tpu.memory_space<vmem>>) dst(%dma_wait3A_203 : memref<10240x128xf32, #tpu.memory_space<vmem_shared>>)
          tpu.yield
        }) : () -> ()
      }
      %scan3A_43 = arith.constant 2 : i32
    } else {
    }
    %barrier3A_8 = arith.constant 0 : index
    tpu.barrier barrier_id(%barrier3A_8)
    %mul3A_9 = arith.constant 640 : i32
    %mul3A_10 = arith.muli %arg1, %mul3A_9 : i32
    %mul3A_11 = arith.constant 640 : i32
    %mul3A_12 = arith.muli %arg1, %mul3A_11 : i32
    "tpu.region"() ({
      %run_scoped3A = tpu.sem_alloc : memref<!tpu.dma_semaphore, #tpu.memory_space<semaphore_mem>>
      %dma_start3A = arith.constant 0 : i32
      %dma_start3A_13 = tpu.memref_slice %arg6[%arg0, %mul3A_12, %dma_start3A] : memref<2x10240x128xf32, #tpu.memory_space<hbm>> -> memref<1x640x128xf32, #tpu.memory_space<hbm>>
      %dma_start3A_14 = tpu.memref_squeeze %dma_start3A_13 : memref<1x640x128xf32, #tpu.memory_space<hbm>> -> memref<640x128xf32, #tpu.memory_space<hbm>>
      %dma_start3A_15 = arith.constant 0 : i32
      %dma_start3A_16 = tpu.memref_slice %arg17[%mul3A_10, %dma_start3A_15] : memref<10240x128xf32, #tpu.memory_space<vmem_shared>> -> memref<640x128xf32, #tpu.memory_space<vmem_shared>>
      tpu.enqueue_dma source(%dma_start3A_16 : memref<640x128xf32, #tpu.memory_space<vmem_shared>>) target(%dma_start3A_14 : memref<640x128xf32, #tpu.memory_space<hbm>>) target_semaphore(%run_scoped3A : memref<!tpu.dma_semaphore, #tpu.memory_space<semaphore_mem>>)
      %dma_wait3A = arith.constant 0 : i32
      %dma_wait3A_17 = tpu.memref_slice %arg6[%arg0, %mul3A_12, %dma_wait3A] : memref<2x10240x128xf32, #tpu.memory_space<hbm>> -> memref<1x640x128xf32, #tpu.memory_space<hbm>>
      %dma_wait3A_18 = tpu.memref_squeeze %dma_wait3A_17 : memref<1x640x128xf32, #tpu.memory_space<hbm>> -> memref<640x128xf32, #tpu.memory_space<hbm>>
      %dma_wait3A_19 = arith.constant 0 : i32
      %dma_wait3A_20 = tpu.memref_slice %arg17[%mul3A_10, %dma_wait3A_19] : memref<10240x128xf32, #tpu.memory_space<vmem_shared>> -> memref<640x128xf32, #tpu.memory_space<vmem_shared>>
      tpu.wait_dma2 semaphore(%run_scoped3A : memref<!tpu.dma_semaphore, #tpu.memory_space<semaphore_mem>>) src(%dma_wait3A_20 : memref<640x128xf32, #tpu.memory_space<vmem_shared>>) dst(%dma_wait3A_18 : memref<640x128xf32, #tpu.memory_space<hbm>>)
      tpu.yield
    }) : () -> ()
    return
  }
}

module attributes {stable_mosaic.version = 14 : i64} {
  func.func @_proj_body(%arg0: i32, %arg1: memref<512x128xf32, #tpu.memory_space<vmem>>, %arg2: memref<128x128xf32, #tpu.memory_space<vmem>>, %arg3: memref<1x128xf32, #tpu.memory_space<vmem>>, %arg4: memref<128x1xf32, #tpu.memory_space<vmem>>, %arg5: memref<1x1xf32, #tpu.memory_space<vmem>>, %arg6: memref<512x128xf32, #tpu.memory_space<vmem>>, %arg7: memref<1x512xf32, #tpu.memory_space<vmem>>) attributes {dimension_semantics = [#tpu.dimension_semantics<arbitrary>], iteration_bounds = array<i64: 20>, scalar_prefetch = 0 : i64, scratch_operands = 0 : i64, tpu.core_type = #tpu.core_type<tc>, window_params = [{transform_indices = @transform_0, window_bounds = array<i64: 512, 128>}, {pipeline_mode = #tpu.pipeline_mode<synchronous>, transform_indices = @transform_1, window_bounds = array<i64: 128, 128>}, {pipeline_mode = #tpu.pipeline_mode<synchronous>, transform_indices = @transform_2, window_bounds = array<i64: 1, 128>}, {pipeline_mode = #tpu.pipeline_mode<synchronous>, transform_indices = @transform_3, window_bounds = array<i64: 128, 1>}, {pipeline_mode = #tpu.pipeline_mode<synchronous>, transform_indices = @transform_4, window_bounds = array<i64: 1, 1>}, {transform_indices = @transform_5, window_bounds = array<i64: 512, 128>}, {transform_indices = @transform_6, window_bounds = array<i64: 1, 512>}]} {
    %get3A = arith.constant 0 : index
    %get3A_0 = arith.constant 0 : index
    %get3A_1 = vector.load %arg1[%get3A, %get3A_0] : memref<512x128xf32, #tpu.memory_space<vmem>>, vector<512x128xf32>
    %get3A_2 = arith.constant 0 : index
    %get3A_3 = arith.constant 0 : index
    %get3A_4 = vector.load %arg2[%get3A_2, %get3A_3] : memref<128x128xf32, #tpu.memory_space<vmem>>, vector<128x128xf32>
    %get3A_5 = arith.constant 0 : index
    %get3A_6 = arith.constant 0 : index
    %get3A_7 = vector.load %arg3[%get3A_5, %get3A_6] : memref<1x128xf32, #tpu.memory_space<vmem>>, vector<1x128xf32>
    %get3A_8 = arith.constant 0 : index
    %get3A_9 = arith.constant 0 : index
    %get3A_10 = vector.load %arg4[%get3A_8, %get3A_9] : memref<128x1xf32, #tpu.memory_space<vmem>>, vector<128x1xf32>
    %get3A_11 = arith.constant 0 : index
    %get3A_12 = arith.constant 0 : index
    %get3A_13 = vector.load %arg5[%get3A_11, %get3A_12] : memref<1x1xf32, #tpu.memory_space<vmem>>, vector<1x1xf32>
    %dot_general3A = arith.constant dense<0.000000e+00> : vector<512x128xf32>
    %dot_general3A_14 = tpu.matmul %get3A_1, %get3A_4, %dot_general3A {dimension_numbers = #tpu.dot_dimension_numbers<[1], [0], [0], [1], [0, 0, 1, 1], [], []>, transpose_lhs_hint = false} : vector<512x128xf32>, vector<128x128xf32>, vector<512x128xf32> -> vector<512x128xf32>
    %add3A = vector.broadcast %get3A_7 : vector<1x128xf32> to vector<512x128xf32>
    %add3A_15 = arith.addf %dot_general3A_14, %add3A : vector<512x128xf32>
    %dot_general3A_16 = arith.constant dense<0.000000e+00> : vector<512x1xf32>
    %dot_general3A_17 = tpu.matmul %add3A_15, %get3A_10, %dot_general3A_16 {dimension_numbers = #tpu.dot_dimension_numbers<[1], [0], [0], [1], [0, 0, 1, 1], [], []>, transpose_lhs_hint = false} : vector<512x128xf32>, vector<128x1xf32>, vector<512x1xf32> -> vector<512x1xf32>
    %add3A_18 = vector.broadcast %get3A_13 : vector<1x1xf32> to vector<512x1xf32>
    %add3A_19 = arith.addf %dot_general3A_17, %add3A_18 : vector<512x1xf32>
    %exp3A = math.exp %add3A_19 : vector<512x1xf32>
    %mul3A = vector.broadcast %exp3A : vector<512x1xf32> to vector<512x128xf32>
    %mul3A_20 = arith.mulf %mul3A, %add3A_15 : vector<512x128xf32>
    %reshape3A = vector.shape_cast %exp3A : vector<512x1xf32> to vector<1x512xf32>
    %swap3A = arith.constant 0 : index
    %swap3A_21 = arith.constant 0 : index
    %swap3A_22 = vector.load %arg6[%swap3A, %swap3A_21] : memref<512x128xf32, #tpu.memory_space<vmem>>, vector<512x128xf32>
    tpu.vector_store %arg6[%swap3A, %swap3A_21], %mul3A_20 {strides = array<i32>} : memref<512x128xf32, #tpu.memory_space<vmem>>, vector<512x128xf32>,
    %swap3A_23 = arith.constant 0 : index
    %swap3A_24 = arith.constant 0 : index
    %swap3A_25 = vector.load %arg7[%swap3A_23, %swap3A_24] : memref<1x512xf32, #tpu.memory_space<vmem>>, vector<1x512xf32>
    tpu.vector_store %arg7[%swap3A_23, %swap3A_24], %reshape3A {strides = array<i32>} : memref<1x512xf32, #tpu.memory_space<vmem>>, vector<1x512xf32>,
    return
  }
  func.func @transform_0(%arg0: i32) -> (i32, i32) {
    %c0_i32 = arith.constant 0 : i32
    %c0_i32_0 = arith.constant 0 : i32
    return %arg0, %c0_i32 : i32, i32
  }
  func.func @transform_1(%arg0: i32) -> (i32, i32) {
    %c0_i32 = arith.constant 0 : i32
    %c0_i32_0 = arith.constant 0 : i32
    %c0_i32_1 = arith.constant 0 : i32
    return %c0_i32, %c0_i32_0 : i32, i32
  }
  func.func @transform_2(%arg0: i32) -> (i32, i32) {
    %c0_i32 = arith.constant 0 : i32
    %c0_i32_0 = arith.constant 0 : i32
    %c0_i32_1 = arith.constant 0 : i32
    return %c0_i32, %c0_i32_0 : i32, i32
  }
  func.func @transform_3(%arg0: i32) -> (i32, i32) {
    %c0_i32 = arith.constant 0 : i32
    %c0_i32_0 = arith.constant 0 : i32
    %c0_i32_1 = arith.constant 0 : i32
    return %c0_i32, %c0_i32_0 : i32, i32
  }
  func.func @transform_4(%arg0: i32) -> (i32, i32) {
    %c0_i32 = arith.constant 0 : i32
    %c0_i32_0 = arith.constant 0 : i32
    %c0_i32_1 = arith.constant 0 : i32
    return %c0_i32, %c0_i32_0 : i32, i32
  }
  func.func @transform_5(%arg0: i32) -> (i32, i32) {
    %c0_i32 = arith.constant 0 : i32
    %c0_i32_0 = arith.constant 0 : i32
    return %arg0, %c0_i32 : i32, i32
  }
  func.func @transform_6(%arg0: i32) -> (i32, i32) {
    %c0_i32 = arith.constant 0 : i32
    %c0_i32_0 = arith.constant 0 : i32
    return %c0_i32, %arg0 : i32, i32
  }
}

module attributes {stable_mosaic.version = 14 : i64} {
  func.func @_updproj_body(%arg0: i32, %arg1: memref<2x512x128xf32, #tpu.memory_space<vmem>>, %arg2: memref<32x512xf32, #tpu.memory_space<vmem>>, %arg3: memref<128x128xf32, #tpu.memory_space<vmem>>, %arg4: memref<1x128xf32, #tpu.memory_space<vmem>>, %arg5: memref<128x128xf32, #tpu.memory_space<vmem>>, %arg6: memref<1x128xf32, #tpu.memory_space<vmem>>, %arg7: memref<128x1xf32, #tpu.memory_space<vmem>>, %arg8: memref<1x1xf32, #tpu.memory_space<vmem>>, %arg9: memref<512x128xf32, #tpu.memory_space<vmem>>, %arg10: memref<1x512xf32, #tpu.memory_space<vmem>>) attributes {dimension_semantics = [#tpu.dimension_semantics<arbitrary>], iteration_bounds = array<i64: 20>, scalar_prefetch = 0 : i64, scratch_operands = 0 : i64, tpu.core_type = #tpu.core_type<tc>, window_params = [{transform_indices = @transform_0, window_bounds = array<i64: 2, 512, 128>}, {transform_indices = @transform_1, window_bounds = array<i64: 32, 512>}, {pipeline_mode = #tpu.pipeline_mode<synchronous>, transform_indices = @transform_2, window_bounds = array<i64: 128, 128>}, {pipeline_mode = #tpu.pipeline_mode<synchronous>, transform_indices = @transform_3, window_bounds = array<i64: 1, 128>}, {pipeline_mode = #tpu.pipeline_mode<synchronous>, transform_indices = @transform_4, window_bounds = array<i64: 128, 128>}, {pipeline_mode = #tpu.pipeline_mode<synchronous>, transform_indices = @transform_5, window_bounds = array<i64: 1, 128>}, {pipeline_mode = #tpu.pipeline_mode<synchronous>, transform_indices = @transform_6, window_bounds = array<i64: 128, 1>}, {pipeline_mode = #tpu.pipeline_mode<synchronous>, transform_indices = @transform_7, window_bounds = array<i64: 1, 1>}, {transform_indices = @transform_8, window_bounds = array<i64: 512, 128>}, {transform_indices = @transform_9, window_bounds = array<i64: 1, 512>}]} {
    %get3A = arith.constant 0 : index
    %get3A_0 = arith.constant 0 : index
    %get3A_1 = vector.load %arg2[%get3A, %get3A_0] : memref<32x512xf32, #tpu.memory_space<vmem>>, vector<32x512xf32>
    %reduce_sum3A = arith.constant dense<0.000000e+00> : vector<512xf32>
    %reduce_sum3A_2 = vector.multi_reduction <add>, %get3A_1, %reduce_sum3A [0] : vector<32x512xf32> to vector<512xf32>
    %gt3A = arith.constant 0.000000e+00 : f32
    %gt3A_3 = vector.broadcast %gt3A : f32 to vector<512xf32>
    %gt3A_4 = arith.cmpf ogt, %reduce_sum3A_2, %gt3A_3 : vector<512xf32>
    %jit3A = arith.constant 1.000000e+00 : f32
    %broadcast_in_dim3A = vector.broadcast %jit3A : f32 to vector<512xf32>
    %select_n3A = arith.select %gt3A_4, %reduce_sum3A_2, %broadcast_in_dim3A : vector<512xi1>, vector<512xf32>
    %get3A_5 = arith.constant 0 : index
    %get3A_6 = arith.constant 0 : index
    %get3A_7 = arith.constant 0 : index
    %get3A_8 = vector.load %arg1[%get3A_5, %get3A_6, %get3A_7] : memref<2x512x128xf32, #tpu.memory_space<vmem>>, vector<1x512x128xf32>
    %get3A_9 = vector.shape_cast %get3A_8 : vector<1x512x128xf32> to vector<512x128xf32>
    %get3A_10 = arith.constant 1 : index
    %get3A_11 = arith.constant 0 : index
    %get3A_12 = arith.constant 0 : index
    %get3A_13 = vector.load %arg1[%get3A_10, %get3A_11, %get3A_12] : memref<2x512x128xf32, #tpu.memory_space<vmem>>, vector<1x512x128xf32>
    %get3A_14 = vector.shape_cast %get3A_13 : vector<1x512x128xf32> to vector<512x128xf32>
    %add3A = arith.addf %get3A_9, %get3A_14 : vector<512x128xf32>
    %broadcast_in_dim3A_15 = vector.shape_cast %select_n3A : vector<512xf32> to vector<512x1xf32>
    %div3A = vector.broadcast %broadcast_in_dim3A_15 : vector<512x1xf32> to vector<512x128xf32>
    %div3A_16 = arith.divf %add3A, %div3A : vector<512x128xf32>
    %get3A_17 = arith.constant 0 : index
    %get3A_18 = arith.constant 0 : index
    %get3A_19 = vector.load %arg3[%get3A_17, %get3A_18] : memref<128x128xf32, #tpu.memory_space<vmem>>, vector<128x128xf32>
    %dot_general3A = arith.constant dense<0.000000e+00> : vector<512x128xf32>
    %dot_general3A_20 = tpu.matmul %div3A_16, %get3A_19, %dot_general3A {dimension_numbers = #tpu.dot_dimension_numbers<[1], [0], [0], [1], [0, 0, 1, 1], [], []>, transpose_lhs_hint = false} : vector<512x128xf32>, vector<128x128xf32>, vector<512x128xf32> -> vector<512x128xf32>
    %get3A_21 = arith.constant 0 : index
    %get3A_22 = arith.constant 0 : index
    %get3A_23 = vector.load %arg4[%get3A_21, %get3A_22] : memref<1x128xf32, #tpu.memory_space<vmem>>, vector<1x128xf32>
    %add3A_24 = vector.broadcast %get3A_23 : vector<1x128xf32> to vector<512x128xf32>
    %add3A_25 = arith.addf %dot_general3A_20, %add3A_24 : vector<512x128xf32>
    %get3A_26 = arith.constant 0 : index
    %get3A_27 = arith.constant 0 : index
    %get3A_28 = vector.load %arg5[%get3A_26, %get3A_27] : memref<128x128xf32, #tpu.memory_space<vmem>>, vector<128x128xf32>
    %get3A_29 = arith.constant 0 : index
    %get3A_30 = arith.constant 0 : index
    %get3A_31 = vector.load %arg6[%get3A_29, %get3A_30] : memref<1x128xf32, #tpu.memory_space<vmem>>, vector<1x128xf32>
    %get3A_32 = arith.constant 0 : index
    %get3A_33 = arith.constant 0 : index
    %get3A_34 = vector.load %arg7[%get3A_32, %get3A_33] : memref<128x1xf32, #tpu.memory_space<vmem>>, vector<128x1xf32>
    %get3A_35 = arith.constant 0 : index
    %get3A_36 = arith.constant 0 : index
    %get3A_37 = vector.load %arg8[%get3A_35, %get3A_36] : memref<1x1xf32, #tpu.memory_space<vmem>>, vector<1x1xf32>
    %dot_general3A_38 = arith.constant dense<0.000000e+00> : vector<512x128xf32>
    %dot_general3A_39 = tpu.matmul %add3A_25, %get3A_28, %dot_general3A_38 {dimension_numbers = #tpu.dot_dimension_numbers<[1], [0], [0], [1], [0, 0, 1, 1], [], []>, transpose_lhs_hint = false} : vector<512x128xf32>, vector<128x128xf32>, vector<512x128xf32> -> vector<512x128xf32>
    %add3A_40 = vector.broadcast %get3A_31 : vector<1x128xf32> to vector<512x128xf32>
    %add3A_41 = arith.addf %dot_general3A_39, %add3A_40 : vector<512x128xf32>
    %dot_general3A_42 = arith.constant dense<0.000000e+00> : vector<512x1xf32>
    %dot_general3A_43 = tpu.matmul %add3A_41, %get3A_34, %dot_general3A_42 {dimension_numbers = #tpu.dot_dimension_numbers<[1], [0], [0], [1], [0, 0, 1, 1], [], []>, transpose_lhs_hint = false} : vector<512x128xf32>, vector<128x1xf32>, vector<512x1xf32> -> vector<512x1xf32>
    %add3A_44 = vector.broadcast %get3A_37 : vector<1x1xf32> to vector<512x1xf32>
    %add3A_45 = arith.addf %dot_general3A_43, %add3A_44 : vector<512x1xf32>
    %exp3A = math.exp %add3A_45 : vector<512x1xf32>
    %mul3A = vector.broadcast %exp3A : vector<512x1xf32> to vector<512x128xf32>
    %mul3A_46 = arith.mulf %mul3A, %add3A_41 : vector<512x128xf32>
    %reshape3A = vector.shape_cast %exp3A : vector<512x1xf32> to vector<1x512xf32>
    %swap3A = arith.constant 0 : index
    %swap3A_47 = arith.constant 0 : index
    %swap3A_48 = vector.load %arg9[%swap3A, %swap3A_47] : memref<512x128xf32, #tpu.memory_space<vmem>>, vector<512x128xf32>
    tpu.vector_store %arg9[%swap3A, %swap3A_47], %mul3A_46 {strides = array<i32>} : memref<512x128xf32, #tpu.memory_space<vmem>>, vector<512x128xf32>,
    %swap3A_49 = arith.constant 0 : index
    %swap3A_50 = arith.constant 0 : index
    %swap3A_51 = vector.load %arg10[%swap3A_49, %swap3A_50] : memref<1x512xf32, #tpu.memory_space<vmem>>, vector<1x512xf32>
    tpu.vector_store %arg10[%swap3A_49, %swap3A_50], %reshape3A {strides = array<i32>} : memref<1x512xf32, #tpu.memory_space<vmem>>, vector<1x512xf32>,
    return
  }
  func.func @transform_0(%arg0: i32) -> (i32, i32, i32) {
    %c0_i32 = arith.constant 0 : i32
    %c0_i32_0 = arith.constant 0 : i32
    %c0_i32_1 = arith.constant 0 : i32
    return %c0_i32, %arg0, %c0_i32_0 : i32, i32, i32
  }
  func.func @transform_1(%arg0: i32) -> (i32, i32) {
    %c0_i32 = arith.constant 0 : i32
    %c0_i32_0 = arith.constant 0 : i32
    return %c0_i32, %arg0 : i32, i32
  }
  func.func @transform_2(%arg0: i32) -> (i32, i32) {
    %c0_i32 = arith.constant 0 : i32
    %c0_i32_0 = arith.constant 0 : i32
    %c0_i32_1 = arith.constant 0 : i32
    return %c0_i32, %c0_i32_0 : i32, i32
  }
  func.func @transform_3(%arg0: i32) -> (i32, i32) {
    %c0_i32 = arith.constant 0 : i32
    %c0_i32_0 = arith.constant 0 : i32
    %c0_i32_1 = arith.constant 0 : i32
    return %c0_i32, %c0_i32_0 : i32, i32
  }
  func.func @transform_4(%arg0: i32) -> (i32, i32) {
    %c0_i32 = arith.constant 0 : i32
    %c0_i32_0 = arith.constant 0 : i32
    %c0_i32_1 = arith.constant 0 : i32
    return %c0_i32, %c0_i32_0 : i32, i32
  }
  func.func @transform_5(%arg0: i32) -> (i32, i32) {
    %c0_i32 = arith.constant 0 : i32
    %c0_i32_0 = arith.constant 0 : i32
    %c0_i32_1 = arith.constant 0 : i32
    return %c0_i32, %c0_i32_0 : i32, i32
  }
  func.func @transform_6(%arg0: i32) -> (i32, i32) {
    %c0_i32 = arith.constant 0 : i32
    %c0_i32_0 = arith.constant 0 : i32
    %c0_i32_1 = arith.constant 0 : i32
    return %c0_i32, %c0_i32_0 : i32, i32
  }
  func.func @transform_7(%arg0: i32) -> (i32, i32) {
    %c0_i32 = arith.constant 0 : i32
    %c0_i32_0 = arith.constant 0 : i32
    %c0_i32_1 = arith.constant 0 : i32
    return %c0_i32, %c0_i32_0 : i32, i32
  }
  func.func @transform_8(%arg0: i32) -> (i32, i32) {
    %c0_i32 = arith.constant 0 : i32
    %c0_i32_0 = arith.constant 0 : i32
    return %arg0, %c0_i32 : i32, i32
  }
  func.func @transform_9(%arg0: i32) -> (i32, i32) {
    %c0_i32 = arith.constant 0 : i32
    %c0_i32_0 = arith.constant 0 : i32
    return %c0_i32, %arg0 : i32, i32
  }
}

module attributes {stable_mosaic.version = 14 : i64} {
  func.func @_final_body(%arg0: i32, %arg1: memref<2x512x128xf32, #tpu.memory_space<vmem>>, %arg2: memref<32x512xf32, #tpu.memory_space<vmem>>, %arg3: memref<128x128xf32, #tpu.memory_space<vmem>>, %arg4: memref<1x128xf32, #tpu.memory_space<vmem>>, %arg5: memref<512x128xf32, #tpu.memory_space<vmem>>) attributes {dimension_semantics = [#tpu.dimension_semantics<arbitrary>], iteration_bounds = array<i64: 20>, scalar_prefetch = 0 : i64, scratch_operands = 0 : i64, tpu.core_type = #tpu.core_type<tc>, window_params = [{transform_indices = @transform_0, window_bounds = array<i64: 2, 512, 128>}, {transform_indices = @transform_1, window_bounds = array<i64: 32, 512>}, {pipeline_mode = #tpu.pipeline_mode<synchronous>, transform_indices = @transform_2, window_bounds = array<i64: 128, 128>}, {pipeline_mode = #tpu.pipeline_mode<synchronous>, transform_indices = @transform_3, window_bounds = array<i64: 1, 128>}, {transform_indices = @transform_4, window_bounds = array<i64: 512, 128>}]} {
    %get3A = arith.constant 0 : index
    %get3A_0 = arith.constant 0 : index
    %get3A_1 = vector.load %arg2[%get3A, %get3A_0] : memref<32x512xf32, #tpu.memory_space<vmem>>, vector<32x512xf32>
    %reduce_sum3A = arith.constant dense<0.000000e+00> : vector<512xf32>
    %reduce_sum3A_2 = vector.multi_reduction <add>, %get3A_1, %reduce_sum3A [0] : vector<32x512xf32> to vector<512xf32>
    %gt3A = arith.constant 0.000000e+00 : f32
    %gt3A_3 = vector.broadcast %gt3A : f32 to vector<512xf32>
    %gt3A_4 = arith.cmpf ogt, %reduce_sum3A_2, %gt3A_3 : vector<512xf32>
    %jit3A = arith.constant 1.000000e+00 : f32
    %broadcast_in_dim3A = vector.broadcast %jit3A : f32 to vector<512xf32>
    %select_n3A = arith.select %gt3A_4, %reduce_sum3A_2, %broadcast_in_dim3A : vector<512xi1>, vector<512xf32>
    %get3A_5 = arith.constant 0 : index
    %get3A_6 = arith.constant 0 : index
    %get3A_7 = arith.constant 0 : index
    %get3A_8 = vector.load %arg1[%get3A_5, %get3A_6, %get3A_7] : memref<2x512x128xf32, #tpu.memory_space<vmem>>, vector<1x512x128xf32>
    %get3A_9 = vector.shape_cast %get3A_8 : vector<1x512x128xf32> to vector<512x128xf32>
    %get3A_10 = arith.constant 1 : index
    %get3A_11 = arith.constant 0 : index
    %get3A_12 = arith.constant 0 : index
    %get3A_13 = vector.load %arg1[%get3A_10, %get3A_11, %get3A_12] : memref<2x512x128xf32, #tpu.memory_space<vmem>>, vector<1x512x128xf32>
    %get3A_14 = vector.shape_cast %get3A_13 : vector<1x512x128xf32> to vector<512x128xf32>
    %add3A = arith.addf %get3A_9, %get3A_14 : vector<512x128xf32>
    %broadcast_in_dim3A_15 = vector.shape_cast %select_n3A : vector<512xf32> to vector<512x1xf32>
    %div3A = vector.broadcast %broadcast_in_dim3A_15 : vector<512x1xf32> to vector<512x128xf32>
    %div3A_16 = arith.divf %add3A, %div3A : vector<512x128xf32>
    %get3A_17 = arith.constant 0 : index
    %get3A_18 = arith.constant 0 : index
    %get3A_19 = vector.load %arg3[%get3A_17, %get3A_18] : memref<128x128xf32, #tpu.memory_space<vmem>>, vector<128x128xf32>
    %dot_general3A = arith.constant dense<0.000000e+00> : vector<512x128xf32>
    %dot_general3A_20 = tpu.matmul %div3A_16, %get3A_19, %dot_general3A {dimension_numbers = #tpu.dot_dimension_numbers<[1], [0], [0], [1], [0, 0, 1, 1], [], []>, transpose_lhs_hint = false} : vector<512x128xf32>, vector<128x128xf32>, vector<512x128xf32> -> vector<512x128xf32>
    %get3A_21 = arith.constant 0 : index
    %get3A_22 = arith.constant 0 : index
    %get3A_23 = vector.load %arg4[%get3A_21, %get3A_22] : memref<1x128xf32, #tpu.memory_space<vmem>>, vector<1x128xf32>
    %add3A_24 = vector.broadcast %get3A_23 : vector<1x128xf32> to vector<512x128xf32>
    %add3A_25 = arith.addf %dot_general3A_20, %add3A_24 : vector<512x128xf32>
    %swap3A = arith.constant 0 : index
    %swap3A_26 = arith.constant 0 : index
    %swap3A_27 = vector.load %arg5[%swap3A, %swap3A_26] : memref<512x128xf32, #tpu.memory_space<vmem>>, vector<512x128xf32>
    tpu.vector_store %arg5[%swap3A, %swap3A_26], %add3A_25 {strides = array<i32>} : memref<512x128xf32, #tpu.memory_space<vmem>>, vector<512x128xf32>,
    return
  }
  func.func @transform_0(%arg0: i32) -> (i32, i32, i32) {
    %c0_i32 = arith.constant 0 : i32
    %c0_i32_0 = arith.constant 0 : i32
    %c0_i32_1 = arith.constant 0 : i32
    return %c0_i32, %arg0, %c0_i32_0 : i32, i32, i32
  }
  func.func @transform_1(%arg0: i32) -> (i32, i32) {
    %c0_i32 = arith.constant 0 : i32
    %c0_i32_0 = arith.constant 0 : i32
    return %c0_i32, %arg0 : i32, i32
  }
  func.func @transform_2(%arg0: i32) -> (i32, i32) {
    %c0_i32 = arith.constant 0 : i32
    %c0_i32_0 = arith.constant 0 : i32
    %c0_i32_1 = arith.constant 0 : i32
    return %c0_i32, %c0_i32_0 : i32, i32
  }
  func.func @transform_3(%arg0: i32) -> (i32, i32) {
    %c0_i32 = arith.constant 0 : i32
    %c0_i32_0 = arith.constant 0 : i32
    %c0_i32_1 = arith.constant 0 : i32
    return %c0_i32, %c0_i32_0 : i32, i32
  }
  func.func @transform_4(%arg0: i32) -> (i32, i32) {
    %c0_i32 = arith.constant 0 : i32
    %c0_i32_0 = arith.constant 0 : i32
    return %arg0, %c0_i32 : i32, i32
  }
}

</mosaic_0001>

<sc_bundles>
// kernel: kernel.12.cloned.1.call-start
scs
__scs_entry_jumppad:
0x0: {  	(pc) =	sbr.rel $0x88, $3  }
0x1: {  	(tag) =	ssettag $0x0;
	lr =	simm.s32 $0x1  }
0x2: {  	[smem:$0x3F92] =	sst lr;
	_ =	strace $0xD0000000  }
0x3: {  	_ = 	snop  }
0x4: {  	_ = 	snop  }
0x5: {  	_ = 	snop  }
0x6: {  	_ = 	snop  }
0x7: {  	_ = 	snop  }
__scs_overlays_trampoline_lowered:
0x8: {  	[smem:$0x3FA1] =	sst s0  }
0x9: {  	[smem:$0x3FA2] =	sst s1  }
0xa: {  	[smem:$0x3FA3] =	sst s2  }
0xb: {  	[smem:$0x3FA4] =	sst s3  }
0xc: {  	[smem:$0x3FA5] =	sst s4  }
0xd: {  	[smem:$0x3FA6] =	sst s5  }
0xe: {  	[smem:$0x3FA7] =	sst s6  }
0xf: {  	[smem:$0x3FA8] =	sst s7  }
0x10: {  	[smem:$0x3FA9] =	sst s8  }
0x11: {  	[smem:$0x3FAA] =	sst s9;
	s0 =	simm.s32 @!p0 $0x0  }
0x12: {  	s1 =	sld [smem:$0x3F90];
	s0 =	simm.s32 @p0 $0x1  }
0x13: {  	[smem:$0x3FAB] =	sst s0;
	s0 =	simm.s32 @!p1 $0x0  }
0x14: {  	s2 =	sld [smem:$0x3F8F];
	s0 =	simm.s32 @p1 $0x1  }
0x15: {  	[smem:$0x3FAC] =	sst s0;
	s0 =	simm.s32 @!p2 $0x0  }
0x16: {  	s3 =	sld [smem:$0x3FDB];
	s0 =	simm.s32 @p2 $0x1  }
0x17: {  	s4 =	simm.s32 $0x1BF5;
	[smem:$0x3FAE] =	sst s0  }
0x18: {  	s0 =	sld [smem:$0x3F91];
	_ =	swait.ge [sflag:s4], $0x0  }
0x19: {  	s7 =	sld [smem:$0x3F92]  }
0x1a: {  	s8 =	sadd.s32 $0xFFFFE003, lr  }
0x1b: {  	s9 =	sadd.s32 $0xFFFFFEF7, lr;
	s5 =	simm.s32 $0xFFFFFFFF;
	p2 =	slt.u32 s8, $0xFFFFF086  }
0x1c: {  	p1 =	slt.u32 s9, $0xF7A;
	s5 =	simm.s32 @!p2 $0x0  }
0x1d: {  	s5 =	simm.s32 @p1 $0x1;
	p0 =	seq.s32 s7, s2  }
0x1e: {  	s7 =	smul.u32 @!p0 $0xF7A, s2;
	p2 =	seq.s32 @!p0 s5, $0x0  }
0x1f: {  	s9 =	smul.u32 $0xF7A, s1;
	s8 =	simm.s32 @!p0 $0x1BF5;
	p2 =	por !p2, p0  }
0x20: {  	[sflag:s8] =	ssyncset.s32 @!p0 $0xFFFFF086;
	s6 =	sadd.s32 @!p0 s3, s7;
	s7 =	simm.s32 @!p0 $0x108  }
0x21: {  	s3 =	sadd.s32 s3, s9;
	s6 =	sadd.s32 @!p0 $0x88, s6;
	s7 =	simm.s32 @p2 $0x1082  }
0x22: {  	[simem:s7], [sflag:s8] =	dma.local @!p0 [hbm:s6], $0xF7A  }
0x23: {  	s9 =	sor.u32 $0xD0000000, s2;
	s6 =	simm.s32 $0x108;
	_ =	swait.ge @!p0 [sflag:s8], $0x0  }
0x24: {  	s3 =	sadd.s32 $0x88, s3;
	s6 =	simm.s32 @!p1 $0x1082;
	[sflag:s4] =	ssyncset.s32 $0xFFFFF086  }
0x25: {  	[simem:s6], [sflag:s4] =	dma.local [hbm:s3], $0xF7A  }
0x26: {  	[smem:$0x3F92] =	sst s1;
	(tag) =	ssettag s2;
	_ =	strace s9  }
0x27: {  	s1 =	sld [smem:$0x3FA2]  }
0x28: {  	s2 =	sld [smem:$0x3FA3]  }
0x29: {  	s4 =	sld [smem:$0x3FA5]  }
0x2a: {  	p0 =	seq.s32 s5, $0x0;
	s5 =	sld [smem:$0x3FA6]  }
0x2b: {  	s6 =	sld [smem:$0x3FA7]  }
0x2c: {  	s7 =	sld [smem:$0x3FA8]  }
0x2d: {  	s3 =	simm.s32 $0x108;
	s8 =	sld [smem:$0x3FA9]  }
0x2e: {  	s3 =	simm.s32 @!p0 $0x1082;
	s9 =	sld [smem:$0x3FAA]  }
0x2f: {  	lr =	sadd.s32 s0, s3;
	s0 =	sld [smem:$0x3FA1]  }
0x30: {  	s3 =	sld [smem:$0x3FA4]  }
0x31: {  	[smem:$0x3FAD] =	sst s10  }
0x32: {  	s10 =	sld [smem:$0x3FAB];
	_ =	sdelay $0x3  }
0x33: {  	p0 =	seq.s32 s10, $0x1;
	s10 =	sld [smem:$0x3FAD];
	_ =	sdelay $0x3  }
0x34: {  	[smem:$0x3FAD] =	sst s10  }
0x35: {  	s10 =	sld [smem:$0x3FAC];
	_ =	sdelay $0x3  }
0x36: {  	p1 =	seq.s32 s10, $0x1;
	s10 =	sld [smem:$0x3FAD];
	_ =	sdelay $0x3  }
0x37: {  	[smem:$0x3FAD] =	sst s10  }
0x38: {  	s10 =	sld [smem:$0x3FAE]  }
0x39: {  	_ = 	snop;
	(pc) =	sbr.ind lr, $3  }
0x3a: {  	_ = 	snop  }
0x3b: {  	_ = 	snop  }
0x3c: {  	p2 =	seq.s32 s10, $0x1;
	s10 =	sld [smem:$0x3FAD]  }
0x3d: {  	_ =	shalt  }
0x3e: {  	_ =	shalt  }
0x3f: {  	_ =	shalt  }
0x40: {  	_ =	shalt  }
0x41: {  	_ =	shalt  }
0x42: {  	_ =	shalt  }
0x43: {  	_ =	shalt  }
0x44: {  	_ =	shalt  }
0x45: {  	_ =	shalt  }
0x46: {  	_ =	shalt  }
0x47: {  	_ =	shalt  }
0x48: {  	_ =	shalt  }
0x49: {  	_ =	shalt  }
0x4a: {  	_ =	shalt  }
0x4b: {  	_ =	shalt  }
0x4c: {  	_ =	shalt  }
0x4d: {  	_ =	shalt  }
0x4e: {  	_ =	shalt  }
0x4f: {  	_ =	shalt  }
0x50: {  	_ =	shalt  }
0x51: {  	_ =	shalt  }
0x52: {  	_ =	shalt  }
0x53: {  	_ =	shalt  }
0x54: {  	_ =	shalt  }
0x55: {  	_ =	shalt  }
0x56: {  	_ =	shalt  }
0x57: {  	_ =	shalt  }
0x58: {  	_ =	shalt  }
0x59: {  	_ =	shalt  }
0x5a: {  	_ =	shalt  }
0x5b: {  	_ =	shalt  }
0x5c: {  	_ =	shalt  }
0x5d: {  	_ =	shalt  }
0x5e: {  	_ =	shalt  }
0x5f: {  	_ =	shalt  }
0x60: {  	_ =	shalt  }
0x61: {  	_ =	shalt  }
0x62: {  	_ =	shalt  }
0x63: {  	_ =	shalt  }
0x64: {  	_ =	shalt  }
0x65: {  	_ =	shalt  }
0x66: {  	_ =	shalt  }
0x67: {  	_ =	shalt  }
0x68: {  	_ =	shalt  }
0x69: {  	_ =	shalt  }
0x6a: {  	_ =	shalt  }
0x6b: {  	_ =	shalt  }
0x6c: {  	_ =	shalt  }
0x6d: {  	_ =	shalt  }
0x6e: {  	_ =	shalt  }
0x6f: {  	_ =	shalt  }
0x70: {  	_ =	shalt  }
0x71: {  	_ =	shalt  }
0x72: {  	_ =	shalt  }
0x73: {  	_ =	shalt  }
0x74: {  	_ =	shalt  }
0x75: {  	_ =	shalt  }
0x76: {  	_ =	shalt  }
0x77: {  	_ =	shalt  }
0x78: {  	_ =	shalt  }
0x79: {  	_ =	shalt  }
0x7a: {  	_ =	shalt  }
0x7b: {  	_ =	shalt  }
0x7c: {  	_ =	shalt  }
0x7d: {  	_ =	shalt  }
0x7e: {  	_ =	shalt  }
0x7f: {  	_ =	shalt  }
0x80: {  	_ =	shalt  }
0x81: {  	_ =	shalt  }
0x82: {  	_ =	shalt  }
0x83: {  	_ =	shalt  }
0x84: {  	_ =	shalt  }
0x85: {  	_ =	shalt  }
0x86: {  	_ =	shalt  }
0x87: {  	_ =	shalt  }
.Lfunc_end0:
.L_simem_size_0:
called_computation.1_lowered:
.L_overlay_start_0:
0x88: {  	s2 =	sld [smem:$0x3FD9]  }
0x89: {  	s3 =	sld [smem:$0x3FFE];
	_ =	sdelay $0x1  }
0x8a: {  	s1 =	srdreg.scid  }
0x8b: {  	s0 =	sand.u32 $0x1, s1  }
0x8c: {  	s17 =	sshll.u32 s0, $0xA;
	s2 =	sadd.s32 s3, s2  }
0x8d: {  	s2 =	sadd.s32 s2, s17  }
0x8e: {  	[smem:$0x3FB9] =	sst s2  }
0x8f: {  	_ = 	snop  }
0x90: {  	s18 =	sld [smem:$0x3FD0];
	(tm) =	ssettm $0x1  }
0x91: {  	s19 =	sld [smem:$0x3FFB];
	_ =	sdelay $0x3  }
0x92: {  	_ =	strace s19  }
0x93: {  	s2 =	sld [smem:$0x3FFC];
	_ =	sdelay $0x3  }
0x94: {  	_ =	strace s2  }
0x95: {  	s2 =	sld [smem:$0x3FFD];
	_ =	sdelay $0x3  }
0x96: {  	_ =	strace s2  }
0x97: {  	_ =	strace $0x8FFFFFFF  }
0x98: {  	s20 =	sld [smem:$0x3FDB];
	_ =	sdelay $0x1  }
0x99: {  	s4 =	simm.s32 $_scs_section_size  }
0x9a: {  	s5 =	simm.s32 $_size__tile_overlayer_lowered;
	s6 =	simm.s32 $_tile_overlayer_lowered  }
0x9b: {  	s7 =	simm.s32 $0x1BFF;
	s21 =	sshll.u32 s6, $0x1;
	s4 =	sadd.s32 s4, s20  }
0x9c: {  	s22 =	simm.s32 $0x0;
	s5 =	sshll.u32 s5, $0x1;
	s6 =	sadd.s32 s21, s4  }
0x9d: {  	[timem:s22], [sflag:s7] =	dma.local [hbm:s6], s5  }
0x9e: {  	_ =	swait.ge [sflag:s7], s5  }
0x9f: {  	s5 =	ssub.s32 $0x0, s5;
	[sflag:s7] =	ssyncset.done $0x0  }
0xa0: {  	[sflag:s7] =	ssyncadd.s32 s5;
	_ =	sdelay $0x1  }
0xa1: {  	s23 =	simm.s32 $0x1B8B  }
0xa2: {  	_ =	swait.ge [sflag:s23], $0x1  }
0xa3: {  	[sflag:s23] =	ssyncset.done $0x0  }
0xa4: {  	[sflag:s23] =	ssyncadd.s32 $0xFFFFFFFF  }
0xa5: {  	s5 =	sld [smem:$0x0]  }
0xa6: {  	s6 =	sand.u32 $0xFFFFFFFE, s1  }
0xa7: {  	p0 =	sne.s32 s1, s6  }
0xa8: {  	s6 =	sshll.u32 @p0 s6, $0xE  }
0xa9: {  	s6 =	sadd.s32 @p0 $0x11B8D, s6;
	s7 =	sshll.u32 @p0 s5, $0x11  }
0xaa: {  	s6 =	sor.u32 @p0 s7, s6  }
0xab: {  	[sflag:s6] =	ssyncadd.remote.s32 @p0 $0x1;
	_ =	sdelay $0x1  }
0xac: {  	s6 =	simm.s32 @p0 $0x1B8D  }
0xad: {  	_ =	swait.eq @p0 [sflag:s6], $0x1  }
0xae: {  	[sflag:s6] =	ssyncadd.s32 @p0 $0xFFFFFFFF  }
0xaf: {  	s7 =	sshll.u32 @!p0 s1, $0xE  }
0xb0: {  	s7 =	sor.u32 @!p0 $0x4000, s7;
	s6 =	simm.s32 @!p0 $0x1B8D  }
0xb1: {  	s5 =	sshll.u32 @!p0 s5, $0x11;
	s7 =	sadd.s32 @!p0 $0x11B8D, s7;
	_ =	swait.eq @!p0 [sflag:s6], $0x1  }
0xb2: {  	s5 =	sor.u32 @!p0 s5, s7;
	[sflag:s6] =	ssyncadd.s32 @!p0 $0xFFFFFFFF  }
0xb3: {  	s25 =	simm.s32 $0x1B8E;
	s24 =	sld [smem:$0x3FFE];
	[sflag:s5] =	ssyncadd.remote.s32 @!p0 $0x1  }
0xb4: {  	s26 =	simm.s32 $execute0_lowered;
	[smem:$0x3FD2] =	sst s25  }
0xb5: {  	s6 =	sshll.u32 s26, $0x1;
	_ =	strace $0x80000049;
	[dreg:$0x1] =	wrdreg $0xFFFFFFFF  }
0xb6: {  	s28 =	simm.s32 $_size_execute0_lowered;
	s4 =	sadd.s32 s4, s6;
	[dreg:$0x0] =	wrdreg $0x0  }
0xb7: {  	s6 =	sshll.u32 s28, $0x1;
	[dreg:$0x2] =	wrdreg s4  }
0xb8: {  	[dreg:$0x3] =	wrdreg s6  }
0xb9: {  	[dreg:$0x4] =	wrdreg $0xC0  }
0xba: {  	_ =	task [dreg:s22], $0x5FFFF  }
0xbb: {  	[dreg:$0x1] =	wrdreg $0xFFFFFFFF  }
0xbc: {  	[dreg:$0x0] =	wrdreg $0x60  }
0xbd: {  	[dreg:$0x2] =	wrdreg s24  }
0xbe: {  	[dreg:$0x3] =	wrdreg s18  }
0xbf: {  	[dreg:$0x4] =	wrdreg $0x84000  }
0xc0: {  	[dreg:$0x5] =	wrdreg $0xA  }
0xc1: {  	_ =	task.clear_ibuf [dreg:s22], $0x6FFFF;
	_ =	strace $0x90000049  }
0xc2: {  	s29 =	simm.s32 $0xA;
	_ =	strace $0x8000004B  }
0xc3: {  	_ =	swait.ge [sflag:s29], $0x1  }
0xc4: {  	[sflag:s29] =	ssyncadd.s32 $0xFFFFFFFF  }
0xc5: {  	_ =	strace $0x9000004B  }
0xc6: {  	_ =	sfence  }
0xc7: {  	s30 =	sld [smem:$0x0];
	_ =	sdelay $0x2  }
0xc8: {  	s31 =	sshll.u32 s1, $0xD;
	s1 =	sshrl.u32 s1, $0x2  }
0xc9: {  	s4 =	sand.u32 $0x4000, s31;
	s1 =	sadd.s32 s1, s30  }
0xca: {  	s0 =	sor.u32 s4, s0;
	s1 =	sshll.u32 s1, $0x11  }
0xcb: {  	s0 =	sor.u32 s1, s0  }
0xcc: {  	s0 =	sadd.s32 $0x8F2B, s0  }
0xcd: {  	[sflag:s0] =	ssyncadd.remote.s32 $0x1  }
0xce: {  	_ =	sfence.sel $0xFFFF  }
0xcf: {  	[dreg:$0x0] =	wrdreg $0xFFFFFFFF;
	(pc) =	sbr.abs _section_cstart, $3  }
0xd0: {  	[dreg:$0x1] =	wrdreg $0xFFFFFFFF  }
0xd1: {  	_ =	task.clear_ibuf [dreg:s22], $0x2FFFF;
	_ =	strace $0x9FFFFFFF  }
0xd2: {  	(tm) =	ssettm $0x7FFFFFFF  }
0xd3: {  	_ =	shalt  }
tec
execute0_lowered:
.L_overlay_start_1:
0x0: {  	(tag) =	ssettag $0x1  }
0x1: {  	s0 =	rddreg [dreg:$0x0]  }
0x2: {  	s14 =	rddreg [dreg:$0x1]  }
0x3: {  	s2 =	rddreg [dreg:$0x2];
	s3 =	srdreg.scid  }
0x4: {  	s4 =	simm.s32 $0x0;
	s12 =	stileid.u32;
	s29 =	simm.s32 $0x40  }
0x5: {  	s30 =	simm.s32 $0x140;
	s3 =	sand.u32 $0x1, s3;
	s8 =	smul.u32 $0x14000, s12  }
0x6: {  	[smem:$0x7FF] =	sst s4;
	s5 =	sadd.s32 $0xDE00, s0;
	s9 =	smul.u32 $0x50000, s12  }
0x7: {  	s6 =	sadd.s32 $0x3E00, s0;
	s26 =	sadd.s32 $0x40400, s0;
	s11 =	smul.u32 $0x980, s12  }
0x8: {  	s19 =	sshll.u32 s12, $0x7;
	s7 =	smul.u32 $0x140000, s3;
	_ =	strace $0x8000004A  }
0x9: {  	s24 =	ssub.s32 $0x2, s3;
	p0 =	seq.s32 s3, $0x1;
	s21 =	sor.u32 $0x9810, s19  }
0xa: {  	s19 =	simm.s32 $0x2;
	[dreg:$0x4] =	wrdreg s26;
	s10 =	sshrl.u32 s24, $0x1  }
0xb: {  	s1 =	sshrl.u32 s9, $0x2;
	s9 =	sshll.u32 s12, $0x6;
	s13 =	sadd.s32 s6, s11  }
0xc: {  	s15 =	sor.u32 $0x10, s11;
	s23 =	sadd.s32 s6, s21;
	[dreg:$0x12] =	wrdreg s11  }
0xd: {  	s7 =	sadd.s32 s8, s7;
	s25 =	ssub.s32 s24, s10;
	s28 =	sadd.s32 s1, s2  }
0xe: {  	s31 =	sor.u32 $0x1C05, s9;
	s10 =	sshll.u32 s12, $0x3;
	[dreg:$0xc] =	wrdreg s23  }
0xf: {  	s1 =	sadd.s32 s14, s11;
	s16 =	sadd.s32 s6, s15;
	[dreg:$0x13] =	wrdreg s13  }
0x10: {  	s8 =	sadd.s32 s14, s15;
	s15 =	simm.s32 $0x100;
	[dreg:$0x8] =	wrdreg s16  }
0x11: {  	s9 =	simm.s32 $0x2400;
	s23 =	simm.s32 $0x340;
	[dreg:$0x9] =	wrdreg s8  }
0x12: {  	s12 =	simm.s32 $0x0;
	s7 =	sshrl.u32 s7, $0x3;
	[dreg:$0x14] =	wrdreg s1  }
0x13: {  	s20 =	sor.u32 $0x980, s10;
	s25 =	smax.u32 s25, $0x1;
	[dreg:$0x5] =	wrdreg s28  }
0x14: {  	s10 =	simm.s32 $0x180;
	s16 =	simm.s32 $0x400;
	[dreg:$0x6] =	wrdreg s31  }
0x15: {  	s0 =	sadd.s32 s7, s0;
	s17 =	sshll.u32 s20, $0x4;
	s22 =	sshll.u32 s20, $0x7  }
0x16: {  	[dreg:$0x11] =	wrdreg s25;
	s25 =	simm.s32 $0x80;
	s7 =	simm.s32 $0x4  }
0x17: {  	[dreg:$0x7] =	wrdreg s20;
	s18 =	sadd.s32 s6, s17;
	s3 =	sadd.s32 s14, s17  }
0x18: {  	s24 =	sor.u32 $0x100, s22;
	s0 =	sadd.s32 $0x42C00, s0;
	[dreg:$0xa] =	wrdreg s18  }
.Ltmp0:
0x19: {  	s17 =	simm.s32 $0x200;
	[dreg:$0xb] =	wrdreg s3;
	(pc) =	sbr.rel .LBB2_1-.Ltmp0, $4  }
0x1a: {  	s3 =	sadd.s32 s14, s21;
	[dreg:$0xe] =	wrdreg s24;
	s21 =	sor.u32 $0x180, s22  }
0x1b: {  	[dreg:$0x10] =	wrdreg s0;
	s24 =	simm.s32 $0x5;
	s0 =	simm.s32 $0x1  }
0x1c: {  	s14 =	simm.s32 $0x4400;
	s22 =	simm.s32 $0x280;
	[dreg:$0xd] =	wrdreg s3  }
0x1d: {  	s18 =	simm.s32 $0x300;
	s3 =	simm.s32 $0x3;
	[dreg:$0xf] =	wrdreg s21  }
.LBB2_4:
0x1e: {  	[sflag:s20] =	ssyncadd.s32 @!p2 $0xFFFFFF80  }
0x1f: {  	[spmem:s2] =	stream.indirect.scatter.add.f32 [tilespmem:s14], [sflag:$0x5], $0x80, s31, s25, $0xb8;
	[tilespmem:$0x1C400] =	vst v63  }
0x20: {  	_ =	swait.ge [sflag:s24], $0x4000  }
0x21: {  	s16 =	simm.s32 $0x400;
	s30 =	simm.s32 $0x140;
	s31 =	rddreg [dreg:$0x6]  }
0x22: {  	s17 =	simm.s32 $0x200;
	[sflag:s24] =	ssyncset.done $0x0;
	s20 =	rddreg [dreg:$0x7]  }
0x23: {  	s22 =	simm.s32 $0x280;
	s21 =	rddreg [dreg:$0xf];
	[sflag:s24] =	ssyncadd.s32 $0xFFFFC000  }
.LBB2_7:
0x24: {  	[bflag:$0x0] =	sbarrier.arrive $0xFFFF  }
0x25: {  	s8 =	rddreg [dreg:$0x10]  }
0x26: {  	s1 =	rddreg [dreg:$0x16]  }
0x27: {  	[hbm:s8], [sflag:s31] =	dma.local [spmem:s1], $0x2800  }
0x28: {  	_ =	swait.ge [sflag:s24], $0x2800  }
0x29: {  	s12 =	rddreg [dreg:$0x15]  }
0x2a: {  	s26 =	rddreg [dreg:$0x11];
	s12 =	sadd.s32 $0x1, s12  }
0x2b: {  	p1 =	sne.s32 s12, s26  }
.Ltmp1:
0x2c: {  	s11 =	rddreg [dreg:$0x12];
	(pc) =	sbr.rel @!p1 .LBB2_8-.Ltmp1, $4  }
0x2d: {  	s13 =	rddreg [dreg:$0x13]  }
0x2e: {  	s10 =	simm.s32 $0x180;
	s9 =	simm.s32 $0x2400;
	s1 =	rddreg [dreg:$0x14]  }
0x2f: {  	s18 =	simm.s32 $0x300;
	[sflag:s24] =	ssyncset.done $0x0;
	s28 =	rddreg [dreg:$0x5]  }
0x30: {  	s23 =	simm.s32 $0x340;
	[sflag:s24] =	ssyncadd.s32 $0xFFFFD800;
	s26 =	rddreg [dreg:$0x4]  }
.LBB2_1:
0x31: {  	[dreg:$0x15] =	wrdreg s12;
	s8 =	sshrl.u32 s28, $0x3  }
0x32: {  	[dreg:$0x16] =	wrdreg s8  }
0x33: {  	[spmem:s8], [sflag:s31] =	dma.local [hbm:s26], $0x2800  }
.Ltmp2:
0x34: {  	_ =	swait.ge [sflag:s24], $0x2800;
	(pc) =	sbr.rel @!p0 .LBB2_2-.Ltmp2, $4  }
0x35: {  	[sflag:s24] =	ssyncset.done $0x0  }
0x36: {  	[sflag:s24] =	ssyncadd.s32 $0xFFFFD800  }
0x37: {  	[bflag:$0x0] =	sbarrier.arrive $0xFFFF  }
0x38: {  	s12 =	simm.s32 $0x0  }
0x39: {  	s8 =	rddreg [dreg:$0xa]  }
0x3a: {  	[tilespmem:s12], [sflag:$0x5] =	stream.linear.gather [hbm4b:s8+s12], $0x80, $0x38;
	[tilespmem:$0x1C400] =	vst v63  }
0x3b: {  	_ =	swait.ge [sflag:s24], $0x80  }
0x3c: {  	[sflag:s24] =	ssyncset.done $0x0  }
0x3d: {  	s18 =	rddreg [dreg:$0xb];
	[sflag:s24] =	ssyncadd.s32 $0xFFFFFF80  }
0x3e: {  	[tilespmem:s25], [sflag:$0x5] =	stream.linear.gather [hbm4b:s18+s12], $0x80, $0x38;
	[tilespmem:$0x1C400] =	vst v63  }
0x3f: {  	_ =	swait.ge [sflag:s24], $0x80  }
0x40: {  	[sflag:s24] =	ssyncset.done $0x0  }
0x41: {  	s23 =	rddreg [dreg:$0xc];
	[sflag:s24] =	ssyncadd.s32 $0xFFFFFF80  }
0x42: {  	[tilespmem:s15], [sflag:$0x5] =	stream.linear.gather [hbm4b:s23+s12], $0x80, $0x38;
	[tilespmem:$0x1C400] =	vst v63  }
0x43: {  	_ =	swait.ge [sflag:s24], $0x80  }
0x44: {  	[sflag:s24] =	ssyncset.done $0x0  }
0x45: {  	s26 =	rddreg [dreg:$0xd];
	[sflag:s24] =	ssyncadd.s32 $0xFFFFFF80  }
0x46: {  	[tilespmem:s10], [sflag:$0x5] =	stream.linear.gather [hbm4b:s26+s12], $0x80, $0x38;
	[tilespmem:$0x1C400] =	vst v63  }
0x47: {  	_ =	swait.ge [sflag:s24], $0x80  }
0x48: {  	p1 =	por $0x1, $0x1;
	p2 =	por $0x0, $0x0;
	[sflag:s24] =	ssyncset.done $0x0  }
0x49: {  	s11 =	simm.s32 $0x6400;
	s13 =	simm.s32 $0x240;
	[sflag:s24] =	ssyncadd.s32 $0xFFFFFF80  }
0x4a: {  	[tilespmem:s16], [sflag:$0x1] =	stream.indirect.gather [hbm4b:s5+s29], $0x80, s12, s29, $0xb8;
	[tilespmem:$0x1C400] =	vst v63  }
0x4b: {  	s28 =	simm.s32 $0x340;
	s23 =	simm.s32 $0x300;
	s10 =	simm.s32 $0x180  }
0x4c: {  	[tilespmem:s9], [sflag:$0x3] =	stream.indirect.gather [hbm4b:s5+s29], $0x80, s29, s29, $0xb8;
	[tilespmem:$0x1C400] =	vst v63  }
0x4d: {  	s26 =	simm.s32 $0x380;
	s1 =	rddreg [dreg:$0x1];
	s9 =	simm.s32 $0x2400  }
.LBB2_6:
0x4e: {  	_ =	swait.ge [sflag:s0], $0x2000  }
0x4f: {  	[sflag:s0] =	ssyncset.done $0x0  }
0x50: {  	[sflag:s0] =	ssyncadd.s32 $0xFFFFE000  }
0x51: {  	_ =	swait.ge [sflag:s3], $0x2000  }
0x52: {  	[sflag:s3] =	ssyncset.done $0x0  }
0x53: {  	s8 =	sshll.u32 s12, $0x9;
	s18 =	rddreg [dreg:$0xe];
	[sflag:s3] =	ssyncadd.s32 $0xFFFFE000  }
0x54: {  	[tilespmem:s14], [sflag:$0x2] =	stream.indirect.gather [hbm4b:s5+s29], $0x80, s15, s29, $0xb8;
	[tilespmem:$0x1C400] =	vst v63  }
0x55: {  	s15 =	sor.u32 s18, s8  }
0x56: {  	s15 =	sshrl.u32 s15, $0x3  }
0x57: {  	[tilespmem:s11], [sflag:$0x4] =	stream.indirect.gather [hbm4b:s5+s29], $0x80, s30, s29, $0xb8;
	[tilespmem:$0x1C400] =	vst v63  }
0x58: {  	s18 =	sadd.s32 s6, s15  }
0x59: {  	[tilespmem:s17], [sflag:$0x5] =	stream.linear.gather [hbm4b:s18+s4], $0x80, $0x38;
	[tilespmem:$0x1C400] =	vst v63  }
0x5a: {  	_ =	swait.ge [sflag:s24], $0x80  }
0x5b: {  	[sflag:s24] =	ssyncset.done $0x0  }
0x5c: {  	s15 =	sadd.s32 s1, s15;
	[sflag:s24] =	ssyncadd.s32 $0xFFFFFF80  }
0x5d: {  	[tilespmem:s22], [sflag:$0x5] =	stream.linear.gather [hbm4b:s15+s4], $0x80, $0x38;
	[tilespmem:$0x1C400] =	vst v63  }
0x5e: {  	_ =	swait.ge [sflag:s24], $0x80  }
0x5f: {  	[sflag:s24] =	ssyncset.done $0x0  }
0x60: {  	[sflag:s24] =	ssyncadd.s32 $0xFFFFFF80  }
0x61: {  	[spmem:s2] =	stream.indirect.scatter.add.f32 [tilespmem:s16], [sflag:$0x5], $0x80, s25, s25, $0xb8;
	[tilespmem:$0x1C400] =	vst v63  }
0x62: {  	_ =	swait.ge [sflag:s24], $0x4000  }
0x63: {  	[sflag:s24] =	ssyncset.done $0x0  }
0x64: {  	[sflag:s24] =	ssyncadd.s32 $0xFFFFC000  }
0x65: {  	_ =	swait.ge [sflag:s19], $0x2000  }
0x66: {  	[sflag:s19] =	ssyncset.done $0x0  }
0x67: {  	[sflag:s19] =	ssyncadd.s32 $0xFFFFE000  }
0x68: {  	_ =	swait.ge [sflag:s7], $0x2000  }
0x69: {  	[sflag:s7] =	ssyncset.done $0x0  }
0x6a: {  	s8 =	sor.u32 s21, s8;
	[sflag:s7] =	ssyncadd.s32 $0xFFFFE000  }
0x6b: {  	[tilespmem:s16], [sflag:$0x1] =	stream.indirect.gather [hbm4b:s5+s29], $0x80, s17, s29, $0xb8;
	[tilespmem:$0x1C400] =	vst v63  }
0x6c: {  	s8 =	sshrl.u32 s8, $0x3  }
0x6d: {  	[tilespmem:s9], [sflag:$0x3] =	stream.indirect.gather [hbm4b:s5+s29], $0x80, s13, s29, $0xb8;
	[tilespmem:$0x1C400] =	vst v63  }
0x6e: {  	s21 =	sadd.s32 s6, s8  }
0x6f: {  	[tilespmem:s23], [sflag:$0x5] =	stream.linear.gather [hbm4b:s21+s4], $0x80, $0x38;
	[tilespmem:$0x1C400] =	vst v63  }
0x70: {  	_ =	swait.ge [sflag:s24], $0x80  }
0x71: {  	[sflag:s24] =	ssyncset.done $0x0  }
0x72: {  	s8 =	sadd.s32 s1, s8;
	[sflag:s24] =	ssyncadd.s32 $0xFFFFFF80  }
0x73: {  	[tilespmem:s26], [sflag:$0x5] =	stream.linear.gather [hbm4b:s8+s4], $0x80, $0x38;
	[tilespmem:$0x1C400] =	vst v63  }
0x74: {  	_ =	swait.ge [sflag:s24], $0x80  }
0x75: {  	[sflag:s24] =	ssyncset.done $0x0  }
0x76: {  	[sflag:s24] =	ssyncadd.s32 $0xFFFFFF80  }
0x77: {  	[spmem:s2] =	stream.indirect.scatter.add.f32 [tilespmem:s14], [sflag:$0x5], $0x80, s10, s25, $0xb8;
	[tilespmem:$0x1C400] =	vst v63  }
0x78: {  	_ =	swait.ge [sflag:s24], $0x4000  }
0x79: {  	[sflag:s24] =	ssyncset.done $0x0  }
0x7a: {  	[sflag:s24] =	ssyncadd.s32 $0xFFFFC000  }
0x7b: {  	_ =	swait.ge [sflag:s0], $0x2000  }
0x7c: {  	[sflag:s0] =	ssyncset.done $0x0  }
0x7d: {  	[sflag:s0] =	ssyncadd.s32 $0xFFFFE000  }
0x7e: {  	_ =	swait.ge [sflag:s3], $0x2000  }
0x7f: {  	[sflag:s3] =	ssyncset.done $0x0  }
0x80: {  	[sflag:s3] =	ssyncadd.s32 $0xFFFFE000  }
0x81: {  	[tilespmem:s14], [sflag:$0x2] =	stream.indirect.gather [hbm4b:s5+s29], $0x80, s23, s29, $0xb8;
	[tilespmem:$0x1C400] =	vst v63  }
0x82: {  	_ = 	snop  }
0x83: {  	[tilespmem:s11], [sflag:$0x4] =	stream.indirect.gather [hbm4b:s5+s29], $0x80, s28, s29, $0xb8;
	[tilespmem:$0x1C400] =	vst v63  }
0x84: {  	s18 =	simm.s32 @p2 $0x400;
	s15 =	simm.s32 @p2 $0x280;
	s8 =	simm.s32 @p2 $0x80  }
0x85: {  	[spmem:s2] =	stream.indirect.scatter.add.f32 @p2 [tilespmem:s18], [sflag:$0x5], $0x80, s15, s8, $0xb8;
	[tilespmem:$0x1C400] =	vst v63  }
0x86: {  	s8 =	simm.s32 @p2 $0x5  }
0x87: {  	_ =	swait.ge @p2 [sflag:s8], $0x4000  }
0x88: {  	[sflag:s8] =	ssyncset.done @p2 $0x0  }
0x89: {  	[sflag:s8] =	ssyncadd.s32 @p2 $0xFFFFC000;
	s8 =	simm.s32 @p2 $0x2  }
0x8a: {  	_ =	swait.ge @p2 [sflag:s8], $0x2000  }
0x8b: {  	s12 =	sshll.u32 @!p2 s12, $0x6;
	[sflag:s8] =	ssyncset.done @p2 $0x0  }
0x8c: {  	s15 =	sshll.u32 @!p2 s20, $0x4;
	[sflag:s8] =	ssyncadd.s32 @p2 $0xFFFFE000;
	s8 =	simm.s32 @p2 $0x4  }
0x8d: {  	s12 =	sor.u32 @!p2 s15, s12;
	_ =	swait.ge @p2 [sflag:s8], $0x2000  }
0x8e: {  	s15 =	sadd.s32 @!p2 $0x40, s12;
	[sflag:s8] =	ssyncset.done @p2 $0x0  }
0x8f: {  	s18 =	simm.s32 @!p2 $0x0;
	[sflag:s8] =	ssyncadd.s32 @p2 $0xFFFFE000;
	s8 =	sadd.s32 @!p2 s6, s15  }
0x90: {  	[tilespmem:s18], [sflag:$0x5] =	stream.linear.gather @!p2 [hbm4b:s8+s18], $0x80, $0x38;
	[tilespmem:$0x1C400] =	vst v63  }
0x91: {  	s8 =	simm.s32 @!p2 $0x5  }
0x92: {  	_ =	swait.ge @!p2 [sflag:s8], $0x80  }
0x93: {  	[sflag:s8] =	ssyncset.done @!p2 $0x0  }
0x94: {  	s20 =	simm.s32 @!p2 $0x80;
	s15 =	sadd.s32 @!p2 s1, s15;
	[sflag:s8] =	ssyncadd.s32 @!p2 $0xFFFFFF80  }
0x95: {  	[tilespmem:s20], [sflag:$0x5] =	stream.linear.gather @!p2 [hbm4b:s15+s18], $0x80, $0x38;
	[tilespmem:$0x1C400] =	vst v63  }
0x96: {  	_ =	swait.ge @!p2 [sflag:s8], $0x80  }
0x97: {  	[sflag:s8] =	ssyncset.done @!p2 $0x0  }
0x98: {  	s21 =	simm.s32 @!p2 $0x400;
	s15 =	simm.s32 @!p2 $0x280;
	[sflag:s8] =	ssyncadd.s32 @!p2 $0xFFFFFF80  }
0x99: {  	[spmem:s2] =	stream.indirect.scatter.add.f32 @!p2 [tilespmem:s21], [sflag:$0x5], $0x80, s15, s20, $0xb8;
	[tilespmem:$0x1C400] =	vst v63  }
0x9a: {  	_ =	swait.ge @!p2 [sflag:s8], $0x4000  }
0x9b: {  	[sflag:s8] =	ssyncset.done @!p2 $0x0  }
0x9c: {  	s15 =	simm.s32 @!p2 $0x2;
	[sflag:s8] =	ssyncadd.s32 @!p2 $0xFFFFC000  }
0x9d: {  	_ =	swait.ge @!p2 [sflag:s15], $0x2000  }
0x9e: {  	[sflag:s15] =	ssyncset.done @!p2 $0x0  }
0x9f: {  	[sflag:s15] =	ssyncadd.s32 @!p2 $0xFFFFE000;
	s15 =	simm.s32 @!p2 $0x4  }
0xa0: {  	_ =	swait.ge @!p2 [sflag:s15], $0x2000  }
0xa1: {  	[sflag:s15] =	ssyncset.done @!p2 $0x0  }
0xa2: {  	[sflag:s15] =	ssyncadd.s32 @!p2 $0xFFFFE000;
	s15 =	simm.s32 @!p2 $0x40  }
0xa3: {  	[tilespmem:s21], [sflag:$0x1] =	stream.indirect.gather @!p2 [hbm4b:s5+s15], $0x80, s18, s15, $0xb8;
	[tilespmem:$0x1C400] =	vst v63  }
0xa4: {  	s12 =	sadd.s32 @!p2 $0x50, s12;
	s20 =	simm.s32 @!p2 $0x2400  }
0xa5: {  	[tilespmem:s20], [sflag:$0x3] =	stream.indirect.gather @!p2 [hbm4b:s5+s15], $0x80, s15, s15, $0xb8;
	[tilespmem:$0x1C400] =	vst v63  }
0xa6: {  	s21 =	rddreg [dreg:$0xf];
	s15 =	sadd.s32 @!p2 s6, s12;
	s20 =	simm.s32 @!p2 $0x100  }
0xa7: {  	[tilespmem:s20], [sflag:$0x5] =	stream.linear.gather @!p2 [hbm4b:s15+s18], $0x80, $0x38;
	[tilespmem:$0x1C400] =	vst v63  }
0xa8: {  	s20 =	rddreg [dreg:$0x7];
	_ =	swait.ge @!p2 [sflag:s8], $0x80  }
0xa9: {  	[sflag:s8] =	ssyncset.done @!p2 $0x0  }
0xaa: {  	s12 =	sadd.s32 @!p2 s1, s12;
	s15 =	simm.s32 @!p2 $0x180;
	[sflag:s8] =	ssyncadd.s32 @!p2 $0xFFFFFF80  }
0xab: {  	[tilespmem:s15], [sflag:$0x5] =	stream.linear.gather @!p2 [hbm4b:s12+s18], $0x80, $0x38;
	[tilespmem:$0x1C400] =	vst v63  }
0xac: {  	_ =	swait.ge @!p2 [sflag:s8], $0x80  }
0xad: {  	p3 =	por p1, p1;
	[sflag:s8] =	ssyncset.done @!p2 $0x0  }
.Ltmp3:
0xae: {  	[sflag:s8] =	ssyncadd.s32 @!p2 $0xFFFFFF80;
	(pc) =	sbr.rel @p3 .LBB2_6-.Ltmp3, $4  }
0xaf: {  	[spmem:s2] =	stream.indirect.scatter.add.f32 [tilespmem:s14], [sflag:$0x5], $0x80, s26, s25, $0xb8;
	[tilespmem:$0x1C400] =	vst v63  }
0xb0: {  	_ =	swait.ge [sflag:s24], $0x4000  }
0xb1: {  	p1 =	por $0x0, $0x0;
	s15 =	simm.s32 $0x100;
	[sflag:s24] =	ssyncset.done $0x0  }
0xb2: {  	s12 =	simm.s32 $0x1;
	p2 =	por $0x1, $0x1;
	[sflag:s24] =	ssyncadd.s32 $0xFFFFC000  }
.Ltmp4:
0xb3: {  	_ = 	snop;
	(pc) =	sbr.rel .LBB2_7-.Ltmp4, $1  }
0xb4: {  	_ =	sdelay $0x3  }
.LBB2_2:
0xb5: {  	[tilespmem:s12], [sflag:$0x5] =	stream.linear.gather [hbm4b:s13+s12], $0x80, $0x38;
	[tilespmem:$0x1C400] =	vst v63  }
0xb6: {  	_ =	swait.ge [sflag:s24], $0x80  }
0xb7: {  	[sflag:s24] =	ssyncset.done $0x0  }
0xb8: {  	[sflag:s24] =	ssyncadd.s32 $0xFFFFFF80  }
0xb9: {  	[tilespmem:s25], [sflag:$0x5] =	stream.linear.gather [hbm4b:s1+s12], $0x80, $0x38;
	[tilespmem:$0x1C400] =	vst v63  }
0xba: {  	_ =	swait.ge [sflag:s24], $0x80  }
0xbb: {  	[sflag:s24] =	ssyncset.done $0x0  }
0xbc: {  	s8 =	rddreg [dreg:$0x8];
	[sflag:s24] =	ssyncadd.s32 $0xFFFFFF80  }
0xbd: {  	[tilespmem:s15], [sflag:$0x5] =	stream.linear.gather [hbm4b:s8+s12], $0x80, $0x38;
	[tilespmem:$0x1C400] =	vst v63  }
0xbe: {  	_ =	swait.ge [sflag:s24], $0x80  }
0xbf: {  	[sflag:s24] =	ssyncset.done $0x0  }
0xc0: {  	s22 =	rddreg [dreg:$0x9];
	[sflag:s24] =	ssyncadd.s32 $0xFFFFFF80  }
0xc1: {  	[tilespmem:s10], [sflag:$0x5] =	stream.linear.gather [hbm4b:s22+s12], $0x80, $0x38;
	[tilespmem:$0x1C400] =	vst v63  }
0xc2: {  	_ =	swait.ge [sflag:s24], $0x80  }
0xc3: {  	[sflag:s24] =	ssyncset.done $0x0  }
0xc4: {  	[sflag:s24] =	ssyncadd.s32 $0xFFFFFF80  }
0xc5: {  	[tilespmem:s16], [sflag:$0x1] =	stream.indirect.gather [hbm4b:s5+s29], $0x80, s12, s29, $0xb8;
	[tilespmem:$0x1C400] =	vst v63  }
0xc6: {  	_ = 	snop  }
0xc7: {  	[tilespmem:s9], [sflag:$0x3] =	stream.indirect.gather [hbm4b:s5+s29], $0x80, s29, s29, $0xb8;
	[tilespmem:$0x1C400] =	vst v63  }
0xc8: {  	_ =	swait.ge [sflag:s0], $0x2000  }
0xc9: {  	[sflag:s0] =	ssyncset.done $0x0  }
0xca: {  	[sflag:s0] =	ssyncadd.s32 $0xFFFFE000  }
0xcb: {  	s20 =	sadd.s32 $0x0, s11;
	_ =	swait.ge [sflag:s3], $0x2000  }
0xcc: {  	s26 =	sand.u32 $0x40, s12;
	s20 =	sand.u32 $0x1FF80, s20;
	[sflag:s3] =	ssyncset.done $0x0  }
0xcd: {  	s12 =	sor.u32 s20, s26;
	[sflag:s3] =	ssyncadd.s32 $0xFFFFE000  }
0xce: {  	[tilespmem:s14], [sflag:$0x2] =	stream.indirect.gather [hbm4b:s5+s29], $0x80, s15, s29, $0xb8;
	[tilespmem:$0x1C400] =	vst v63  }
0xcf: {  	s17 =	simm.s32 $0x6400;
	s20 =	sor.u32 $0x20, s12  }
0xd0: {  	[tilespmem:s17], [sflag:$0x4] =	stream.indirect.gather [hbm4b:s5+s29], $0x80, s30, s29, $0xb8;
	[tilespmem:$0x1C400] =	vst v63  }
0xd1: {  	s22 =	simm.s32 $0x200;
	s21 =	sadd.s32 s6, s20  }
0xd2: {  	[tilespmem:s22], [sflag:$0x5] =	stream.linear.gather [hbm4b:s21+s4], $0x80, $0x38;
	[tilespmem:$0x1C400] =	vst v63  }
0xd3: {  	_ =	swait.ge [sflag:s24], $0x80  }
0xd4: {  	[sflag:s24] =	ssyncset.done $0x0  }
0xd5: {  	s30 =	rddreg [dreg:$0x1]  }
0xd6: {  	s28 =	simm.s32 $0x280;
	[sflag:s24] =	ssyncadd.s32 $0xFFFFFF80;
	s20 =	sadd.s32 s30, s20  }
0xd7: {  	[tilespmem:s28], [sflag:$0x5] =	stream.linear.gather [hbm4b:s20+s4], $0x80, $0x38;
	[tilespmem:$0x1C400] =	vst v63  }
0xd8: {  	_ =	swait.ge [sflag:s24], $0x80  }
0xd9: {  	[sflag:s24] =	ssyncset.done $0x0  }
0xda: {  	s16 =	simm.s32 $0x400;
	[sflag:s24] =	ssyncadd.s32 $0xFFFFFF80  }
0xdb: {  	[spmem:s2] =	stream.indirect.scatter.add.f32 [tilespmem:s16], [sflag:$0x5], $0x80, s25, s25, $0xb8;
	[tilespmem:$0x1C400] =	vst v63  }
0xdc: {  	_ =	swait.ge [sflag:s24], $0x4000  }
0xdd: {  	[sflag:s24] =	ssyncset.done $0x0  }
0xde: {  	[sflag:s24] =	ssyncadd.s32 $0xFFFFC000  }
0xdf: {  	_ =	swait.ge [sflag:s19], $0x2000  }
0xe0: {  	[sflag:s19] =	ssyncset.done $0x0  }
0xe1: {  	[sflag:s19] =	ssyncadd.s32 $0xFFFFE000  }
0xe2: {  	_ =	swait.ge [sflag:s7], $0x2000  }
0xe3: {  	[sflag:s7] =	ssyncset.done $0x0  }
0xe4: {  	[sflag:s7] =	ssyncadd.s32 $0xFFFFE000  }
0xe5: {  	[tilespmem:s16], [sflag:$0x1] =	stream.indirect.gather [hbm4b:s5+s29], $0x80, s22, s29, $0xb8;
	[tilespmem:$0x1C400] =	vst v63  }
0xe6: {  	s26 =	simm.s32 $0x240;
	s12 =	sor.u32 $0x30, s12  }
0xe7: {  	[tilespmem:s9], [sflag:$0x3] =	stream.indirect.gather [hbm4b:s5+s29], $0x80, s26, s29, $0xb8;
	[tilespmem:$0x1C400] =	vst v63  }
0xe8: {  	s28 =	sadd.s32 s6, s12  }
0xe9: {  	[tilespmem:s18], [sflag:$0x5] =	stream.linear.gather [hbm4b:s28+s4], $0x80, $0x38;
	[tilespmem:$0x1C400] =	vst v63  }
0xea: {  	_ =	swait.ge [sflag:s24], $0x80  }
0xeb: {  	[sflag:s24] =	ssyncset.done $0x0  }
0xec: {  	s31 =	simm.s32 $0x380;
	s12 =	sadd.s32 s30, s12;
	[sflag:s24] =	ssyncadd.s32 $0xFFFFFF80  }
0xed: {  	[tilespmem:s31], [sflag:$0x5] =	stream.linear.gather [hbm4b:s12+s4], $0x80, $0x38;
	[tilespmem:$0x1C400] =	vst v63  }
0xee: {  	_ =	swait.ge [sflag:s24], $0x80  }
0xef: {  	[sflag:s24] =	ssyncset.done $0x0  }
0xf0: {  	[sflag:s24] =	ssyncadd.s32 $0xFFFFFF80  }
0xf1: {  	[spmem:s2] =	stream.indirect.scatter.add.f32 [tilespmem:s14], [sflag:$0x5], $0x80, s10, s25, $0xb8;
	[tilespmem:$0x1C400] =	vst v63  }
0xf2: {  	_ =	swait.ge [sflag:s24], $0x4000  }
0xf3: {  	[sflag:s24] =	ssyncset.done $0x0  }
0xf4: {  	[sflag:s24] =	ssyncadd.s32 $0xFFFFC000  }
0xf5: {  	_ =	swait.ge [sflag:s0], $0x2000  }
0xf6: {  	[sflag:s0] =	ssyncset.done $0x0  }
0xf7: {  	[sflag:s0] =	ssyncadd.s32 $0xFFFFE000  }
0xf8: {  	_ =	swait.ge [sflag:s3], $0x2000  }
0xf9: {  	[sflag:s3] =	ssyncset.done $0x0  }
0xfa: {  	p2 =	por $0x0, $0x0;
	[sflag:s3] =	ssyncadd.s32 $0xFFFFE000  }
0xfb: {  	[tilespmem:s14], [sflag:$0x2] =	stream.indirect.gather [hbm4b:s5+s29], $0x80, s18, s29, $0xb8;
	[tilespmem:$0x1C400] =	vst v63  }
0xfc: {  	s21 =	simm.s32 @p2 $0x400  }
0xfd: {  	[tilespmem:s17], [sflag:$0x4] =	stream.indirect.gather [hbm4b:s5+s29], $0x80, s23, s29, $0xb8;
	[tilespmem:$0x1C400] =	vst v63  }
0xfe: {  	s20 =	simm.s32 @p2 $0x80;
	s26 =	simm.s32 @p2 $0x5;
	s12 =	simm.s32 @p2 $0x280  }
0xff: {  	[spmem:s2] =	stream.indirect.scatter.add.f32 @p2 [tilespmem:s21], [sflag:$0x5], $0x80, s12, s20, $0xb8;
	[tilespmem:$0x1C400] =	vst v63  }
0x100: {  	_ =	swait.ge @p2 [sflag:s26], $0x4000  }
0x101: {  	[sflag:s26] =	ssyncset.done @p2 $0x0  }
0x102: {  	s12 =	simm.s32 @p2 $0x2;
	[sflag:s26] =	ssyncadd.s32 @p2 $0xFFFFC000  }
0x103: {  	_ =	swait.ge @p2 [sflag:s12], $0x2000  }
0x104: {  	[sflag:s12] =	ssyncset.done @p2 $0x0  }
0x105: {  	s20 =	simm.s32 @p2 $0x4;
	[sflag:s12] =	ssyncadd.s32 @p2 $0xFFFFE000  }
0x106: {  	_ =	swait.ge @p2 [sflag:s20], $0x2000  }
0x107: {  	s8 =	simm.s32 @!p2 $0x0;
	s26 =	sadd.s32 @!p2 $0x0, s13;
	[sflag:s20] =	ssyncset.done @p2 $0x0  }
0x108: {  	s21 =	sadd.s32 @!p2 $0x40, s26;
	[sflag:s20] =	ssyncadd.s32 @p2 $0xFFFFE000;
	s20 =	simm.s32 @!p2 $0x5  }
0x109: {  	[tilespmem:s8], [sflag:$0x5] =	stream.linear.gather @!p2 [hbm4b:s21+s8], $0x80, $0x38;
	[tilespmem:$0x1C400] =	vst v63  }
0x10a: {  	_ =	swait.ge @!p2 [sflag:s20], $0x80  }
0x10b: {  	s21 =	sadd.s32 @!p2 $0x0, s1;
	[sflag:s20] =	ssyncset.done @!p2 $0x0  }
0x10c: {  	s9 =	simm.s32 @!p2 $0x80;
	s28 =	sadd.s32 @!p2 $0x40, s21;
	[sflag:s20] =	ssyncadd.s32 @!p2 $0xFFFFFF80  }
0x10d: {  	[tilespmem:s9], [sflag:$0x5] =	stream.linear.gather @!p2 [hbm4b:s28+s8], $0x80, $0x38;
	[tilespmem:$0x1C400] =	vst v63  }
0x10e: {  	_ =	swait.ge @!p2 [sflag:s20], $0x80  }
0x10f: {  	[sflag:s20] =	ssyncset.done @!p2 $0x0  }
0x110: {  	s10 =	simm.s32 @!p2 $0x280;
	s28 =	simm.s32 @!p2 $0x400;
	[sflag:s20] =	ssyncadd.s32 @!p2 $0xFFFFFF80  }
0x111: {  	[spmem:s2] =	stream.indirect.scatter.add.f32 @!p2 [tilespmem:s28], [sflag:$0x5], $0x80, s10, s9, $0xb8;
	[tilespmem:$0x1C400] =	vst v63  }
0x112: {  	_ =	swait.ge @!p2 [sflag:s20], $0x4000  }
0x113: {  	[sflag:s20] =	ssyncset.done @!p2 $0x0  }
0x114: {  	s12 =	simm.s32 @!p2 $0x2;
	[sflag:s20] =	ssyncadd.s32 @!p2 $0xFFFFC000  }
0x115: {  	_ =	swait.ge @!p2 [sflag:s12], $0x2000  }
0x116: {  	[sflag:s12] =	ssyncset.done @!p2 $0x0  }
0x117: {  	[sflag:s12] =	ssyncadd.s32 @!p2 $0xFFFFE000;
	s12 =	simm.s32 @!p2 $0x4  }
0x118: {  	_ =	swait.ge @!p2 [sflag:s12], $0x2000  }
0x119: {  	[sflag:s12] =	ssyncset.done @!p2 $0x0  }
0x11a: {  	[sflag:s12] =	ssyncadd.s32 @!p2 $0xFFFFE000;
	s12 =	simm.s32 @!p2 $0x40  }
0x11b: {  	[tilespmem:s28], [sflag:$0x1] =	stream.indirect.gather @!p2 [hbm4b:s5+s12], $0x80, s8, s12, $0xb8;
	[tilespmem:$0x1C400] =	vst v63  }
0x11c: {  	s28 =	simm.s32 @!p2 $0x2400  }
0x11d: {  	[tilespmem:s28], [sflag:$0x3] =	stream.indirect.gather @!p2 [hbm4b:s5+s12], $0x80, s12, s12, $0xb8;
	[tilespmem:$0x1C400] =	vst v63  }
0x11e: {  	s12 =	sadd.s32 @!p2 $0x50, s26;
	s26 =	simm.s32 @!p2 $0x100  }
0x11f: {  	[tilespmem:s26], [sflag:$0x5] =	stream.linear.gather @!p2 [hbm4b:s12+s8], $0x80, $0x38;
	[tilespmem:$0x1C400] =	vst v63  }
0x120: {  	_ =	swait.ge @!p2 [sflag:s20], $0x80  }
0x121: {  	[sflag:s20] =	ssyncset.done @!p2 $0x0  }
0x122: {  	s12 =	sadd.s32 @!p2 $0x50, s21;
	s21 =	simm.s32 @!p2 $0x180;
	[sflag:s20] =	ssyncadd.s32 @!p2 $0xFFFFFF80  }
0x123: {  	[tilespmem:s21], [sflag:$0x5] =	stream.linear.gather @!p2 [hbm4b:s12+s8], $0x80, $0x38;
	[tilespmem:$0x1C400] =	vst v63  }
0x124: {  	s23 =	simm.s32 $0x300;
	s9 =	simm.s32 $0x2400;
	_ =	swait.ge @!p2 [sflag:s20], $0x80  }
0x125: {  	s10 =	simm.s32 $0x340;
	s12 =	simm.s32 $0x40;
	[sflag:s20] =	ssyncset.done @!p2 $0x0  }
.LBB2_3:
0x126: {  	[sflag:s20] =	ssyncadd.s32 @!p2 $0xFFFFFF80;
	s20 =	smov.u32 s12;
	s12 =	sadd.s32 $0x40, s12  }
0x127: {  	[spmem:s2] =	stream.indirect.scatter.add.f32 [tilespmem:s14], [sflag:$0x5], $0x80, s31, s25, $0xb8;
	[tilespmem:$0x1C400] =	vst v63  }
0x128: {  	p1 =	seq.s32 s12, $0x980;
	_ =	swait.ge [sflag:s24], $0x4000  }
0x129: {  	[sflag:s24] =	ssyncset.done $0x0  }
0x12a: {  	[sflag:s24] =	ssyncadd.s32 $0xFFFFC000  }
0x12b: {  	_ =	swait.ge [sflag:s0], $0x2000  }
0x12c: {  	[sflag:s0] =	ssyncset.done $0x0  }
0x12d: {  	s21 =	sadd.s32 s20, s11;
	[sflag:s0] =	ssyncadd.s32 $0xFFFFE000  }
0x12e: {  	_ =	swait.ge [sflag:s3], $0x2000  }
0x12f: {  	s26 =	sand.u32 $0x40, s20;
	s21 =	sand.u32 $0x1FF80, s21;
	[sflag:s3] =	ssyncset.done $0x0  }
0x130: {  	s21 =	sor.u32 s21, s26;
	[sflag:s3] =	ssyncadd.s32 $0xFFFFE000  }
0x131: {  	[tilespmem:s14], [sflag:$0x2] =	stream.indirect.gather [hbm4b:s5+s29], $0x80, s15, s29, $0xb8;
	[tilespmem:$0x1C400] =	vst v63  }
0x132: {  	s8 =	simm.s32 $0x140;
	s26 =	sor.u32 $0x20, s21  }
0x133: {  	[tilespmem:s17], [sflag:$0x4] =	stream.indirect.gather [hbm4b:s5+s29], $0x80, s8, s29, $0xb8;
	[tilespmem:$0x1C400] =	vst v63  }
0x134: {  	s28 =	sadd.s32 s6, s26;
	s26 =	sadd.s32 s30, s26  }
0x135: {  	[tilespmem:s22], [sflag:$0x5] =	stream.linear.gather [hbm4b:s28+s4], $0x80, $0x38;
	[tilespmem:$0x1C400] =	vst v63  }
0x136: {  	_ =	swait.ge [sflag:s24], $0x80  }
0x137: {  	[sflag:s24] =	ssyncset.done $0x0  }
0x138: {  	s8 =	simm.s32 $0x280;
	[sflag:s24] =	ssyncadd.s32 $0xFFFFFF80  }
0x139: {  	[tilespmem:s8], [sflag:$0x5] =	stream.linear.gather [hbm4b:s26+s4], $0x80, $0x38;
	[tilespmem:$0x1C400] =	vst v63  }
0x13a: {  	_ =	swait.ge [sflag:s24], $0x80  }
0x13b: {  	[sflag:s24] =	ssyncset.done $0x0  }
0x13c: {  	[sflag:s24] =	ssyncadd.s32 $0xFFFFFF80  }
0x13d: {  	[spmem:s2] =	stream.indirect.scatter.add.f32 [tilespmem:s16], [sflag:$0x5], $0x80, s25, s25, $0xb8;
	[tilespmem:$0x1C400] =	vst v63  }
0x13e: {  	_ =	swait.ge [sflag:s24], $0x4000  }
0x13f: {  	[sflag:s24] =	ssyncset.done $0x0  }
0x140: {  	[sflag:s24] =	ssyncadd.s32 $0xFFFFC000  }
0x141: {  	_ =	swait.ge [sflag:s19], $0x2000  }
0x142: {  	[sflag:s19] =	ssyncset.done $0x0  }
0x143: {  	[sflag:s19] =	ssyncadd.s32 $0xFFFFE000  }
0x144: {  	_ =	swait.ge [sflag:s7], $0x2000  }
0x145: {  	s21 =	sor.u32 $0x30, s21;
	[sflag:s7] =	ssyncset.done $0x0  }
0x146: {  	s26 =	sadd.s32 s6, s21;
	[sflag:s7] =	ssyncadd.s32 $0xFFFFE000  }
0x147: {  	[tilespmem:s16], [sflag:$0x1] =	stream.indirect.gather [hbm4b:s5+s29], $0x80, s22, s29, $0xb8;
	[tilespmem:$0x1C400] =	vst v63  }
0x148: {  	s8 =	simm.s32 $0x240  }
0x149: {  	[tilespmem:s9], [sflag:$0x3] =	stream.indirect.gather [hbm4b:s5+s29], $0x80, s8, s29, $0xb8;
	[tilespmem:$0x1C400] =	vst v63  }
0x14a: {  	s21 =	sadd.s32 s30, s21  }
0x14b: {  	[tilespmem:s23], [sflag:$0x5] =	stream.linear.gather [hbm4b:s26+s4], $0x80, $0x38;
	[tilespmem:$0x1C400] =	vst v63  }
0x14c: {  	_ =	swait.ge [sflag:s24], $0x80  }
0x14d: {  	[sflag:s24] =	ssyncset.done $0x0  }
0x14e: {  	[sflag:s24] =	ssyncadd.s32 $0xFFFFFF80  }
0x14f: {  	[tilespmem:s31], [sflag:$0x5] =	stream.linear.gather [hbm4b:s21+s4], $0x80, $0x38;
	[tilespmem:$0x1C400] =	vst v63  }
0x150: {  	_ =	swait.ge [sflag:s24], $0x80  }
0x151: {  	[sflag:s24] =	ssyncset.done $0x0  }
0x152: {  	s8 =	simm.s32 $0x180;
	[sflag:s24] =	ssyncadd.s32 $0xFFFFFF80  }
0x153: {  	[spmem:s2] =	stream.indirect.scatter.add.f32 [tilespmem:s14], [sflag:$0x5], $0x80, s8, s25, $0xb8;
	[tilespmem:$0x1C400] =	vst v63  }
0x154: {  	_ =	swait.ge [sflag:s24], $0x4000  }
0x155: {  	[sflag:s24] =	ssyncset.done $0x0  }
0x156: {  	[sflag:s24] =	ssyncadd.s32 $0xFFFFC000  }
0x157: {  	_ =	swait.ge [sflag:s0], $0x2000  }
0x158: {  	[sflag:s0] =	ssyncset.done $0x0  }
0x159: {  	[sflag:s0] =	ssyncadd.s32 $0xFFFFE000  }
0x15a: {  	_ =	swait.ge [sflag:s3], $0x2000  }
0x15b: {  	[sflag:s3] =	ssyncset.done $0x0  }
0x15c: {  	p2 =	seq.s32 s20, $0x940;
	[sflag:s3] =	ssyncadd.s32 $0xFFFFE000  }
0x15d: {  	s26 =	sadd.s32 @!p2 s20, s13;
	s20 =	sadd.s32 @!p2 s20, s1;
	s21 =	simm.s32 @p2 $0x280  }
0x15e: {  	[tilespmem:s14], [sflag:$0x2] =	stream.indirect.gather [hbm4b:s5+s29], $0x80, s23, s29, $0xb8;
	[tilespmem:$0x1C400] =	vst v63  }
0x15f: {  	s28 =	simm.s32 @p2 $0x80;
	s15 =	sadd.s32 @!p2 $0x40, s26;
	s31 =	simm.s32 @p2 $0x400  }
0x160: {  	[tilespmem:s17], [sflag:$0x4] =	stream.indirect.gather [hbm4b:s5+s29], $0x80, s10, s29, $0xb8;
	[tilespmem:$0x1C400] =	vst v63  }
0x161: {  	s18 =	simm.s32 @p2 $0x5;
	s26 =	sadd.s32 @!p2 $0x50, s26;
	s8 =	sadd.s32 @!p2 $0x40, s20  }
0x162: {  	[spmem:s2] =	stream.indirect.scatter.add.f32 @p2 [tilespmem:s31], [sflag:$0x5], $0x80, s21, s28, $0xb8;
	[tilespmem:$0x1C400] =	vst v63  }
0x163: {  	s31 =	simm.s32 $0x380  }
0x164: {  	s21 =	sadd.s32 @!p2 $0x50, s20;
	_ =	swait.ge @p2 [sflag:s18], $0x4000  }
0x165: {  	s20 =	simm.s32 @p2 $0x2;
	[sflag:s18] =	ssyncset.done @p2 $0x0  }
0x166: {  	[sflag:s18] =	ssyncadd.s32 @p2 $0xFFFFC000  }
0x167: {  	_ =	swait.ge @p2 [sflag:s20], $0x2000  }
0x168: {  	s18 =	simm.s32 @p2 $0x4;
	[sflag:s20] =	ssyncset.done @p2 $0x0  }
0x169: {  	[sflag:s20] =	ssyncadd.s32 @p2 $0xFFFFE000  }
0x16a: {  	_ =	swait.ge @p2 [sflag:s18], $0x2000  }
0x16b: {  	s28 =	simm.s32 @!p2 $0x0;
	[sflag:s18] =	ssyncset.done @p2 $0x0  }
0x16c: {  	s20 =	simm.s32 @!p2 $0x5;
	[sflag:s18] =	ssyncadd.s32 @p2 $0xFFFFE000  }
0x16d: {  	[tilespmem:s28], [sflag:$0x5] =	stream.linear.gather @!p2 [hbm4b:s15+s28], $0x80, $0x38;
	[tilespmem:$0x1C400] =	vst v63  }
0x16e: {  	_ =	swait.ge @!p2 [sflag:s20], $0x80  }
0x16f: {  	s15 =	simm.s32 @!p2 $0x80;
	[sflag:s20] =	ssyncset.done @!p2 $0x0  }
0x170: {  	[sflag:s20] =	ssyncadd.s32 @!p2 $0xFFFFFF80  }
0x171: {  	[tilespmem:s15], [sflag:$0x5] =	stream.linear.gather @!p2 [hbm4b:s8+s28], $0x80, $0x38;
	[tilespmem:$0x1C400] =	vst v63  }
0x172: {  	_ =	swait.ge @!p2 [sflag:s20], $0x80  }
0x173: {  	s18 =	simm.s32 @!p2 $0x400;
	s8 =	simm.s32 @!p2 $0x280;
	[sflag:s20] =	ssyncset.done @!p2 $0x0  }
0x174: {  	[sflag:s20] =	ssyncadd.s32 @!p2 $0xFFFFFF80  }
0x175: {  	[spmem:s2] =	stream.indirect.scatter.add.f32 @!p2 [tilespmem:s18], [sflag:$0x5], $0x80, s8, s15, $0xb8;
	[tilespmem:$0x1C400] =	vst v63  }
0x176: {  	_ =	swait.ge @!p2 [sflag:s20], $0x4000  }
0x177: {  	s8 =	simm.s32 @!p2 $0x2;
	[sflag:s20] =	ssyncset.done @!p2 $0x0  }
0x178: {  	[sflag:s20] =	ssyncadd.s32 @!p2 $0xFFFFC000  }
0x179: {  	_ =	swait.ge @!p2 [sflag:s8], $0x2000  }
0x17a: {  	s15 =	simm.s32 @!p2 $0x4;
	[sflag:s8] =	ssyncset.done @!p2 $0x0  }
0x17b: {  	[sflag:s8] =	ssyncadd.s32 @!p2 $0xFFFFE000  }
0x17c: {  	_ =	swait.ge @!p2 [sflag:s15], $0x2000  }
0x17d: {  	s8 =	simm.s32 @!p2 $0x40;
	[sflag:s15] =	ssyncset.done @!p2 $0x0  }
0x17e: {  	[sflag:s15] =	ssyncadd.s32 @!p2 $0xFFFFE000;
	s15 =	simm.s32 @!p2 $0x2400  }
0x17f: {  	[tilespmem:s18], [sflag:$0x1] =	stream.indirect.gather @!p2 [hbm4b:s5+s8], $0x80, s28, s8, $0xb8;
	[tilespmem:$0x1C400] =	vst v63  }
0x180: {  	s18 =	simm.s32 @!p2 $0x100  }
0x181: {  	[tilespmem:s15], [sflag:$0x3] =	stream.indirect.gather @!p2 [hbm4b:s5+s8], $0x80, s8, s8, $0xb8;
	[tilespmem:$0x1C400] =	vst v63  }
0x182: {  	s15 =	simm.s32 $0x100;
	_ =	sdelay $0x1  }
0x183: {  	[tilespmem:s18], [sflag:$0x5] =	stream.linear.gather @!p2 [hbm4b:s26+s28], $0x80, $0x38;
	[tilespmem:$0x1C400] =	vst v63  }
0x184: {  	_ =	swait.ge @!p2 [sflag:s20], $0x80  }
.Ltmp5:
0x185: {  	s8 =	simm.s32 @!p2 $0x180;
	[sflag:s20] =	ssyncset.done @!p2 $0x0;
	(pc) =	sbr.rel @!p1 .LBB2_3-.Ltmp5, $4  }
0x186: {  	[sflag:s20] =	ssyncadd.s32 @!p2 $0xFFFFFF80  }
0x187: {  	[tilespmem:s8], [sflag:$0x5] =	stream.linear.gather @!p2 [hbm4b:s21+s28], $0x80, $0x38;
	[tilespmem:$0x1C400] =	vst v63  }
0x188: {  	_ =	swait.ge @!p2 [sflag:s20], $0x80  }
0x189: {  	[sflag:s20] =	ssyncset.done @!p2 $0x0  }
.Ltmp6:
0x18a: {  	_ = 	snop;
	(pc) =	sbr.rel .LBB2_4-.Ltmp6, $1  }
0x18b: {  	_ =	sdelay $0x3  }
.LBB2_8:
0x18c: {  	_ =	sfence.sel $0x180000  }
0x18d: {  	[bflag:$0x0] =	sbarrier.arrive $0xFFFF  }
0x18e: {  	_ =	strace $0x9000004A  }
0x18f: {  	s0 =	stileid.u32;
	[bflag:$0x2] =	sbarrier.arrive $0xFFFF  }
0x190: {  	p0 =	sne.s32 s0, $0x0;
	s0 =	rddreg [dreg:$0x3]  }
0x191: {  	s0 =	sadd.s32 @!p0 $0x100000, s0  }
0x192: {  	[sflag:s0] =	ssyncadd.tile.s32 @!p0 $0x1;
	_ =	shalt  }
.Lfunc_end2:
_tile_overlayer_lowered:
.L_overlay_start_2:
0x193: {  	(tag) =	ssettag $0x2  }
0x194: {  	s0 =	rddreg [dreg:$0x0];
	s2 =	stileid.u32  }
0x195: {  	s1 =	rddreg [dreg:$0x1];
	p0 =	sne.s32 s2, $0x0  }
0x196: {  	s3 =	rddreg [dreg:$0x2];
	[bflag:$0x3] =	sbarrier.arrive $0xFFFF;
	s2 =	simm.s32 @!p0 $0x1C05  }
0x197: {  	[timem:s3], [sflag:s2] =	dma.local @!p0 [hbm:s0], s1  }
0x198: {  	s0 =	simm.s32 @!p0 $0x5  }
0x199: {  	_ =	swait.ge @!p0 [sflag:s0], s1  }
0x19a: {  	s1 =	ssub.s32 @!p0 $0x0, s1;
	[sflag:s0] =	ssyncset.done @!p0 $0x0  }
0x19b: {  	[sflag:s0] =	ssyncadd.s32 @!p0 s1  }
0x19c: {  	[bflag:$0x3] =	sbarrier.arrive $0xFFFF  }
0x19d: {  	_ =	shalt  }

// kernel: kernel.15.cloned.1.call-start
scs
__scs_entry_jumppad:
0x0: {  	(pc) =	sbr.rel $0x88, $3  }
0x1: {  	(tag) =	ssettag $0x0;
	lr =	simm.s32 $0x1  }
0x2: {  	[smem:$0x3F92] =	sst lr;
	_ =	strace $0xD0000000  }
0x3: {  	_ = 	snop  }
0x4: {  	_ = 	snop  }
0x5: {  	_ = 	snop  }
0x6: {  	_ = 	snop  }
0x7: {  	_ = 	snop  }
__scs_overlays_trampoline_lowered:
0x8: {  	[smem:$0x3FA1] =	sst s0  }
0x9: {  	[smem:$0x3FA2] =	sst s1  }
0xa: {  	[smem:$0x3FA3] =	sst s2  }
0xb: {  	[smem:$0x3FA4] =	sst s3  }
0xc: {  	[smem:$0x3FA5] =	sst s4  }
0xd: {  	[smem:$0x3FA6] =	sst s5  }
0xe: {  	[smem:$0x3FA7] =	sst s6  }
0xf: {  	[smem:$0x3FA8] =	sst s7  }
0x10: {  	[smem:$0x3FA9] =	sst s8  }
0x11: {  	[smem:$0x3FAA] =	sst s9;
	s0 =	simm.s32 @!p0 $0x0  }
0x12: {  	s1 =	sld [smem:$0x3F90];
	s0 =	simm.s32 @p0 $0x1  }
0x13: {  	[smem:$0x3FAB] =	sst s0;
	s0 =	simm.s32 @!p1 $0x0  }
0x14: {  	s2 =	sld [smem:$0x3F8F];
	s0 =	simm.s32 @p1 $0x1  }
0x15: {  	[smem:$0x3FAC] =	sst s0;
	s0 =	simm.s32 @!p2 $0x0  }
0x16: {  	s3 =	sld [smem:$0x3FDB];
	s0 =	simm.s32 @p2 $0x1  }
0x17: {  	s4 =	simm.s32 $0x1BF5;
	[smem:$0x3FAE] =	sst s0  }
0x18: {  	s0 =	sld [smem:$0x3F91];
	_ =	swait.ge [sflag:s4], $0x0  }
0x19: {  	s7 =	sld [smem:$0x3F92]  }
0x1a: {  	s8 =	sadd.s32 $0xFFFFE003, lr  }
0x1b: {  	s9 =	sadd.s32 $0xFFFFFEF7, lr;
	s5 =	simm.s32 $0xFFFFFFFF;
	p2 =	slt.u32 s8, $0xFFFFF086  }
0x1c: {  	p1 =	slt.u32 s9, $0xF7A;
	s5 =	simm.s32 @!p2 $0x0  }
0x1d: {  	s5 =	simm.s32 @p1 $0x1;
	p0 =	seq.s32 s7, s2  }
0x1e: {  	s7 =	smul.u32 @!p0 $0xF7A, s2;
	p2 =	seq.s32 @!p0 s5, $0x0  }
0x1f: {  	s9 =	smul.u32 $0xF7A, s1;
	s8 =	simm.s32 @!p0 $0x1BF5;
	p2 =	por !p2, p0  }
0x20: {  	[sflag:s8] =	ssyncset.s32 @!p0 $0xFFFFF086;
	s6 =	sadd.s32 @!p0 s3, s7;
	s7 =	simm.s32 @!p0 $0x108  }
0x21: {  	s3 =	sadd.s32 s3, s9;
	s6 =	sadd.s32 @!p0 $0x88, s6;
	s7 =	simm.s32 @p2 $0x1082  }
0x22: {  	[simem:s7], [sflag:s8] =	dma.local @!p0 [hbm:s6], $0xF7A  }
0x23: {  	s9 =	sor.u32 $0xD0000000, s2;
	s6 =	simm.s32 $0x108;
	_ =	swait.ge @!p0 [sflag:s8], $0x0  }
0x24: {  	s3 =	sadd.s32 $0x88, s3;
	s6 =	simm.s32 @!p1 $0x1082;
	[sflag:s4] =	ssyncset.s32 $0xFFFFF086  }
0x25: {  	[simem:s6], [sflag:s4] =	dma.local [hbm:s3], $0xF7A  }
0x26: {  	[smem:$0x3F92] =	sst s1;
	(tag) =	ssettag s2;
	_ =	strace s9  }
0x27: {  	s1 =	sld [smem:$0x3FA2]  }
0x28: {  	s2 =	sld [smem:$0x3FA3]  }
0x29: {  	s4 =	sld [smem:$0x3FA5]  }
0x2a: {  	p0 =	seq.s32 s5, $0x0;
	s5 =	sld [smem:$0x3FA6]  }
0x2b: {  	s6 =	sld [smem:$0x3FA7]  }
0x2c: {  	s7 =	sld [smem:$0x3FA8]  }
0x2d: {  	s3 =	simm.s32 $0x108;
	s8 =	sld [smem:$0x3FA9]  }
0x2e: {  	s3 =	simm.s32 @!p0 $0x1082;
	s9 =	sld [smem:$0x3FAA]  }
0x2f: {  	lr =	sadd.s32 s0, s3;
	s0 =	sld [smem:$0x3FA1]  }
0x30: {  	s3 =	sld [smem:$0x3FA4]  }
0x31: {  	[smem:$0x3FAD] =	sst s10  }
0x32: {  	s10 =	sld [smem:$0x3FAB];
	_ =	sdelay $0x3  }
0x33: {  	p0 =	seq.s32 s10, $0x1;
	s10 =	sld [smem:$0x3FAD];
	_ =	sdelay $0x3  }
0x34: {  	[smem:$0x3FAD] =	sst s10  }
0x35: {  	s10 =	sld [smem:$0x3FAC];
	_ =	sdelay $0x3  }
0x36: {  	p1 =	seq.s32 s10, $0x1;
	s10 =	sld [smem:$0x3FAD];
	_ =	sdelay $0x3  }
0x37: {  	[smem:$0x3FAD] =	sst s10  }
0x38: {  	s10 =	sld [smem:$0x3FAE]  }
0x39: {  	_ = 	snop;
	(pc) =	sbr.ind lr, $3  }
0x3a: {  	_ = 	snop  }
0x3b: {  	_ = 	snop  }
0x3c: {  	p2 =	seq.s32 s10, $0x1;
	s10 =	sld [smem:$0x3FAD]  }
0x3d: {  	_ =	shalt  }
0x3e: {  	_ =	shalt  }
0x3f: {  	_ =	shalt  }
0x40: {  	_ =	shalt  }
0x41: {  	_ =	shalt  }
0x42: {  	_ =	shalt  }
0x43: {  	_ =	shalt  }
0x44: {  	_ =	shalt  }
0x45: {  	_ =	shalt  }
0x46: {  	_ =	shalt  }
0x47: {  	_ =	shalt  }
0x48: {  	_ =	shalt  }
0x49: {  	_ =	shalt  }
0x4a: {  	_ =	shalt  }
0x4b: {  	_ =	shalt  }
0x4c: {  	_ =	shalt  }
0x4d: {  	_ =	shalt  }
0x4e: {  	_ =	shalt  }
0x4f: {  	_ =	shalt  }
0x50: {  	_ =	shalt  }
0x51: {  	_ =	shalt  }
0x52: {  	_ =	shalt  }
0x53: {  	_ =	shalt  }
0x54: {  	_ =	shalt  }
0x55: {  	_ =	shalt  }
0x56: {  	_ =	shalt  }
0x57: {  	_ =	shalt  }
0x58: {  	_ =	shalt  }
0x59: {  	_ =	shalt  }
0x5a: {  	_ =	shalt  }
0x5b: {  	_ =	shalt  }
0x5c: {  	_ =	shalt  }
0x5d: {  	_ =	shalt  }
0x5e: {  	_ =	shalt  }
0x5f: {  	_ =	shalt  }
0x60: {  	_ =	shalt  }
0x61: {  	_ =	shalt  }
0x62: {  	_ =	shalt  }
0x63: {  	_ =	shalt  }
0x64: {  	_ =	shalt  }
0x65: {  	_ =	shalt  }
0x66: {  	_ =	shalt  }
0x67: {  	_ =	shalt  }
0x68: {  	_ =	shalt  }
0x69: {  	_ =	shalt  }
0x6a: {  	_ =	shalt  }
0x6b: {  	_ =	shalt  }
0x6c: {  	_ =	shalt  }
0x6d: {  	_ =	shalt  }
0x6e: {  	_ =	shalt  }
0x6f: {  	_ =	shalt  }
0x70: {  	_ =	shalt  }
0x71: {  	_ =	shalt  }
0x72: {  	_ =	shalt  }
0x73: {  	_ =	shalt  }
0x74: {  	_ =	shalt  }
0x75: {  	_ =	shalt  }
0x76: {  	_ =	shalt  }
0x77: {  	_ =	shalt  }
0x78: {  	_ =	shalt  }
0x79: {  	_ =	shalt  }
0x7a: {  	_ =	shalt  }
0x7b: {  	_ =	shalt  }
0x7c: {  	_ =	shalt  }
0x7d: {  	_ =	shalt  }
0x7e: {  	_ =	shalt  }
0x7f: {  	_ =	shalt  }
0x80: {  	_ =	shalt  }
0x81: {  	_ =	shalt  }
0x82: {  	_ =	shalt  }
0x83: {  	_ =	shalt  }
0x84: {  	_ =	shalt  }
0x85: {  	_ =	shalt  }
0x86: {  	_ =	shalt  }
0x87: {  	_ =	shalt  }
.Lfunc_end0:
.L_simem_size_0:
called_computation.2_lowered:
.L_overlay_start_0:
0x88: {  	s2 =	sld [smem:$0x3FD9]  }
0x89: {  	s3 =	sld [smem:$0x3FFE];
	_ =	sdelay $0x1  }
0x8a: {  	s1 =	srdreg.scid  }
0x8b: {  	s0 =	sand.u32 $0x1, s1  }
0x8c: {  	s17 =	sshll.u32 s0, $0xA;
	s2 =	sadd.s32 s3, s2  }
0x8d: {  	s2 =	sadd.s32 s2, s17  }
0x8e: {  	[smem:$0x3FB9] =	sst s2  }
0x8f: {  	_ = 	snop  }
0x90: {  	s2 =	sld [smem:$0x3FD0];
	(tm) =	ssettm $0x1  }
0x91: {  	s18 =	sld [smem:$0x3FFB];
	_ =	sdelay $0x3  }
0x92: {  	_ =	strace s18  }
0x93: {  	s3 =	sld [smem:$0x3FFC];
	_ =	sdelay $0x3  }
0x94: {  	_ =	strace s3  }
0x95: {  	s3 =	sld [smem:$0x3FFD];
	_ =	sdelay $0x3  }
0x96: {  	_ =	strace s3  }
0x97: {  	_ =	strace $0x8FFFFFFF  }
0x98: {  	s19 =	sld [smem:$0x3FDB];
	_ =	sdelay $0x1  }
0x99: {  	s4 =	simm.s32 $_scs_section_size  }
0x9a: {  	s5 =	simm.s32 $_size__tile_overlayer_lowered;
	s6 =	simm.s32 $_tile_overlayer_lowered  }
0x9b: {  	s22 =	simm.s32 $0x1BFF;
	s21 =	sshll.u32 s6, $0x1;
	s3 =	sadd.s32 s4, s19  }
0x9c: {  	s7 =	simm.s32 $0x0;
	s20 =	sshll.u32 s5, $0x1;
	s5 =	sadd.s32 s21, s3  }
0x9d: {  	[timem:s7], [sflag:s22] =	dma.local [hbm:s5], s20  }
0x9e: {  	_ =	swait.ge [sflag:s22], s20  }
0x9f: {  	s4 =	ssub.s32 $0x0, s20;
	[sflag:s22] =	ssyncset.done $0x0  }
0xa0: {  	[sflag:s22] =	ssyncadd.s32 s4;
	_ =	sdelay $0x1  }
0xa1: {  	s23 =	simm.s32 $0x1B8B  }
0xa2: {  	_ =	swait.ge [sflag:s23], $0x1  }
0xa3: {  	[sflag:s23] =	ssyncset.done $0x0  }
0xa4: {  	s25 =	simm.s32 $0x1B8E;
	s24 =	sld [smem:$0x3FFE];
	[sflag:s23] =	ssyncadd.s32 $0xFFFFFFFF  }
0xa5: {  	s26 =	simm.s32 $execute0_lowered;
	[smem:$0x3FD2] =	sst s25  }
0xa6: {  	s5 =	sshll.u32 s26, $0x1;
	_ =	strace $0x8000004C;
	[dreg:$0x1] =	wrdreg $0xFFFFFFFF  }
0xa7: {  	s28 =	simm.s32 $_size_execute0_lowered;
	s3 =	sadd.s32 s3, s5;
	[dreg:$0x0] =	wrdreg $0x0  }
0xa8: {  	s5 =	sshll.u32 s28, $0x1;
	[dreg:$0x2] =	wrdreg s3  }
0xa9: {  	[dreg:$0x3] =	wrdreg s5  }
0xaa: {  	[dreg:$0x4] =	wrdreg $0xC0  }
0xab: {  	_ =	task [dreg:s7], $0x5FFFF  }
0xac: {  	[dreg:$0x1] =	wrdreg $0xFFFFFFFF  }
0xad: {  	[dreg:$0x0] =	wrdreg $0x60  }
0xae: {  	[dreg:$0x2] =	wrdreg s24  }
0xaf: {  	[dreg:$0x3] =	wrdreg s2  }
0xb0: {  	[dreg:$0x4] =	wrdreg $0x9  }
0xb1: {  	_ =	task.clear_ibuf [dreg:s7], $0x5FFFF;
	_ =	strace $0x9000004C  }
0xb2: {  	s29 =	simm.s32 $0x9;
	_ =	strace $0x8000004E  }
0xb3: {  	_ =	swait.ge [sflag:s29], $0x1  }
0xb4: {  	[sflag:s29] =	ssyncadd.s32 $0xFFFFFFFF  }
0xb5: {  	_ =	strace $0x9000004E  }
0xb6: {  	_ =	sfence  }
0xb7: {  	s30 =	sld [smem:$0x0];
	_ =	sdelay $0x2  }
0xb8: {  	s31 =	sshll.u32 s1, $0xD;
	s1 =	sshrl.u32 s1, $0x2  }
0xb9: {  	s3 =	sand.u32 $0x4000, s31;
	s1 =	sadd.s32 s1, s30  }
0xba: {  	s0 =	sor.u32 s3, s0;
	s1 =	sshll.u32 s1, $0x11  }
0xbb: {  	s0 =	sor.u32 s1, s0  }
0xbc: {  	s0 =	sadd.s32 $0x8F2B, s0  }
0xbd: {  	[sflag:s0] =	ssyncadd.remote.s32 $0x1  }
0xbe: {  	_ =	sfence.sel $0xFFFF  }
0xbf: {  	[dreg:$0x0] =	wrdreg $0xFFFFFFFF;
	(pc) =	sbr.abs _section_cstart, $3  }
0xc0: {  	[dreg:$0x1] =	wrdreg $0xFFFFFFFF  }
0xc1: {  	_ =	task.clear_ibuf [dreg:s7], $0x2FFFF;
	_ =	strace $0x9FFFFFFF  }
0xc2: {  	(tm) =	ssettm $0x7FFFFFFF  }
0xc3: {  	_ =	shalt  }
tec
execute0_lowered:
.L_overlay_start_1:
0x0: {  	(tag) =	ssettag $0x1  }
0x1: {  	s0 =	srdreg.scid;
	s5 =	rddreg [dreg:$0x0]  }
0x2: {  	s6 =	rddreg [dreg:$0x1];
	s2 =	simm.s32 $0x0;
	s11 =	simm.s32 $0x7800  }
0x3: {  	s12 =	simm.s32 $0x80;
	s13 =	simm.s32 $0x400;
	s4 =	sand.u32 $0x1, s0  }
0x4: {  	s14 =	simm.s32 $0x0;
	s0 =	stileid.u32;
	s1 =	sshll.u32 s4, $0x4  }
0x5: {  	[smem:$0x7FF] =	sst s2;
	s8 =	sshll.u32 s0, $0x7;
	s3 =	sor.u32 s0, s1  }
0x6: {  	s4 =	ssub.s32 $0x2, s4;
	s7 =	sshrl.u32 s3, $0x3;
	s9 =	smul.u32 $0x500, s3  }
0x7: {  	s1 =	rddreg [dreg:$0x2];
	s8 =	sand.u32 $0x380, s8;
	s7 =	smul.u32 $0x14000, s7  }
0x8: {  	_ =	strace $0x8000004D;
	s31 =	sshrl.u32 s4, $0x1;
	s3 =	sadd.s32 $0x35E00, s5  }
0x9: {  	s10 =	ssub.s32 s4, s31;
	s30 =	sadd.s32 s9, s5;
	s7 =	sor.u32 s8, s7  }
0xa: {  	s4 =	sadd.s32 $0x3E00, s30;
	s8 =	simm.s32 $0x1;
	s7 =	sshrl.u32 s7, $0x3  }
0xb: {  	s7 =	sadd.s32 s7, s5;
	s5 =	sadd.s32 s6, s9;
	s9 =	simm.s32 $0x2800  }
0xc: {  	v0 =	vimm.f32 $0.0e+00;
	s6 =	sadd.s32 $0x36400, s7;
	s7 =	smax.u32 s10, $0x1;
	s10 =	simm.s32 $0x5000  }
.LBB2_1:
0xd: {  	[tilespmem:s2], [sflag:$0x1] =	stream.linear.gather [hbm4b:s3+s2], $0x2800, $0x38;
	[tilespmem:$0xA000] =	vst v63  }
0xe: {  	_ =	swait.ge [sflag:s8], $0x2800  }
0xf: {  	[sflag:s8] =	ssyncset.done $0x0  }
0x10: {  	[sflag:s8] =	ssyncadd.s32 $0xFFFFD800  }
0x11: {  	[tilespmem:s9], [sflag:$0x1] =	stream.linear.gather [hbm4b:s4+s2], $0x2800, $0x38;
	[tilespmem:$0xA000] =	vst v63  }
0x12: {  	_ =	swait.ge [sflag:s8], $0x2800  }
0x13: {  	[sflag:s8] =	ssyncset.done $0x0  }
0x14: {  	[sflag:s8] =	ssyncadd.s32 $0xFFFFD800  }
0x15: {  	[tilespmem:s10], [sflag:$0x1] =	stream.linear.gather [hbm4b:s5+s2], $0x2800, $0x38;
	[tilespmem:$0xA000] =	vst v63  }
0x16: {  	_ =	swait.ge [sflag:s8], $0x2800  }
0x17: {  	[sflag:s8] =	ssyncset.done $0x0  }
0x18: {  	s15 =	simm.s32 $0x0;
	[sflag:s8] =	ssyncadd.s32 $0xFFFFD800  }
.LBB2_2:
0x19: {  	p0 =	sne.s32 s15, $0x9FC0  }
.Ltmp0:
0x1a: {  	_ = 	snop;
	(pc) =	sbr.rel @p0 .LBB2_2-.Ltmp0, $3  }
0x1b: {  	_ =	sdelay $0x1  }
0x1c: {  	s16 =	sshra.s32 s15, $0x2  }
0x1d: {  	s15 =	sadd.s32 $0x40, s15;
	[tilespmem:s16+$0x7800] =	vst v0  }
0x1e: {  	s15 =	simm.s32 $0x0  }
.LBB2_4:
0x1f: {  	s16 =	sshra.s32 s15, $0x2  }
0x20: {  	v1 =	vld [tilespmem:s16+$0x2800];
	_ =	sdelay $0x4  }
0x21: {  	v2 =	vld [tilespmem:s16+$0x5000];
	_ =	sdelay $0x2  }
0x22: {  	v1 =	vld.idx.msk [tilespmem:v1+s2+$0x0], $0xffff;
	_ =	sdelay $0x4  }
0x23: {  	[tilespmem:v2+s11+$0x0] =	vst.idx.add.f32.msk $0xffff, v1  }
0x24: {  	v1 =	vld [tilespmem:s16+$0x2810];
	_ =	sdelay $0x4  }
0x25: {  	v2 =	vld [tilespmem:s16+$0x5010];
	_ =	sdelay $0x2  }
0x26: {  	v1 =	vld.idx.msk [tilespmem:v1+s2+$0x0], $0xffff;
	_ =	sdelay $0x4  }
0x27: {  	[tilespmem:v2+s11+$0x0] =	vst.idx.add.f32.msk $0xffff, v1  }
0x28: {  	v1 =	vld [tilespmem:s16+$0x2820];
	_ =	sdelay $0x4  }
0x29: {  	v2 =	vld [tilespmem:s16+$0x5020];
	_ =	sdelay $0x2  }
0x2a: {  	v1 =	vld.idx.msk [tilespmem:v1+s2+$0x0], $0xffff;
	_ =	sdelay $0x4  }
0x2b: {  	[tilespmem:v2+s11+$0x0] =	vst.idx.add.f32.msk $0xffff, v1  }
0x2c: {  	v1 =	vld [tilespmem:s16+$0x2830];
	_ =	sdelay $0x4  }
0x2d: {  	v2 =	vld [tilespmem:s16+$0x5030];
	_ =	sdelay $0x2  }
0x2e: {  	v1 =	vld.idx.msk [tilespmem:v1+s2+$0x0], $0xffff;
	_ =	sdelay $0x4  }
0x2f: {  	[tilespmem:v2+s11+$0x0] =	vst.idx.add.f32.msk $0xffff, v1  }
0x30: {  	v1 =	vld [tilespmem:s16+$0x2840];
	_ =	sdelay $0x4  }
0x31: {  	v2 =	vld [tilespmem:s16+$0x5040];
	_ =	sdelay $0x2  }
0x32: {  	v1 =	vld.idx.msk [tilespmem:v1+s2+$0x0], $0xffff;
	_ =	sdelay $0x4  }
0x33: {  	[tilespmem:v2+s11+$0x0] =	vst.idx.add.f32.msk $0xffff, v1  }
0x34: {  	v1 =	vld [tilespmem:s16+$0x2850];
	_ =	sdelay $0x4  }
0x35: {  	v2 =	vld [tilespmem:s16+$0x5050];
	_ =	sdelay $0x2  }
0x36: {  	v1 =	vld.idx.msk [tilespmem:v1+s2+$0x0], $0xffff;
	_ =	sdelay $0x4  }
0x37: {  	[tilespmem:v2+s11+$0x0] =	vst.idx.add.f32.msk $0xffff, v1  }
0x38: {  	v1 =	vld [tilespmem:s16+$0x2860];
	_ =	sdelay $0x4  }
0x39: {  	v2 =	vld [tilespmem:s16+$0x5060];
	_ =	sdelay $0x2  }
0x3a: {  	v1 =	vld.idx.msk [tilespmem:v1+s2+$0x0], $0xffff;
	_ =	sdelay $0x4  }
0x3b: {  	[tilespmem:v2+s11+$0x0] =	vst.idx.add.f32.msk $0xffff, v1  }
0x3c: {  	v1 =	vld [tilespmem:s16+$0x2870];
	_ =	sdelay $0x4  }
0x3d: {  	v2 =	vld [tilespmem:s16+$0x5070];
	_ =	sdelay $0x2  }
0x3e: {  	p0 =	sne.s32 s15, $0x9E00;
	v1 =	vld.idx.msk [tilespmem:v1+s2+$0x0], $0xffff  }
.Ltmp1:
0x3f: {  	_ = 	snop;
	(pc) =	sbr.rel @p0 .LBB2_4-.Ltmp1, $2  }
0x40: {  	_ =	sdelay $0x2  }
0x41: {  	s15 =	sadd.s32 $0x200, s15;
	[tilespmem:v2+s11+$0x0] =	vst.idx.add.f32.msk $0xffff, v1  }
0x42: {  	s14 =	sadd.s32 $0x1, s14  }
0x43: {  	p0 =	sne.s32 s14, s7  }
.Ltmp2:
0x44: {  	_ = 	snop;
	(pc) =	sbr.rel @p0 .LBB2_1-.Ltmp2, $4  }
0x45: {  	[hbm4b:s6+s12] =	stream.strided.scatter [tilespmem:s11], [sflag:$0x1], $0x2800, s13, s12, $0x38;
	[tilespmem:$0xA000] =	vst v63  }
0x46: {  	_ =	swait.ge [sflag:s8], $0x2800  }
0x47: {  	[sflag:s8] =	ssyncset.done $0x0  }
0x48: {  	[sflag:s8] =	ssyncadd.s32 $0xFFFFD800  }
0x49: {  	_ =	sfence.sel $0x180000  }
0x4a: {  	[bflag:$0x0] =	sbarrier.arrive $0xFFFF  }
0x4b: {  	p0 =	sne.s32 s0, $0x0;
	_ =	strace $0x9000004D  }
0x4c: {  	s0 =	sadd.s32 @!p0 $0x100000, s1;
	[bflag:$0x2] =	sbarrier.arrive $0xFFFF  }
0x4d: {  	[sflag:s0] =	ssyncadd.tile.s32 @!p0 $0x1;
	_ =	shalt  }
.Lfunc_end2:
_tile_overlayer_lowered:
.L_overlay_start_2:
0x4e: {  	(tag) =	ssettag $0x2  }
0x4f: {  	s0 =	rddreg [dreg:$0x0];
	s2 =	stileid.u32  }
0x50: {  	s1 =	rddreg [dreg:$0x1];
	p0 =	sne.s32 s2, $0x0  }
0x51: {  	s3 =	rddreg [dreg:$0x2];
	[bflag:$0x3] =	sbarrier.arrive $0xFFFF;
	s2 =	simm.s32 @!p0 $0x1C01  }
0x52: {  	[timem:s3], [sflag:s2] =	dma.local @!p0 [hbm:s0], s1  }
0x53: {  	s0 =	simm.s32 @!p0 $0x1  }
0x54: {  	_ =	swait.ge @!p0 [sflag:s0], s1  }
0x55: {  	s1 =	ssub.s32 @!p0 $0x0, s1;
	[sflag:s0] =	ssyncset.done @!p0 $0x0  }
0x56: {  	[sflag:s0] =	ssyncadd.s32 @!p0 s1  }
0x57: {  	[bflag:$0x3] =	sbarrier.arrive $0xFFFF  }
0x58: {  	_ =	shalt  }

// kernel: kernel.18.cloned.1.call-start
scs
__scs_entry_jumppad:
0x0: {  	(pc) =	sbr.rel $0x88, $3  }
0x1: {  	(tag) =	ssettag $0x0;
	lr =	simm.s32 $0x1  }
0x2: {  	[smem:$0x3F92] =	sst lr;
	_ =	strace $0xD0000000  }
0x3: {  	_ = 	snop  }
0x4: {  	_ = 	snop  }
0x5: {  	_ = 	snop  }
0x6: {  	_ = 	snop  }
0x7: {  	_ = 	snop  }
__scs_overlays_trampoline_lowered:
0x8: {  	[smem:$0x3FA1] =	sst s0  }
0x9: {  	[smem:$0x3FA2] =	sst s1  }
0xa: {  	[smem:$0x3FA3] =	sst s2  }
0xb: {  	[smem:$0x3FA4] =	sst s3  }
0xc: {  	[smem:$0x3FA5] =	sst s4  }
0xd: {  	[smem:$0x3FA6] =	sst s5  }
0xe: {  	[smem:$0x3FA7] =	sst s6  }
0xf: {  	[smem:$0x3FA8] =	sst s7  }
0x10: {  	[smem:$0x3FA9] =	sst s8  }
0x11: {  	[smem:$0x3FAA] =	sst s9;
	s0 =	simm.s32 @!p0 $0x0  }
0x12: {  	s1 =	sld [smem:$0x3F90];
	s0 =	simm.s32 @p0 $0x1  }
0x13: {  	[smem:$0x3FAB] =	sst s0;
	s0 =	simm.s32 @!p1 $0x0  }
0x14: {  	s2 =	sld [smem:$0x3F8F];
	s0 =	simm.s32 @p1 $0x1  }
0x15: {  	[smem:$0x3FAC] =	sst s0;
	s0 =	simm.s32 @!p2 $0x0  }
0x16: {  	s3 =	sld [smem:$0x3FDB];
	s0 =	simm.s32 @p2 $0x1  }
0x17: {  	s4 =	simm.s32 $0x1BF5;
	[smem:$0x3FAE] =	sst s0  }
0x18: {  	s0 =	sld [smem:$0x3F91];
	_ =	swait.ge [sflag:s4], $0x0  }
0x19: {  	s7 =	sld [smem:$0x3F92]  }
0x1a: {  	s8 =	sadd.s32 $0xFFFFE003, lr  }
0x1b: {  	s9 =	sadd.s32 $0xFFFFFEF7, lr;
	s5 =	simm.s32 $0xFFFFFFFF;
	p2 =	slt.u32 s8, $0xFFFFF086  }
0x1c: {  	p1 =	slt.u32 s9, $0xF7A;
	s5 =	simm.s32 @!p2 $0x0  }
0x1d: {  	s5 =	simm.s32 @p1 $0x1;
	p0 =	seq.s32 s7, s2  }
0x1e: {  	s7 =	smul.u32 @!p0 $0xF7A, s2;
	p2 =	seq.s32 @!p0 s5, $0x0  }
0x1f: {  	s9 =	smul.u32 $0xF7A, s1;
	s8 =	simm.s32 @!p0 $0x1BF5;
	p2 =	por !p2, p0  }
0x20: {  	[sflag:s8] =	ssyncset.s32 @!p0 $0xFFFFF086;
	s6 =	sadd.s32 @!p0 s3, s7;
	s7 =	simm.s32 @!p0 $0x108  }
0x21: {  	s3 =	sadd.s32 s3, s9;
	s6 =	sadd.s32 @!p0 $0x88, s6;
	s7 =	simm.s32 @p2 $0x1082  }
0x22: {  	[simem:s7], [sflag:s8] =	dma.local @!p0 [hbm:s6], $0xF7A  }
0x23: {  	s9 =	sor.u32 $0xD0000000, s2;
	s6 =	simm.s32 $0x108;
	_ =	swait.ge @!p0 [sflag:s8], $0x0  }
0x24: {  	s3 =	sadd.s32 $0x88, s3;
	s6 =	simm.s32 @!p1 $0x1082;
	[sflag:s4] =	ssyncset.s32 $0xFFFFF086  }
0x25: {  	[simem:s6], [sflag:s4] =	dma.local [hbm:s3], $0xF7A  }
0x26: {  	[smem:$0x3F92] =	sst s1;
	(tag) =	ssettag s2;
	_ =	strace s9  }
0x27: {  	s1 =	sld [smem:$0x3FA2]  }
0x28: {  	s2 =	sld [smem:$0x3FA3]  }
0x29: {  	s4 =	sld [smem:$0x3FA5]  }
0x2a: {  	p0 =	seq.s32 s5, $0x0;
	s5 =	sld [smem:$0x3FA6]  }
0x2b: {  	s6 =	sld [smem:$0x3FA7]  }
0x2c: {  	s7 =	sld [smem:$0x3FA8]  }
0x2d: {  	s3 =	simm.s32 $0x108;
	s8 =	sld [smem:$0x3FA9]  }
0x2e: {  	s3 =	simm.s32 @!p0 $0x1082;
	s9 =	sld [smem:$0x3FAA]  }
0x2f: {  	lr =	sadd.s32 s0, s3;
	s0 =	sld [smem:$0x3FA1]  }
0x30: {  	s3 =	sld [smem:$0x3FA4]  }
0x31: {  	[smem:$0x3FAD] =	sst s10  }
0x32: {  	s10 =	sld [smem:$0x3FAB];
	_ =	sdelay $0x3  }
0x33: {  	p0 =	seq.s32 s10, $0x1;
	s10 =	sld [smem:$0x3FAD];
	_ =	sdelay $0x3  }
0x34: {  	[smem:$0x3FAD] =	sst s10  }
0x35: {  	s10 =	sld [smem:$0x3FAC];
	_ =	sdelay $0x3  }
0x36: {  	p1 =	seq.s32 s10, $0x1;
	s10 =	sld [smem:$0x3FAD];
	_ =	sdelay $0x3  }
0x37: {  	[smem:$0x3FAD] =	sst s10  }
0x38: {  	s10 =	sld [smem:$0x3FAE]  }
0x39: {  	_ = 	snop;
	(pc) =	sbr.ind lr, $3  }
0x3a: {  	_ = 	snop  }
0x3b: {  	_ = 	snop  }
0x3c: {  	p2 =	seq.s32 s10, $0x1;
	s10 =	sld [smem:$0x3FAD]  }
0x3d: {  	_ =	shalt  }
0x3e: {  	_ =	shalt  }
0x3f: {  	_ =	shalt  }
0x40: {  	_ =	shalt  }
0x41: {  	_ =	shalt  }
0x42: {  	_ =	shalt  }
0x43: {  	_ =	shalt  }
0x44: {  	_ =	shalt  }
0x45: {  	_ =	shalt  }
0x46: {  	_ =	shalt  }
0x47: {  	_ =	shalt  }
0x48: {  	_ =	shalt  }
0x49: {  	_ =	shalt  }
0x4a: {  	_ =	shalt  }
0x4b: {  	_ =	shalt  }
0x4c: {  	_ =	shalt  }
0x4d: {  	_ =	shalt  }
0x4e: {  	_ =	shalt  }
0x4f: {  	_ =	shalt  }
0x50: {  	_ =	shalt  }
0x51: {  	_ =	shalt  }
0x52: {  	_ =	shalt  }
0x53: {  	_ =	shalt  }
0x54: {  	_ =	shalt  }
0x55: {  	_ =	shalt  }
0x56: {  	_ =	shalt  }
0x57: {  	_ =	shalt  }
0x58: {  	_ =	shalt  }
0x59: {  	_ =	shalt  }
0x5a: {  	_ =	shalt  }
0x5b: {  	_ =	shalt  }
0x5c: {  	_ =	shalt  }
0x5d: {  	_ =	shalt  }
0x5e: {  	_ =	shalt  }
0x5f: {  	_ =	shalt  }
0x60: {  	_ =	shalt  }
0x61: {  	_ =	shalt  }
0x62: {  	_ =	shalt  }
0x63: {  	_ =	shalt  }
0x64: {  	_ =	shalt  }
0x65: {  	_ =	shalt  }
0x66: {  	_ =	shalt  }
0x67: {  	_ =	shalt  }
0x68: {  	_ =	shalt  }
0x69: {  	_ =	shalt  }
0x6a: {  	_ =	shalt  }
0x6b: {  	_ =	shalt  }
0x6c: {  	_ =	shalt  }
0x6d: {  	_ =	shalt  }
0x6e: {  	_ =	shalt  }
0x6f: {  	_ =	shalt  }
0x70: {  	_ =	shalt  }
0x71: {  	_ =	shalt  }
0x72: {  	_ =	shalt  }
0x73: {  	_ =	shalt  }
0x74: {  	_ =	shalt  }
0x75: {  	_ =	shalt  }
0x76: {  	_ =	shalt  }
0x77: {  	_ =	shalt  }
0x78: {  	_ =	shalt  }
0x79: {  	_ =	shalt  }
0x7a: {  	_ =	shalt  }
0x7b: {  	_ =	shalt  }
0x7c: {  	_ =	shalt  }
0x7d: {  	_ =	shalt  }
0x7e: {  	_ =	shalt  }
0x7f: {  	_ =	shalt  }
0x80: {  	_ =	shalt  }
0x81: {  	_ =	shalt  }
0x82: {  	_ =	shalt  }
0x83: {  	_ =	shalt  }
0x84: {  	_ =	shalt  }
0x85: {  	_ =	shalt  }
0x86: {  	_ =	shalt  }
0x87: {  	_ =	shalt  }
.Lfunc_end0:
.L_simem_size_0:
called_computation.3_lowered:
.L_overlay_start_0:
0x88: {  	s2 =	sld [smem:$0x3FD9]  }
0x89: {  	s3 =	sld [smem:$0x3FFE];
	_ =	sdelay $0x1  }
0x8a: {  	s1 =	srdreg.scid  }
0x8b: {  	s0 =	sand.u32 $0x1, s1  }
0x8c: {  	s17 =	sshll.u32 s0, $0xA;
	s2 =	sadd.s32 s3, s2  }
0x8d: {  	s2 =	sadd.s32 s2, s17  }
0x8e: {  	[smem:$0x3FB9] =	sst s2  }
0x8f: {  	_ = 	snop  }
0x90: {  	s18 =	sld [smem:$0x3FD0];
	(tm) =	ssettm $0x1  }
0x91: {  	s19 =	sld [smem:$0x3FFB];
	_ =	sdelay $0x3  }
0x92: {  	_ =	strace s19  }
0x93: {  	s2 =	sld [smem:$0x3FFC];
	_ =	sdelay $0x3  }
0x94: {  	_ =	strace s2  }
0x95: {  	s2 =	sld [smem:$0x3FFD];
	_ =	sdelay $0x3  }
0x96: {  	_ =	strace s2  }
0x97: {  	_ =	strace $0x8FFFFFFF  }
0x98: {  	s20 =	sld [smem:$0x3FDB];
	_ =	sdelay $0x1  }
0x99: {  	s4 =	simm.s32 $_scs_section_size  }
0x9a: {  	s5 =	simm.s32 $_size__tile_overlayer_lowered;
	s6 =	simm.s32 $_tile_overlayer_lowered  }
0x9b: {  	s7 =	simm.s32 $0x1BFF;
	s21 =	sshll.u32 s6, $0x1;
	s4 =	sadd.s32 s4, s20  }
0x9c: {  	s22 =	simm.s32 $0x0;
	s5 =	sshll.u32 s5, $0x1;
	s6 =	sadd.s32 s21, s4  }
0x9d: {  	[timem:s22], [sflag:s7] =	dma.local [hbm:s6], s5  }
0x9e: {  	_ =	swait.ge [sflag:s7], s5  }
0x9f: {  	s5 =	ssub.s32 $0x0, s5;
	[sflag:s7] =	ssyncset.done $0x0  }
0xa0: {  	[sflag:s7] =	ssyncadd.s32 s5;
	_ =	sdelay $0x1  }
0xa1: {  	s23 =	simm.s32 $0x1B8B  }
0xa2: {  	_ =	swait.ge [sflag:s23], $0x1  }
0xa3: {  	[sflag:s23] =	ssyncset.done $0x0  }
0xa4: {  	[sflag:s23] =	ssyncadd.s32 $0xFFFFFFFF  }
0xa5: {  	s5 =	sld [smem:$0x0]  }
0xa6: {  	s6 =	sand.u32 $0xFFFFFFFE, s1  }
0xa7: {  	p0 =	sne.s32 s1, s6  }
0xa8: {  	s6 =	sshll.u32 @p0 s6, $0xE  }
0xa9: {  	s6 =	sadd.s32 @p0 $0x11B8D, s6;
	s7 =	sshll.u32 @p0 s5, $0x11  }
0xaa: {  	s6 =	sor.u32 @p0 s7, s6  }
0xab: {  	[sflag:s6] =	ssyncadd.remote.s32 @p0 $0x1;
	_ =	sdelay $0x1  }
0xac: {  	s6 =	simm.s32 @p0 $0x1B8D  }
0xad: {  	_ =	swait.eq @p0 [sflag:s6], $0x1  }
0xae: {  	[sflag:s6] =	ssyncadd.s32 @p0 $0xFFFFFFFF  }
0xaf: {  	s7 =	sshll.u32 @!p0 s1, $0xE  }
0xb0: {  	s7 =	sor.u32 @!p0 $0x4000, s7;
	s6 =	simm.s32 @!p0 $0x1B8D  }
0xb1: {  	s5 =	sshll.u32 @!p0 s5, $0x11;
	s7 =	sadd.s32 @!p0 $0x11B8D, s7;
	_ =	swait.eq @!p0 [sflag:s6], $0x1  }
0xb2: {  	s5 =	sor.u32 @!p0 s5, s7;
	[sflag:s6] =	ssyncadd.s32 @!p0 $0xFFFFFFFF  }
0xb3: {  	s25 =	simm.s32 $0x1B8E;
	s24 =	sld [smem:$0x3FFE];
	[sflag:s5] =	ssyncadd.remote.s32 @!p0 $0x1  }
0xb4: {  	s26 =	simm.s32 $execute0_lowered;
	[smem:$0x3FD2] =	sst s25  }
0xb5: {  	s6 =	sshll.u32 s26, $0x1;
	_ =	strace $0x8000004F;
	[dreg:$0x1] =	wrdreg $0xFFFFFFFF  }
0xb6: {  	s28 =	simm.s32 $_size_execute0_lowered;
	s4 =	sadd.s32 s4, s6;
	[dreg:$0x0] =	wrdreg $0x0  }
0xb7: {  	s6 =	sshll.u32 s28, $0x1;
	[dreg:$0x2] =	wrdreg s4  }
0xb8: {  	[dreg:$0x3] =	wrdreg s6  }
0xb9: {  	[dreg:$0x4] =	wrdreg $0xC0  }
0xba: {  	_ =	task [dreg:s22], $0x5FFFF  }
0xbb: {  	[dreg:$0x1] =	wrdreg $0xFFFFFFFF  }
0xbc: {  	[dreg:$0x0] =	wrdreg $0x60  }
0xbd: {  	[dreg:$0x2] =	wrdreg s24  }
0xbe: {  	[dreg:$0x3] =	wrdreg s18  }
0xbf: {  	[dreg:$0x4] =	wrdreg $0x84000  }
0xc0: {  	[dreg:$0x5] =	wrdreg $0xA  }
0xc1: {  	_ =	task.clear_ibuf [dreg:s22], $0x6FFFF;
	_ =	strace $0x9000004F  }
0xc2: {  	s29 =	simm.s32 $0xA;
	_ =	strace $0x80000051  }
0xc3: {  	_ =	swait.ge [sflag:s29], $0x1  }
0xc4: {  	[sflag:s29] =	ssyncadd.s32 $0xFFFFFFFF  }
0xc5: {  	_ =	strace $0x90000051  }
0xc6: {  	_ =	sfence  }
0xc7: {  	s30 =	sld [smem:$0x0];
	_ =	sdelay $0x2  }
0xc8: {  	s31 =	sshll.u32 s1, $0xD;
	s1 =	sshrl.u32 s1, $0x2  }
0xc9: {  	s4 =	sand.u32 $0x4000, s31;
	s1 =	sadd.s32 s1, s30  }
0xca: {  	s0 =	sor.u32 s4, s0;
	s1 =	sshll.u32 s1, $0x11  }
0xcb: {  	s0 =	sor.u32 s1, s0  }
0xcc: {  	s0 =	sadd.s32 $0x8F2B, s0  }
0xcd: {  	[sflag:s0] =	ssyncadd.remote.s32 $0x1  }
0xce: {  	_ =	sfence.sel $0xFFFF  }
0xcf: {  	[dreg:$0x0] =	wrdreg $0xFFFFFFFF;
	(pc) =	sbr.abs _section_cstart, $3  }
0xd0: {  	[dreg:$0x1] =	wrdreg $0xFFFFFFFF  }
0xd1: {  	_ =	task.clear_ibuf [dreg:s22], $0x2FFFF;
	_ =	strace $0x9FFFFFFF  }
0xd2: {  	(tm) =	ssettm $0x7FFFFFFF  }
0xd3: {  	_ =	shalt  }
tec
execute0_lowered:
.L_overlay_start_1:
0x0: {  	(tag) =	ssettag $0x1  }
0x1: {  	s0 =	rddreg [dreg:$0x0]  }
0x2: {  	s14 =	rddreg [dreg:$0x1]  }
0x3: {  	s2 =	rddreg [dreg:$0x2];
	s3 =	srdreg.scid  }
0x4: {  	s4 =	simm.s32 $0x0;
	s12 =	stileid.u32;
	s29 =	simm.s32 $0x40  }
0x5: {  	s30 =	simm.s32 $0x140;
	s3 =	sand.u32 $0x1, s3;
	s8 =	smul.u32 $0x14000, s12  }
0x6: {  	[smem:$0x7FF] =	sst s4;
	s5 =	sadd.s32 $0xDE00, s0;
	s9 =	smul.u32 $0x50000, s12  }
0x7: {  	s6 =	sadd.s32 $0x3E00, s0;
	s26 =	sadd.s32 $0x40400, s0;
	s11 =	smul.u32 $0x980, s12  }
0x8: {  	s19 =	sshll.u32 s12, $0x7;
	s7 =	smul.u32 $0x140000, s3;
	_ =	strace $0x80000050  }
0x9: {  	s24 =	ssub.s32 $0x2, s3;
	p0 =	seq.s32 s3, $0x1;
	s21 =	sor.u32 $0x9810, s19  }
0xa: {  	s19 =	simm.s32 $0x2;
	[dreg:$0x4] =	wrdreg s26;
	s10 =	sshrl.u32 s24, $0x1  }
0xb: {  	s1 =	sshrl.u32 s9, $0x2;
	s9 =	sshll.u32 s12, $0x6;
	s13 =	sadd.s32 s6, s11  }
0xc: {  	s15 =	sor.u32 $0x10, s11;
	s23 =	sadd.s32 s6, s21;
	[dreg:$0x12] =	wrdreg s11  }
0xd: {  	s7 =	sadd.s32 s8, s7;
	s25 =	ssub.s32 s24, s10;
	s28 =	sadd.s32 s1, s2  }
0xe: {  	s31 =	sor.u32 $0x1C05, s9;
	s10 =	sshll.u32 s12, $0x3;
	[dreg:$0xc] =	wrdreg s23  }
0xf: {  	s1 =	sadd.s32 s14, s11;
	s16 =	sadd.s32 s6, s15;
	[dreg:$0x13] =	wrdreg s13  }
0x10: {  	s8 =	sadd.s32 s14, s15;
	s15 =	simm.s32 $0x100;
	[dreg:$0x8] =	wrdreg s16  }
0x11: {  	s9 =	simm.s32 $0x2400;
	s23 =	simm.s32 $0x340;
	[dreg:$0x9] =	wrdreg s8  }
0x12: {  	s12 =	simm.s32 $0x0;
	s7 =	sshrl.u32 s7, $0x3;
	[dreg:$0x14] =	wrdreg s1  }
0x13: {  	s20 =	sor.u32 $0x980, s10;
	s25 =	smax.u32 s25, $0x1;
	[dreg:$0x5] =	wrdreg s28  }
0x14: {  	s10 =	simm.s32 $0x180;
	s16 =	simm.s32 $0x400;
	[dreg:$0x6] =	wrdreg s31  }
0x15: {  	s0 =	sadd.s32 s7, s0;
	s17 =	sshll.u32 s20, $0x4;
	s22 =	sshll.u32 s20, $0x7  }
0x16: {  	[dreg:$0x11] =	wrdreg s25;
	s25 =	simm.s32 $0x80;
	s7 =	simm.s32 $0x4  }
0x17: {  	[dreg:$0x7] =	wrdreg s20;
	s18 =	sadd.s32 s6, s17;
	s3 =	sadd.s32 s14, s17  }
0x18: {  	s24 =	sor.u32 $0x100, s22;
	s0 =	sadd.s32 $0x42C00, s0;
	[dreg:$0xa] =	wrdreg s18  }
.Ltmp0:
0x19: {  	s17 =	simm.s32 $0x200;
	[dreg:$0xb] =	wrdreg s3;
	(pc) =	sbr.rel .LBB2_1-.Ltmp0, $4  }
0x1a: {  	s3 =	sadd.s32 s14, s21;
	[dreg:$0xe] =	wrdreg s24;
	s21 =	sor.u32 $0x180, s22  }
0x1b: {  	[dreg:$0x10] =	wrdreg s0;
	s24 =	simm.s32 $0x5;
	s0 =	simm.s32 $0x1  }
0x1c: {  	s14 =	simm.s32 $0x4400;
	s22 =	simm.s32 $0x280;
	[dreg:$0xd] =	wrdreg s3  }
0x1d: {  	s18 =	simm.s32 $0x300;
	s3 =	simm.s32 $0x3;
	[dreg:$0xf] =	wrdreg s21  }
.LBB2_4:
0x1e: {  	[sflag:s20] =	ssyncadd.s32 @!p2 $0xFFFFFF80  }
0x1f: {  	[spmem:s2] =	stream.indirect.scatter.add.f32 [tilespmem:s14], [sflag:$0x5], $0x80, s31, s25, $0xb8;
	[tilespmem:$0x1C400] =	vst v63  }
0x20: {  	_ =	swait.ge [sflag:s24], $0x4000  }
0x21: {  	s16 =	simm.s32 $0x400;
	s30 =	simm.s32 $0x140;
	s31 =	rddreg [dreg:$0x6]  }
0x22: {  	s17 =	simm.s32 $0x200;
	[sflag:s24] =	ssyncset.done $0x0;
	s20 =	rddreg [dreg:$0x7]  }
0x23: {  	s22 =	simm.s32 $0x280;
	s21 =	rddreg [dreg:$0xf];
	[sflag:s24] =	ssyncadd.s32 $0xFFFFC000  }
.LBB2_7:
0x24: {  	[bflag:$0x0] =	sbarrier.arrive $0xFFFF  }
0x25: {  	s8 =	rddreg [dreg:$0x10]  }
0x26: {  	s1 =	rddreg [dreg:$0x16]  }
0x27: {  	[hbm:s8], [sflag:s31] =	dma.local [spmem:s1], $0x2800  }
0x28: {  	_ =	swait.ge [sflag:s24], $0x2800  }
0x29: {  	s12 =	rddreg [dreg:$0x15]  }
0x2a: {  	s26 =	rddreg [dreg:$0x11];
	s12 =	sadd.s32 $0x1, s12  }
0x2b: {  	p1 =	sne.s32 s12, s26  }
.Ltmp1:
0x2c: {  	s11 =	rddreg [dreg:$0x12];
	(pc) =	sbr.rel @!p1 .LBB2_8-.Ltmp1, $4  }
0x2d: {  	s13 =	rddreg [dreg:$0x13]  }
0x2e: {  	s10 =	simm.s32 $0x180;
	s9 =	simm.s32 $0x2400;
	s1 =	rddreg [dreg:$0x14]  }
0x2f: {  	s18 =	simm.s32 $0x300;
	[sflag:s24] =	ssyncset.done $0x0;
	s28 =	rddreg [dreg:$0x5]  }
0x30: {  	s23 =	simm.s32 $0x340;
	[sflag:s24] =	ssyncadd.s32 $0xFFFFD800;
	s26 =	rddreg [dreg:$0x4]  }
.LBB2_1:
0x31: {  	[dreg:$0x15] =	wrdreg s12;
	s8 =	sshrl.u32 s28, $0x3  }
0x32: {  	[dreg:$0x16] =	wrdreg s8  }
0x33: {  	[spmem:s8], [sflag:s31] =	dma.local [hbm:s26], $0x2800  }
.Ltmp2:
0x34: {  	_ =	swait.ge [sflag:s24], $0x2800;
	(pc) =	sbr.rel @!p0 .LBB2_2-.Ltmp2, $4  }
0x35: {  	[sflag:s24] =	ssyncset.done $0x0  }
0x36: {  	[sflag:s24] =	ssyncadd.s32 $0xFFFFD800  }
0x37: {  	[bflag:$0x0] =	sbarrier.arrive $0xFFFF  }
0x38: {  	s12 =	simm.s32 $0x0  }
0x39: {  	s8 =	rddreg [dreg:$0xa]  }
0x3a: {  	[tilespmem:s12], [sflag:$0x5] =	stream.linear.gather [hbm4b:s8+s12], $0x80, $0x38;
	[tilespmem:$0x1C400] =	vst v63  }
0x3b: {  	_ =	swait.ge [sflag:s24], $0x80  }
0x3c: {  	[sflag:s24] =	ssyncset.done $0x0  }
0x3d: {  	s18 =	rddreg [dreg:$0xb];
	[sflag:s24] =	ssyncadd.s32 $0xFFFFFF80  }
0x3e: {  	[tilespmem:s25], [sflag:$0x5] =	stream.linear.gather [hbm4b:s18+s12], $0x80, $0x38;
	[tilespmem:$0x1C400] =	vst v63  }
0x3f: {  	_ =	swait.ge [sflag:s24], $0x80  }
0x40: {  	[sflag:s24] =	ssyncset.done $0x0  }
0x41: {  	s23 =	rddreg [dreg:$0xc];
	[sflag:s24] =	ssyncadd.s32 $0xFFFFFF80  }
0x42: {  	[tilespmem:s15], [sflag:$0x5] =	stream.linear.gather [hbm4b:s23+s12], $0x80, $0x38;
	[tilespmem:$0x1C400] =	vst v63  }
0x43: {  	_ =	swait.ge [sflag:s24], $0x80  }
0x44: {  	[sflag:s24] =	ssyncset.done $0x0  }
0x45: {  	s26 =	rddreg [dreg:$0xd];
	[sflag:s24] =	ssyncadd.s32 $0xFFFFFF80  }
0x46: {  	[tilespmem:s10], [sflag:$0x5] =	stream.linear.gather [hbm4b:s26+s12], $0x80, $0x38;
	[tilespmem:$0x1C400] =	vst v63  }
0x47: {  	_ =	swait.ge [sflag:s24], $0x80  }
0x48: {  	p1 =	por $0x1, $0x1;
	p2 =	por $0x0, $0x0;
	[sflag:s24] =	ssyncset.done $0x0  }
0x49: {  	s11 =	simm.s32 $0x6400;
	s13 =	simm.s32 $0x240;
	[sflag:s24] =	ssyncadd.s32 $0xFFFFFF80  }
0x4a: {  	[tilespmem:s16], [sflag:$0x1] =	stream.indirect.gather [hbm4b:s5+s29], $0x80, s12, s29, $0xb8;
	[tilespmem:$0x1C400] =	vst v63  }
0x4b: {  	s28 =	simm.s32 $0x340;
	s23 =	simm.s32 $0x300;
	s10 =	simm.s32 $0x180  }
0x4c: {  	[tilespmem:s9], [sflag:$0x3] =	stream.indirect.gather [hbm4b:s5+s29], $0x80, s29, s29, $0xb8;
	[tilespmem:$0x1C400] =	vst v63  }
0x4d: {  	s26 =	simm.s32 $0x380;
	s1 =	rddreg [dreg:$0x1];
	s9 =	simm.s32 $0x2400  }
.LBB2_6:
0x4e: {  	_ =	swait.ge [sflag:s0], $0x2000  }
0x4f: {  	[sflag:s0] =	ssyncset.done $0x0  }
0x50: {  	[sflag:s0] =	ssyncadd.s32 $0xFFFFE000  }
0x51: {  	_ =	swait.ge [sflag:s3], $0x2000  }
0x52: {  	[sflag:s3] =	ssyncset.done $0x0  }
0x53: {  	s8 =	sshll.u32 s12, $0x9;
	s18 =	rddreg [dreg:$0xe];
	[sflag:s3] =	ssyncadd.s32 $0xFFFFE000  }
0x54: {  	[tilespmem:s14], [sflag:$0x2] =	stream.indirect.gather [hbm4b:s5+s29], $0x80, s15, s29, $0xb8;
	[tilespmem:$0x1C400] =	vst v63  }
0x55: {  	s15 =	sor.u32 s18, s8  }
0x56: {  	s15 =	sshrl.u32 s15, $0x3  }
0x57: {  	[tilespmem:s11], [sflag:$0x4] =	stream.indirect.gather [hbm4b:s5+s29], $0x80, s30, s29, $0xb8;
	[tilespmem:$0x1C400] =	vst v63  }
0x58: {  	s18 =	sadd.s32 s6, s15  }
0x59: {  	[tilespmem:s17], [sflag:$0x5] =	stream.linear.gather [hbm4b:s18+s4], $0x80, $0x38;
	[tilespmem:$0x1C400] =	vst v63  }
0x5a: {  	_ =	swait.ge [sflag:s24], $0x80  }
0x5b: {  	[sflag:s24] =	ssyncset.done $0x0  }
0x5c: {  	s15 =	sadd.s32 s1, s15;
	[sflag:s24] =	ssyncadd.s32 $0xFFFFFF80  }
0x5d: {  	[tilespmem:s22], [sflag:$0x5] =	stream.linear.gather [hbm4b:s15+s4], $0x80, $0x38;
	[tilespmem:$0x1C400] =	vst v63  }
0x5e: {  	_ =	swait.ge [sflag:s24], $0x80  }
0x5f: {  	[sflag:s24] =	ssyncset.done $0x0  }
0x60: {  	[sflag:s24] =	ssyncadd.s32 $0xFFFFFF80  }
0x61: {  	[spmem:s2] =	stream.indirect.scatter.add.f32 [tilespmem:s16], [sflag:$0x5], $0x80, s25, s25, $0xb8;
	[tilespmem:$0x1C400] =	vst v63  }
0x62: {  	_ =	swait.ge [sflag:s24], $0x4000  }
0x63: {  	[sflag:s24] =	ssyncset.done $0x0  }
0x64: {  	[sflag:s24] =	ssyncadd.s32 $0xFFFFC000  }
0x65: {  	_ =	swait.ge [sflag:s19], $0x2000  }
0x66: {  	[sflag:s19] =	ssyncset.done $0x0  }
0x67: {  	[sflag:s19] =	ssyncadd.s32 $0xFFFFE000  }
0x68: {  	_ =	swait.ge [sflag:s7], $0x2000  }
0x69: {  	[sflag:s7] =	ssyncset.done $0x0  }
0x6a: {  	s8 =	sor.u32 s21, s8;
	[sflag:s7] =	ssyncadd.s32 $0xFFFFE000  }
0x6b: {  	[tilespmem:s16], [sflag:$0x1] =	stream.indirect.gather [hbm4b:s5+s29], $0x80, s17, s29, $0xb8;
	[tilespmem:$0x1C400] =	vst v63  }
0x6c: {  	s8 =	sshrl.u32 s8, $0x3  }
0x6d: {  	[tilespmem:s9], [sflag:$0x3] =	stream.indirect.gather [hbm4b:s5+s29], $0x80, s13, s29, $0xb8;
	[tilespmem:$0x1C400] =	vst v63  }
0x6e: {  	s21 =	sadd.s32 s6, s8  }
0x6f: {  	[tilespmem:s23], [sflag:$0x5] =	stream.linear.gather [hbm4b:s21+s4], $0x80, $0x38;
	[tilespmem:$0x1C400] =	vst v63  }
0x70: {  	_ =	swait.ge [sflag:s24], $0x80  }
0x71: {  	[sflag:s24] =	ssyncset.done $0x0  }
0x72: {  	s8 =	sadd.s32 s1, s8;
	[sflag:s24] =	ssyncadd.s32 $0xFFFFFF80  }
0x73: {  	[tilespmem:s26], [sflag:$0x5] =	stream.linear.gather [hbm4b:s8+s4], $0x80, $0x38;
	[tilespmem:$0x1C400] =	vst v63  }
0x74: {  	_ =	swait.ge [sflag:s24], $0x80  }
0x75: {  	[sflag:s24] =	ssyncset.done $0x0  }
0x76: {  	[sflag:s24] =	ssyncadd.s32 $0xFFFFFF80  }
0x77: {  	[spmem:s2] =	stream.indirect.scatter.add.f32 [tilespmem:s14], [sflag:$0x5], $0x80, s10, s25, $0xb8;
	[tilespmem:$0x1C400] =	vst v63  }
0x78: {  	_ =	swait.ge [sflag:s24], $0x4000  }
0x79: {  	[sflag:s24] =	ssyncset.done $0x0  }
0x7a: {  	[sflag:s24] =	ssyncadd.s32 $0xFFFFC000  }
0x7b: {  	_ =	swait.ge [sflag:s0], $0x2000  }
0x7c: {  	[sflag:s0] =	ssyncset.done $0x0  }
0x7d: {  	[sflag:s0] =	ssyncadd.s32 $0xFFFFE000  }
0x7e: {  	_ =	swait.ge [sflag:s3], $0x2000  }
0x7f: {  	[sflag:s3] =	ssyncset.done $0x0  }
0x80: {  	[sflag:s3] =	ssyncadd.s32 $0xFFFFE000  }
0x81: {  	[tilespmem:s14], [sflag:$0x2] =	stream.indirect.gather [hbm4b:s5+s29], $0x80, s23, s29, $0xb8;
	[tilespmem:$0x1C400] =	vst v63  }
0x82: {  	_ = 	snop  }
0x83: {  	[tilespmem:s11], [sflag:$0x4] =	stream.indirect.gather [hbm4b:s5+s29], $0x80, s28, s29, $0xb8;
	[tilespmem:$0x1C400] =	vst v63  }
0x84: {  	s18 =	simm.s32 @p2 $0x400;
	s15 =	simm.s32 @p2 $0x280;
	s8 =	simm.s32 @p2 $0x80  }
0x85: {  	[spmem:s2] =	stream.indirect.scatter.add.f32 @p2 [tilespmem:s18], [sflag:$0x5], $0x80, s15, s8, $0xb8;
	[tilespmem:$0x1C400] =	vst v63  }
0x86: {  	s8 =	simm.s32 @p2 $0x5  }
0x87: {  	_ =	swait.ge @p2 [sflag:s8], $0x4000  }
0x88: {  	[sflag:s8] =	ssyncset.done @p2 $0x0  }
0x89: {  	[sflag:s8] =	ssyncadd.s32 @p2 $0xFFFFC000;
	s8 =	simm.s32 @p2 $0x2  }
0x8a: {  	_ =	swait.ge @p2 [sflag:s8], $0x2000  }
0x8b: {  	s12 =	sshll.u32 @!p2 s12, $0x6;
	[sflag:s8] =	ssyncset.done @p2 $0x0  }
0x8c: {  	s15 =	sshll.u32 @!p2 s20, $0x4;
	[sflag:s8] =	ssyncadd.s32 @p2 $0xFFFFE000;
	s8 =	simm.s32 @p2 $0x4  }
0x8d: {  	s12 =	sor.u32 @!p2 s15, s12;
	_ =	swait.ge @p2 [sflag:s8], $0x2000  }
0x8e: {  	s15 =	sadd.s32 @!p2 $0x40, s12;
	[sflag:s8] =	ssyncset.done @p2 $0x0  }
0x8f: {  	s18 =	simm.s32 @!p2 $0x0;
	[sflag:s8] =	ssyncadd.s32 @p2 $0xFFFFE000;
	s8 =	sadd.s32 @!p2 s6, s15  }
0x90: {  	[tilespmem:s18], [sflag:$0x5] =	stream.linear.gather @!p2 [hbm4b:s8+s18], $0x80, $0x38;
	[tilespmem:$0x1C400] =	vst v63  }
0x91: {  	s8 =	simm.s32 @!p2 $0x5  }
0x92: {  	_ =	swait.ge @!p2 [sflag:s8], $0x80  }
0x93: {  	[sflag:s8] =	ssyncset.done @!p2 $0x0  }
0x94: {  	s20 =	simm.s32 @!p2 $0x80;
	s15 =	sadd.s32 @!p2 s1, s15;
	[sflag:s8] =	ssyncadd.s32 @!p2 $0xFFFFFF80  }
0x95: {  	[tilespmem:s20], [sflag:$0x5] =	stream.linear.gather @!p2 [hbm4b:s15+s18], $0x80, $0x38;
	[tilespmem:$0x1C400] =	vst v63  }
0x96: {  	_ =	swait.ge @!p2 [sflag:s8], $0x80  }
0x97: {  	[sflag:s8] =	ssyncset.done @!p2 $0x0  }
0x98: {  	s21 =	simm.s32 @!p2 $0x400;
	s15 =	simm.s32 @!p2 $0x280;
	[sflag:s8] =	ssyncadd.s32 @!p2 $0xFFFFFF80  }
0x99: {  	[spmem:s2] =	stream.indirect.scatter.add.f32 @!p2 [tilespmem:s21], [sflag:$0x5], $0x80, s15, s20, $0xb8;
	[tilespmem:$0x1C400] =	vst v63  }
0x9a: {  	_ =	swait.ge @!p2 [sflag:s8], $0x4000  }
0x9b: {  	[sflag:s8] =	ssyncset.done @!p2 $0x0  }
0x9c: {  	s15 =	simm.s32 @!p2 $0x2;
	[sflag:s8] =	ssyncadd.s32 @!p2 $0xFFFFC000  }
0x9d: {  	_ =	swait.ge @!p2 [sflag:s15], $0x2000  }
0x9e: {  	[sflag:s15] =	ssyncset.done @!p2 $0x0  }
0x9f: {  	[sflag:s15] =	ssyncadd.s32 @!p2 $0xFFFFE000;
	s15 =	simm.s32 @!p2 $0x4  }
0xa0: {  	_ =	swait.ge @!p2 [sflag:s15], $0x2000  }
0xa1: {  	[sflag:s15] =	ssyncset.done @!p2 $0x0  }
0xa2: {  	[sflag:s15] =	ssyncadd.s32 @!p2 $0xFFFFE000;
	s15 =	simm.s32 @!p2 $0x40  }
0xa3: {  	[tilespmem:s21], [sflag:$0x1] =	stream.indirect.gather @!p2 [hbm4b:s5+s15], $0x80, s18, s15, $0xb8;
	[tilespmem:$0x1C400] =	vst v63  }
0xa4: {  	s12 =	sadd.s32 @!p2 $0x50, s12;
	s20 =	simm.s32 @!p2 $0x2400  }
0xa5: {  	[tilespmem:s20], [sflag:$0x3] =	stream.indirect.gather @!p2 [hbm4b:s5+s15], $0x80, s15, s15, $0xb8;
	[tilespmem:$0x1C400] =	vst v63  }
0xa6: {  	s21 =	rddreg [dreg:$0xf];
	s15 =	sadd.s32 @!p2 s6, s12;
	s20 =	simm.s32 @!p2 $0x100  }
0xa7: {  	[tilespmem:s20], [sflag:$0x5] =	stream.linear.gather @!p2 [hbm4b:s15+s18], $0x80, $0x38;
	[tilespmem:$0x1C400] =	vst v63  }
0xa8: {  	s20 =	rddreg [dreg:$0x7];
	_ =	swait.ge @!p2 [sflag:s8], $0x80  }
0xa9: {  	[sflag:s8] =	ssyncset.done @!p2 $0x0  }
0xaa: {  	s12 =	sadd.s32 @!p2 s1, s12;
	s15 =	simm.s32 @!p2 $0x180;
	[sflag:s8] =	ssyncadd.s32 @!p2 $0xFFFFFF80  }
0xab: {  	[tilespmem:s15], [sflag:$0x5] =	stream.linear.gather @!p2 [hbm4b:s12+s18], $0x80, $0x38;
	[tilespmem:$0x1C400] =	vst v63  }
0xac: {  	_ =	swait.ge @!p2 [sflag:s8], $0x80  }
0xad: {  	p3 =	por p1, p1;
	[sflag:s8] =	ssyncset.done @!p2 $0x0  }
.Ltmp3:
0xae: {  	[sflag:s8] =	ssyncadd.s32 @!p2 $0xFFFFFF80;
	(pc) =	sbr.rel @p3 .LBB2_6-.Ltmp3, $4  }
0xaf: {  	[spmem:s2] =	stream.indirect.scatter.add.f32 [tilespmem:s14], [sflag:$0x5], $0x80, s26, s25, $0xb8;
	[tilespmem:$0x1C400] =	vst v63  }
0xb0: {  	_ =	swait.ge [sflag:s24], $0x4000  }
0xb1: {  	p1 =	por $0x0, $0x0;
	s15 =	simm.s32 $0x100;
	[sflag:s24] =	ssyncset.done $0x0  }
0xb2: {  	s12 =	simm.s32 $0x1;
	p2 =	por $0x1, $0x1;
	[sflag:s24] =	ssyncadd.s32 $0xFFFFC000  }
.Ltmp4:
0xb3: {  	_ = 	snop;
	(pc) =	sbr.rel .LBB2_7-.Ltmp4, $1  }
0xb4: {  	_ =	sdelay $0x3  }
.LBB2_2:
0xb5: {  	[tilespmem:s12], [sflag:$0x5] =	stream.linear.gather [hbm4b:s13+s12], $0x80, $0x38;
	[tilespmem:$0x1C400] =	vst v63  }
0xb6: {  	_ =	swait.ge [sflag:s24], $0x80  }
0xb7: {  	[sflag:s24] =	ssyncset.done $0x0  }
0xb8: {  	[sflag:s24] =	ssyncadd.s32 $0xFFFFFF80  }
0xb9: {  	[tilespmem:s25], [sflag:$0x5] =	stream.linear.gather [hbm4b:s1+s12], $0x80, $0x38;
	[tilespmem:$0x1C400] =	vst v63  }
0xba: {  	_ =	swait.ge [sflag:s24], $0x80  }
0xbb: {  	[sflag:s24] =	ssyncset.done $0x0  }
0xbc: {  	s8 =	rddreg [dreg:$0x8];
	[sflag:s24] =	ssyncadd.s32 $0xFFFFFF80  }
0xbd: {  	[tilespmem:s15], [sflag:$0x5] =	stream.linear.gather [hbm4b:s8+s12], $0x80, $0x38;
	[tilespmem:$0x1C400] =	vst v63  }
0xbe: {  	_ =	swait.ge [sflag:s24], $0x80  }
0xbf: {  	[sflag:s24] =	ssyncset.done $0x0  }
0xc0: {  	s22 =	rddreg [dreg:$0x9];
	[sflag:s24] =	ssyncadd.s32 $0xFFFFFF80  }
0xc1: {  	[tilespmem:s10], [sflag:$0x5] =	stream.linear.gather [hbm4b:s22+s12], $0x80, $0x38;
	[tilespmem:$0x1C400] =	vst v63  }
0xc2: {  	_ =	swait.ge [sflag:s24], $0x80  }
0xc3: {  	[sflag:s24] =	ssyncset.done $0x0  }
0xc4: {  	[sflag:s24] =	ssyncadd.s32 $0xFFFFFF80  }
0xc5: {  	[tilespmem:s16], [sflag:$0x1] =	stream.indirect.gather [hbm4b:s5+s29], $0x80, s12, s29, $0xb8;
	[tilespmem:$0x1C400] =	vst v63  }
0xc6: {  	_ = 	snop  }
0xc7: {  	[tilespmem:s9], [sflag:$0x3] =	stream.indirect.gather [hbm4b:s5+s29], $0x80, s29, s29, $0xb8;
	[tilespmem:$0x1C400] =	vst v63  }
0xc8: {  	_ =	swait.ge [sflag:s0], $0x2000  }
0xc9: {  	[sflag:s0] =	ssyncset.done $0x0  }
0xca: {  	[sflag:s0] =	ssyncadd.s32 $0xFFFFE000  }
0xcb: {  	s20 =	sadd.s32 $0x0, s11;
	_ =	swait.ge [sflag:s3], $0x2000  }
0xcc: {  	s26 =	sand.u32 $0x40, s12;
	s20 =	sand.u32 $0x1FF80, s20;
	[sflag:s3] =	ssyncset.done $0x0  }
0xcd: {  	s12 =	sor.u32 s20, s26;
	[sflag:s3] =	ssyncadd.s32 $0xFFFFE000  }
0xce: {  	[tilespmem:s14], [sflag:$0x2] =	stream.indirect.gather [hbm4b:s5+s29], $0x80, s15, s29, $0xb8;
	[tilespmem:$0x1C400] =	vst v63  }
0xcf: {  	s17 =	simm.s32 $0x6400;
	s20 =	sor.u32 $0x20, s12  }
0xd0: {  	[tilespmem:s17], [sflag:$0x4] =	stream.indirect.gather [hbm4b:s5+s29], $0x80, s30, s29, $0xb8;
	[tilespmem:$0x1C400] =	vst v63  }
0xd1: {  	s22 =	simm.s32 $0x200;
	s21 =	sadd.s32 s6, s20  }
0xd2: {  	[tilespmem:s22], [sflag:$0x5] =	stream.linear.gather [hbm4b:s21+s4], $0x80, $0x38;
	[tilespmem:$0x1C400] =	vst v63  }
0xd3: {  	_ =	swait.ge [sflag:s24], $0x80  }
0xd4: {  	[sflag:s24] =	ssyncset.done $0x0  }
0xd5: {  	s30 =	rddreg [dreg:$0x1]  }
0xd6: {  	s28 =	simm.s32 $0x280;
	[sflag:s24] =	ssyncadd.s32 $0xFFFFFF80;
	s20 =	sadd.s32 s30, s20  }
0xd7: {  	[tilespmem:s28], [sflag:$0x5] =	stream.linear.gather [hbm4b:s20+s4], $0x80, $0x38;
	[tilespmem:$0x1C400] =	vst v63  }
0xd8: {  	_ =	swait.ge [sflag:s24], $0x80  }
0xd9: {  	[sflag:s24] =	ssyncset.done $0x0  }
0xda: {  	s16 =	simm.s32 $0x400;
	[sflag:s24] =	ssyncadd.s32 $0xFFFFFF80  }
0xdb: {  	[spmem:s2] =	stream.indirect.scatter.add.f32 [tilespmem:s16], [sflag:$0x5], $0x80, s25, s25, $0xb8;
	[tilespmem:$0x1C400] =	vst v63  }
0xdc: {  	_ =	swait.ge [sflag:s24], $0x4000  }
0xdd: {  	[sflag:s24] =	ssyncset.done $0x0  }
0xde: {  	[sflag:s24] =	ssyncadd.s32 $0xFFFFC000  }
0xdf: {  	_ =	swait.ge [sflag:s19], $0x2000  }
0xe0: {  	[sflag:s19] =	ssyncset.done $0x0  }
0xe1: {  	[sflag:s19] =	ssyncadd.s32 $0xFFFFE000  }
0xe2: {  	_ =	swait.ge [sflag:s7], $0x2000  }
0xe3: {  	[sflag:s7] =	ssyncset.done $0x0  }
0xe4: {  	[sflag:s7] =	ssyncadd.s32 $0xFFFFE000  }
0xe5: {  	[tilespmem:s16], [sflag:$0x1] =	stream.indirect.gather [hbm4b:s5+s29], $0x80, s22, s29, $0xb8;
	[tilespmem:$0x1C400] =	vst v63  }
0xe6: {  	s26 =	simm.s32 $0x240;
	s12 =	sor.u32 $0x30, s12  }
0xe7: {  	[tilespmem:s9], [sflag:$0x3] =	stream.indirect.gather [hbm4b:s5+s29], $0x80, s26, s29, $0xb8;
	[tilespmem:$0x1C400] =	vst v63  }
0xe8: {  	s28 =	sadd.s32 s6, s12  }
0xe9: {  	[tilespmem:s18], [sflag:$0x5] =	stream.linear.gather [hbm4b:s28+s4], $0x80, $0x38;
	[tilespmem:$0x1C400] =	vst v63  }
0xea: {  	_ =	swait.ge [sflag:s24], $0x80  }
0xeb: {  	[sflag:s24] =	ssyncset.done $0x0  }
0xec: {  	s31 =	simm.s32 $0x380;
	s12 =	sadd.s32 s30, s12;
	[sflag:s24] =	ssyncadd.s32 $0xFFFFFF80  }
0xed: {  	[tilespmem:s31], [sflag:$0x5] =	stream.linear.gather [hbm4b:s12+s4], $0x80, $0x38;
	[tilespmem:$0x1C400] =	vst v63  }
0xee: {  	_ =	swait.ge [sflag:s24], $0x80  }
0xef: {  	[sflag:s24] =	ssyncset.done $0x0  }
0xf0: {  	[sflag:s24] =	ssyncadd.s32 $0xFFFFFF80  }
0xf1: {  	[spmem:s2] =	stream.indirect.scatter.add.f32 [tilespmem:s14], [sflag:$0x5], $0x80, s10, s25, $0xb8;
	[tilespmem:$0x1C400] =	vst v63  }
0xf2: {  	_ =	swait.ge [sflag:s24], $0x4000  }
0xf3: {  	[sflag:s24] =	ssyncset.done $0x0  }
0xf4: {  	[sflag:s24] =	ssyncadd.s32 $0xFFFFC000  }
0xf5: {  	_ =	swait.ge [sflag:s0], $0x2000  }
0xf6: {  	[sflag:s0] =	ssyncset.done $0x0  }
0xf7: {  	[sflag:s0] =	ssyncadd.s32 $0xFFFFE000  }
0xf8: {  	_ =	swait.ge [sflag:s3], $0x2000  }
0xf9: {  	[sflag:s3] =	ssyncset.done $0x0  }
0xfa: {  	p2 =	por $0x0, $0x0;
	[sflag:s3] =	ssyncadd.s32 $0xFFFFE000  }
0xfb: {  	[tilespmem:s14], [sflag:$0x2] =	stream.indirect.gather [hbm4b:s5+s29], $0x80, s18, s29, $0xb8;
	[tilespmem:$0x1C400] =	vst v63  }
0xfc: {  	s21 =	simm.s32 @p2 $0x400  }
0xfd: {  	[tilespmem:s17], [sflag:$0x4] =	stream.indirect.gather [hbm4b:s5+s29], $0x80, s23, s29, $0xb8;
	[tilespmem:$0x1C400] =	vst v63  }
0xfe: {  	s20 =	simm.s32 @p2 $0x80;
	s26 =	simm.s32 @p2 $0x5;
	s12 =	simm.s32 @p2 $0x280  }
0xff: {  	[spmem:s2] =	stream.indirect.scatter.add.f32 @p2 [tilespmem:s21], [sflag:$0x5], $0x80, s12, s20, $0xb8;
	[tilespmem:$0x1C400] =	vst v63  }
0x100: {  	_ =	swait.ge @p2 [sflag:s26], $0x4000  }
0x101: {  	[sflag:s26] =	ssyncset.done @p2 $0x0  }
0x102: {  	s12 =	simm.s32 @p2 $0x2;
	[sflag:s26] =	ssyncadd.s32 @p2 $0xFFFFC000  }
0x103: {  	_ =	swait.ge @p2 [sflag:s12], $0x2000  }
0x104: {  	[sflag:s12] =	ssyncset.done @p2 $0x0  }
0x105: {  	s20 =	simm.s32 @p2 $0x4;
	[sflag:s12] =	ssyncadd.s32 @p2 $0xFFFFE000  }
0x106: {  	_ =	swait.ge @p2 [sflag:s20], $0x2000  }
0x107: {  	s8 =	simm.s32 @!p2 $0x0;
	s26 =	sadd.s32 @!p2 $0x0, s13;
	[sflag:s20] =	ssyncset.done @p2 $0x0  }
0x108: {  	s21 =	sadd.s32 @!p2 $0x40, s26;
	[sflag:s20] =	ssyncadd.s32 @p2 $0xFFFFE000;
	s20 =	simm.s32 @!p2 $0x5  }
0x109: {  	[tilespmem:s8], [sflag:$0x5] =	stream.linear.gather @!p2 [hbm4b:s21+s8], $0x80, $0x38;
	[tilespmem:$0x1C400] =	vst v63  }
0x10a: {  	_ =	swait.ge @!p2 [sflag:s20], $0x80  }
0x10b: {  	s21 =	sadd.s32 @!p2 $0x0, s1;
	[sflag:s20] =	ssyncset.done @!p2 $0x0  }
0x10c: {  	s9 =	simm.s32 @!p2 $0x80;
	s28 =	sadd.s32 @!p2 $0x40, s21;
	[sflag:s20] =	ssyncadd.s32 @!p2 $0xFFFFFF80  }
0x10d: {  	[tilespmem:s9], [sflag:$0x5] =	stream.linear.gather @!p2 [hbm4b:s28+s8], $0x80, $0x38;
	[tilespmem:$0x1C400] =	vst v63  }
0x10e: {  	_ =	swait.ge @!p2 [sflag:s20], $0x80  }
0x10f: {  	[sflag:s20] =	ssyncset.done @!p2 $0x0  }
0x110: {  	s10 =	simm.s32 @!p2 $0x280;
	s28 =	simm.s32 @!p2 $0x400;
	[sflag:s20] =	ssyncadd.s32 @!p2 $0xFFFFFF80  }
0x111: {  	[spmem:s2] =	stream.indirect.scatter.add.f32 @!p2 [tilespmem:s28], [sflag:$0x5], $0x80, s10, s9, $0xb8;
	[tilespmem:$0x1C400] =	vst v63  }
0x112: {  	_ =	swait.ge @!p2 [sflag:s20], $0x4000  }
0x113: {  	[sflag:s20] =	ssyncset.done @!p2 $0x0  }
0x114: {  	s12 =	simm.s32 @!p2 $0x2;
	[sflag:s20] =	ssyncadd.s32 @!p2 $0xFFFFC000  }
0x115: {  	_ =	swait.ge @!p2 [sflag:s12], $0x2000  }
0x116: {  	[sflag:s12] =	ssyncset.done @!p2 $0x0  }
0x117: {  	[sflag:s12] =	ssyncadd.s32 @!p2 $0xFFFFE000;
	s12 =	simm.s32 @!p2 $0x4  }
0x118: {  	_ =	swait.ge @!p2 [sflag:s12], $0x2000  }
0x119: {  	[sflag:s12] =	ssyncset.done @!p2 $0x0  }
0x11a: {  	[sflag:s12] =	ssyncadd.s32 @!p2 $0xFFFFE000;
	s12 =	simm.s32 @!p2 $0x40  }
0x11b: {  	[tilespmem:s28], [sflag:$0x1] =	stream.indirect.gather @!p2 [hbm4b:s5+s12], $0x80, s8, s12, $0xb8;
	[tilespmem:$0x1C400] =	vst v63  }
0x11c: {  	s28 =	simm.s32 @!p2 $0x2400  }
0x11d: {  	[tilespmem:s28], [sflag:$0x3] =	stream.indirect.gather @!p2 [hbm4b:s5+s12], $0x80, s12, s12, $0xb8;
	[tilespmem:$0x1C400] =	vst v63  }
0x11e: {  	s12 =	sadd.s32 @!p2 $0x50, s26;
	s26 =	simm.s32 @!p2 $0x100  }
0x11f: {  	[tilespmem:s26], [sflag:$0x5] =	stream.linear.gather @!p2 [hbm4b:s12+s8], $0x80, $0x38;
	[tilespmem:$0x1C400] =	vst v63  }
0x120: {  	_ =	swait.ge @!p2 [sflag:s20], $0x80  }
0x121: {  	[sflag:s20] =	ssyncset.done @!p2 $0x0  }
0x122: {  	s12 =	sadd.s32 @!p2 $0x50, s21;
	s21 =	simm.s32 @!p2 $0x180;
	[sflag:s20] =	ssyncadd.s32 @!p2 $0xFFFFFF80  }
0x123: {  	[tilespmem:s21], [sflag:$0x5] =	stream.linear.gather @!p2 [hbm4b:s12+s8], $0x80, $0x38;
	[tilespmem:$0x1C400] =	vst v63  }
0x124: {  	s23 =	simm.s32 $0x300;
	s9 =	simm.s32 $0x2400;
	_ =	swait.ge @!p2 [sflag:s20], $0x80  }
0x125: {  	s10 =	simm.s32 $0x340;
	s12 =	simm.s32 $0x40;
	[sflag:s20] =	ssyncset.done @!p2 $0x0  }
.LBB2_3:
0x126: {  	[sflag:s20] =	ssyncadd.s32 @!p2 $0xFFFFFF80;
	s20 =	smov.u32 s12;
	s12 =	sadd.s32 $0x40, s12  }
0x127: {  	[spmem:s2] =	stream.indirect.scatter.add.f32 [tilespmem:s14], [sflag:$0x5], $0x80, s31, s25, $0xb8;
	[tilespmem:$0x1C400] =	vst v63  }
0x128: {  	p1 =	seq.s32 s12, $0x980;
	_ =	swait.ge [sflag:s24], $0x4000  }
0x129: {  	[sflag:s24] =	ssyncset.done $0x0  }
0x12a: {  	[sflag:s24] =	ssyncadd.s32 $0xFFFFC000  }
0x12b: {  	_ =	swait.ge [sflag:s0], $0x2000  }
0x12c: {  	[sflag:s0] =	ssyncset.done $0x0  }
0x12d: {  	s21 =	sadd.s32 s20, s11;
	[sflag:s0] =	ssyncadd.s32 $0xFFFFE000  }
0x12e: {  	_ =	swait.ge [sflag:s3], $0x2000  }
0x12f: {  	s26 =	sand.u32 $0x40, s20;
	s21 =	sand.u32 $0x1FF80, s21;
	[sflag:s3] =	ssyncset.done $0x0  }
0x130: {  	s21 =	sor.u32 s21, s26;
	[sflag:s3] =	ssyncadd.s32 $0xFFFFE000  }
0x131: {  	[tilespmem:s14], [sflag:$0x2] =	stream.indirect.gather [hbm4b:s5+s29], $0x80, s15, s29, $0xb8;
	[tilespmem:$0x1C400] =	vst v63  }
0x132: {  	s8 =	simm.s32 $0x140;
	s26 =	sor.u32 $0x20, s21  }
0x133: {  	[tilespmem:s17], [sflag:$0x4] =	stream.indirect.gather [hbm4b:s5+s29], $0x80, s8, s29, $0xb8;
	[tilespmem:$0x1C400] =	vst v63  }
0x134: {  	s28 =	sadd.s32 s6, s26;
	s26 =	sadd.s32 s30, s26  }
0x135: {  	[tilespmem:s22], [sflag:$0x5] =	stream.linear.gather [hbm4b:s28+s4], $0x80, $0x38;
	[tilespmem:$0x1C400] =	vst v63  }
0x136: {  	_ =	swait.ge [sflag:s24], $0x80  }
0x137: {  	[sflag:s24] =	ssyncset.done $0x0  }
0x138: {  	s8 =	simm.s32 $0x280;
	[sflag:s24] =	ssyncadd.s32 $0xFFFFFF80  }
0x139: {  	[tilespmem:s8], [sflag:$0x5] =	stream.linear.gather [hbm4b:s26+s4], $0x80, $0x38;
	[tilespmem:$0x1C400] =	vst v63  }
0x13a: {  	_ =	swait.ge [sflag:s24], $0x80  }
0x13b: {  	[sflag:s24] =	ssyncset.done $0x0  }
0x13c: {  	[sflag:s24] =	ssyncadd.s32 $0xFFFFFF80  }
0x13d: {  	[spmem:s2] =	stream.indirect.scatter.add.f32 [tilespmem:s16], [sflag:$0x5], $0x80, s25, s25, $0xb8;
	[tilespmem:$0x1C400] =	vst v63  }
0x13e: {  	_ =	swait.ge [sflag:s24], $0x4000  }
0x13f: {  	[sflag:s24] =	ssyncset.done $0x0  }
0x140: {  	[sflag:s24] =	ssyncadd.s32 $0xFFFFC000  }
0x141: {  	_ =	swait.ge [sflag:s19], $0x2000  }
0x142: {  	[sflag:s19] =	ssyncset.done $0x0  }
0x143: {  	[sflag:s19] =	ssyncadd.s32 $0xFFFFE000  }
0x144: {  	_ =	swait.ge [sflag:s7], $0x2000  }
0x145: {  	s21 =	sor.u32 $0x30, s21;
	[sflag:s7] =	ssyncset.done $0x0  }
0x146: {  	s26 =	sadd.s32 s6, s21;
	[sflag:s7] =	ssyncadd.s32 $0xFFFFE000  }
0x147: {  	[tilespmem:s16], [sflag:$0x1] =	stream.indirect.gather [hbm4b:s5+s29], $0x80, s22, s29, $0xb8;
	[tilespmem:$0x1C400] =	vst v63  }
0x148: {  	s8 =	simm.s32 $0x240  }
0x149: {  	[tilespmem:s9], [sflag:$0x3] =	stream.indirect.gather [hbm4b:s5+s29], $0x80, s8, s29, $0xb8;
	[tilespmem:$0x1C400] =	vst v63  }
0x14a: {  	s21 =	sadd.s32 s30, s21  }
0x14b: {  	[tilespmem:s23], [sflag:$0x5] =	stream.linear.gather [hbm4b:s26+s4], $0x80, $0x38;
	[tilespmem:$0x1C400] =	vst v63  }
0x14c: {  	_ =	swait.ge [sflag:s24], $0x80  }
0x14d: {  	[sflag:s24] =	ssyncset.done $0x0  }
0x14e: {  	[sflag:s24] =	ssyncadd.s32 $0xFFFFFF80  }
0x14f: {  	[tilespmem:s31], [sflag:$0x5] =	stream.linear.gather [hbm4b:s21+s4], $0x80, $0x38;
	[tilespmem:$0x1C400] =	vst v63  }
0x150: {  	_ =	swait.ge [sflag:s24], $0x80  }
0x151: {  	[sflag:s24] =	ssyncset.done $0x0  }
0x152: {  	s8 =	simm.s32 $0x180;
	[sflag:s24] =	ssyncadd.s32 $0xFFFFFF80  }
0x153: {  	[spmem:s2] =	stream.indirect.scatter.add.f32 [tilespmem:s14], [sflag:$0x5], $0x80, s8, s25, $0xb8;
	[tilespmem:$0x1C400] =	vst v63  }
0x154: {  	_ =	swait.ge [sflag:s24], $0x4000  }
0x155: {  	[sflag:s24] =	ssyncset.done $0x0  }
0x156: {  	[sflag:s24] =	ssyncadd.s32 $0xFFFFC000  }
0x157: {  	_ =	swait.ge [sflag:s0], $0x2000  }
0x158: {  	[sflag:s0] =	ssyncset.done $0x0  }
0x159: {  	[sflag:s0] =	ssyncadd.s32 $0xFFFFE000  }
0x15a: {  	_ =	swait.ge [sflag:s3], $0x2000  }
0x15b: {  	[sflag:s3] =	ssyncset.done $0x0  }
0x15c: {  	p2 =	seq.s32 s20, $0x940;
	[sflag:s3] =	ssyncadd.s32 $0xFFFFE000  }
0x15d: {  	s26 =	sadd.s32 @!p2 s20, s13;
	s20 =	sadd.s32 @!p2 s20, s1;
	s21 =	simm.s32 @p2 $0x280  }
0x15e: {  	[tilespmem:s14], [sflag:$0x2] =	stream.indirect.gather [hbm4b:s5+s29], $0x80, s23, s29, $0xb8;
	[tilespmem:$0x1C400] =	vst v63  }
0x15f: {  	s28 =	simm.s32 @p2 $0x80;
	s15 =	sadd.s32 @!p2 $0x40, s26;
	s31 =	simm.s32 @p2 $0x400  }
0x160: {  	[tilespmem:s17], [sflag:$0x4] =	stream.indirect.gather [hbm4b:s5+s29], $0x80, s10, s29, $0xb8;
	[tilespmem:$0x1C400] =	vst v63  }
0x161: {  	s18 =	simm.s32 @p2 $0x5;
	s26 =	sadd.s32 @!p2 $0x50, s26;
	s8 =	sadd.s32 @!p2 $0x40, s20  }
0x162: {  	[spmem:s2] =	stream.indirect.scatter.add.f32 @p2 [tilespmem:s31], [sflag:$0x5], $0x80, s21, s28, $0xb8;
	[tilespmem:$0x1C400] =	vst v63  }
0x163: {  	s31 =	simm.s32 $0x380  }
0x164: {  	s21 =	sadd.s32 @!p2 $0x50, s20;
	_ =	swait.ge @p2 [sflag:s18], $0x4000  }
0x165: {  	s20 =	simm.s32 @p2 $0x2;
	[sflag:s18] =	ssyncset.done @p2 $0x0  }
0x166: {  	[sflag:s18] =	ssyncadd.s32 @p2 $0xFFFFC000  }
0x167: {  	_ =	swait.ge @p2 [sflag:s20], $0x2000  }
0x168: {  	s18 =	simm.s32 @p2 $0x4;
	[sflag:s20] =	ssyncset.done @p2 $0x0  }
0x169: {  	[sflag:s20] =	ssyncadd.s32 @p2 $0xFFFFE000  }
0x16a: {  	_ =	swait.ge @p2 [sflag:s18], $0x2000  }
0x16b: {  	s28 =	simm.s32 @!p2 $0x0;
	[sflag:s18] =	ssyncset.done @p2 $0x0  }
0x16c: {  	s20 =	simm.s32 @!p2 $0x5;
	[sflag:s18] =	ssyncadd.s32 @p2 $0xFFFFE000  }
0x16d: {  	[tilespmem:s28], [sflag:$0x5] =	stream.linear.gather @!p2 [hbm4b:s15+s28], $0x80, $0x38;
	[tilespmem:$0x1C400] =	vst v63  }
0x16e: {  	_ =	swait.ge @!p2 [sflag:s20], $0x80  }
0x16f: {  	s15 =	simm.s32 @!p2 $0x80;
	[sflag:s20] =	ssyncset.done @!p2 $0x0  }
0x170: {  	[sflag:s20] =	ssyncadd.s32 @!p2 $0xFFFFFF80  }
0x171: {  	[tilespmem:s15], [sflag:$0x5] =	stream.linear.gather @!p2 [hbm4b:s8+s28], $0x80, $0x38;
	[tilespmem:$0x1C400] =	vst v63  }
0x172: {  	_ =	swait.ge @!p2 [sflag:s20], $0x80  }
0x173: {  	s18 =	simm.s32 @!p2 $0x400;
	s8 =	simm.s32 @!p2 $0x280;
	[sflag:s20] =	ssyncset.done @!p2 $0x0  }
0x174: {  	[sflag:s20] =	ssyncadd.s32 @!p2 $0xFFFFFF80  }
0x175: {  	[spmem:s2] =	stream.indirect.scatter.add.f32 @!p2 [tilespmem:s18], [sflag:$0x5], $0x80, s8, s15, $0xb8;
	[tilespmem:$0x1C400] =	vst v63  }
0x176: {  	_ =	swait.ge @!p2 [sflag:s20], $0x4000  }
0x177: {  	s8 =	simm.s32 @!p2 $0x2;
	[sflag:s20] =	ssyncset.done @!p2 $0x0  }
0x178: {  	[sflag:s20] =	ssyncadd.s32 @!p2 $0xFFFFC000  }
0x179: {  	_ =	swait.ge @!p2 [sflag:s8], $0x2000  }
0x17a: {  	s15 =	simm.s32 @!p2 $0x4;
	[sflag:s8] =	ssyncset.done @!p2 $0x0  }
0x17b: {  	[sflag:s8] =	ssyncadd.s32 @!p2 $0xFFFFE000  }
0x17c: {  	_ =	swait.ge @!p2 [sflag:s15], $0x2000  }
0x17d: {  	s8 =	simm.s32 @!p2 $0x40;
	[sflag:s15] =	ssyncset.done @!p2 $0x0  }
0x17e: {  	[sflag:s15] =	ssyncadd.s32 @!p2 $0xFFFFE000;
	s15 =	simm.s32 @!p2 $0x2400  }
0x17f: {  	[tilespmem:s18], [sflag:$0x1] =	stream.indirect.gather @!p2 [hbm4b:s5+s8], $0x80, s28, s8, $0xb8;
	[tilespmem:$0x1C400] =	vst v63  }
0x180: {  	s18 =	simm.s32 @!p2 $0x100  }
0x181: {  	[tilespmem:s15], [sflag:$0x3] =	stream.indirect.gather @!p2 [hbm4b:s5+s8], $0x80, s8, s8, $0xb8;
	[tilespmem:$0x1C400] =	vst v63  }
0x182: {  	s15 =	simm.s32 $0x100;
	_ =	sdelay $0x1  }
0x183: {  	[tilespmem:s18], [sflag:$0x5] =	stream.linear.gather @!p2 [hbm4b:s26+s28], $0x80, $0x38;
	[tilespmem:$0x1C400] =	vst v63  }
0x184: {  	_ =	swait.ge @!p2 [sflag:s20], $0x80  }
.Ltmp5:
0x185: {  	s8 =	simm.s32 @!p2 $0x180;
	[sflag:s20] =	ssyncset.done @!p2 $0x0;
	(pc) =	sbr.rel @!p1 .LBB2_3-.Ltmp5, $4  }
0x186: {  	[sflag:s20] =	ssyncadd.s32 @!p2 $0xFFFFFF80  }
0x187: {  	[tilespmem:s8], [sflag:$0x5] =	stream.linear.gather @!p2 [hbm4b:s21+s28], $0x80, $0x38;
	[tilespmem:$0x1C400] =	vst v63  }
0x188: {  	_ =	swait.ge @!p2 [sflag:s20], $0x80  }
0x189: {  	[sflag:s20] =	ssyncset.done @!p2 $0x0  }
.Ltmp6:
0x18a: {  	_ = 	snop;
	(pc) =	sbr.rel .LBB2_4-.Ltmp6, $1  }
0x18b: {  	_ =	sdelay $0x3  }
.LBB2_8:
0x18c: {  	_ =	sfence.sel $0x180000  }
0x18d: {  	[bflag:$0x0] =	sbarrier.arrive $0xFFFF  }
0x18e: {  	_ =	strace $0x90000050  }
0x18f: {  	s0 =	stileid.u32;
	[bflag:$0x2] =	sbarrier.arrive $0xFFFF  }
0x190: {  	p0 =	sne.s32 s0, $0x0;
	s0 =	rddreg [dreg:$0x3]  }
0x191: {  	s0 =	sadd.s32 @!p0 $0x100000, s0  }
0x192: {  	[sflag:s0] =	ssyncadd.tile.s32 @!p0 $0x1;
	_ =	shalt  }
.Lfunc_end2:
_tile_overlayer_lowered:
.L_overlay_start_2:
0x193: {  	(tag) =	ssettag $0x2  }
0x194: {  	s0 =	rddreg [dreg:$0x0];
	s2 =	stileid.u32  }
0x195: {  	s1 =	rddreg [dreg:$0x1];
	p0 =	sne.s32 s2, $0x0  }
0x196: {  	s3 =	rddreg [dreg:$0x2];
	[bflag:$0x3] =	sbarrier.arrive $0xFFFF;
	s2 =	simm.s32 @!p0 $0x1C05  }
0x197: {  	[timem:s3], [sflag:s2] =	dma.local @!p0 [hbm:s0], s1  }
0x198: {  	s0 =	simm.s32 @!p0 $0x5  }
0x199: {  	_ =	swait.ge @!p0 [sflag:s0], s1  }
0x19a: {  	s1 =	ssub.s32 @!p0 $0x0, s1;
	[sflag:s0] =	ssyncset.done @!p0 $0x0  }
0x19b: {  	[sflag:s0] =	ssyncadd.s32 @!p0 s1  }
0x19c: {  	[bflag:$0x3] =	sbarrier.arrive $0xFFFF  }
0x19d: {  	_ =	shalt  }

// kernel: kernel.9.cloned.1.call-start
scs
__scs_entry_jumppad:
0x0: {  	(pc) =	sbr.rel $0x88, $3  }
0x1: {  	(tag) =	ssettag $0x0;
	lr =	simm.s32 $0x1  }
0x2: {  	[smem:$0x3F92] =	sst lr;
	_ =	strace $0xD0000000  }
0x3: {  	_ = 	snop  }
0x4: {  	_ = 	snop  }
0x5: {  	_ = 	snop  }
0x6: {  	_ = 	snop  }
0x7: {  	_ = 	snop  }
__scs_overlays_trampoline_lowered:
0x8: {  	[smem:$0x3FA1] =	sst s0  }
0x9: {  	[smem:$0x3FA2] =	sst s1  }
0xa: {  	[smem:$0x3FA3] =	sst s2  }
0xb: {  	[smem:$0x3FA4] =	sst s3  }
0xc: {  	[smem:$0x3FA5] =	sst s4  }
0xd: {  	[smem:$0x3FA6] =	sst s5  }
0xe: {  	[smem:$0x3FA7] =	sst s6  }
0xf: {  	[smem:$0x3FA8] =	sst s7  }
0x10: {  	[smem:$0x3FA9] =	sst s8  }
0x11: {  	[smem:$0x3FAA] =	sst s9;
	s0 =	simm.s32 @!p0 $0x0  }
0x12: {  	s1 =	sld [smem:$0x3F90];
	s0 =	simm.s32 @p0 $0x1  }
0x13: {  	[smem:$0x3FAB] =	sst s0;
	s0 =	simm.s32 @!p1 $0x0  }
0x14: {  	s2 =	sld [smem:$0x3F8F];
	s0 =	simm.s32 @p1 $0x1  }
0x15: {  	[smem:$0x3FAC] =	sst s0;
	s0 =	simm.s32 @!p2 $0x0  }
0x16: {  	s3 =	sld [smem:$0x3FDB];
	s0 =	simm.s32 @p2 $0x1  }
0x17: {  	s4 =	simm.s32 $0x1BF5;
	[smem:$0x3FAE] =	sst s0  }
0x18: {  	s0 =	sld [smem:$0x3F91];
	_ =	swait.ge [sflag:s4], $0x0  }
0x19: {  	s7 =	sld [smem:$0x3F92]  }
0x1a: {  	s8 =	sadd.s32 $0xFFFFE003, lr  }
0x1b: {  	s9 =	sadd.s32 $0xFFFFFEF7, lr;
	s5 =	simm.s32 $0xFFFFFFFF;
	p2 =	slt.u32 s8, $0xFFFFF086  }
0x1c: {  	p1 =	slt.u32 s9, $0xF7A;
	s5 =	simm.s32 @!p2 $0x0  }
0x1d: {  	s5 =	simm.s32 @p1 $0x1;
	p0 =	seq.s32 s7, s2  }
0x1e: {  	s7 =	smul.u32 @!p0 $0xF7A, s2;
	p2 =	seq.s32 @!p0 s5, $0x0  }
0x1f: {  	s9 =	smul.u32 $0xF7A, s1;
	s8 =	simm.s32 @!p0 $0x1BF5;
	p2 =	por !p2, p0  }
0x20: {  	[sflag:s8] =	ssyncset.s32 @!p0 $0xFFFFF086;
	s6 =	sadd.s32 @!p0 s3, s7;
	s7 =	simm.s32 @!p0 $0x108  }
0x21: {  	s3 =	sadd.s32 s3, s9;
	s6 =	sadd.s32 @!p0 $0x88, s6;
	s7 =	simm.s32 @p2 $0x1082  }
0x22: {  	[simem:s7], [sflag:s8] =	dma.local @!p0 [hbm:s6], $0xF7A  }
0x23: {  	s9 =	sor.u32 $0xD0000000, s2;
	s6 =	simm.s32 $0x108;
	_ =	swait.ge @!p0 [sflag:s8], $0x0  }
0x24: {  	s3 =	sadd.s32 $0x88, s3;
	s6 =	simm.s32 @!p1 $0x1082;
	[sflag:s4] =	ssyncset.s32 $0xFFFFF086  }
0x25: {  	[simem:s6], [sflag:s4] =	dma.local [hbm:s3], $0xF7A  }
0x26: {  	[smem:$0x3F92] =	sst s1;
	(tag) =	ssettag s2;
	_ =	strace s9  }
0x27: {  	s1 =	sld [smem:$0x3FA2]  }
0x28: {  	s2 =	sld [smem:$0x3FA3]  }
0x29: {  	s4 =	sld [smem:$0x3FA5]  }
0x2a: {  	p0 =	seq.s32 s5, $0x0;
	s5 =	sld [smem:$0x3FA6]  }
0x2b: {  	s6 =	sld [smem:$0x3FA7]  }
0x2c: {  	s7 =	sld [smem:$0x3FA8]  }
0x2d: {  	s3 =	simm.s32 $0x108;
	s8 =	sld [smem:$0x3FA9]  }
0x2e: {  	s3 =	simm.s32 @!p0 $0x1082;
	s9 =	sld [smem:$0x3FAA]  }
0x2f: {  	lr =	sadd.s32 s0, s3;
	s0 =	sld [smem:$0x3FA1]  }
0x30: {  	s3 =	sld [smem:$0x3FA4]  }
0x31: {  	[smem:$0x3FAD] =	sst s10  }
0x32: {  	s10 =	sld [smem:$0x3FAB];
	_ =	sdelay $0x3  }
0x33: {  	p0 =	seq.s32 s10, $0x1;
	s10 =	sld [smem:$0x3FAD];
	_ =	sdelay $0x3  }
0x34: {  	[smem:$0x3FAD] =	sst s10  }
0x35: {  	s10 =	sld [smem:$0x3FAC];
	_ =	sdelay $0x3  }
0x36: {  	p1 =	seq.s32 s10, $0x1;
	s10 =	sld [smem:$0x3FAD];
	_ =	sdelay $0x3  }
0x37: {  	[smem:$0x3FAD] =	sst s10  }
0x38: {  	s10 =	sld [smem:$0x3FAE]  }
0x39: {  	_ = 	snop;
	(pc) =	sbr.ind lr, $3  }
0x3a: {  	_ = 	snop  }
0x3b: {  	_ = 	snop  }
0x3c: {  	p2 =	seq.s32 s10, $0x1;
	s10 =	sld [smem:$0x3FAD]  }
0x3d: {  	_ =	shalt  }
0x3e: {  	_ =	shalt  }
0x3f: {  	_ =	shalt  }
0x40: {  	_ =	shalt  }
0x41: {  	_ =	shalt  }
0x42: {  	_ =	shalt  }
0x43: {  	_ =	shalt  }
0x44: {  	_ =	shalt  }
0x45: {  	_ =	shalt  }
0x46: {  	_ =	shalt  }
0x47: {  	_ =	shalt  }
0x48: {  	_ =	shalt  }
0x49: {  	_ =	shalt  }
0x4a: {  	_ =	shalt  }
0x4b: {  	_ =	shalt  }
0x4c: {  	_ =	shalt  }
0x4d: {  	_ =	shalt  }
0x4e: {  	_ =	shalt  }
0x4f: {  	_ =	shalt  }
0x50: {  	_ =	shalt  }
0x51: {  	_ =	shalt  }
0x52: {  	_ =	shalt  }
0x53: {  	_ =	shalt  }
0x54: {  	_ =	shalt  }
0x55: {  	_ =	shalt  }
0x56: {  	_ =	shalt  }
0x57: {  	_ =	shalt  }
0x58: {  	_ =	shalt  }
0x59: {  	_ =	shalt  }
0x5a: {  	_ =	shalt  }
0x5b: {  	_ =	shalt  }
0x5c: {  	_ =	shalt  }
0x5d: {  	_ =	shalt  }
0x5e: {  	_ =	shalt  }
0x5f: {  	_ =	shalt  }
0x60: {  	_ =	shalt  }
0x61: {  	_ =	shalt  }
0x62: {  	_ =	shalt  }
0x63: {  	_ =	shalt  }
0x64: {  	_ =	shalt  }
0x65: {  	_ =	shalt  }
0x66: {  	_ =	shalt  }
0x67: {  	_ =	shalt  }
0x68: {  	_ =	shalt  }
0x69: {  	_ =	shalt  }
0x6a: {  	_ =	shalt  }
0x6b: {  	_ =	shalt  }
0x6c: {  	_ =	shalt  }
0x6d: {  	_ =	shalt  }
0x6e: {  	_ =	shalt  }
0x6f: {  	_ =	shalt  }
0x70: {  	_ =	shalt  }
0x71: {  	_ =	shalt  }
0x72: {  	_ =	shalt  }
0x73: {  	_ =	shalt  }
0x74: {  	_ =	shalt  }
0x75: {  	_ =	shalt  }
0x76: {  	_ =	shalt  }
0x77: {  	_ =	shalt  }
0x78: {  	_ =	shalt  }
0x79: {  	_ =	shalt  }
0x7a: {  	_ =	shalt  }
0x7b: {  	_ =	shalt  }
0x7c: {  	_ =	shalt  }
0x7d: {  	_ =	shalt  }
0x7e: {  	_ =	shalt  }
0x7f: {  	_ =	shalt  }
0x80: {  	_ =	shalt  }
0x81: {  	_ =	shalt  }
0x82: {  	_ =	shalt  }
0x83: {  	_ =	shalt  }
0x84: {  	_ =	shalt  }
0x85: {  	_ =	shalt  }
0x86: {  	_ =	shalt  }
0x87: {  	_ =	shalt  }
.Lfunc_end0:
.L_simem_size_0:
called_computation_lowered:
.L_overlay_start_0:
0x88: {  	s2 =	sld [smem:$0x3FD9]  }
0x89: {  	s3 =	sld [smem:$0x3FFE];
	_ =	sdelay $0x1  }
0x8a: {  	s1 =	srdreg.scid  }
0x8b: {  	s0 =	sand.u32 $0x1, s1  }
0x8c: {  	s17 =	sshll.u32 s0, $0xA;
	s2 =	sadd.s32 s3, s2  }
0x8d: {  	s2 =	sadd.s32 s2, s17  }
0x8e: {  	[smem:$0x3FB9] =	sst s2  }
0x8f: {  	_ = 	snop  }
0x90: {  	s2 =	sld [smem:$0x3FD0];
	(tm) =	ssettm $0x1  }
0x91: {  	s18 =	sld [smem:$0x3FFB];
	_ =	sdelay $0x3  }
0x92: {  	_ =	strace s18  }
0x93: {  	s3 =	sld [smem:$0x3FFC];
	_ =	sdelay $0x3  }
0x94: {  	_ =	strace s3  }
0x95: {  	s3 =	sld [smem:$0x3FFD];
	_ =	sdelay $0x3  }
0x96: {  	_ =	strace s3  }
0x97: {  	_ =	strace $0x8FFFFFFF  }
0x98: {  	s19 =	sld [smem:$0x3FDB];
	_ =	sdelay $0x1  }
0x99: {  	s4 =	simm.s32 $_scs_section_size  }
0x9a: {  	s5 =	simm.s32 $_size__tile_overlayer_lowered;
	s6 =	simm.s32 $_tile_overlayer_lowered  }
0x9b: {  	s22 =	simm.s32 $0x1BFF;
	s21 =	sshll.u32 s6, $0x1;
	s3 =	sadd.s32 s4, s19  }
0x9c: {  	s7 =	simm.s32 $0x0;
	s20 =	sshll.u32 s5, $0x1;
	s5 =	sadd.s32 s21, s3  }
0x9d: {  	[timem:s7], [sflag:s22] =	dma.local [hbm:s5], s20  }
0x9e: {  	_ =	swait.ge [sflag:s22], s20  }
0x9f: {  	s4 =	ssub.s32 $0x0, s20;
	[sflag:s22] =	ssyncset.done $0x0  }
0xa0: {  	[sflag:s22] =	ssyncadd.s32 s4;
	_ =	sdelay $0x1  }
0xa1: {  	s23 =	simm.s32 $0x1B8B  }
0xa2: {  	_ =	swait.ge [sflag:s23], $0x1  }
0xa3: {  	[sflag:s23] =	ssyncset.done $0x0  }
0xa4: {  	s25 =	simm.s32 $0x1B8E;
	s24 =	sld [smem:$0x3FFE];
	[sflag:s23] =	ssyncadd.s32 $0xFFFFFFFF  }
0xa5: {  	s26 =	simm.s32 $execute0_lowered;
	[smem:$0x3FD2] =	sst s25  }
0xa6: {  	s5 =	sshll.u32 s26, $0x1;
	_ =	strace $0x80000046;
	[dreg:$0x1] =	wrdreg $0xFFFFFFFF  }
0xa7: {  	s28 =	simm.s32 $_size_execute0_lowered;
	s3 =	sadd.s32 s3, s5;
	[dreg:$0x0] =	wrdreg $0x0  }
0xa8: {  	s5 =	sshll.u32 s28, $0x1;
	[dreg:$0x2] =	wrdreg s3  }
0xa9: {  	[dreg:$0x3] =	wrdreg s5  }
0xaa: {  	[dreg:$0x4] =	wrdreg $0xC0  }
0xab: {  	_ =	task [dreg:s7], $0x5FFFF  }
0xac: {  	[dreg:$0x1] =	wrdreg $0xFFFFFFFF  }
0xad: {  	[dreg:$0x0] =	wrdreg $0x60  }
0xae: {  	[dreg:$0x2] =	wrdreg s24  }
0xaf: {  	[dreg:$0x3] =	wrdreg s2  }
0xb0: {  	[dreg:$0x4] =	wrdreg $0x9  }
0xb1: {  	_ =	task.clear_ibuf [dreg:s7], $0x5FFFF;
	_ =	strace $0x90000046  }
0xb2: {  	s29 =	simm.s32 $0x9;
	_ =	strace $0x80000048  }
0xb3: {  	_ =	swait.ge [sflag:s29], $0x1  }
0xb4: {  	[sflag:s29] =	ssyncadd.s32 $0xFFFFFFFF  }
0xb5: {  	_ =	strace $0x90000048  }
0xb6: {  	_ =	sfence  }
0xb7: {  	s30 =	sld [smem:$0x0];
	_ =	sdelay $0x2  }
0xb8: {  	s31 =	sshll.u32 s1, $0xD;
	s1 =	sshrl.u32 s1, $0x2  }
0xb9: {  	s3 =	sand.u32 $0x4000, s31;
	s1 =	sadd.s32 s1, s30  }
0xba: {  	s0 =	sor.u32 s3, s0;
	s1 =	sshll.u32 s1, $0x11  }
0xbb: {  	s0 =	sor.u32 s1, s0  }
0xbc: {  	s0 =	sadd.s32 $0x8F2B, s0  }
0xbd: {  	[sflag:s0] =	ssyncadd.remote.s32 $0x1  }
0xbe: {  	_ =	sfence.sel $0xFFFF  }
0xbf: {  	[dreg:$0x0] =	wrdreg $0xFFFFFFFF;
	(pc) =	sbr.abs _section_cstart, $3  }
0xc0: {  	[dreg:$0x1] =	wrdreg $0xFFFFFFFF  }
0xc1: {  	_ =	task.clear_ibuf [dreg:s7], $0x2FFFF;
	_ =	strace $0x9FFFFFFF  }
0xc2: {  	(tm) =	ssettm $0x7FFFFFFF  }
0xc3: {  	_ =	shalt  }
tec
execute0_lowered:
.L_overlay_start_1:
0x0: {  	(tag) =	ssettag $0x1  }
0x1: {  	s0 =	srdreg.scid;
	s5 =	rddreg [dreg:$0x0]  }
0x2: {  	s6 =	rddreg [dreg:$0x1];
	s2 =	simm.s32 $0x0;
	s11 =	simm.s32 $0x7800  }
0x3: {  	s12 =	simm.s32 $0x80;
	s13 =	simm.s32 $0x400;
	s4 =	sand.u32 $0x1, s0  }
0x4: {  	s14 =	simm.s32 $0x0;
	s0 =	stileid.u32;
	s1 =	sshll.u32 s4, $0x4  }
0x5: {  	[smem:$0x7FF] =	sst s2;
	s8 =	sshll.u32 s0, $0x7;
	s3 =	sor.u32 s0, s1  }
0x6: {  	s4 =	ssub.s32 $0x2, s4;
	s7 =	sshrl.u32 s3, $0x3;
	s9 =	smul.u32 $0x500, s3  }
0x7: {  	s1 =	rddreg [dreg:$0x2];
	s8 =	sand.u32 $0x380, s8;
	s7 =	smul.u32 $0x14000, s7  }
0x8: {  	_ =	strace $0x80000047;
	s31 =	sshrl.u32 s4, $0x1;
	s3 =	sadd.s32 $0x35E00, s5  }
0x9: {  	s10 =	ssub.s32 s4, s31;
	s30 =	sadd.s32 s9, s5;
	s7 =	sor.u32 s8, s7  }
0xa: {  	s4 =	sadd.s32 $0x3E00, s30;
	s8 =	simm.s32 $0x1;
	s7 =	sshrl.u32 s7, $0x3  }
0xb: {  	s7 =	sadd.s32 s7, s5;
	s5 =	sadd.s32 s6, s9;
	s9 =	simm.s32 $0x2800  }
0xc: {  	v0 =	vimm.f32 $0.0e+00;
	s6 =	sadd.s32 $0x36400, s7;
	s7 =	smax.u32 s10, $0x1;
	s10 =	simm.s32 $0x5000  }
.LBB2_1:
0xd: {  	[tilespmem:s2], [sflag:$0x1] =	stream.linear.gather [hbm4b:s3+s2], $0x2800, $0x38;
	[tilespmem:$0xA000] =	vst v63  }
0xe: {  	_ =	swait.ge [sflag:s8], $0x2800  }
0xf: {  	[sflag:s8] =	ssyncset.done $0x0  }
0x10: {  	[sflag:s8] =	ssyncadd.s32 $0xFFFFD800  }
0x11: {  	[tilespmem:s9], [sflag:$0x1] =	stream.linear.gather [hbm4b:s4+s2], $0x2800, $0x38;
	[tilespmem:$0xA000] =	vst v63  }
0x12: {  	_ =	swait.ge [sflag:s8], $0x2800  }
0x13: {  	[sflag:s8] =	ssyncset.done $0x0  }
0x14: {  	[sflag:s8] =	ssyncadd.s32 $0xFFFFD800  }
0x15: {  	[tilespmem:s10], [sflag:$0x1] =	stream.linear.gather [hbm4b:s5+s2], $0x2800, $0x38;
	[tilespmem:$0xA000] =	vst v63  }
0x16: {  	_ =	swait.ge [sflag:s8], $0x2800  }
0x17: {  	[sflag:s8] =	ssyncset.done $0x0  }
0x18: {  	s15 =	simm.s32 $0x0;
	[sflag:s8] =	ssyncadd.s32 $0xFFFFD800  }
.LBB2_2:
0x19: {  	p0 =	sne.s32 s15, $0x9FC0  }
.Ltmp0:
0x1a: {  	_ = 	snop;
	(pc) =	sbr.rel @p0 .LBB2_2-.Ltmp0, $3  }
0x1b: {  	_ =	sdelay $0x1  }
0x1c: {  	s16 =	sshra.s32 s15, $0x2  }
0x1d: {  	s15 =	sadd.s32 $0x40, s15;
	[tilespmem:s16+$0x7800] =	vst v0  }
0x1e: {  	s15 =	simm.s32 $0x0  }
.LBB2_4:
0x1f: {  	s16 =	sshra.s32 s15, $0x2  }
0x20: {  	v1 =	vld [tilespmem:s16+$0x2800];
	_ =	sdelay $0x4  }
0x21: {  	v2 =	vld [tilespmem:s16+$0x5000];
	_ =	sdelay $0x2  }
0x22: {  	v1 =	vld.idx.msk [tilespmem:v1+s2+$0x0], $0xffff;
	_ =	sdelay $0x4  }
0x23: {  	[tilespmem:v2+s11+$0x0] =	vst.idx.add.f32.msk $0xffff, v1  }
0x24: {  	v1 =	vld [tilespmem:s16+$0x2810];
	_ =	sdelay $0x4  }
0x25: {  	v2 =	vld [tilespmem:s16+$0x5010];
	_ =	sdelay $0x2  }
0x26: {  	v1 =	vld.idx.msk [tilespmem:v1+s2+$0x0], $0xffff;
	_ =	sdelay $0x4  }
0x27: {  	[tilespmem:v2+s11+$0x0] =	vst.idx.add.f32.msk $0xffff, v1  }
0x28: {  	v1 =	vld [tilespmem:s16+$0x2820];
	_ =	sdelay $0x4  }
0x29: {  	v2 =	vld [tilespmem:s16+$0x5020];
	_ =	sdelay $0x2  }
0x2a: {  	v1 =	vld.idx.msk [tilespmem:v1+s2+$0x0], $0xffff;
	_ =	sdelay $0x4  }
0x2b: {  	[tilespmem:v2+s11+$0x0] =	vst.idx.add.f32.msk $0xffff, v1  }
0x2c: {  	v1 =	vld [tilespmem:s16+$0x2830];
	_ =	sdelay $0x4  }
0x2d: {  	v2 =	vld [tilespmem:s16+$0x5030];
	_ =	sdelay $0x2  }
0x2e: {  	v1 =	vld.idx.msk [tilespmem:v1+s2+$0x0], $0xffff;
	_ =	sdelay $0x4  }
0x2f: {  	[tilespmem:v2+s11+$0x0] =	vst.idx.add.f32.msk $0xffff, v1  }
0x30: {  	v1 =	vld [tilespmem:s16+$0x2840];
	_ =	sdelay $0x4  }
0x31: {  	v2 =	vld [tilespmem:s16+$0x5040];
	_ =	sdelay $0x2  }
0x32: {  	v1 =	vld.idx.msk [tilespmem:v1+s2+$0x0], $0xffff;
	_ =	sdelay $0x4  }
0x33: {  	[tilespmem:v2+s11+$0x0] =	vst.idx.add.f32.msk $0xffff, v1  }
0x34: {  	v1 =	vld [tilespmem:s16+$0x2850];
	_ =	sdelay $0x4  }
0x35: {  	v2 =	vld [tilespmem:s16+$0x5050];
	_ =	sdelay $0x2  }
0x36: {  	v1 =	vld.idx.msk [tilespmem:v1+s2+$0x0], $0xffff;
	_ =	sdelay $0x4  }
0x37: {  	[tilespmem:v2+s11+$0x0] =	vst.idx.add.f32.msk $0xffff, v1  }
0x38: {  	v1 =	vld [tilespmem:s16+$0x2860];
	_ =	sdelay $0x4  }
0x39: {  	v2 =	vld [tilespmem:s16+$0x5060];
	_ =	sdelay $0x2  }
0x3a: {  	v1 =	vld.idx.msk [tilespmem:v1+s2+$0x0], $0xffff;
	_ =	sdelay $0x4  }
0x3b: {  	[tilespmem:v2+s11+$0x0] =	vst.idx.add.f32.msk $0xffff, v1  }
0x3c: {  	v1 =	vld [tilespmem:s16+$0x2870];
	_ =	sdelay $0x4  }
0x3d: {  	v2 =	vld [tilespmem:s16+$0x5070];
	_ =	sdelay $0x2  }
0x3e: {  	p0 =	sne.s32 s15, $0x9E00;
	v1 =	vld.idx.msk [tilespmem:v1+s2+$0x0], $0xffff  }
.Ltmp1:
0x3f: {  	_ = 	snop;
	(pc) =	sbr.rel @p0 .LBB2_4-.Ltmp1, $2  }
0x40: {  	_ =	sdelay $0x2  }
0x41: {  	s15 =	sadd.s32 $0x200, s15;
	[tilespmem:v2+s11+$0x0] =	vst.idx.add.f32.msk $0xffff, v1  }
0x42: {  	s14 =	sadd.s32 $0x1, s14  }
0x43: {  	p0 =	sne.s32 s14, s7  }
.Ltmp2:
0x44: {  	_ = 	snop;
	(pc) =	sbr.rel @p0 .LBB2_1-.Ltmp2, $4  }
0x45: {  	[hbm4b:s6+s12] =	stream.strided.scatter [tilespmem:s11], [sflag:$0x1], $0x2800, s13, s12, $0x38;
	[tilespmem:$0xA000] =	vst v63  }
0x46: {  	_ =	swait.ge [sflag:s8], $0x2800  }
0x47: {  	[sflag:s8] =	ssyncset.done $0x0  }
0x48: {  	[sflag:s8] =	ssyncadd.s32 $0xFFFFD800  }
0x49: {  	_ =	sfence.sel $0x180000  }
0x4a: {  	[bflag:$0x0] =	sbarrier.arrive $0xFFFF  }
0x4b: {  	p0 =	sne.s32 s0, $0x0;
	_ =	strace $0x90000047  }
0x4c: {  	s0 =	sadd.s32 @!p0 $0x100000, s1;
	[bflag:$0x2] =	sbarrier.arrive $0xFFFF  }
0x4d: {  	[sflag:s0] =	ssyncadd.tile.s32 @!p0 $0x1;
	_ =	shalt  }
.Lfunc_end2:
_tile_overlayer_lowered:
.L_overlay_start_2:
0x4e: {  	(tag) =	ssettag $0x2  }
0x4f: {  	s0 =	rddreg [dreg:$0x0];
	s2 =	stileid.u32  }
0x50: {  	s1 =	rddreg [dreg:$0x1];
	p0 =	sne.s32 s2, $0x0  }
0x51: {  	s3 =	rddreg [dreg:$0x2];
	[bflag:$0x3] =	sbarrier.arrive $0xFFFF;
	s2 =	simm.s32 @!p0 $0x1C01  }
0x52: {  	[timem:s3], [sflag:s2] =	dma.local @!p0 [hbm:s0], s1  }
0x53: {  	s0 =	simm.s32 @!p0 $0x1  }
0x54: {  	_ =	swait.ge @!p0 [sflag:s0], s1  }
0x55: {  	s1 =	ssub.s32 @!p0 $0x0, s1;
	[sflag:s0] =	ssyncset.done @!p0 $0x0  }
0x56: {  	[sflag:s0] =	ssyncadd.s32 @!p0 s1  }
0x57: {  	[bflag:$0x3] =	sbarrier.arrive $0xFFFF  }
0x58: {  	_ =	shalt  }

</sc_bundles>
